<compile_context>
chip_gen: v7x
topology: tpu7x:2x2x1
jax: 0.10.2.dev20260603
libtpu: 0.0.44.dev20260713+nightly
codegen_flags: <defaults>
</compile_context>

<pallas_src>
import functools

import jax
import jax.numpy as jnp
from jax import lax
from jax.experimental import pallas as pl
from jax.experimental.pallas import tpu as pltpu
from jax.experimental.pallas import tpu_sc as plsc

B, S, T = 16, 512, 64
G = T // 16
LN2 = 0.6931471805599453
SQRT2 = 1.4142135623730951


def _group(ref, row, g):
    return ref[row, pl.ds(g * 16, 16)]


def _vmax4(vs):
    return jnp.maximum(jnp.maximum(vs[0], vs[1]), jnp.maximum(vs[2], vs[3]))


def _crf_body(em_h, tok_h, tr_h, hd_h, la_h, out_h,
              em_v, tr_v, trb_v, tok_v, hd_v, la_v, row_v, sem, sem2):
    c = lax.axis_index("c")
    s = lax.axis_index("s")
    b = s

    em_cp = pltpu.async_copy(em_h.at[b], em_v, sem)
    cps = [pltpu.async_copy(srch, dstv, sem2) for srch, dstv in
           [(tok_h, tok_v), (tr_h, tr_v), (hd_h, hd_v), (la_h, la_v)]]
    for cp in cps:
        cp.wait()

    tok_vec = tok_v[pl.ds(0, 16)]
    seq_len = tok_vec[jnp.full((16,), b, jnp.int32)][0]

    def mT_step(i, mv):
        for g in range(G):
            mv = jnp.maximum(mv, _group(tr_v, i, g))
        return mv

    mT_vec = lax.fori_loop(0, T, mT_step, jnp.full((16,), -jnp.inf, jnp.float32))
    mT = jnp.max(mT_vec)

    def exp_step(i, carry):
        eg = [jnp.exp(_group(tr_v, i, g) - mT) for g in range(G)]
        b01 = plsc.pack(eg[0], eg[1], format=plsc.PackFormat.INTERLEAVED)
        b23 = plsc.pack(eg[2], eg[3], format=plsc.PackFormat.INTERLEAVED)
        trb_v[i, pl.ds(0, 16)] = plsc.bitcast(b01, jnp.int32)
        trb_v[i, pl.ds(16, 16)] = plsc.bitcast(b23, jnp.int32)
        return carry

    lax.fori_loop(0, T, exp_step, 0)
    em_cp.wait()

    c0 = [hd_v[pl.ds(g * 16, 16)] + _group(em_v, 0, g) for g in range(G)]
    m0 = jnp.max(_vmax4(c0))
    p_init = tuple(jnp.exp(c0[g] - m0) for g in range(G))

    def step(t, carry):
        k_acc, kv, p0, p1, p2, p3 = carry
        pc = (p0, p1, p2, p3)
        sp = [plsc.bitcast(
            plsc.pack(pc[g], pc[g], format=plsc.PackFormat.INTERLEAVED),
            jnp.int32) for g in range(G)]
        scale = plsc.bitcast((127 - kv) << 23, jnp.float32)
        e = [_group(em_v, t, g) for g in range(G)]
        ws = [jnp.exp(jnp.minimum(e[g], 80.0)) * scale for g in range(G)]
        q01 = jnp.zeros((32,), jnp.bfloat16)
        q23 = jnp.zeros((32,), jnp.bfloat16)
        for lane in range(16):
            idx = jnp.full((16,), lane, jnp.int32)
            for gs in range(G):
                pib = plsc.bitcast(sp[gs][idx], jnp.bfloat16)
                i = gs * 16 + lane
                e01 = plsc.bitcast(trb_v[i, pl.ds(0, 16)], jnp.bfloat16)
                e23 = plsc.bitcast(trb_v[i, pl.ds(16, 16)], jnp.bfloat16)
                q01 = q01 + pib * e01
                q23 = q23 + pib * e23
        q0, q1 = plsc.unpack(q01, format=plsc.PackFormat.INTERLEAVED)
        q2, q3 = plsc.unpack(q23, format=plsc.PackFormat.INTERLEAVED)
        q = [q0, q1, q2, q3]
        pnew = [q[g] * ws[g] for g in range(G)]
        pm = jnp.max(_vmax4(pnew))
        bits = plsc.bitcast(jnp.full((16,), pm), jnp.int32)
        kv_new = (bits >> 23) - 127
        return (k_acc + kv, kv_new, pnew[0], pnew[1], pnew[2], pnew[3])

    k_acc, _, f0, f1, f2, f3 = lax.fori_loop(
        1, seq_len, step,
        (jnp.zeros((16,), jnp.int32), jnp.zeros((16,), jnp.int32)) + p_init)
    pf = (f0, f1, f2, f3)
    s_acc = m0 + (seq_len - 1).astype(jnp.float32) * mT

    lg = [la_v[pl.ds(g * 16, 16)] for g in range(G)]
    mL = jnp.max(_vmax4(lg))
    z = [pf[g] * jnp.exp(lg[g] - mL) for g in range(G)]
    Z = jnp.sum(z[0] + z[1] + z[2] + z[3])

    zbits = plsc.bitcast(jnp.full((16,), Z), jnp.int32)
    ev = (zbits >> 23) - 127
    mant = plsc.bitcast((zbits & 0x007FFFFF) | 0x3F800000, jnp.float32)
    big = mant > SQRT2
    mant = jnp.where(big, mant * 0.5, mant)
    ev = jnp.where(big, ev + 1, ev)
    tt = (mant - 1.0) / (mant + 1.0)
    t2 = tt * tt
    lnm = tt * (2.0 + t2 * (2.0 / 3.0 + t2 * (2.0 / 5.0
                + t2 * (2.0 / 7.0 + t2 * (2.0 / 9.0)))))
    res = lnm + (ev + k_acc).astype(jnp.float32) * LN2 + (s_acc + mL)
    row_v[...] = res

    @pl.when(c == 0)
    def _():
        pltpu.sync_copy(row_v, out_h.at[b])


def kernel(emissions, token_sizes, transitions, head_transitions,
           last_transitions):
    tok32 = token_sizes.astype(jnp.int32)
    mesh = plsc.VectorSubcoreMesh(core_axis_name="c", subcore_axis_name="s", num_cores=1)
    run = functools.partial(
        pl.kernel,
        out_type=jax.ShapeDtypeStruct((B, 16), jnp.float32),
        mesh=mesh,
        scratch_types=[
            pltpu.VMEM((S, T), jnp.float32),
            pltpu.VMEM((T, T), jnp.float32),
            pltpu.VMEM((T, 32), jnp.int32),
            pltpu.VMEM((B,), jnp.int32),
            pltpu.VMEM((T,), jnp.float32),
            pltpu.VMEM((T,), jnp.float32),
            pltpu.VMEM((16,), jnp.float32),
            pltpu.SemaphoreType.DMA,
            pltpu.SemaphoreType.DMA,
        ],
        compiler_params=pltpu.CompilerParams(needs_layout_passes=False),
    )(_crf_body)
    out = run(emissions, tok32, transitions, head_transitions,
              last_transitions)
    return out[:, 0]

# --- scband reference (transcript-rebuilt; emitter-appended) ---
"""Pipeline reference for scband-crf-decoder-43026982371872 (READ-ONLY COPY).

The authoritative reference and input builder live on the scoring server;
editing this copy changes nothing except your own understanding.
"""

import jax, jax.numpy as jnp
import numpy as np

B, S, T = 16, 512, 64

def setup_inputs(seed: int = 0) -> dict:
    key = jax.random.key(seed)
    k1, k2, k3, k4, k5 = jax.random.split(key, 5)
    emissions = jax.random.normal(k1, (B, S, T), dtype=jnp.float32)
    token_sizes = jnp.maximum(jax.random.randint(k2, (B,), 0, 512), 1).astype(jnp.int64)
    # learned parameters (module inits to zeros; use small random values for a
    # non-degenerate reference computation)
    transitions = jax.random.normal(k3, (T, T), dtype=jnp.float32) * 0.1
    head_transitions = jax.random.normal(k4, (T,), dtype=jnp.float32) * 0.1
    last_transitions = jax.random.normal(k5, (T,), dtype=jnp.float32) * 0.1
    return {
        'emissions': emissions,
        'token_sizes': token_sizes,
        'transitions': transitions,
        'head_transitions': head_transitions,
        'last_transitions': last_transitions,
    }


def reference(emissions, token_sizes, transitions, head_transitions, last_transitions):
    # CrfDecoder.forward builds a CrfDistribution; the core lazy computation is
    # log_partitions = crf_partitions(emissions, transitions, Log semiring).
    # Equivalent computation on padded emissions with per-sequence lengths:
    #   chart_0 = head_transitions * emission_0            (Log.mul = +)
    #   chart_t = (chart_{t-1} bmm transitions) * emission_t   (Log.bmm = logsumexp of sums)
    #   Z_b     = sum_y chart_{L_b-1}[y] * last_transitions[y] (Log.sum = logsumexp)
    b, s, t = emissions.shape
    chart0 = head_transitions[None, :] + emissions[:, 0, :]

    def step(chart, inp):
        t_idx, emis_t = inp
        # Log-semiring bmm: logsumexp over previous tag dimension
        scores = jax.nn.logsumexp(chart[:, :, None] + transitions[None, :, :], axis=1) + emis_t
        active = (t_idx < token_sizes)[:, None]
        new_chart = jnp.where(active, scores, chart)
        return new_chart, None

    ts = jnp.arange(1, s)
    emis_rest = jnp.swapaxes(emissions[:, 1:, :], 0, 1)  # [S-1, B, T]
    final_chart, _ = jax.lax.scan(step, chart0, (ts, emis_rest))
    # final_chart is frozen at the last valid timestep of each sequence
    log_partitions = jax.nn.logsumexp(final_chart + last_transitions[None, :], axis=-1)
    return log_partitions

if __name__ == "__main__":
    import jax
    _d = setup_inputs()
    print(jax.jit(kernel)(*tuple(_d.values())))

</pallas_src>

<mosaic_0001>
#map = affine_map<(d0, d1) -> (0, 0, 0)>
#map1 = affine_map<(d0, d1) -> (0)>
#map2 = affine_map<(d0, d1) -> (0, 0)>
module attributes {stable_mosaic.version = 14 : i64} {
  func.func @_crf_body(%arg0: i32, %arg1: i32, %arg2: memref<16x512x64xf32, #tpu.memory_space<hbm>>, %arg3: memref<16xi32, #tpu.memory_space<hbm>>, %arg4: memref<64x64xf32, #tpu.memory_space<hbm>>, %arg5: memref<64xf32, #tpu.memory_space<hbm>>, %arg6: memref<64xf32, #tpu.memory_space<hbm>>, %arg7: memref<16x16xf32, #tpu.memory_space<hbm>>, %arg8: memref<512x64xf32, #tpu.memory_space<vmem>>, %arg9: memref<64x64xf32, #tpu.memory_space<vmem>>, %arg10: memref<64x32xi32, #tpu.memory_space<vmem>>, %arg11: memref<16xi32, #tpu.memory_space<vmem>>, %arg12: memref<64xf32, #tpu.memory_space<vmem>>, %arg13: memref<64xf32, #tpu.memory_space<vmem>>, %arg14: memref<16xf32, #tpu.memory_space<vmem>>, %arg15: memref<!tpu.dma_semaphore, #tpu.memory_space<semaphore_mem>>, %arg16: memref<!tpu.dma_semaphore, #tpu.memory_space<semaphore_mem>>) attributes {dimension_semantics = [#tpu.dimension_semantics<core_parallel>, #tpu.dimension_semantics<subcore_parallel>], iteration_bounds = array<i64: 1, 16>, scalar_prefetch = 0 : i64, scratch_operands = 9 : i64, tpu.core_type = #tpu.core_type<sc_vector_subcore>, window_params = [{transform_indices = #map}, {transform_indices = #map1}, {transform_indices = #map2}, {transform_indices = #map1}, {transform_indices = #map1}, {transform_indices = #map2}]} {
    %dma_start3A = arith.constant 0 : i32
    %dma_start3A_0 = arith.constant 0 : i32
    %dma_start3A_1 = tpu.memref_slice %arg2[%arg1, %dma_start3A, %dma_start3A_0] : memref<16x512x64xf32, #tpu.memory_space<hbm>> -> memref<1x512x64xf32, #tpu.memory_space<hbm>>
    %dma_start3A_2 = tpu.memref_squeeze %dma_start3A_1 : memref<1x512x64xf32, #tpu.memory_space<hbm>> -> memref<512x64xf32, #tpu.memory_space<hbm>>
    %dma_start3A_3 = arith.constant 0 : i32
    %dma_start3A_4 = arith.constant 0 : i32
    %dma_start3A_5 = tpu.memref_slice %arg2[%arg1, %dma_start3A_3, %dma_start3A_4] : memref<16x512x64xf32, #tpu.memory_space<hbm>> -> memref<1x512x64xf32, #tpu.memory_space<hbm>>
    %dma_start3A_6 = tpu.memref_squeeze %dma_start3A_5 : memref<1x512x64xf32, #tpu.memory_space<hbm>> -> memref<512x64xf32, #tpu.memory_space<hbm>>
    tpu.enqueue_dma source(%dma_start3A_6 : memref<512x64xf32, #tpu.memory_space<hbm>>) target(%arg8 : memref<512x64xf32, #tpu.memory_space<vmem>>) target_semaphore(%arg15 : memref<!tpu.dma_semaphore, #tpu.memory_space<semaphore_mem>>)
    tpu.enqueue_dma source(%arg3 : memref<16xi32, #tpu.memory_space<hbm>>) target(%arg11 : memref<16xi32, #tpu.memory_space<vmem>>) target_semaphore(%arg16 : memref<!tpu.dma_semaphore, #tpu.memory_space<semaphore_mem>>)
    tpu.enqueue_dma source(%arg4 : memref<64x64xf32, #tpu.memory_space<hbm>>) target(%arg9 : memref<64x64xf32, #tpu.memory_space<vmem>>) target_semaphore(%arg16 : memref<!tpu.dma_semaphore, #tpu.memory_space<semaphore_mem>>)
    tpu.enqueue_dma source(%arg5 : memref<64xf32, #tpu.memory_space<hbm>>) target(%arg12 : memref<64xf32, #tpu.memory_space<vmem>>) target_semaphore(%arg16 : memref<!tpu.dma_semaphore, #tpu.memory_space<semaphore_mem>>)
    tpu.enqueue_dma source(%arg6 : memref<64xf32, #tpu.memory_space<hbm>>) target(%arg13 : memref<64xf32, #tpu.memory_space<vmem>>) target_semaphore(%arg16 : memref<!tpu.dma_semaphore, #tpu.memory_space<semaphore_mem>>)
    tpu.wait_dma2 semaphore(%arg16 : memref<!tpu.dma_semaphore, #tpu.memory_space<semaphore_mem>>) src(%arg3 : memref<16xi32, #tpu.memory_space<hbm>>) dst(%arg11 : memref<16xi32, #tpu.memory_space<vmem>>)
    tpu.wait_dma2 semaphore(%arg16 : memref<!tpu.dma_semaphore, #tpu.memory_space<semaphore_mem>>) src(%arg4 : memref<64x64xf32, #tpu.memory_space<hbm>>) dst(%arg9 : memref<64x64xf32, #tpu.memory_space<vmem>>)
    tpu.wait_dma2 semaphore(%arg16 : memref<!tpu.dma_semaphore, #tpu.memory_space<semaphore_mem>>) src(%arg5 : memref<64xf32, #tpu.memory_space<hbm>>) dst(%arg12 : memref<64xf32, #tpu.memory_space<vmem>>)
    tpu.wait_dma2 semaphore(%arg16 : memref<!tpu.dma_semaphore, #tpu.memory_space<semaphore_mem>>) src(%arg6 : memref<64xf32, #tpu.memory_space<hbm>>) dst(%arg13 : memref<64xf32, #tpu.memory_space<vmem>>)
    %get3A = arith.constant 0 : index
    %get3A_7 = tpu.vector_load %arg11[%get3A] {strides = array<i32>} : memref<16xi32, #tpu.memory_space<vmem>>, vector<16xi32>,
    %broadcast_in_dim3A = vector.broadcast %arg1 : i32 to vector<16xi32>
    %lt3A = arith.constant 0 : i32
    %lt3A_8 = vector.broadcast %lt3A : i32 to vector<16xi32>
    %lt3A_9 = arith.cmpi slt, %broadcast_in_dim3A, %lt3A_8 : vector<16xi32>
    %add3A = arith.constant 16 : i32
    %add3A_10 = vector.broadcast %add3A : i32 to vector<16xi32>
    %add3A_11 = arith.addi %broadcast_in_dim3A, %add3A_10 : vector<16xi32>
    %select_n3A = arith.select %lt3A_9, %add3A_11, %broadcast_in_dim3A : vector<16xi1>, vector<16xi32>
    %broadcast_in_dim3A_12 = vector.shape_cast %select_n3A : vector<16xi32> to vector<16x1xi32>
    %gather3A = vector.shape_cast %broadcast_in_dim3A_12 : vector<16x1xi32> to vector<16xi32>
    %gather3A_13 = tpu.dynamic_gather %get3A_7[%gather3A] in [0] : vector<16xi32>, vector<16xi32> -> vector<16xi32>
    %slice3A = vector.extract_strided_slice %gather3A_13 {offsets = [0], sizes = [1], strides = [1]} : vector<16xi32> to vector<1xi32>
    %squeeze3A = vector.extract %slice3A[0] : i32 from vector<1xi32>
    %broadcast_in_dim3A_14 = arith.constant 0xFF800000 : f32
    %broadcast_in_dim3A_15 = vector.broadcast %broadcast_in_dim3A_14 : f32 to vector<16xf32>
    %scan3A = arith.constant 0 : i32
    %scan3A_16 = arith.constant 64 : i32
    %scan3A_17 = arith.addi %scan3A, %scan3A_16 : i32
    %scan3A_18 = arith.constant 1 : i32
    %scan3A_19 = scf.for %scan3A_195 = %scan3A to %scan3A_17 step %scan3A_18 iter_args(%scan3A_196 = %broadcast_in_dim3A_15) -> (vector<16xf32>)  : i32 {
      %get3A_197 = arith.index_cast %scan3A_195 : i32 to index
      %get3A_198 = arith.constant 0 : index
      %get3A_199 = tpu.vector_load %arg9[%get3A_197, %get3A_198] {strides = array<i32>} : memref<64x64xf32, #tpu.memory_space<vmem>>, vector<16xf32>,
      %max3A_200 = arith.maximumf %scan3A_196, %get3A_199 : vector<16xf32>
      %get3A_201 = arith.index_cast %scan3A_195 : i32 to index
      %get3A_202 = arith.constant 16 : index
      %get3A_203 = tpu.vector_load %arg9[%get3A_201, %get3A_202] {strides = array<i32>} : memref<64x64xf32, #tpu.memory_space<vmem>>, vector<16xf32>,
      %max3A_204 = arith.maximumf %max3A_200, %get3A_203 : vector<16xf32>
      %get3A_205 = arith.index_cast %scan3A_195 : i32 to index
      %get3A_206 = arith.constant 32 : index
      %get3A_207 = tpu.vector_load %arg9[%get3A_205, %get3A_206] {strides = array<i32>} : memref<64x64xf32, #tpu.memory_space<vmem>>, vector<16xf32>,
      %max3A_208 = arith.maximumf %max3A_204, %get3A_207 : vector<16xf32>
      %get3A_209 = arith.index_cast %scan3A_195 : i32 to index
      %get3A_210 = arith.constant 48 : index
      %get3A_211 = tpu.vector_load %arg9[%get3A_209, %get3A_210] {strides = array<i32>} : memref<64x64xf32, #tpu.memory_space<vmem>>, vector<16xf32>,
      %max3A_212 = arith.maximumf %max3A_208, %get3A_211 : vector<16xf32>
      scf.yield %max3A_212 : vector<16xf32>
    }
    %scan3A_20 = arith.constant 64 : i32
    %reduce_max3A = arith.constant true
    %reduce_max3A_21 = vector.broadcast %reduce_max3A : i1 to vector<16xi1>
    %reduce_max3A_22 = tpu.scan <max>, %scan3A_19 masked %reduce_max3A_21 : vector<16xf32>, vector<16xi1> -> vector<16xf32>
    %reduce_max3A_23 = vector.extract %reduce_max3A_22[15] : f32 from vector<16xf32>
    %scan3A_24 = arith.constant 0 : i32
    %scan3A_25 = arith.constant 0 : i32
    %scan3A_26 = arith.constant 64 : i32
    %scan3A_27 = arith.addi %scan3A_25, %scan3A_26 : i32
    %scan3A_28 = arith.constant 1 : i32
    scf.for %scan3A_195 = %scan3A_25 to %scan3A_27 step %scan3A_28  : i32 {
      %get3A_196 = arith.index_cast %scan3A_195 : i32 to index
      %get3A_197 = arith.constant 0 : index
      %get3A_198 = tpu.vector_load %arg9[%get3A_196, %get3A_197] {strides = array<i32>} : memref<64x64xf32, #tpu.memory_space<vmem>>, vector<16xf32>,
      %sub3A_199 = vector.broadcast %reduce_max3A_23 : f32 to vector<16xf32>
      %sub3A_200 = arith.subf %get3A_198, %sub3A_199 : vector<16xf32>
      %exp3A_201 = math.exp %sub3A_200 : vector<16xf32>
      %get3A_202 = arith.index_cast %scan3A_195 : i32 to index
      %get3A_203 = arith.constant 16 : index
      %get3A_204 = tpu.vector_load %arg9[%get3A_202, %get3A_203] {strides = array<i32>} : memref<64x64xf32, #tpu.memory_space<vmem>>, vector<16xf32>,
      %sub3A_205 = vector.broadcast %reduce_max3A_23 : f32 to vector<16xf32>
      %sub3A_206 = arith.subf %get3A_204, %sub3A_205 : vector<16xf32>
      %exp3A_207 = math.exp %sub3A_206 : vector<16xf32>
      %get3A_208 = arith.index_cast %scan3A_195 : i32 to index
      %get3A_209 = arith.constant 32 : index
      %get3A_210 = tpu.vector_load %arg9[%get3A_208, %get3A_209] {strides = array<i32>} : memref<64x64xf32, #tpu.memory_space<vmem>>, vector<16xf32>,
      %sub3A_211 = vector.broadcast %reduce_max3A_23 : f32 to vector<16xf32>
      %sub3A_212 = arith.subf %get3A_210, %sub3A_211 : vector<16xf32>
      %exp3A_213 = math.exp %sub3A_212 : vector<16xf32>
      %get3A_214 = arith.index_cast %scan3A_195 : i32 to index
      %get3A_215 = arith.constant 48 : index
      %get3A_216 = tpu.vector_load %arg9[%get3A_214, %get3A_215] {strides = array<i32>} : memref<64x64xf32, #tpu.memory_space<vmem>>, vector<16xf32>,
      %sub3A_217 = vector.broadcast %reduce_max3A_23 : f32 to vector<16xf32>
      %sub3A_218 = arith.subf %get3A_216, %sub3A_217 : vector<16xf32>
      %exp3A_219 = math.exp %sub3A_218 : vector<16xf32>
      %pack3A = tpu.pack_subelements %exp3A_201, %exp3A_207 {pack_format = #tpu.pack_format<interleaved>, positions = array<i32: 0, 1>} : vector<16xf32>, vector<16xf32> -> vector<32xbf16>
      %pack3A_220 = tpu.pack_subelements %exp3A_213, %exp3A_219 {pack_format = #tpu.pack_format<interleaved>, positions = array<i32: 0, 1>} : vector<16xf32>, vector<16xf32> -> vector<32xbf16>
      %bitcast3A_221 = vector.bitcast %pack3A : vector<32xbf16> to vector<16xi32>
      %swap3A_222 = arith.index_cast %scan3A_195 : i32 to index
      %swap3A_223 = arith.constant 0 : index
      %swap3A_224 = tpu.vector_load %arg10[%swap3A_222, %swap3A_223] {strides = array<i32>} : memref<64x32xi32, #tpu.memory_space<vmem>>, vector<16xi32>,
      tpu.vector_store %arg10[%swap3A_222, %swap3A_223], %bitcast3A_221 {strides = array<i32>} : memref<64x32xi32, #tpu.memory_space<vmem>>, vector<16xi32>,
      %bitcast3A_225 = vector.bitcast %pack3A_220 : vector<32xbf16> to vector<16xi32>
      %swap3A_226 = arith.index_cast %scan3A_195 : i32 to index
      %swap3A_227 = arith.constant 16 : index
      %swap3A_228 = tpu.vector_load %arg10[%swap3A_226, %swap3A_227] {strides = array<i32>} : memref<64x32xi32, #tpu.memory_space<vmem>>, vector<16xi32>,
      tpu.vector_store %arg10[%swap3A_226, %swap3A_227], %bitcast3A_225 {strides = array<i32>} : memref<64x32xi32, #tpu.memory_space<vmem>>, vector<16xi32>,
    }
    %scan3A_29 = arith.constant 64 : i32
    %dma_wait3A = arith.constant 0 : i32
    %dma_wait3A_30 = arith.constant 0 : i32
    %dma_wait3A_31 = tpu.memref_slice %arg2[%arg1, %dma_wait3A, %dma_wait3A_30] : memref<16x512x64xf32, #tpu.memory_space<hbm>> -> memref<1x512x64xf32, #tpu.memory_space<hbm>>
    %dma_wait3A_32 = tpu.memref_squeeze %dma_wait3A_31 : memref<1x512x64xf32, #tpu.memory_space<hbm>> -> memref<512x64xf32, #tpu.memory_space<hbm>>
    %dma_wait3A_33 = arith.constant 0 : i32
    %dma_wait3A_34 = arith.constant 0 : i32
    %dma_wait3A_35 = tpu.memref_slice %arg2[%arg1, %dma_wait3A_33, %dma_wait3A_34] : memref<16x512x64xf32, #tpu.memory_space<hbm>> -> memref<1x512x64xf32, #tpu.memory_space<hbm>>
    %dma_wait3A_36 = tpu.memref_squeeze %dma_wait3A_35 : memref<1x512x64xf32, #tpu.memory_space<hbm>> -> memref<512x64xf32, #tpu.memory_space<hbm>>
    tpu.wait_dma2 semaphore(%arg15 : memref<!tpu.dma_semaphore, #tpu.memory_space<semaphore_mem>>) src(%dma_wait3A_36 : memref<512x64xf32, #tpu.memory_space<hbm>>) dst(%arg8 : memref<512x64xf32, #tpu.memory_space<vmem>>)
    %get3A_37 = arith.constant 0 : index
    %get3A_38 = tpu.vector_load %arg12[%get3A_37] {strides = array<i32>} : memref<64xf32, #tpu.memory_space<vmem>>, vector<16xf32>,
    %get3A_39 = arith.constant 0 : i32
    %get3A_40 = arith.index_cast %get3A_39 : i32 to index
    %get3A_41 = arith.constant 0 : index
    %get3A_42 = tpu.vector_load %arg8[%get3A_40, %get3A_41] {strides = array<i32>} : memref<512x64xf32, #tpu.memory_space<vmem>>, vector<16xf32>,
    %add3A_43 = arith.addf %get3A_38, %get3A_42 : vector<16xf32>
    %get3A_44 = arith.constant 16 : index
    %get3A_45 = tpu.vector_load %arg12[%get3A_44] {strides = array<i32>} : memref<64xf32, #tpu.memory_space<vmem>>, vector<16xf32>,
    %get3A_46 = arith.constant 0 : i32
    %get3A_47 = arith.index_cast %get3A_46 : i32 to index
    %get3A_48 = arith.constant 16 : index
    %get3A_49 = tpu.vector_load %arg8[%get3A_47, %get3A_48] {strides = array<i32>} : memref<512x64xf32, #tpu.memory_space<vmem>>, vector<16xf32>,
    %add3A_50 = arith.addf %get3A_45, %get3A_49 : vector<16xf32>
    %get3A_51 = arith.constant 32 : index
    %get3A_52 = tpu.vector_load %arg12[%get3A_51] {strides = array<i32>} : memref<64xf32, #tpu.memory_space<vmem>>, vector<16xf32>,
    %get3A_53 = arith.constant 0 : i32
    %get3A_54 = arith.index_cast %get3A_53 : i32 to index
    %get3A_55 = arith.constant 32 : index
    %get3A_56 = tpu.vector_load %arg8[%get3A_54, %get3A_55] {strides = array<i32>} : memref<512x64xf32, #tpu.memory_space<vmem>>, vector<16xf32>,
    %add3A_57 = arith.addf %get3A_52, %get3A_56 : vector<16xf32>
    %get3A_58 = arith.constant 48 : index
    %get3A_59 = tpu.vector_load %arg12[%get3A_58] {strides = array<i32>} : memref<64xf32, #tpu.memory_space<vmem>>, vector<16xf32>,
    %get3A_60 = arith.constant 0 : i32
    %get3A_61 = arith.index_cast %get3A_60 : i32 to index
    %get3A_62 = arith.constant 48 : index
    %get3A_63 = tpu.vector_load %arg8[%get3A_61, %get3A_62] {strides = array<i32>} : memref<512x64xf32, #tpu.memory_space<vmem>>, vector<16xf32>,
    %add3A_64 = arith.addf %get3A_59, %get3A_63 : vector<16xf32>
    %max3A = arith.maximumf %add3A_43, %add3A_50 : vector<16xf32>
    %max3A_65 = arith.maximumf %add3A_57, %add3A_64 : vector<16xf32>
    %max3A_66 = arith.maximumf %max3A, %max3A_65 : vector<16xf32>
    %reduce_max3A_67 = arith.constant true
    %reduce_max3A_68 = vector.broadcast %reduce_max3A_67 : i1 to vector<16xi1>
    %reduce_max3A_69 = tpu.scan <max>, %max3A_66 masked %reduce_max3A_68 : vector<16xf32>, vector<16xi1> -> vector<16xf32>
    %reduce_max3A_70 = vector.extract %reduce_max3A_69[15] : f32 from vector<16xf32>
    %sub3A = vector.broadcast %reduce_max3A_70 : f32 to vector<16xf32>
    %sub3A_71 = arith.subf %add3A_43, %sub3A : vector<16xf32>
    %exp3A = math.exp %sub3A_71 : vector<16xf32>
    %sub3A_72 = vector.broadcast %reduce_max3A_70 : f32 to vector<16xf32>
    %sub3A_73 = arith.subf %add3A_50, %sub3A_72 : vector<16xf32>
    %exp3A_74 = math.exp %sub3A_73 : vector<16xf32>
    %sub3A_75 = vector.broadcast %reduce_max3A_70 : f32 to vector<16xf32>
    %sub3A_76 = arith.subf %add3A_57, %sub3A_75 : vector<16xf32>
    %exp3A_77 = math.exp %sub3A_76 : vector<16xf32>
    %sub3A_78 = vector.broadcast %reduce_max3A_70 : f32 to vector<16xf32>
    %sub3A_79 = arith.subf %add3A_64, %sub3A_78 : vector<16xf32>
    %exp3A_80 = math.exp %sub3A_79 : vector<16xf32>
    %broadcast_in_dim3A_81 = arith.constant 0 : i32
    %broadcast_in_dim3A_82 = vector.broadcast %broadcast_in_dim3A_81 : i32 to vector<16xi32>
    %broadcast_in_dim3A_83 = arith.constant 0 : i32
    %broadcast_in_dim3A_84 = vector.broadcast %broadcast_in_dim3A_83 : i32 to vector<16xi32>
    %while3A = arith.constant 1 : i32
    %while3A_85 = arith.subi %squeeze3A, %while3A : i32
    %while3A_86 = arith.addi %while3A, %while3A_85 : i32
    %while3A_87 = arith.constant 1 : i32
    %while3A_88 = arith.divsi %while3A_85, %while3A_87 : i32
    %while3A_89 = arith.muli %while3A_88, %while3A_87 : i32
    %while3A_90 = arith.addi %while3A, %while3A_89 : i32
    %while3A_91 = arith.constant 1 : i32
    %while3A_92:6 = scf.for %while3A_195 = %while3A to %while3A_90 step %while3A_91 iter_args(%while3A_196 = %broadcast_in_dim3A_82, %while3A_197 = %broadcast_in_dim3A_84, %while3A_198 = %exp3A, %while3A_199 = %exp3A_74, %while3A_200 = %exp3A_77, %while3A_201 = %exp3A_80) -> (vector<16xi32>, vector<16xi32>, vector<16xf32>, vector<16xf32>, vector<16xf32>, vector<16xf32>)  : i32 {
      %pack3A = tpu.pack_subelements %while3A_198, %while3A_198 {pack_format = #tpu.pack_format<interleaved>, positions = array<i32: 0, 1>} : vector<16xf32>, vector<16xf32> -> vector<32xbf16>
      %bitcast3A_202 = vector.bitcast %pack3A : vector<32xbf16> to vector<16xi32>
      %pack3A_203 = tpu.pack_subelements %while3A_199, %while3A_199 {pack_format = #tpu.pack_format<interleaved>, positions = array<i32: 0, 1>} : vector<16xf32>, vector<16xf32> -> vector<32xbf16>
      %bitcast3A_204 = vector.bitcast %pack3A_203 : vector<32xbf16> to vector<16xi32>
      %pack3A_205 = tpu.pack_subelements %while3A_200, %while3A_200 {pack_format = #tpu.pack_format<interleaved>, positions = array<i32: 0, 1>} : vector<16xf32>, vector<16xf32> -> vector<32xbf16>
      %bitcast3A_206 = vector.bitcast %pack3A_205 : vector<32xbf16> to vector<16xi32>
      %pack3A_207 = tpu.pack_subelements %while3A_201, %while3A_201 {pack_format = #tpu.pack_format<interleaved>, positions = array<i32: 0, 1>} : vector<16xf32>, vector<16xf32> -> vector<32xbf16>
      %bitcast3A_208 = vector.bitcast %pack3A_207 : vector<32xbf16> to vector<16xi32>
      %sub3A_209 = arith.constant 127 : i32
      %sub3A_210 = vector.broadcast %sub3A_209 : i32 to vector<16xi32>
      %sub3A_211 = arith.subi %sub3A_210, %while3A_197 : vector<16xi32>
      %shift_left3A = arith.constant 23 : i32
      %shift_left3A_212 = vector.broadcast %shift_left3A : i32 to vector<16xi32>
      %shift_left3A_213 = arith.shli %sub3A_211, %shift_left3A_212 : vector<16xi32>
      %bitcast3A_214 = vector.bitcast %shift_left3A_213 : vector<16xi32> to vector<16xf32>
      %get3A_215 = arith.index_cast %while3A_195 : i32 to index
      %get3A_216 = arith.constant 0 : index
      %get3A_217 = tpu.vector_load %arg8[%get3A_215, %get3A_216] {strides = array<i32>} : memref<512x64xf32, #tpu.memory_space<vmem>>, vector<16xf32>,
      %get3A_218 = arith.index_cast %while3A_195 : i32 to index
      %get3A_219 = arith.constant 16 : index
      %get3A_220 = tpu.vector_load %arg8[%get3A_218, %get3A_219] {strides = array<i32>} : memref<512x64xf32, #tpu.memory_space<vmem>>, vector<16xf32>,
      %get3A_221 = arith.index_cast %while3A_195 : i32 to index
      %get3A_222 = arith.constant 32 : index
      %get3A_223 = tpu.vector_load %arg8[%get3A_221, %get3A_222] {strides = array<i32>} : memref<512x64xf32, #tpu.memory_space<vmem>>, vector<16xf32>,
      %get3A_224 = arith.index_cast %while3A_195 : i32 to index
      %get3A_225 = arith.constant 48 : index
      %get3A_226 = tpu.vector_load %arg8[%get3A_224, %get3A_225] {strides = array<i32>} : memref<512x64xf32, #tpu.memory_space<vmem>>, vector<16xf32>,
      %min3A = arith.constant 8.000000e+01 : f32
      %min3A_227 = vector.broadcast %min3A : f32 to vector<16xf32>
      %min3A_228 = arith.minimumf %get3A_217, %min3A_227 : vector<16xf32>
      %exp3A_229 = math.exp %min3A_228 : vector<16xf32>
      %mul3A_230 = arith.mulf %exp3A_229, %bitcast3A_214 : vector<16xf32>
      %min3A_231 = arith.constant 8.000000e+01 : f32
      %min3A_232 = vector.broadcast %min3A_231 : f32 to vector<16xf32>
      %min3A_233 = arith.minimumf %get3A_220, %min3A_232 : vector<16xf32>
      %exp3A_234 = math.exp %min3A_233 : vector<16xf32>
      %mul3A_235 = arith.mulf %exp3A_234, %bitcast3A_214 : vector<16xf32>
      %min3A_236 = arith.constant 8.000000e+01 : f32
      %min3A_237 = vector.broadcast %min3A_236 : f32 to vector<16xf32>
      %min3A_238 = arith.minimumf %get3A_223, %min3A_237 : vector<16xf32>
      %exp3A_239 = math.exp %min3A_238 : vector<16xf32>
      %mul3A_240 = arith.mulf %exp3A_239, %bitcast3A_214 : vector<16xf32>
      %min3A_241 = arith.constant 8.000000e+01 : f32
      %min3A_242 = vector.broadcast %min3A_241 : f32 to vector<16xf32>
      %min3A_243 = arith.minimumf %get3A_226, %min3A_242 : vector<16xf32>
      %exp3A_244 = math.exp %min3A_243 : vector<16xf32>
      %mul3A_245 = arith.mulf %exp3A_244, %bitcast3A_214 : vector<16xf32>
      %broadcast_in_dim3A_246 = arith.constant 0.000000e+00 : bf16
      %broadcast_in_dim3A_247 = vector.broadcast %broadcast_in_dim3A_246 : bf16 to vector<32xbf16>
      %broadcast_in_dim3A_248 = arith.constant 0.000000e+00 : bf16
      %broadcast_in_dim3A_249 = vector.broadcast %broadcast_in_dim3A_248 : bf16 to vector<32xbf16>
      %broadcast_in_dim3A_250 = arith.constant 0 : i32
      %broadcast_in_dim3A_251 = vector.broadcast %broadcast_in_dim3A_250 : i32 to vector<16xi32>
      %lt3A_252 = arith.constant 0 : i32
      %lt3A_253 = vector.broadcast %lt3A_252 : i32 to vector<16xi32>
      %lt3A_254 = arith.cmpi slt, %broadcast_in_dim3A_251, %lt3A_253 : vector<16xi32>
      %add3A_255 = arith.constant 16 : i32
      %add3A_256 = vector.broadcast %add3A_255 : i32 to vector<16xi32>
      %add3A_257 = arith.addi %broadcast_in_dim3A_251, %add3A_256 : vector<16xi32>
      %select_n3A_258 = arith.select %lt3A_254, %add3A_257, %broadcast_in_dim3A_251 : vector<16xi1>, vector<16xi32>
      %broadcast_in_dim3A_259 = vector.shape_cast %select_n3A_258 : vector<16xi32> to vector<16x1xi32>
      %gather3A_260 = vector.shape_cast %broadcast_in_dim3A_259 : vector<16x1xi32> to vector<16xi32>
      %gather3A_261 = tpu.dynamic_gather %bitcast3A_202[%gather3A_260] in [0] : vector<16xi32>, vector<16xi32> -> vector<16xi32>
      %bitcast3A_262 = vector.bitcast %gather3A_261 : vector<16xi32> to vector<32xbf16>
      %get3A_263 = arith.constant 0 : i32
      %get3A_264 = arith.index_cast %get3A_263 : i32 to index
      %get3A_265 = arith.constant 0 : index
      %get3A_266 = tpu.vector_load %arg10[%get3A_264, %get3A_265] {strides = array<i32>} : memref<64x32xi32, #tpu.memory_space<vmem>>, vector<16xi32>,
      %bitcast3A_267 = vector.bitcast %get3A_266 : vector<16xi32> to vector<32xbf16>
      %get3A_268 = arith.constant 0 : i32
      %get3A_269 = arith.index_cast %get3A_268 : i32 to index
      %get3A_270 = arith.constant 16 : index
      %get3A_271 = tpu.vector_load %arg10[%get3A_269, %get3A_270] {strides = array<i32>} : memref<64x32xi32, #tpu.memory_space<vmem>>, vector<16xi32>,
      %bitcast3A_272 = vector.bitcast %get3A_271 : vector<16xi32> to vector<32xbf16>
      %mul3A_273 = arith.mulf %bitcast3A_262, %bitcast3A_267 : vector<32xbf16>
      %add3A_274 = arith.addf %broadcast_in_dim3A_247, %mul3A_273 : vector<32xbf16>
      %mul3A_275 = arith.mulf %bitcast3A_262, %bitcast3A_272 : vector<32xbf16>
      %add3A_276 = arith.addf %broadcast_in_dim3A_249, %mul3A_275 : vector<32xbf16>
      %lt3A_277 = arith.constant 0 : i32
      %lt3A_278 = vector.broadcast %lt3A_277 : i32 to vector<16xi32>
      %lt3A_279 = arith.cmpi slt, %broadcast_in_dim3A_251, %lt3A_278 : vector<16xi32>
      %add3A_280 = arith.constant 16 : i32
      %add3A_281 = vector.broadcast %add3A_280 : i32 to vector<16xi32>
      %add3A_282 = arith.addi %broadcast_in_dim3A_251, %add3A_281 : vector<16xi32>
      %select_n3A_283 = arith.select %lt3A_279, %add3A_282, %broadcast_in_dim3A_251 : vector<16xi1>, vector<16xi32>
      %broadcast_in_dim3A_284 = vector.shape_cast %select_n3A_283 : vector<16xi32> to vector<16x1xi32>
      %gather3A_285 = vector.shape_cast %broadcast_in_dim3A_284 : vector<16x1xi32> to vector<16xi32>
      %gather3A_286 = tpu.dynamic_gather %bitcast3A_204[%gather3A_285] in [0] : vector<16xi32>, vector<16xi32> -> vector<16xi32>
      %bitcast3A_287 = vector.bitcast %gather3A_286 : vector<16xi32> to vector<32xbf16>
      %get3A_288 = arith.constant 16 : i32
      %get3A_289 = arith.index_cast %get3A_288 : i32 to index
      %get3A_290 = arith.constant 0 : index
      %get3A_291 = tpu.vector_load %arg10[%get3A_289, %get3A_290] {strides = array<i32>} : memref<64x32xi32, #tpu.memory_space<vmem>>, vector<16xi32>,
      %bitcast3A_292 = vector.bitcast %get3A_291 : vector<16xi32> to vector<32xbf16>
      %get3A_293 = arith.constant 16 : i32
      %get3A_294 = arith.index_cast %get3A_293 : i32 to index
      %get3A_295 = arith.constant 16 : index
      %get3A_296 = tpu.vector_load %arg10[%get3A_294, %get3A_295] {strides = array<i32>} : memref<64x32xi32, #tpu.memory_space<vmem>>, vector<16xi32>,
      %bitcast3A_297 = vector.bitcast %get3A_296 : vector<16xi32> to vector<32xbf16>
      %mul3A_298 = arith.mulf %bitcast3A_287, %bitcast3A_292 : vector<32xbf16>
      %add3A_299 = arith.addf %add3A_274, %mul3A_298 : vector<32xbf16>
      %mul3A_300 = arith.mulf %bitcast3A_287, %bitcast3A_297 : vector<32xbf16>
      %add3A_301 = arith.addf %add3A_276, %mul3A_300 : vector<32xbf16>
      %lt3A_302 = arith.constant 0 : i32
      %lt3A_303 = vector.broadcast %lt3A_302 : i32 to vector<16xi32>
      %lt3A_304 = arith.cmpi slt, %broadcast_in_dim3A_251, %lt3A_303 : vector<16xi32>
      %add3A_305 = arith.constant 16 : i32
      %add3A_306 = vector.broadcast %add3A_305 : i32 to vector<16xi32>
      %add3A_307 = arith.addi %broadcast_in_dim3A_251, %add3A_306 : vector<16xi32>
      %select_n3A_308 = arith.select %lt3A_304, %add3A_307, %broadcast_in_dim3A_251 : vector<16xi1>, vector<16xi32>
      %broadcast_in_dim3A_309 = vector.shape_cast %select_n3A_308 : vector<16xi32> to vector<16x1xi32>
      %gather3A_310 = vector.shape_cast %broadcast_in_dim3A_309 : vector<16x1xi32> to vector<16xi32>
      %gather3A_311 = tpu.dynamic_gather %bitcast3A_206[%gather3A_310] in [0] : vector<16xi32>, vector<16xi32> -> vector<16xi32>
      %bitcast3A_312 = vector.bitcast %gather3A_311 : vector<16xi32> to vector<32xbf16>
      %get3A_313 = arith.constant 32 : i32
      %get3A_314 = arith.index_cast %get3A_313 : i32 to index
      %get3A_315 = arith.constant 0 : index
      %get3A_316 = tpu.vector_load %arg10[%get3A_314, %get3A_315] {strides = array<i32>} : memref<64x32xi32, #tpu.memory_space<vmem>>, vector<16xi32>,
      %bitcast3A_317 = vector.bitcast %get3A_316 : vector<16xi32> to vector<32xbf16>
      %get3A_318 = arith.constant 32 : i32
      %get3A_319 = arith.index_cast %get3A_318 : i32 to index
      %get3A_320 = arith.constant 16 : index
      %get3A_321 = tpu.vector_load %arg10[%get3A_319, %get3A_320] {strides = array<i32>} : memref<64x32xi32, #tpu.memory_space<vmem>>, vector<16xi32>,
      %bitcast3A_322 = vector.bitcast %get3A_321 : vector<16xi32> to vector<32xbf16>
      %mul3A_323 = arith.mulf %bitcast3A_312, %bitcast3A_317 : vector<32xbf16>
      %add3A_324 = arith.addf %add3A_299, %mul3A_323 : vector<32xbf16>
      %mul3A_325 = arith.mulf %bitcast3A_312, %bitcast3A_322 : vector<32xbf16>
      %add3A_326 = arith.addf %add3A_301, %mul3A_325 : vector<32xbf16>
      %lt3A_327 = arith.constant 0 : i32
      %lt3A_328 = vector.broadcast %lt3A_327 : i32 to vector<16xi32>
      %lt3A_329 = arith.cmpi slt, %broadcast_in_dim3A_251, %lt3A_328 : vector<16xi32>
      %add3A_330 = arith.constant 16 : i32
      %add3A_331 = vector.broadcast %add3A_330 : i32 to vector<16xi32>
      %add3A_332 = arith.addi %broadcast_in_dim3A_251, %add3A_331 : vector<16xi32>
      %select_n3A_333 = arith.select %lt3A_329, %add3A_332, %broadcast_in_dim3A_251 : vector<16xi1>, vector<16xi32>
      %broadcast_in_dim3A_334 = vector.shape_cast %select_n3A_333 : vector<16xi32> to vector<16x1xi32>
      %gather3A_335 = vector.shape_cast %broadcast_in_dim3A_334 : vector<16x1xi32> to vector<16xi32>
      %gather3A_336 = tpu.dynamic_gather %bitcast3A_208[%gather3A_335] in [0] : vector<16xi32>, vector<16xi32> -> vector<16xi32>
      %bitcast3A_337 = vector.bitcast %gather3A_336 : vector<16xi32> to vector<32xbf16>
      %get3A_338 = arith.constant 48 : i32
      %get3A_339 = arith.index_cast %get3A_338 : i32 to index
      %get3A_340 = arith.constant 0 : index
      %get3A_341 = tpu.vector_load %arg10[%get3A_339, %get3A_340] {strides = array<i32>} : memref<64x32xi32, #tpu.memory_space<vmem>>, vector<16xi32>,
      %bitcast3A_342 = vector.bitcast %get3A_341 : vector<16xi32> to vector<32xbf16>
      %get3A_343 = arith.constant 48 : i32
      %get3A_344 = arith.index_cast %get3A_343 : i32 to index
      %get3A_345 = arith.constant 16 : index
      %get3A_346 = tpu.vector_load %arg10[%get3A_344, %get3A_345] {strides = array<i32>} : memref<64x32xi32, #tpu.memory_space<vmem>>, vector<16xi32>,
      %bitcast3A_347 = vector.bitcast %get3A_346 : vector<16xi32> to vector<32xbf16>
      %mul3A_348 = arith.mulf %bitcast3A_337, %bitcast3A_342 : vector<32xbf16>
      %add3A_349 = arith.addf %add3A_324, %mul3A_348 : vector<32xbf16>
      %mul3A_350 = arith.mulf %bitcast3A_337, %bitcast3A_347 : vector<32xbf16>
      %add3A_351 = arith.addf %add3A_326, %mul3A_350 : vector<32xbf16>
      %broadcast_in_dim3A_352 = arith.constant 1 : i32
      %broadcast_in_dim3A_353 = vector.broadcast %broadcast_in_dim3A_352 : i32 to vector<16xi32>
      %lt3A_354 = arith.constant 0 : i32
      %lt3A_355 = vector.broadcast %lt3A_354 : i32 to vector<16xi32>
      %lt3A_356 = arith.cmpi slt, %broadcast_in_dim3A_353, %lt3A_355 : vector<16xi32>
      %add3A_357 = arith.constant 16 : i32
      %add3A_358 = vector.broadcast %add3A_357 : i32 to vector<16xi32>
      %add3A_359 = arith.addi %broadcast_in_dim3A_353, %add3A_358 : vector<16xi32>
      %select_n3A_360 = arith.select %lt3A_356, %add3A_359, %broadcast_in_dim3A_353 : vector<16xi1>, vector<16xi32>
      %broadcast_in_dim3A_361 = vector.shape_cast %select_n3A_360 : vector<16xi32> to vector<16x1xi32>
      %gather3A_362 = vector.shape_cast %broadcast_in_dim3A_361 : vector<16x1xi32> to vector<16xi32>
      %gather3A_363 = tpu.dynamic_gather %bitcast3A_202[%gather3A_362] in [0] : vector<16xi32>, vector<16xi32> -> vector<16xi32>
      %bitcast3A_364 = vector.bitcast %gather3A_363 : vector<16xi32> to vector<32xbf16>
      %get3A_365 = arith.constant 1 : i32
      %get3A_366 = arith.index_cast %get3A_365 : i32 to index
      %get3A_367 = arith.constant 0 : index
      %get3A_368 = tpu.vector_load %arg10[%get3A_366, %get3A_367] {strides = array<i32>} : memref<64x32xi32, #tpu.memory_space<vmem>>, vector<16xi32>,
      %bitcast3A_369 = vector.bitcast %get3A_368 : vector<16xi32> to vector<32xbf16>
      %get3A_370 = arith.constant 1 : i32
      %get3A_371 = arith.index_cast %get3A_370 : i32 to index
      %get3A_372 = arith.constant 16 : index
      %get3A_373 = tpu.vector_load %arg10[%get3A_371, %get3A_372] {strides = array<i32>} : memref<64x32xi32, #tpu.memory_space<vmem>>, vector<16xi32>,
      %bitcast3A_374 = vector.bitcast %get3A_373 : vector<16xi32> to vector<32xbf16>
      %mul3A_375 = arith.mulf %bitcast3A_364, %bitcast3A_369 : vector<32xbf16>
      %add3A_376 = arith.addf %add3A_349, %mul3A_375 : vector<32xbf16>
      %mul3A_377 = arith.mulf %bitcast3A_364, %bitcast3A_374 : vector<32xbf16>
      %add3A_378 = arith.addf %add3A_351, %mul3A_377 : vector<32xbf16>
      %lt3A_379 = arith.constant 0 : i32
      %lt3A_380 = vector.broadcast %lt3A_379 : i32 to vector<16xi32>
      %lt3A_381 = arith.cmpi slt, %broadcast_in_dim3A_353, %lt3A_380 : vector<16xi32>
      %add3A_382 = arith.constant 16 : i32
      %add3A_383 = vector.broadcast %add3A_382 : i32 to vector<16xi32>
      %add3A_384 = arith.addi %broadcast_in_dim3A_353, %add3A_383 : vector<16xi32>
      %select_n3A_385 = arith.select %lt3A_381, %add3A_384, %broadcast_in_dim3A_353 : vector<16xi1>, vector<16xi32>
      %broadcast_in_dim3A_386 = vector.shape_cast %select_n3A_385 : vector<16xi32> to vector<16x1xi32>
      %gather3A_387 = vector.shape_cast %broadcast_in_dim3A_386 : vector<16x1xi32> to vector<16xi32>
      %gather3A_388 = tpu.dynamic_gather %bitcast3A_204[%gather3A_387] in [0] : vector<16xi32>, vector<16xi32> -> vector<16xi32>
      %bitcast3A_389 = vector.bitcast %gather3A_388 : vector<16xi32> to vector<32xbf16>
      %get3A_390 = arith.constant 17 : i32
      %get3A_391 = arith.index_cast %get3A_390 : i32 to index
      %get3A_392 = arith.constant 0 : index
      %get3A_393 = tpu.vector_load %arg10[%get3A_391, %get3A_392] {strides = array<i32>} : memref<64x32xi32, #tpu.memory_space<vmem>>, vector<16xi32>,
      %bitcast3A_394 = vector.bitcast %get3A_393 : vector<16xi32> to vector<32xbf16>
      %get3A_395 = arith.constant 17 : i32
      %get3A_396 = arith.index_cast %get3A_395 : i32 to index
      %get3A_397 = arith.constant 16 : index
      %get3A_398 = tpu.vector_load %arg10[%get3A_396, %get3A_397] {strides = array<i32>} : memref<64x32xi32, #tpu.memory_space<vmem>>, vector<16xi32>,
      %bitcast3A_399 = vector.bitcast %get3A_398 : vector<16xi32> to vector<32xbf16>
      %mul3A_400 = arith.mulf %bitcast3A_389, %bitcast3A_394 : vector<32xbf16>
      %add3A_401 = arith.addf %add3A_376, %mul3A_400 : vector<32xbf16>
      %mul3A_402 = arith.mulf %bitcast3A_389, %bitcast3A_399 : vector<32xbf16>
      %add3A_403 = arith.addf %add3A_378, %mul3A_402 : vector<32xbf16>
      %lt3A_404 = arith.constant 0 : i32
      %lt3A_405 = vector.broadcast %lt3A_404 : i32 to vector<16xi32>
      %lt3A_406 = arith.cmpi slt, %broadcast_in_dim3A_353, %lt3A_405 : vector<16xi32>
      %add3A_407 = arith.constant 16 : i32
      %add3A_408 = vector.broadcast %add3A_407 : i32 to vector<16xi32>
      %add3A_409 = arith.addi %broadcast_in_dim3A_353, %add3A_408 : vector<16xi32>
      %select_n3A_410 = arith.select %lt3A_406, %add3A_409, %broadcast_in_dim3A_353 : vector<16xi1>, vector<16xi32>
      %broadcast_in_dim3A_411 = vector.shape_cast %select_n3A_410 : vector<16xi32> to vector<16x1xi32>
      %gather3A_412 = vector.shape_cast %broadcast_in_dim3A_411 : vector<16x1xi32> to vector<16xi32>
      %gather3A_413 = tpu.dynamic_gather %bitcast3A_206[%gather3A_412] in [0] : vector<16xi32>, vector<16xi32> -> vector<16xi32>
      %bitcast3A_414 = vector.bitcast %gather3A_413 : vector<16xi32> to vector<32xbf16>
      %get3A_415 = arith.constant 33 : i32
      %get3A_416 = arith.index_cast %get3A_415 : i32 to index
      %get3A_417 = arith.constant 0 : index
      %get3A_418 = tpu.vector_load %arg10[%get3A_416, %get3A_417] {strides = array<i32>} : memref<64x32xi32, #tpu.memory_space<vmem>>, vector<16xi32>,
      %bitcast3A_419 = vector.bitcast %get3A_418 : vector<16xi32> to vector<32xbf16>
      %get3A_420 = arith.constant 33 : i32
      %get3A_421 = arith.index_cast %get3A_420 : i32 to index
      %get3A_422 = arith.constant 16 : index
      %get3A_423 = tpu.vector_load %arg10[%get3A_421, %get3A_422] {strides = array<i32>} : memref<64x32xi32, #tpu.memory_space<vmem>>, vector<16xi32>,
      %bitcast3A_424 = vector.bitcast %get3A_423 : vector<16xi32> to vector<32xbf16>
      %mul3A_425 = arith.mulf %bitcast3A_414, %bitcast3A_419 : vector<32xbf16>
      %add3A_426 = arith.addf %add3A_401, %mul3A_425 : vector<32xbf16>
      %mul3A_427 = arith.mulf %bitcast3A_414, %bitcast3A_424 : vector<32xbf16>
      %add3A_428 = arith.addf %add3A_403, %mul3A_427 : vector<32xbf16>
      %lt3A_429 = arith.constant 0 : i32
      %lt3A_430 = vector.broadcast %lt3A_429 : i32 to vector<16xi32>
      %lt3A_431 = arith.cmpi slt, %broadcast_in_dim3A_353, %lt3A_430 : vector<16xi32>
      %add3A_432 = arith.constant 16 : i32
      %add3A_433 = vector.broadcast %add3A_432 : i32 to vector<16xi32>
      %add3A_434 = arith.addi %broadcast_in_dim3A_353, %add3A_433 : vector<16xi32>
      %select_n3A_435 = arith.select %lt3A_431, %add3A_434, %broadcast_in_dim3A_353 : vector<16xi1>, vector<16xi32>
      %broadcast_in_dim3A_436 = vector.shape_cast %select_n3A_435 : vector<16xi32> to vector<16x1xi32>
      %gather3A_437 = vector.shape_cast %broadcast_in_dim3A_436 : vector<16x1xi32> to vector<16xi32>
      %gather3A_438 = tpu.dynamic_gather %bitcast3A_208[%gather3A_437] in [0] : vector<16xi32>, vector<16xi32> -> vector<16xi32>
      %bitcast3A_439 = vector.bitcast %gather3A_438 : vector<16xi32> to vector<32xbf16>
      %get3A_440 = arith.constant 49 : i32
      %get3A_441 = arith.index_cast %get3A_440 : i32 to index
      %get3A_442 = arith.constant 0 : index
      %get3A_443 = tpu.vector_load %arg10[%get3A_441, %get3A_442] {strides = array<i32>} : memref<64x32xi32, #tpu.memory_space<vmem>>, vector<16xi32>,
      %bitcast3A_444 = vector.bitcast %get3A_443 : vector<16xi32> to vector<32xbf16>
      %get3A_445 = arith.constant 49 : i32
      %get3A_446 = arith.index_cast %get3A_445 : i32 to index
      %get3A_447 = arith.constant 16 : index
      %get3A_448 = tpu.vector_load %arg10[%get3A_446, %get3A_447] {strides = array<i32>} : memref<64x32xi32, #tpu.memory_space<vmem>>, vector<16xi32>,
      %bitcast3A_449 = vector.bitcast %get3A_448 : vector<16xi32> to vector<32xbf16>
      %mul3A_450 = arith.mulf %bitcast3A_439, %bitcast3A_444 : vector<32xbf16>
      %add3A_451 = arith.addf %add3A_426, %mul3A_450 : vector<32xbf16>
      %mul3A_452 = arith.mulf %bitcast3A_439, %bitcast3A_449 : vector<32xbf16>
      %add3A_453 = arith.addf %add3A_428, %mul3A_452 : vector<32xbf16>
      %broadcast_in_dim3A_454 = arith.constant 2 : i32
      %broadcast_in_dim3A_455 = vector.broadcast %broadcast_in_dim3A_454 : i32 to vector<16xi32>
      %lt3A_456 = arith.constant 0 : i32
      %lt3A_457 = vector.broadcast %lt3A_456 : i32 to vector<16xi32>
      %lt3A_458 = arith.cmpi slt, %broadcast_in_dim3A_455, %lt3A_457 : vector<16xi32>
      %add3A_459 = arith.constant 16 : i32
      %add3A_460 = vector.broadcast %add3A_459 : i32 to vector<16xi32>
      %add3A_461 = arith.addi %broadcast_in_dim3A_455, %add3A_460 : vector<16xi32>
      %select_n3A_462 = arith.select %lt3A_458, %add3A_461, %broadcast_in_dim3A_455 : vector<16xi1>, vector<16xi32>
      %broadcast_in_dim3A_463 = vector.shape_cast %select_n3A_462 : vector<16xi32> to vector<16x1xi32>
      %gather3A_464 = vector.shape_cast %broadcast_in_dim3A_463 : vector<16x1xi32> to vector<16xi32>
      %gather3A_465 = tpu.dynamic_gather %bitcast3A_202[%gather3A_464] in [0] : vector<16xi32>, vector<16xi32> -> vector<16xi32>
      %bitcast3A_466 = vector.bitcast %gather3A_465 : vector<16xi32> to vector<32xbf16>
      %get3A_467 = arith.constant 2 : i32
      %get3A_468 = arith.index_cast %get3A_467 : i32 to index
      %get3A_469 = arith.constant 0 : index
      %get3A_470 = tpu.vector_load %arg10[%get3A_468, %get3A_469] {strides = array<i32>} : memref<64x32xi32, #tpu.memory_space<vmem>>, vector<16xi32>,
      %bitcast3A_471 = vector.bitcast %get3A_470 : vector<16xi32> to vector<32xbf16>
      %get3A_472 = arith.constant 2 : i32
      %get3A_473 = arith.index_cast %get3A_472 : i32 to index
      %get3A_474 = arith.constant 16 : index
      %get3A_475 = tpu.vector_load %arg10[%get3A_473, %get3A_474] {strides = array<i32>} : memref<64x32xi32, #tpu.memory_space<vmem>>, vector<16xi32>,
      %bitcast3A_476 = vector.bitcast %get3A_475 : vector<16xi32> to vector<32xbf16>
      %mul3A_477 = arith.mulf %bitcast3A_466, %bitcast3A_471 : vector<32xbf16>
      %add3A_478 = arith.addf %add3A_451, %mul3A_477 : vector<32xbf16>
      %mul3A_479 = arith.mulf %bitcast3A_466, %bitcast3A_476 : vector<32xbf16>
      %add3A_480 = arith.addf %add3A_453, %mul3A_479 : vector<32xbf16>
      %lt3A_481 = arith.constant 0 : i32
      %lt3A_482 = vector.broadcast %lt3A_481 : i32 to vector<16xi32>
      %lt3A_483 = arith.cmpi slt, %broadcast_in_dim3A_455, %lt3A_482 : vector<16xi32>
      %add3A_484 = arith.constant 16 : i32
      %add3A_485 = vector.broadcast %add3A_484 : i32 to vector<16xi32>
      %add3A_486 = arith.addi %broadcast_in_dim3A_455, %add3A_485 : vector<16xi32>
      %select_n3A_487 = arith.select %lt3A_483, %add3A_486, %broadcast_in_dim3A_455 : vector<16xi1>, vector<16xi32>
      %broadcast_in_dim3A_488 = vector.shape_cast %select_n3A_487 : vector<16xi32> to vector<16x1xi32>
      %gather3A_489 = vector.shape_cast %broadcast_in_dim3A_488 : vector<16x1xi32> to vector<16xi32>
      %gather3A_490 = tpu.dynamic_gather %bitcast3A_204[%gather3A_489] in [0] : vector<16xi32>, vector<16xi32> -> vector<16xi32>
      %bitcast3A_491 = vector.bitcast %gather3A_490 : vector<16xi32> to vector<32xbf16>
      %get3A_492 = arith.constant 18 : i32
      %get3A_493 = arith.index_cast %get3A_492 : i32 to index
      %get3A_494 = arith.constant 0 : index
      %get3A_495 = tpu.vector_load %arg10[%get3A_493, %get3A_494] {strides = array<i32>} : memref<64x32xi32, #tpu.memory_space<vmem>>, vector<16xi32>,
      %bitcast3A_496 = vector.bitcast %get3A_495 : vector<16xi32> to vector<32xbf16>
      %get3A_497 = arith.constant 18 : i32
      %get3A_498 = arith.index_cast %get3A_497 : i32 to index
      %get3A_499 = arith.constant 16 : index
      %get3A_500 = tpu.vector_load %arg10[%get3A_498, %get3A_499] {strides = array<i32>} : memref<64x32xi32, #tpu.memory_space<vmem>>, vector<16xi32>,
      %bitcast3A_501 = vector.bitcast %get3A_500 : vector<16xi32> to vector<32xbf16>
      %mul3A_502 = arith.mulf %bitcast3A_491, %bitcast3A_496 : vector<32xbf16>
      %add3A_503 = arith.addf %add3A_478, %mul3A_502 : vector<32xbf16>
      %mul3A_504 = arith.mulf %bitcast3A_491, %bitcast3A_501 : vector<32xbf16>
      %add3A_505 = arith.addf %add3A_480, %mul3A_504 : vector<32xbf16>
      %lt3A_506 = arith.constant 0 : i32
      %lt3A_507 = vector.broadcast %lt3A_506 : i32 to vector<16xi32>
      %lt3A_508 = arith.cmpi slt, %broadcast_in_dim3A_455, %lt3A_507 : vector<16xi32>
      %add3A_509 = arith.constant 16 : i32
      %add3A_510 = vector.broadcast %add3A_509 : i32 to vector<16xi32>
      %add3A_511 = arith.addi %broadcast_in_dim3A_455, %add3A_510 : vector<16xi32>
      %select_n3A_512 = arith.select %lt3A_508, %add3A_511, %broadcast_in_dim3A_455 : vector<16xi1>, vector<16xi32>
      %broadcast_in_dim3A_513 = vector.shape_cast %select_n3A_512 : vector<16xi32> to vector<16x1xi32>
      %gather3A_514 = vector.shape_cast %broadcast_in_dim3A_513 : vector<16x1xi32> to vector<16xi32>
      %gather3A_515 = tpu.dynamic_gather %bitcast3A_206[%gather3A_514] in [0] : vector<16xi32>, vector<16xi32> -> vector<16xi32>
      %bitcast3A_516 = vector.bitcast %gather3A_515 : vector<16xi32> to vector<32xbf16>
      %get3A_517 = arith.constant 34 : i32
      %get3A_518 = arith.index_cast %get3A_517 : i32 to index
      %get3A_519 = arith.constant 0 : index
      %get3A_520 = tpu.vector_load %arg10[%get3A_518, %get3A_519] {strides = array<i32>} : memref<64x32xi32, #tpu.memory_space<vmem>>, vector<16xi32>,
      %bitcast3A_521 = vector.bitcast %get3A_520 : vector<16xi32> to vector<32xbf16>
      %get3A_522 = arith.constant 34 : i32
      %get3A_523 = arith.index_cast %get3A_522 : i32 to index
      %get3A_524 = arith.constant 16 : index
      %get3A_525 = tpu.vector_load %arg10[%get3A_523, %get3A_524] {strides = array<i32>} : memref<64x32xi32, #tpu.memory_space<vmem>>, vector<16xi32>,
      %bitcast3A_526 = vector.bitcast %get3A_525 : vector<16xi32> to vector<32xbf16>
      %mul3A_527 = arith.mulf %bitcast3A_516, %bitcast3A_521 : vector<32xbf16>
      %add3A_528 = arith.addf %add3A_503, %mul3A_527 : vector<32xbf16>
      %mul3A_529 = arith.mulf %bitcast3A_516, %bitcast3A_526 : vector<32xbf16>
      %add3A_530 = arith.addf %add3A_505, %mul3A_529 : vector<32xbf16>
      %lt3A_531 = arith.constant 0 : i32
      %lt3A_532 = vector.broadcast %lt3A_531 : i32 to vector<16xi32>
      %lt3A_533 = arith.cmpi slt, %broadcast_in_dim3A_455, %lt3A_532 : vector<16xi32>
      %add3A_534 = arith.constant 16 : i32
      %add3A_535 = vector.broadcast %add3A_534 : i32 to vector<16xi32>
      %add3A_536 = arith.addi %broadcast_in_dim3A_455, %add3A_535 : vector<16xi32>
      %select_n3A_537 = arith.select %lt3A_533, %add3A_536, %broadcast_in_dim3A_455 : vector<16xi1>, vector<16xi32>
      %broadcast_in_dim3A_538 = vector.shape_cast %select_n3A_537 : vector<16xi32> to vector<16x1xi32>
      %gather3A_539 = vector.shape_cast %broadcast_in_dim3A_538 : vector<16x1xi32> to vector<16xi32>
      %gather3A_540 = tpu.dynamic_gather %bitcast3A_208[%gather3A_539] in [0] : vector<16xi32>, vector<16xi32> -> vector<16xi32>
      %bitcast3A_541 = vector.bitcast %gather3A_540 : vector<16xi32> to vector<32xbf16>
      %get3A_542 = arith.constant 50 : i32
      %get3A_543 = arith.index_cast %get3A_542 : i32 to index
      %get3A_544 = arith.constant 0 : index
      %get3A_545 = tpu.vector_load %arg10[%get3A_543, %get3A_544] {strides = array<i32>} : memref<64x32xi32, #tpu.memory_space<vmem>>, vector<16xi32>,
      %bitcast3A_546 = vector.bitcast %get3A_545 : vector<16xi32> to vector<32xbf16>
      %get3A_547 = arith.constant 50 : i32
      %get3A_548 = arith.index_cast %get3A_547 : i32 to index
      %get3A_549 = arith.constant 16 : index
      %get3A_550 = tpu.vector_load %arg10[%get3A_548, %get3A_549] {strides = array<i32>} : memref<64x32xi32, #tpu.memory_space<vmem>>, vector<16xi32>,
      %bitcast3A_551 = vector.bitcast %get3A_550 : vector<16xi32> to vector<32xbf16>
      %mul3A_552 = arith.mulf %bitcast3A_541, %bitcast3A_546 : vector<32xbf16>
      %add3A_553 = arith.addf %add3A_528, %mul3A_552 : vector<32xbf16>
      %mul3A_554 = arith.mulf %bitcast3A_541, %bitcast3A_551 : vector<32xbf16>
      %add3A_555 = arith.addf %add3A_530, %mul3A_554 : vector<32xbf16>
      %broadcast_in_dim3A_556 = arith.constant 3 : i32
      %broadcast_in_dim3A_557 = vector.broadcast %broadcast_in_dim3A_556 : i32 to vector<16xi32>
      %lt3A_558 = arith.constant 0 : i32
      %lt3A_559 = vector.broadcast %lt3A_558 : i32 to vector<16xi32>
      %lt3A_560 = arith.cmpi slt, %broadcast_in_dim3A_557, %lt3A_559 : vector<16xi32>
      %add3A_561 = arith.constant 16 : i32
      %add3A_562 = vector.broadcast %add3A_561 : i32 to vector<16xi32>
      %add3A_563 = arith.addi %broadcast_in_dim3A_557, %add3A_562 : vector<16xi32>
      %select_n3A_564 = arith.select %lt3A_560, %add3A_563, %broadcast_in_dim3A_557 : vector<16xi1>, vector<16xi32>
      %broadcast_in_dim3A_565 = vector.shape_cast %select_n3A_564 : vector<16xi32> to vector<16x1xi32>
      %gather3A_566 = vector.shape_cast %broadcast_in_dim3A_565 : vector<16x1xi32> to vector<16xi32>
      %gather3A_567 = tpu.dynamic_gather %bitcast3A_202[%gather3A_566] in [0] : vector<16xi32>, vector<16xi32> -> vector<16xi32>
      %bitcast3A_568 = vector.bitcast %gather3A_567 : vector<16xi32> to vector<32xbf16>
      %get3A_569 = arith.constant 3 : i32
      %get3A_570 = arith.index_cast %get3A_569 : i32 to index
      %get3A_571 = arith.constant 0 : index
      %get3A_572 = tpu.vector_load %arg10[%get3A_570, %get3A_571] {strides = array<i32>} : memref<64x32xi32, #tpu.memory_space<vmem>>, vector<16xi32>,
      %bitcast3A_573 = vector.bitcast %get3A_572 : vector<16xi32> to vector<32xbf16>
      %get3A_574 = arith.constant 3 : i32
      %get3A_575 = arith.index_cast %get3A_574 : i32 to index
      %get3A_576 = arith.constant 16 : index
      %get3A_577 = tpu.vector_load %arg10[%get3A_575, %get3A_576] {strides = array<i32>} : memref<64x32xi32, #tpu.memory_space<vmem>>, vector<16xi32>,
      %bitcast3A_578 = vector.bitcast %get3A_577 : vector<16xi32> to vector<32xbf16>
      %mul3A_579 = arith.mulf %bitcast3A_568, %bitcast3A_573 : vector<32xbf16>
      %add3A_580 = arith.addf %add3A_553, %mul3A_579 : vector<32xbf16>
      %mul3A_581 = arith.mulf %bitcast3A_568, %bitcast3A_578 : vector<32xbf16>
      %add3A_582 = arith.addf %add3A_555, %mul3A_581 : vector<32xbf16>
      %lt3A_583 = arith.constant 0 : i32
      %lt3A_584 = vector.broadcast %lt3A_583 : i32 to vector<16xi32>
      %lt3A_585 = arith.cmpi slt, %broadcast_in_dim3A_557, %lt3A_584 : vector<16xi32>
      %add3A_586 = arith.constant 16 : i32
      %add3A_587 = vector.broadcast %add3A_586 : i32 to vector<16xi32>
      %add3A_588 = arith.addi %broadcast_in_dim3A_557, %add3A_587 : vector<16xi32>
      %select_n3A_589 = arith.select %lt3A_585, %add3A_588, %broadcast_in_dim3A_557 : vector<16xi1>, vector<16xi32>
      %broadcast_in_dim3A_590 = vector.shape_cast %select_n3A_589 : vector<16xi32> to vector<16x1xi32>
      %gather3A_591 = vector.shape_cast %broadcast_in_dim3A_590 : vector<16x1xi32> to vector<16xi32>
      %gather3A_592 = tpu.dynamic_gather %bitcast3A_204[%gather3A_591] in [0] : vector<16xi32>, vector<16xi32> -> vector<16xi32>
      %bitcast3A_593 = vector.bitcast %gather3A_592 : vector<16xi32> to vector<32xbf16>
      %get3A_594 = arith.constant 19 : i32
      %get3A_595 = arith.index_cast %get3A_594 : i32 to index
      %get3A_596 = arith.constant 0 : index
      %get3A_597 = tpu.vector_load %arg10[%get3A_595, %get3A_596] {strides = array<i32>} : memref<64x32xi32, #tpu.memory_space<vmem>>, vector<16xi32>,
      %bitcast3A_598 = vector.bitcast %get3A_597 : vector<16xi32> to vector<32xbf16>
      %get3A_599 = arith.constant 19 : i32
      %get3A_600 = arith.index_cast %get3A_599 : i32 to index
      %get3A_601 = arith.constant 16 : index
      %get3A_602 = tpu.vector_load %arg10[%get3A_600, %get3A_601] {strides = array<i32>} : memref<64x32xi32, #tpu.memory_space<vmem>>, vector<16xi32>,
      %bitcast3A_603 = vector.bitcast %get3A_602 : vector<16xi32> to vector<32xbf16>
      %mul3A_604 = arith.mulf %bitcast3A_593, %bitcast3A_598 : vector<32xbf16>
      %add3A_605 = arith.addf %add3A_580, %mul3A_604 : vector<32xbf16>
      %mul3A_606 = arith.mulf %bitcast3A_593, %bitcast3A_603 : vector<32xbf16>
      %add3A_607 = arith.addf %add3A_582, %mul3A_606 : vector<32xbf16>
      %lt3A_608 = arith.constant 0 : i32
      %lt3A_609 = vector.broadcast %lt3A_608 : i32 to vector<16xi32>
      %lt3A_610 = arith.cmpi slt, %broadcast_in_dim3A_557, %lt3A_609 : vector<16xi32>
      %add3A_611 = arith.constant 16 : i32
      %add3A_612 = vector.broadcast %add3A_611 : i32 to vector<16xi32>
      %add3A_613 = arith.addi %broadcast_in_dim3A_557, %add3A_612 : vector<16xi32>
      %select_n3A_614 = arith.select %lt3A_610, %add3A_613, %broadcast_in_dim3A_557 : vector<16xi1>, vector<16xi32>
      %broadcast_in_dim3A_615 = vector.shape_cast %select_n3A_614 : vector<16xi32> to vector<16x1xi32>
      %gather3A_616 = vector.shape_cast %broadcast_in_dim3A_615 : vector<16x1xi32> to vector<16xi32>
      %gather3A_617 = tpu.dynamic_gather %bitcast3A_206[%gather3A_616] in [0] : vector<16xi32>, vector<16xi32> -> vector<16xi32>
      %bitcast3A_618 = vector.bitcast %gather3A_617 : vector<16xi32> to vector<32xbf16>
      %get3A_619 = arith.constant 35 : i32
      %get3A_620 = arith.index_cast %get3A_619 : i32 to index
      %get3A_621 = arith.constant 0 : index
      %get3A_622 = tpu.vector_load %arg10[%get3A_620, %get3A_621] {strides = array<i32>} : memref<64x32xi32, #tpu.memory_space<vmem>>, vector<16xi32>,
      %bitcast3A_623 = vector.bitcast %get3A_622 : vector<16xi32> to vector<32xbf16>
      %get3A_624 = arith.constant 35 : i32
      %get3A_625 = arith.index_cast %get3A_624 : i32 to index
      %get3A_626 = arith.constant 16 : index
      %get3A_627 = tpu.vector_load %arg10[%get3A_625, %get3A_626] {strides = array<i32>} : memref<64x32xi32, #tpu.memory_space<vmem>>, vector<16xi32>,
      %bitcast3A_628 = vector.bitcast %get3A_627 : vector<16xi32> to vector<32xbf16>
      %mul3A_629 = arith.mulf %bitcast3A_618, %bitcast3A_623 : vector<32xbf16>
      %add3A_630 = arith.addf %add3A_605, %mul3A_629 : vector<32xbf16>
      %mul3A_631 = arith.mulf %bitcast3A_618, %bitcast3A_628 : vector<32xbf16>
      %add3A_632 = arith.addf %add3A_607, %mul3A_631 : vector<32xbf16>
      %lt3A_633 = arith.constant 0 : i32
      %lt3A_634 = vector.broadcast %lt3A_633 : i32 to vector<16xi32>
      %lt3A_635 = arith.cmpi slt, %broadcast_in_dim3A_557, %lt3A_634 : vector<16xi32>
      %add3A_636 = arith.constant 16 : i32
      %add3A_637 = vector.broadcast %add3A_636 : i32 to vector<16xi32>
      %add3A_638 = arith.addi %broadcast_in_dim3A_557, %add3A_637 : vector<16xi32>
      %select_n3A_639 = arith.select %lt3A_635, %add3A_638, %broadcast_in_dim3A_557 : vector<16xi1>, vector<16xi32>
      %broadcast_in_dim3A_640 = vector.shape_cast %select_n3A_639 : vector<16xi32> to vector<16x1xi32>
      %gather3A_641 = vector.shape_cast %broadcast_in_dim3A_640 : vector<16x1xi32> to vector<16xi32>
      %gather3A_642 = tpu.dynamic_gather %bitcast3A_208[%gather3A_641] in [0] : vector<16xi32>, vector<16xi32> -> vector<16xi32>
      %bitcast3A_643 = vector.bitcast %gather3A_642 : vector<16xi32> to vector<32xbf16>
      %get3A_644 = arith.constant 51 : i32
      %get3A_645 = arith.index_cast %get3A_644 : i32 to index
      %get3A_646 = arith.constant 0 : index
      %get3A_647 = tpu.vector_load %arg10[%get3A_645, %get3A_646] {strides = array<i32>} : memref<64x32xi32, #tpu.memory_space<vmem>>, vector<16xi32>,
      %bitcast3A_648 = vector.bitcast %get3A_647 : vector<16xi32> to vector<32xbf16>
      %get3A_649 = arith.constant 51 : i32
      %get3A_650 = arith.index_cast %get3A_649 : i32 to index
      %get3A_651 = arith.constant 16 : index
      %get3A_652 = tpu.vector_load %arg10[%get3A_650, %get3A_651] {strides = array<i32>} : memref<64x32xi32, #tpu.memory_space<vmem>>, vector<16xi32>,
      %bitcast3A_653 = vector.bitcast %get3A_652 : vector<16xi32> to vector<32xbf16>
      %mul3A_654 = arith.mulf %bitcast3A_643, %bitcast3A_648 : vector<32xbf16>
      %add3A_655 = arith.addf %add3A_630, %mul3A_654 : vector<32xbf16>
      %mul3A_656 = arith.mulf %bitcast3A_643, %bitcast3A_653 : vector<32xbf16>
      %add3A_657 = arith.addf %add3A_632, %mul3A_656 : vector<32xbf16>
      %broadcast_in_dim3A_658 = arith.constant 4 : i32
      %broadcast_in_dim3A_659 = vector.broadcast %broadcast_in_dim3A_658 : i32 to vector<16xi32>
      %lt3A_660 = arith.constant 0 : i32
      %lt3A_661 = vector.broadcast %lt3A_660 : i32 to vector<16xi32>
      %lt3A_662 = arith.cmpi slt, %broadcast_in_dim3A_659, %lt3A_661 : vector<16xi32>
      %add3A_663 = arith.constant 16 : i32
      %add3A_664 = vector.broadcast %add3A_663 : i32 to vector<16xi32>
      %add3A_665 = arith.addi %broadcast_in_dim3A_659, %add3A_664 : vector<16xi32>
      %select_n3A_666 = arith.select %lt3A_662, %add3A_665, %broadcast_in_dim3A_659 : vector<16xi1>, vector<16xi32>
      %broadcast_in_dim3A_667 = vector.shape_cast %select_n3A_666 : vector<16xi32> to vector<16x1xi32>
      %gather3A_668 = vector.shape_cast %broadcast_in_dim3A_667 : vector<16x1xi32> to vector<16xi32>
      %gather3A_669 = tpu.dynamic_gather %bitcast3A_202[%gather3A_668] in [0] : vector<16xi32>, vector<16xi32> -> vector<16xi32>
      %bitcast3A_670 = vector.bitcast %gather3A_669 : vector<16xi32> to vector<32xbf16>
      %get3A_671 = arith.constant 4 : i32
      %get3A_672 = arith.index_cast %get3A_671 : i32 to index
      %get3A_673 = arith.constant 0 : index
      %get3A_674 = tpu.vector_load %arg10[%get3A_672, %get3A_673] {strides = array<i32>} : memref<64x32xi32, #tpu.memory_space<vmem>>, vector<16xi32>,
      %bitcast3A_675 = vector.bitcast %get3A_674 : vector<16xi32> to vector<32xbf16>
      %get3A_676 = arith.constant 4 : i32
      %get3A_677 = arith.index_cast %get3A_676 : i32 to index
      %get3A_678 = arith.constant 16 : index
      %get3A_679 = tpu.vector_load %arg10[%get3A_677, %get3A_678] {strides = array<i32>} : memref<64x32xi32, #tpu.memory_space<vmem>>, vector<16xi32>,
      %bitcast3A_680 = vector.bitcast %get3A_679 : vector<16xi32> to vector<32xbf16>
      %mul3A_681 = arith.mulf %bitcast3A_670, %bitcast3A_675 : vector<32xbf16>
      %add3A_682 = arith.addf %add3A_655, %mul3A_681 : vector<32xbf16>
      %mul3A_683 = arith.mulf %bitcast3A_670, %bitcast3A_680 : vector<32xbf16>
      %add3A_684 = arith.addf %add3A_657, %mul3A_683 : vector<32xbf16>
      %lt3A_685 = arith.constant 0 : i32
      %lt3A_686 = vector.broadcast %lt3A_685 : i32 to vector<16xi32>
      %lt3A_687 = arith.cmpi slt, %broadcast_in_dim3A_659, %lt3A_686 : vector<16xi32>
      %add3A_688 = arith.constant 16 : i32
      %add3A_689 = vector.broadcast %add3A_688 : i32 to vector<16xi32>
      %add3A_690 = arith.addi %broadcast_in_dim3A_659, %add3A_689 : vector<16xi32>
      %select_n3A_691 = arith.select %lt3A_687, %add3A_690, %broadcast_in_dim3A_659 : vector<16xi1>, vector<16xi32>
      %broadcast_in_dim3A_692 = vector.shape_cast %select_n3A_691 : vector<16xi32> to vector<16x1xi32>
      %gather3A_693 = vector.shape_cast %broadcast_in_dim3A_692 : vector<16x1xi32> to vector<16xi32>
      %gather3A_694 = tpu.dynamic_gather %bitcast3A_204[%gather3A_693] in [0] : vector<16xi32>, vector<16xi32> -> vector<16xi32>
      %bitcast3A_695 = vector.bitcast %gather3A_694 : vector<16xi32> to vector<32xbf16>
      %get3A_696 = arith.constant 20 : i32
      %get3A_697 = arith.index_cast %get3A_696 : i32 to index
      %get3A_698 = arith.constant 0 : index
      %get3A_699 = tpu.vector_load %arg10[%get3A_697, %get3A_698] {strides = array<i32>} : memref<64x32xi32, #tpu.memory_space<vmem>>, vector<16xi32>,
      %bitcast3A_700 = vector.bitcast %get3A_699 : vector<16xi32> to vector<32xbf16>
      %get3A_701 = arith.constant 20 : i32
      %get3A_702 = arith.index_cast %get3A_701 : i32 to index
      %get3A_703 = arith.constant 16 : index
      %get3A_704 = tpu.vector_load %arg10[%get3A_702, %get3A_703] {strides = array<i32>} : memref<64x32xi32, #tpu.memory_space<vmem>>, vector<16xi32>,
      %bitcast3A_705 = vector.bitcast %get3A_704 : vector<16xi32> to vector<32xbf16>
      %mul3A_706 = arith.mulf %bitcast3A_695, %bitcast3A_700 : vector<32xbf16>
      %add3A_707 = arith.addf %add3A_682, %mul3A_706 : vector<32xbf16>
      %mul3A_708 = arith.mulf %bitcast3A_695, %bitcast3A_705 : vector<32xbf16>
      %add3A_709 = arith.addf %add3A_684, %mul3A_708 : vector<32xbf16>
      %lt3A_710 = arith.constant 0 : i32
      %lt3A_711 = vector.broadcast %lt3A_710 : i32 to vector<16xi32>
      %lt3A_712 = arith.cmpi slt, %broadcast_in_dim3A_659, %lt3A_711 : vector<16xi32>
      %add3A_713 = arith.constant 16 : i32
      %add3A_714 = vector.broadcast %add3A_713 : i32 to vector<16xi32>
      %add3A_715 = arith.addi %broadcast_in_dim3A_659, %add3A_714 : vector<16xi32>
      %select_n3A_716 = arith.select %lt3A_712, %add3A_715, %broadcast_in_dim3A_659 : vector<16xi1>, vector<16xi32>
      %broadcast_in_dim3A_717 = vector.shape_cast %select_n3A_716 : vector<16xi32> to vector<16x1xi32>
      %gather3A_718 = vector.shape_cast %broadcast_in_dim3A_717 : vector<16x1xi32> to vector<16xi32>
      %gather3A_719 = tpu.dynamic_gather %bitcast3A_206[%gather3A_718] in [0] : vector<16xi32>, vector<16xi32> -> vector<16xi32>
      %bitcast3A_720 = vector.bitcast %gather3A_719 : vector<16xi32> to vector<32xbf16>
      %get3A_721 = arith.constant 36 : i32
      %get3A_722 = arith.index_cast %get3A_721 : i32 to index
      %get3A_723 = arith.constant 0 : index
      %get3A_724 = tpu.vector_load %arg10[%get3A_722, %get3A_723] {strides = array<i32>} : memref<64x32xi32, #tpu.memory_space<vmem>>, vector<16xi32>,
      %bitcast3A_725 = vector.bitcast %get3A_724 : vector<16xi32> to vector<32xbf16>
      %get3A_726 = arith.constant 36 : i32
      %get3A_727 = arith.index_cast %get3A_726 : i32 to index
      %get3A_728 = arith.constant 16 : index
      %get3A_729 = tpu.vector_load %arg10[%get3A_727, %get3A_728] {strides = array<i32>} : memref<64x32xi32, #tpu.memory_space<vmem>>, vector<16xi32>,
      %bitcast3A_730 = vector.bitcast %get3A_729 : vector<16xi32> to vector<32xbf16>
      %mul3A_731 = arith.mulf %bitcast3A_720, %bitcast3A_725 : vector<32xbf16>
      %add3A_732 = arith.addf %add3A_707, %mul3A_731 : vector<32xbf16>
      %mul3A_733 = arith.mulf %bitcast3A_720, %bitcast3A_730 : vector<32xbf16>
      %add3A_734 = arith.addf %add3A_709, %mul3A_733 : vector<32xbf16>
      %lt3A_735 = arith.constant 0 : i32
      %lt3A_736 = vector.broadcast %lt3A_735 : i32 to vector<16xi32>
      %lt3A_737 = arith.cmpi slt, %broadcast_in_dim3A_659, %lt3A_736 : vector<16xi32>
      %add3A_738 = arith.constant 16 : i32
      %add3A_739 = vector.broadcast %add3A_738 : i32 to vector<16xi32>
      %add3A_740 = arith.addi %broadcast_in_dim3A_659, %add3A_739 : vector<16xi32>
      %select_n3A_741 = arith.select %lt3A_737, %add3A_740, %broadcast_in_dim3A_659 : vector<16xi1>, vector<16xi32>
      %broadcast_in_dim3A_742 = vector.shape_cast %select_n3A_741 : vector<16xi32> to vector<16x1xi32>
      %gather3A_743 = vector.shape_cast %broadcast_in_dim3A_742 : vector<16x1xi32> to vector<16xi32>
      %gather3A_744 = tpu.dynamic_gather %bitcast3A_208[%gather3A_743] in [0] : vector<16xi32>, vector<16xi32> -> vector<16xi32>
      %bitcast3A_745 = vector.bitcast %gather3A_744 : vector<16xi32> to vector<32xbf16>
      %get3A_746 = arith.constant 52 : i32
      %get3A_747 = arith.index_cast %get3A_746 : i32 to index
      %get3A_748 = arith.constant 0 : index
      %get3A_749 = tpu.vector_load %arg10[%get3A_747, %get3A_748] {strides = array<i32>} : memref<64x32xi32, #tpu.memory_space<vmem>>, vector<16xi32>,
      %bitcast3A_750 = vector.bitcast %get3A_749 : vector<16xi32> to vector<32xbf16>
      %get3A_751 = arith.constant 52 : i32
      %get3A_752 = arith.index_cast %get3A_751 : i32 to index
      %get3A_753 = arith.constant 16 : index
      %get3A_754 = tpu.vector_load %arg10[%get3A_752, %get3A_753] {strides = array<i32>} : memref<64x32xi32, #tpu.memory_space<vmem>>, vector<16xi32>,
      %bitcast3A_755 = vector.bitcast %get3A_754 : vector<16xi32> to vector<32xbf16>
      %mul3A_756 = arith.mulf %bitcast3A_745, %bitcast3A_750 : vector<32xbf16>
      %add3A_757 = arith.addf %add3A_732, %mul3A_756 : vector<32xbf16>
      %mul3A_758 = arith.mulf %bitcast3A_745, %bitcast3A_755 : vector<32xbf16>
      %add3A_759 = arith.addf %add3A_734, %mul3A_758 : vector<32xbf16>
      %broadcast_in_dim3A_760 = arith.constant 5 : i32
      %broadcast_in_dim3A_761 = vector.broadcast %broadcast_in_dim3A_760 : i32 to vector<16xi32>
      %lt3A_762 = arith.constant 0 : i32
      %lt3A_763 = vector.broadcast %lt3A_762 : i32 to vector<16xi32>
      %lt3A_764 = arith.cmpi slt, %broadcast_in_dim3A_761, %lt3A_763 : vector<16xi32>
      %add3A_765 = arith.constant 16 : i32
      %add3A_766 = vector.broadcast %add3A_765 : i32 to vector<16xi32>
      %add3A_767 = arith.addi %broadcast_in_dim3A_761, %add3A_766 : vector<16xi32>
      %select_n3A_768 = arith.select %lt3A_764, %add3A_767, %broadcast_in_dim3A_761 : vector<16xi1>, vector<16xi32>
      %broadcast_in_dim3A_769 = vector.shape_cast %select_n3A_768 : vector<16xi32> to vector<16x1xi32>
      %gather3A_770 = vector.shape_cast %broadcast_in_dim3A_769 : vector<16x1xi32> to vector<16xi32>
      %gather3A_771 = tpu.dynamic_gather %bitcast3A_202[%gather3A_770] in [0] : vector<16xi32>, vector<16xi32> -> vector<16xi32>
      %bitcast3A_772 = vector.bitcast %gather3A_771 : vector<16xi32> to vector<32xbf16>
      %get3A_773 = arith.constant 5 : i32
      %get3A_774 = arith.index_cast %get3A_773 : i32 to index
      %get3A_775 = arith.constant 0 : index
      %get3A_776 = tpu.vector_load %arg10[%get3A_774, %get3A_775] {strides = array<i32>} : memref<64x32xi32, #tpu.memory_space<vmem>>, vector<16xi32>,
      %bitcast3A_777 = vector.bitcast %get3A_776 : vector<16xi32> to vector<32xbf16>
      %get3A_778 = arith.constant 5 : i32
      %get3A_779 = arith.index_cast %get3A_778 : i32 to index
      %get3A_780 = arith.constant 16 : index
      %get3A_781 = tpu.vector_load %arg10[%get3A_779, %get3A_780] {strides = array<i32>} : memref<64x32xi32, #tpu.memory_space<vmem>>, vector<16xi32>,
      %bitcast3A_782 = vector.bitcast %get3A_781 : vector<16xi32> to vector<32xbf16>
      %mul3A_783 = arith.mulf %bitcast3A_772, %bitcast3A_777 : vector<32xbf16>
      %add3A_784 = arith.addf %add3A_757, %mul3A_783 : vector<32xbf16>
      %mul3A_785 = arith.mulf %bitcast3A_772, %bitcast3A_782 : vector<32xbf16>
      %add3A_786 = arith.addf %add3A_759, %mul3A_785 : vector<32xbf16>
      %lt3A_787 = arith.constant 0 : i32
      %lt3A_788 = vector.broadcast %lt3A_787 : i32 to vector<16xi32>
      %lt3A_789 = arith.cmpi slt, %broadcast_in_dim3A_761, %lt3A_788 : vector<16xi32>
      %add3A_790 = arith.constant 16 : i32
      %add3A_791 = vector.broadcast %add3A_790 : i32 to vector<16xi32>
      %add3A_792 = arith.addi %broadcast_in_dim3A_761, %add3A_791 : vector<16xi32>
      %select_n3A_793 = arith.select %lt3A_789, %add3A_792, %broadcast_in_dim3A_761 : vector<16xi1>, vector<16xi32>
      %broadcast_in_dim3A_794 = vector.shape_cast %select_n3A_793 : vector<16xi32> to vector<16x1xi32>
      %gather3A_795 = vector.shape_cast %broadcast_in_dim3A_794 : vector<16x1xi32> to vector<16xi32>
      %gather3A_796 = tpu.dynamic_gather %bitcast3A_204[%gather3A_795] in [0] : vector<16xi32>, vector<16xi32> -> vector<16xi32>
      %bitcast3A_797 = vector.bitcast %gather3A_796 : vector<16xi32> to vector<32xbf16>
      %get3A_798 = arith.constant 21 : i32
      %get3A_799 = arith.index_cast %get3A_798 : i32 to index
      %get3A_800 = arith.constant 0 : index
      %get3A_801 = tpu.vector_load %arg10[%get3A_799, %get3A_800] {strides = array<i32>} : memref<64x32xi32, #tpu.memory_space<vmem>>, vector<16xi32>,
      %bitcast3A_802 = vector.bitcast %get3A_801 : vector<16xi32> to vector<32xbf16>
      %get3A_803 = arith.constant 21 : i32
      %get3A_804 = arith.index_cast %get3A_803 : i32 to index
      %get3A_805 = arith.constant 16 : index
      %get3A_806 = tpu.vector_load %arg10[%get3A_804, %get3A_805] {strides = array<i32>} : memref<64x32xi32, #tpu.memory_space<vmem>>, vector<16xi32>,
      %bitcast3A_807 = vector.bitcast %get3A_806 : vector<16xi32> to vector<32xbf16>
      %mul3A_808 = arith.mulf %bitcast3A_797, %bitcast3A_802 : vector<32xbf16>
      %add3A_809 = arith.addf %add3A_784, %mul3A_808 : vector<32xbf16>
      %mul3A_810 = arith.mulf %bitcast3A_797, %bitcast3A_807 : vector<32xbf16>
      %add3A_811 = arith.addf %add3A_786, %mul3A_810 : vector<32xbf16>
      %lt3A_812 = arith.constant 0 : i32
      %lt3A_813 = vector.broadcast %lt3A_812 : i32 to vector<16xi32>
      %lt3A_814 = arith.cmpi slt, %broadcast_in_dim3A_761, %lt3A_813 : vector<16xi32>
      %add3A_815 = arith.constant 16 : i32
      %add3A_816 = vector.broadcast %add3A_815 : i32 to vector<16xi32>
      %add3A_817 = arith.addi %broadcast_in_dim3A_761, %add3A_816 : vector<16xi32>
      %select_n3A_818 = arith.select %lt3A_814, %add3A_817, %broadcast_in_dim3A_761 : vector<16xi1>, vector<16xi32>
      %broadcast_in_dim3A_819 = vector.shape_cast %select_n3A_818 : vector<16xi32> to vector<16x1xi32>
      %gather3A_820 = vector.shape_cast %broadcast_in_dim3A_819 : vector<16x1xi32> to vector<16xi32>
      %gather3A_821 = tpu.dynamic_gather %bitcast3A_206[%gather3A_820] in [0] : vector<16xi32>, vector<16xi32> -> vector<16xi32>
      %bitcast3A_822 = vector.bitcast %gather3A_821 : vector<16xi32> to vector<32xbf16>
      %get3A_823 = arith.constant 37 : i32
      %get3A_824 = arith.index_cast %get3A_823 : i32 to index
      %get3A_825 = arith.constant 0 : index
      %get3A_826 = tpu.vector_load %arg10[%get3A_824, %get3A_825] {strides = array<i32>} : memref<64x32xi32, #tpu.memory_space<vmem>>, vector<16xi32>,
      %bitcast3A_827 = vector.bitcast %get3A_826 : vector<16xi32> to vector<32xbf16>
      %get3A_828 = arith.constant 37 : i32
      %get3A_829 = arith.index_cast %get3A_828 : i32 to index
      %get3A_830 = arith.constant 16 : index
      %get3A_831 = tpu.vector_load %arg10[%get3A_829, %get3A_830] {strides = array<i32>} : memref<64x32xi32, #tpu.memory_space<vmem>>, vector<16xi32>,
      %bitcast3A_832 = vector.bitcast %get3A_831 : vector<16xi32> to vector<32xbf16>
      %mul3A_833 = arith.mulf %bitcast3A_822, %bitcast3A_827 : vector<32xbf16>
      %add3A_834 = arith.addf %add3A_809, %mul3A_833 : vector<32xbf16>
      %mul3A_835 = arith.mulf %bitcast3A_822, %bitcast3A_832 : vector<32xbf16>
      %add3A_836 = arith.addf %add3A_811, %mul3A_835 : vector<32xbf16>
      %lt3A_837 = arith.constant 0 : i32
      %lt3A_838 = vector.broadcast %lt3A_837 : i32 to vector<16xi32>
      %lt3A_839 = arith.cmpi slt, %broadcast_in_dim3A_761, %lt3A_838 : vector<16xi32>
      %add3A_840 = arith.constant 16 : i32
      %add3A_841 = vector.broadcast %add3A_840 : i32 to vector<16xi32>
      %add3A_842 = arith.addi %broadcast_in_dim3A_761, %add3A_841 : vector<16xi32>
      %select_n3A_843 = arith.select %lt3A_839, %add3A_842, %broadcast_in_dim3A_761 : vector<16xi1>, vector<16xi32>
      %broadcast_in_dim3A_844 = vector.shape_cast %select_n3A_843 : vector<16xi32> to vector<16x1xi32>
      %gather3A_845 = vector.shape_cast %broadcast_in_dim3A_844 : vector<16x1xi32> to vector<16xi32>
      %gather3A_846 = tpu.dynamic_gather %bitcast3A_208[%gather3A_845] in [0] : vector<16xi32>, vector<16xi32> -> vector<16xi32>
      %bitcast3A_847 = vector.bitcast %gather3A_846 : vector<16xi32> to vector<32xbf16>
      %get3A_848 = arith.constant 53 : i32
      %get3A_849 = arith.index_cast %get3A_848 : i32 to index
      %get3A_850 = arith.constant 0 : index
      %get3A_851 = tpu.vector_load %arg10[%get3A_849, %get3A_850] {strides = array<i32>} : memref<64x32xi32, #tpu.memory_space<vmem>>, vector<16xi32>,
      %bitcast3A_852 = vector.bitcast %get3A_851 : vector<16xi32> to vector<32xbf16>
      %get3A_853 = arith.constant 53 : i32
      %get3A_854 = arith.index_cast %get3A_853 : i32 to index
      %get3A_855 = arith.constant 16 : index
      %get3A_856 = tpu.vector_load %arg10[%get3A_854, %get3A_855] {strides = array<i32>} : memref<64x32xi32, #tpu.memory_space<vmem>>, vector<16xi32>,
      %bitcast3A_857 = vector.bitcast %get3A_856 : vector<16xi32> to vector<32xbf16>
      %mul3A_858 = arith.mulf %bitcast3A_847, %bitcast3A_852 : vector<32xbf16>
      %add3A_859 = arith.addf %add3A_834, %mul3A_858 : vector<32xbf16>
      %mul3A_860 = arith.mulf %bitcast3A_847, %bitcast3A_857 : vector<32xbf16>
      %add3A_861 = arith.addf %add3A_836, %mul3A_860 : vector<32xbf16>
      %broadcast_in_dim3A_862 = arith.constant 6 : i32
      %broadcast_in_dim3A_863 = vector.broadcast %broadcast_in_dim3A_862 : i32 to vector<16xi32>
      %lt3A_864 = arith.constant 0 : i32
      %lt3A_865 = vector.broadcast %lt3A_864 : i32 to vector<16xi32>
      %lt3A_866 = arith.cmpi slt, %broadcast_in_dim3A_863, %lt3A_865 : vector<16xi32>
      %add3A_867 = arith.constant 16 : i32
      %add3A_868 = vector.broadcast %add3A_867 : i32 to vector<16xi32>
      %add3A_869 = arith.addi %broadcast_in_dim3A_863, %add3A_868 : vector<16xi32>
      %select_n3A_870 = arith.select %lt3A_866, %add3A_869, %broadcast_in_dim3A_863 : vector<16xi1>, vector<16xi32>
      %broadcast_in_dim3A_871 = vector.shape_cast %select_n3A_870 : vector<16xi32> to vector<16x1xi32>
      %gather3A_872 = vector.shape_cast %broadcast_in_dim3A_871 : vector<16x1xi32> to vector<16xi32>
      %gather3A_873 = tpu.dynamic_gather %bitcast3A_202[%gather3A_872] in [0] : vector<16xi32>, vector<16xi32> -> vector<16xi32>
      %bitcast3A_874 = vector.bitcast %gather3A_873 : vector<16xi32> to vector<32xbf16>
      %get3A_875 = arith.constant 6 : i32
      %get3A_876 = arith.index_cast %get3A_875 : i32 to index
      %get3A_877 = arith.constant 0 : index
      %get3A_878 = tpu.vector_load %arg10[%get3A_876, %get3A_877] {strides = array<i32>} : memref<64x32xi32, #tpu.memory_space<vmem>>, vector<16xi32>,
      %bitcast3A_879 = vector.bitcast %get3A_878 : vector<16xi32> to vector<32xbf16>
      %get3A_880 = arith.constant 6 : i32
      %get3A_881 = arith.index_cast %get3A_880 : i32 to index
      %get3A_882 = arith.constant 16 : index
      %get3A_883 = tpu.vector_load %arg10[%get3A_881, %get3A_882] {strides = array<i32>} : memref<64x32xi32, #tpu.memory_space<vmem>>, vector<16xi32>,
      %bitcast3A_884 = vector.bitcast %get3A_883 : vector<16xi32> to vector<32xbf16>
      %mul3A_885 = arith.mulf %bitcast3A_874, %bitcast3A_879 : vector<32xbf16>
      %add3A_886 = arith.addf %add3A_859, %mul3A_885 : vector<32xbf16>
      %mul3A_887 = arith.mulf %bitcast3A_874, %bitcast3A_884 : vector<32xbf16>
      %add3A_888 = arith.addf %add3A_861, %mul3A_887 : vector<32xbf16>
      %lt3A_889 = arith.constant 0 : i32
      %lt3A_890 = vector.broadcast %lt3A_889 : i32 to vector<16xi32>
      %lt3A_891 = arith.cmpi slt, %broadcast_in_dim3A_863, %lt3A_890 : vector<16xi32>
      %add3A_892 = arith.constant 16 : i32
      %add3A_893 = vector.broadcast %add3A_892 : i32 to vector<16xi32>
      %add3A_894 = arith.addi %broadcast_in_dim3A_863, %add3A_893 : vector<16xi32>
      %select_n3A_895 = arith.select %lt3A_891, %add3A_894, %broadcast_in_dim3A_863 : vector<16xi1>, vector<16xi32>
      %broadcast_in_dim3A_896 = vector.shape_cast %select_n3A_895 : vector<16xi32> to vector<16x1xi32>
      %gather3A_897 = vector.shape_cast %broadcast_in_dim3A_896 : vector<16x1xi32> to vector<16xi32>
      %gather3A_898 = tpu.dynamic_gather %bitcast3A_204[%gather3A_897] in [0] : vector<16xi32>, vector<16xi32> -> vector<16xi32>
      %bitcast3A_899 = vector.bitcast %gather3A_898 : vector<16xi32> to vector<32xbf16>
      %get3A_900 = arith.constant 22 : i32
      %get3A_901 = arith.index_cast %get3A_900 : i32 to index
      %get3A_902 = arith.constant 0 : index
      %get3A_903 = tpu.vector_load %arg10[%get3A_901, %get3A_902] {strides = array<i32>} : memref<64x32xi32, #tpu.memory_space<vmem>>, vector<16xi32>,
      %bitcast3A_904 = vector.bitcast %get3A_903 : vector<16xi32> to vector<32xbf16>
      %get3A_905 = arith.constant 22 : i32
      %get3A_906 = arith.index_cast %get3A_905 : i32 to index
      %get3A_907 = arith.constant 16 : index
      %get3A_908 = tpu.vector_load %arg10[%get3A_906, %get3A_907] {strides = array<i32>} : memref<64x32xi32, #tpu.memory_space<vmem>>, vector<16xi32>,
      %bitcast3A_909 = vector.bitcast %get3A_908 : vector<16xi32> to vector<32xbf16>
      %mul3A_910 = arith.mulf %bitcast3A_899, %bitcast3A_904 : vector<32xbf16>
      %add3A_911 = arith.addf %add3A_886, %mul3A_910 : vector<32xbf16>
      %mul3A_912 = arith.mulf %bitcast3A_899, %bitcast3A_909 : vector<32xbf16>
      %add3A_913 = arith.addf %add3A_888, %mul3A_912 : vector<32xbf16>
      %lt3A_914 = arith.constant 0 : i32
      %lt3A_915 = vector.broadcast %lt3A_914 : i32 to vector<16xi32>
      %lt3A_916 = arith.cmpi slt, %broadcast_in_dim3A_863, %lt3A_915 : vector<16xi32>
      %add3A_917 = arith.constant 16 : i32
      %add3A_918 = vector.broadcast %add3A_917 : i32 to vector<16xi32>
      %add3A_919 = arith.addi %broadcast_in_dim3A_863, %add3A_918 : vector<16xi32>
      %select_n3A_920 = arith.select %lt3A_916, %add3A_919, %broadcast_in_dim3A_863 : vector<16xi1>, vector<16xi32>
      %broadcast_in_dim3A_921 = vector.shape_cast %select_n3A_920 : vector<16xi32> to vector<16x1xi32>
      %gather3A_922 = vector.shape_cast %broadcast_in_dim3A_921 : vector<16x1xi32> to vector<16xi32>
      %gather3A_923 = tpu.dynamic_gather %bitcast3A_206[%gather3A_922] in [0] : vector<16xi32>, vector<16xi32> -> vector<16xi32>
      %bitcast3A_924 = vector.bitcast %gather3A_923 : vector<16xi32> to vector<32xbf16>
      %get3A_925 = arith.constant 38 : i32
      %get3A_926 = arith.index_cast %get3A_925 : i32 to index
      %get3A_927 = arith.constant 0 : index
      %get3A_928 = tpu.vector_load %arg10[%get3A_926, %get3A_927] {strides = array<i32>} : memref<64x32xi32, #tpu.memory_space<vmem>>, vector<16xi32>,
      %bitcast3A_929 = vector.bitcast %get3A_928 : vector<16xi32> to vector<32xbf16>
      %get3A_930 = arith.constant 38 : i32
      %get3A_931 = arith.index_cast %get3A_930 : i32 to index
      %get3A_932 = arith.constant 16 : index
      %get3A_933 = tpu.vector_load %arg10[%get3A_931, %get3A_932] {strides = array<i32>} : memref<64x32xi32, #tpu.memory_space<vmem>>, vector<16xi32>,
      %bitcast3A_934 = vector.bitcast %get3A_933 : vector<16xi32> to vector<32xbf16>
      %mul3A_935 = arith.mulf %bitcast3A_924, %bitcast3A_929 : vector<32xbf16>
      %add3A_936 = arith.addf %add3A_911, %mul3A_935 : vector<32xbf16>
      %mul3A_937 = arith.mulf %bitcast3A_924, %bitcast3A_934 : vector<32xbf16>
      %add3A_938 = arith.addf %add3A_913, %mul3A_937 : vector<32xbf16>
      %lt3A_939 = arith.constant 0 : i32
      %lt3A_940 = vector.broadcast %lt3A_939 : i32 to vector<16xi32>
      %lt3A_941 = arith.cmpi slt, %broadcast_in_dim3A_863, %lt3A_940 : vector<16xi32>
      %add3A_942 = arith.constant 16 : i32
      %add3A_943 = vector.broadcast %add3A_942 : i32 to vector<16xi32>
      %add3A_944 = arith.addi %broadcast_in_dim3A_863, %add3A_943 : vector<16xi32>
      %select_n3A_945 = arith.select %lt3A_941, %add3A_944, %broadcast_in_dim3A_863 : vector<16xi1>, vector<16xi32>
      %broadcast_in_dim3A_946 = vector.shape_cast %select_n3A_945 : vector<16xi32> to vector<16x1xi32>
      %gather3A_947 = vector.shape_cast %broadcast_in_dim3A_946 : vector<16x1xi32> to vector<16xi32>
      %gather3A_948 = tpu.dynamic_gather %bitcast3A_208[%gather3A_947] in [0] : vector<16xi32>, vector<16xi32> -> vector<16xi32>
      %bitcast3A_949 = vector.bitcast %gather3A_948 : vector<16xi32> to vector<32xbf16>
      %get3A_950 = arith.constant 54 : i32
      %get3A_951 = arith.index_cast %get3A_950 : i32 to index
      %get3A_952 = arith.constant 0 : index
      %get3A_953 = tpu.vector_load %arg10[%get3A_951, %get3A_952] {strides = array<i32>} : memref<64x32xi32, #tpu.memory_space<vmem>>, vector<16xi32>,
      %bitcast3A_954 = vector.bitcast %get3A_953 : vector<16xi32> to vector<32xbf16>
      %get3A_955 = arith.constant 54 : i32
      %get3A_956 = arith.index_cast %get3A_955 : i32 to index
      %get3A_957 = arith.constant 16 : index
      %get3A_958 = tpu.vector_load %arg10[%get3A_956, %get3A_957] {strides = array<i32>} : memref<64x32xi32, #tpu.memory_space<vmem>>, vector<16xi32>,
      %bitcast3A_959 = vector.bitcast %get3A_958 : vector<16xi32> to vector<32xbf16>
      %mul3A_960 = arith.mulf %bitcast3A_949, %bitcast3A_954 : vector<32xbf16>
      %add3A_961 = arith.addf %add3A_936, %mul3A_960 : vector<32xbf16>
      %mul3A_962 = arith.mulf %bitcast3A_949, %bitcast3A_959 : vector<32xbf16>
      %add3A_963 = arith.addf %add3A_938, %mul3A_962 : vector<32xbf16>
      %broadcast_in_dim3A_964 = arith.constant 7 : i32
      %broadcast_in_dim3A_965 = vector.broadcast %broadcast_in_dim3A_964 : i32 to vector<16xi32>
      %lt3A_966 = arith.constant 0 : i32
      %lt3A_967 = vector.broadcast %lt3A_966 : i32 to vector<16xi32>
      %lt3A_968 = arith.cmpi slt, %broadcast_in_dim3A_965, %lt3A_967 : vector<16xi32>
      %add3A_969 = arith.constant 16 : i32
      %add3A_970 = vector.broadcast %add3A_969 : i32 to vector<16xi32>
      %add3A_971 = arith.addi %broadcast_in_dim3A_965, %add3A_970 : vector<16xi32>
      %select_n3A_972 = arith.select %lt3A_968, %add3A_971, %broadcast_in_dim3A_965 : vector<16xi1>, vector<16xi32>
      %broadcast_in_dim3A_973 = vector.shape_cast %select_n3A_972 : vector<16xi32> to vector<16x1xi32>
      %gather3A_974 = vector.shape_cast %broadcast_in_dim3A_973 : vector<16x1xi32> to vector<16xi32>
      %gather3A_975 = tpu.dynamic_gather %bitcast3A_202[%gather3A_974] in [0] : vector<16xi32>, vector<16xi32> -> vector<16xi32>
      %bitcast3A_976 = vector.bitcast %gather3A_975 : vector<16xi32> to vector<32xbf16>
      %get3A_977 = arith.constant 7 : i32
      %get3A_978 = arith.index_cast %get3A_977 : i32 to index
      %get3A_979 = arith.constant 0 : index
      %get3A_980 = tpu.vector_load %arg10[%get3A_978, %get3A_979] {strides = array<i32>} : memref<64x32xi32, #tpu.memory_space<vmem>>, vector<16xi32>,
      %bitcast3A_981 = vector.bitcast %get3A_980 : vector<16xi32> to vector<32xbf16>
      %get3A_982 = arith.constant 7 : i32
      %get3A_983 = arith.index_cast %get3A_982 : i32 to index
      %get3A_984 = arith.constant 16 : index
      %get3A_985 = tpu.vector_load %arg10[%get3A_983, %get3A_984] {strides = array<i32>} : memref<64x32xi32, #tpu.memory_space<vmem>>, vector<16xi32>,
      %bitcast3A_986 = vector.bitcast %get3A_985 : vector<16xi32> to vector<32xbf16>
      %mul3A_987 = arith.mulf %bitcast3A_976, %bitcast3A_981 : vector<32xbf16>
      %add3A_988 = arith.addf %add3A_961, %mul3A_987 : vector<32xbf16>
      %mul3A_989 = arith.mulf %bitcast3A_976, %bitcast3A_986 : vector<32xbf16>
      %add3A_990 = arith.addf %add3A_963, %mul3A_989 : vector<32xbf16>
      %lt3A_991 = arith.constant 0 : i32
      %lt3A_992 = vector.broadcast %lt3A_991 : i32 to vector<16xi32>
      %lt3A_993 = arith.cmpi slt, %broadcast_in_dim3A_965, %lt3A_992 : vector<16xi32>
      %add3A_994 = arith.constant 16 : i32
      %add3A_995 = vector.broadcast %add3A_994 : i32 to vector<16xi32>
      %add3A_996 = arith.addi %broadcast_in_dim3A_965, %add3A_995 : vector<16xi32>
      %select_n3A_997 = arith.select %lt3A_993, %add3A_996, %broadcast_in_dim3A_965 : vector<16xi1>, vector<16xi32>
      %broadcast_in_dim3A_998 = vector.shape_cast %select_n3A_997 : vector<16xi32> to vector<16x1xi32>
      %gather3A_999 = vector.shape_cast %broadcast_in_dim3A_998 : vector<16x1xi32> to vector<16xi32>
      %gather3A_1000 = tpu.dynamic_gather %bitcast3A_204[%gather3A_999] in [0] : vector<16xi32>, vector<16xi32> -> vector<16xi32>
      %bitcast3A_1001 = vector.bitcast %gather3A_1000 : vector<16xi32> to vector<32xbf16>
      %get3A_1002 = arith.constant 23 : i32
      %get3A_1003 = arith.index_cast %get3A_1002 : i32 to index
      %get3A_1004 = arith.constant 0 : index
      %get3A_1005 = tpu.vector_load %arg10[%get3A_1003, %get3A_1004] {strides = array<i32>} : memref<64x32xi32, #tpu.memory_space<vmem>>, vector<16xi32>,
      %bitcast3A_1006 = vector.bitcast %get3A_1005 : vector<16xi32> to vector<32xbf16>
      %get3A_1007 = arith.constant 23 : i32
      %get3A_1008 = arith.index_cast %get3A_1007 : i32 to index
      %get3A_1009 = arith.constant 16 : index
      %get3A_1010 = tpu.vector_load %arg10[%get3A_1008, %get3A_1009] {strides = array<i32>} : memref<64x32xi32, #tpu.memory_space<vmem>>, vector<16xi32>,
      %bitcast3A_1011 = vector.bitcast %get3A_1010 : vector<16xi32> to vector<32xbf16>
      %mul3A_1012 = arith.mulf %bitcast3A_1001, %bitcast3A_1006 : vector<32xbf16>
      %add3A_1013 = arith.addf %add3A_988, %mul3A_1012 : vector<32xbf16>
      %mul3A_1014 = arith.mulf %bitcast3A_1001, %bitcast3A_1011 : vector<32xbf16>
      %add3A_1015 = arith.addf %add3A_990, %mul3A_1014 : vector<32xbf16>
      %lt3A_1016 = arith.constant 0 : i32
      %lt3A_1017 = vector.broadcast %lt3A_1016 : i32 to vector<16xi32>
      %lt3A_1018 = arith.cmpi slt, %broadcast_in_dim3A_965, %lt3A_1017 : vector<16xi32>
      %add3A_1019 = arith.constant 16 : i32
      %add3A_1020 = vector.broadcast %add3A_1019 : i32 to vector<16xi32>
      %add3A_1021 = arith.addi %broadcast_in_dim3A_965, %add3A_1020 : vector<16xi32>
      %select_n3A_1022 = arith.select %lt3A_1018, %add3A_1021, %broadcast_in_dim3A_965 : vector<16xi1>, vector<16xi32>
      %broadcast_in_dim3A_1023 = vector.shape_cast %select_n3A_1022 : vector<16xi32> to vector<16x1xi32>
      %gather3A_1024 = vector.shape_cast %broadcast_in_dim3A_1023 : vector<16x1xi32> to vector<16xi32>
      %gather3A_1025 = tpu.dynamic_gather %bitcast3A_206[%gather3A_1024] in [0] : vector<16xi32>, vector<16xi32> -> vector<16xi32>
      %bitcast3A_1026 = vector.bitcast %gather3A_1025 : vector<16xi32> to vector<32xbf16>
      %get3A_1027 = arith.constant 39 : i32
      %get3A_1028 = arith.index_cast %get3A_1027 : i32 to index
      %get3A_1029 = arith.constant 0 : index
      %get3A_1030 = tpu.vector_load %arg10[%get3A_1028, %get3A_1029] {strides = array<i32>} : memref<64x32xi32, #tpu.memory_space<vmem>>, vector<16xi32>,
      %bitcast3A_1031 = vector.bitcast %get3A_1030 : vector<16xi32> to vector<32xbf16>
      %get3A_1032 = arith.constant 39 : i32
      %get3A_1033 = arith.index_cast %get3A_1032 : i32 to index
      %get3A_1034 = arith.constant 16 : index
      %get3A_1035 = tpu.vector_load %arg10[%get3A_1033, %get3A_1034] {strides = array<i32>} : memref<64x32xi32, #tpu.memory_space<vmem>>, vector<16xi32>,
      %bitcast3A_1036 = vector.bitcast %get3A_1035 : vector<16xi32> to vector<32xbf16>
      %mul3A_1037 = arith.mulf %bitcast3A_1026, %bitcast3A_1031 : vector<32xbf16>
      %add3A_1038 = arith.addf %add3A_1013, %mul3A_1037 : vector<32xbf16>
      %mul3A_1039 = arith.mulf %bitcast3A_1026, %bitcast3A_1036 : vector<32xbf16>
      %add3A_1040 = arith.addf %add3A_1015, %mul3A_1039 : vector<32xbf16>
      %lt3A_1041 = arith.constant 0 : i32
      %lt3A_1042 = vector.broadcast %lt3A_1041 : i32 to vector<16xi32>
      %lt3A_1043 = arith.cmpi slt, %broadcast_in_dim3A_965, %lt3A_1042 : vector<16xi32>
      %add3A_1044 = arith.constant 16 : i32
      %add3A_1045 = vector.broadcast %add3A_1044 : i32 to vector<16xi32>
      %add3A_1046 = arith.addi %broadcast_in_dim3A_965, %add3A_1045 : vector<16xi32>
      %select_n3A_1047 = arith.select %lt3A_1043, %add3A_1046, %broadcast_in_dim3A_965 : vector<16xi1>, vector<16xi32>
      %broadcast_in_dim3A_1048 = vector.shape_cast %select_n3A_1047 : vector<16xi32> to vector<16x1xi32>
      %gather3A_1049 = vector.shape_cast %broadcast_in_dim3A_1048 : vector<16x1xi32> to vector<16xi32>
      %gather3A_1050 = tpu.dynamic_gather %bitcast3A_208[%gather3A_1049] in [0] : vector<16xi32>, vector<16xi32> -> vector<16xi32>
      %bitcast3A_1051 = vector.bitcast %gather3A_1050 : vector<16xi32> to vector<32xbf16>
      %get3A_1052 = arith.constant 55 : i32
      %get3A_1053 = arith.index_cast %get3A_1052 : i32 to index
      %get3A_1054 = arith.constant 0 : index
      %get3A_1055 = tpu.vector_load %arg10[%get3A_1053, %get3A_1054] {strides = array<i32>} : memref<64x32xi32, #tpu.memory_space<vmem>>, vector<16xi32>,
      %bitcast3A_1056 = vector.bitcast %get3A_1055 : vector<16xi32> to vector<32xbf16>
      %get3A_1057 = arith.constant 55 : i32
      %get3A_1058 = arith.index_cast %get3A_1057 : i32 to index
      %get3A_1059 = arith.constant 16 : index
      %get3A_1060 = tpu.vector_load %arg10[%get3A_1058, %get3A_1059] {strides = array<i32>} : memref<64x32xi32, #tpu.memory_space<vmem>>, vector<16xi32>,
      %bitcast3A_1061 = vector.bitcast %get3A_1060 : vector<16xi32> to vector<32xbf16>
      %mul3A_1062 = arith.mulf %bitcast3A_1051, %bitcast3A_1056 : vector<32xbf16>
      %add3A_1063 = arith.addf %add3A_1038, %mul3A_1062 : vector<32xbf16>
      %mul3A_1064 = arith.mulf %bitcast3A_1051, %bitcast3A_1061 : vector<32xbf16>
      %add3A_1065 = arith.addf %add3A_1040, %mul3A_1064 : vector<32xbf16>
      %broadcast_in_dim3A_1066 = arith.constant 8 : i32
      %broadcast_in_dim3A_1067 = vector.broadcast %broadcast_in_dim3A_1066 : i32 to vector<16xi32>
      %lt3A_1068 = arith.constant 0 : i32
      %lt3A_1069 = vector.broadcast %lt3A_1068 : i32 to vector<16xi32>
      %lt3A_1070 = arith.cmpi slt, %broadcast_in_dim3A_1067, %lt3A_1069 : vector<16xi32>
      %add3A_1071 = arith.constant 16 : i32
      %add3A_1072 = vector.broadcast %add3A_1071 : i32 to vector<16xi32>
      %add3A_1073 = arith.addi %broadcast_in_dim3A_1067, %add3A_1072 : vector<16xi32>
      %select_n3A_1074 = arith.select %lt3A_1070, %add3A_1073, %broadcast_in_dim3A_1067 : vector<16xi1>, vector<16xi32>
      %broadcast_in_dim3A_1075 = vector.shape_cast %select_n3A_1074 : vector<16xi32> to vector<16x1xi32>
      %gather3A_1076 = vector.shape_cast %broadcast_in_dim3A_1075 : vector<16x1xi32> to vector<16xi32>
      %gather3A_1077 = tpu.dynamic_gather %bitcast3A_202[%gather3A_1076] in [0] : vector<16xi32>, vector<16xi32> -> vector<16xi32>
      %bitcast3A_1078 = vector.bitcast %gather3A_1077 : vector<16xi32> to vector<32xbf16>
      %get3A_1079 = arith.constant 8 : i32
      %get3A_1080 = arith.index_cast %get3A_1079 : i32 to index
      %get3A_1081 = arith.constant 0 : index
      %get3A_1082 = tpu.vector_load %arg10[%get3A_1080, %get3A_1081] {strides = array<i32>} : memref<64x32xi32, #tpu.memory_space<vmem>>, vector<16xi32>,
      %bitcast3A_1083 = vector.bitcast %get3A_1082 : vector<16xi32> to vector<32xbf16>
      %get3A_1084 = arith.constant 8 : i32
      %get3A_1085 = arith.index_cast %get3A_1084 : i32 to index
      %get3A_1086 = arith.constant 16 : index
      %get3A_1087 = tpu.vector_load %arg10[%get3A_1085, %get3A_1086] {strides = array<i32>} : memref<64x32xi32, #tpu.memory_space<vmem>>, vector<16xi32>,
      %bitcast3A_1088 = vector.bitcast %get3A_1087 : vector<16xi32> to vector<32xbf16>
      %mul3A_1089 = arith.mulf %bitcast3A_1078, %bitcast3A_1083 : vector<32xbf16>
      %add3A_1090 = arith.addf %add3A_1063, %mul3A_1089 : vector<32xbf16>
      %mul3A_1091 = arith.mulf %bitcast3A_1078, %bitcast3A_1088 : vector<32xbf16>
      %add3A_1092 = arith.addf %add3A_1065, %mul3A_1091 : vector<32xbf16>
      %lt3A_1093 = arith.constant 0 : i32
      %lt3A_1094 = vector.broadcast %lt3A_1093 : i32 to vector<16xi32>
      %lt3A_1095 = arith.cmpi slt, %broadcast_in_dim3A_1067, %lt3A_1094 : vector<16xi32>
      %add3A_1096 = arith.constant 16 : i32
      %add3A_1097 = vector.broadcast %add3A_1096 : i32 to vector<16xi32>
      %add3A_1098 = arith.addi %broadcast_in_dim3A_1067, %add3A_1097 : vector<16xi32>
      %select_n3A_1099 = arith.select %lt3A_1095, %add3A_1098, %broadcast_in_dim3A_1067 : vector<16xi1>, vector<16xi32>
      %broadcast_in_dim3A_1100 = vector.shape_cast %select_n3A_1099 : vector<16xi32> to vector<16x1xi32>
      %gather3A_1101 = vector.shape_cast %broadcast_in_dim3A_1100 : vector<16x1xi32> to vector<16xi32>
      %gather3A_1102 = tpu.dynamic_gather %bitcast3A_204[%gather3A_1101] in [0] : vector<16xi32>, vector<16xi32> -> vector<16xi32>
      %bitcast3A_1103 = vector.bitcast %gather3A_1102 : vector<16xi32> to vector<32xbf16>
      %get3A_1104 = arith.constant 24 : i32
      %get3A_1105 = arith.index_cast %get3A_1104 : i32 to index
      %get3A_1106 = arith.constant 0 : index
      %get3A_1107 = tpu.vector_load %arg10[%get3A_1105, %get3A_1106] {strides = array<i32>} : memref<64x32xi32, #tpu.memory_space<vmem>>, vector<16xi32>,
      %bitcast3A_1108 = vector.bitcast %get3A_1107 : vector<16xi32> to vector<32xbf16>
      %get3A_1109 = arith.constant 24 : i32
      %get3A_1110 = arith.index_cast %get3A_1109 : i32 to index
      %get3A_1111 = arith.constant 16 : index
      %get3A_1112 = tpu.vector_load %arg10[%get3A_1110, %get3A_1111] {strides = array<i32>} : memref<64x32xi32, #tpu.memory_space<vmem>>, vector<16xi32>,
      %bitcast3A_1113 = vector.bitcast %get3A_1112 : vector<16xi32> to vector<32xbf16>
      %mul3A_1114 = arith.mulf %bitcast3A_1103, %bitcast3A_1108 : vector<32xbf16>
      %add3A_1115 = arith.addf %add3A_1090, %mul3A_1114 : vector<32xbf16>
      %mul3A_1116 = arith.mulf %bitcast3A_1103, %bitcast3A_1113 : vector<32xbf16>
      %add3A_1117 = arith.addf %add3A_1092, %mul3A_1116 : vector<32xbf16>
      %lt3A_1118 = arith.constant 0 : i32
      %lt3A_1119 = vector.broadcast %lt3A_1118 : i32 to vector<16xi32>
      %lt3A_1120 = arith.cmpi slt, %broadcast_in_dim3A_1067, %lt3A_1119 : vector<16xi32>
      %add3A_1121 = arith.constant 16 : i32
      %add3A_1122 = vector.broadcast %add3A_1121 : i32 to vector<16xi32>
      %add3A_1123 = arith.addi %broadcast_in_dim3A_1067, %add3A_1122 : vector<16xi32>
      %select_n3A_1124 = arith.select %lt3A_1120, %add3A_1123, %broadcast_in_dim3A_1067 : vector<16xi1>, vector<16xi32>
      %broadcast_in_dim3A_1125 = vector.shape_cast %select_n3A_1124 : vector<16xi32> to vector<16x1xi32>
      %gather3A_1126 = vector.shape_cast %broadcast_in_dim3A_1125 : vector<16x1xi32> to vector<16xi32>
      %gather3A_1127 = tpu.dynamic_gather %bitcast3A_206[%gather3A_1126] in [0] : vector<16xi32>, vector<16xi32> -> vector<16xi32>
      %bitcast3A_1128 = vector.bitcast %gather3A_1127 : vector<16xi32> to vector<32xbf16>
      %get3A_1129 = arith.constant 40 : i32
      %get3A_1130 = arith.index_cast %get3A_1129 : i32 to index
      %get3A_1131 = arith.constant 0 : index
      %get3A_1132 = tpu.vector_load %arg10[%get3A_1130, %get3A_1131] {strides = array<i32>} : memref<64x32xi32, #tpu.memory_space<vmem>>, vector<16xi32>,
      %bitcast3A_1133 = vector.bitcast %get3A_1132 : vector<16xi32> to vector<32xbf16>
      %get3A_1134 = arith.constant 40 : i32
      %get3A_1135 = arith.index_cast %get3A_1134 : i32 to index
      %get3A_1136 = arith.constant 16 : index
      %get3A_1137 = tpu.vector_load %arg10[%get3A_1135, %get3A_1136] {strides = array<i32>} : memref<64x32xi32, #tpu.memory_space<vmem>>, vector<16xi32>,
      %bitcast3A_1138 = vector.bitcast %get3A_1137 : vector<16xi32> to vector<32xbf16>
      %mul3A_1139 = arith.mulf %bitcast3A_1128, %bitcast3A_1133 : vector<32xbf16>
      %add3A_1140 = arith.addf %add3A_1115, %mul3A_1139 : vector<32xbf16>
      %mul3A_1141 = arith.mulf %bitcast3A_1128, %bitcast3A_1138 : vector<32xbf16>
      %add3A_1142 = arith.addf %add3A_1117, %mul3A_1141 : vector<32xbf16>
      %lt3A_1143 = arith.constant 0 : i32
      %lt3A_1144 = vector.broadcast %lt3A_1143 : i32 to vector<16xi32>
      %lt3A_1145 = arith.cmpi slt, %broadcast_in_dim3A_1067, %lt3A_1144 : vector<16xi32>
      %add3A_1146 = arith.constant 16 : i32
      %add3A_1147 = vector.broadcast %add3A_1146 : i32 to vector<16xi32>
      %add3A_1148 = arith.addi %broadcast_in_dim3A_1067, %add3A_1147 : vector<16xi32>
      %select_n3A_1149 = arith.select %lt3A_1145, %add3A_1148, %broadcast_in_dim3A_1067 : vector<16xi1>, vector<16xi32>
      %broadcast_in_dim3A_1150 = vector.shape_cast %select_n3A_1149 : vector<16xi32> to vector<16x1xi32>
      %gather3A_1151 = vector.shape_cast %broadcast_in_dim3A_1150 : vector<16x1xi32> to vector<16xi32>
      %gather3A_1152 = tpu.dynamic_gather %bitcast3A_208[%gather3A_1151] in [0] : vector<16xi32>, vector<16xi32> -> vector<16xi32>
      %bitcast3A_1153 = vector.bitcast %gather3A_1152 : vector<16xi32> to vector<32xbf16>
      %get3A_1154 = arith.constant 56 : i32
      %get3A_1155 = arith.index_cast %get3A_1154 : i32 to index
      %get3A_1156 = arith.constant 0 : index
      %get3A_1157 = tpu.vector_load %arg10[%get3A_1155, %get3A_1156] {strides = array<i32>} : memref<64x32xi32, #tpu.memory_space<vmem>>, vector<16xi32>,
      %bitcast3A_1158 = vector.bitcast %get3A_1157 : vector<16xi32> to vector<32xbf16>
      %get3A_1159 = arith.constant 56 : i32
      %get3A_1160 = arith.index_cast %get3A_1159 : i32 to index
      %get3A_1161 = arith.constant 16 : index
      %get3A_1162 = tpu.vector_load %arg10[%get3A_1160, %get3A_1161] {strides = array<i32>} : memref<64x32xi32, #tpu.memory_space<vmem>>, vector<16xi32>,
      %bitcast3A_1163 = vector.bitcast %get3A_1162 : vector<16xi32> to vector<32xbf16>
      %mul3A_1164 = arith.mulf %bitcast3A_1153, %bitcast3A_1158 : vector<32xbf16>
      %add3A_1165 = arith.addf %add3A_1140, %mul3A_1164 : vector<32xbf16>
      %mul3A_1166 = arith.mulf %bitcast3A_1153, %bitcast3A_1163 : vector<32xbf16>
      %add3A_1167 = arith.addf %add3A_1142, %mul3A_1166 : vector<32xbf16>
      %broadcast_in_dim3A_1168 = arith.constant 9 : i32
      %broadcast_in_dim3A_1169 = vector.broadcast %broadcast_in_dim3A_1168 : i32 to vector<16xi32>
      %lt3A_1170 = arith.constant 0 : i32
      %lt3A_1171 = vector.broadcast %lt3A_1170 : i32 to vector<16xi32>
      %lt3A_1172 = arith.cmpi slt, %broadcast_in_dim3A_1169, %lt3A_1171 : vector<16xi32>
      %add3A_1173 = arith.constant 16 : i32
      %add3A_1174 = vector.broadcast %add3A_1173 : i32 to vector<16xi32>
      %add3A_1175 = arith.addi %broadcast_in_dim3A_1169, %add3A_1174 : vector<16xi32>
      %select_n3A_1176 = arith.select %lt3A_1172, %add3A_1175, %broadcast_in_dim3A_1169 : vector<16xi1>, vector<16xi32>
      %broadcast_in_dim3A_1177 = vector.shape_cast %select_n3A_1176 : vector<16xi32> to vector<16x1xi32>
      %gather3A_1178 = vector.shape_cast %broadcast_in_dim3A_1177 : vector<16x1xi32> to vector<16xi32>
      %gather3A_1179 = tpu.dynamic_gather %bitcast3A_202[%gather3A_1178] in [0] : vector<16xi32>, vector<16xi32> -> vector<16xi32>
      %bitcast3A_1180 = vector.bitcast %gather3A_1179 : vector<16xi32> to vector<32xbf16>
      %get3A_1181 = arith.constant 9 : i32
      %get3A_1182 = arith.index_cast %get3A_1181 : i32 to index
      %get3A_1183 = arith.constant 0 : index
      %get3A_1184 = tpu.vector_load %arg10[%get3A_1182, %get3A_1183] {strides = array<i32>} : memref<64x32xi32, #tpu.memory_space<vmem>>, vector<16xi32>,
      %bitcast3A_1185 = vector.bitcast %get3A_1184 : vector<16xi32> to vector<32xbf16>
      %get3A_1186 = arith.constant 9 : i32
      %get3A_1187 = arith.index_cast %get3A_1186 : i32 to index
      %get3A_1188 = arith.constant 16 : index
      %get3A_1189 = tpu.vector_load %arg10[%get3A_1187, %get3A_1188] {strides = array<i32>} : memref<64x32xi32, #tpu.memory_space<vmem>>, vector<16xi32>,
      %bitcast3A_1190 = vector.bitcast %get3A_1189 : vector<16xi32> to vector<32xbf16>
      %mul3A_1191 = arith.mulf %bitcast3A_1180, %bitcast3A_1185 : vector<32xbf16>
      %add3A_1192 = arith.addf %add3A_1165, %mul3A_1191 : vector<32xbf16>
      %mul3A_1193 = arith.mulf %bitcast3A_1180, %bitcast3A_1190 : vector<32xbf16>
      %add3A_1194 = arith.addf %add3A_1167, %mul3A_1193 : vector<32xbf16>
      %lt3A_1195 = arith.constant 0 : i32
      %lt3A_1196 = vector.broadcast %lt3A_1195 : i32 to vector<16xi32>
      %lt3A_1197 = arith.cmpi slt, %broadcast_in_dim3A_1169, %lt3A_1196 : vector<16xi32>
      %add3A_1198 = arith.constant 16 : i32
      %add3A_1199 = vector.broadcast %add3A_1198 : i32 to vector<16xi32>
      %add3A_1200 = arith.addi %broadcast_in_dim3A_1169, %add3A_1199 : vector<16xi32>
      %select_n3A_1201 = arith.select %lt3A_1197, %add3A_1200, %broadcast_in_dim3A_1169 : vector<16xi1>, vector<16xi32>
      %broadcast_in_dim3A_1202 = vector.shape_cast %select_n3A_1201 : vector<16xi32> to vector<16x1xi32>
      %gather3A_1203 = vector.shape_cast %broadcast_in_dim3A_1202 : vector<16x1xi32> to vector<16xi32>
      %gather3A_1204 = tpu.dynamic_gather %bitcast3A_204[%gather3A_1203] in [0] : vector<16xi32>, vector<16xi32> -> vector<16xi32>
      %bitcast3A_1205 = vector.bitcast %gather3A_1204 : vector<16xi32> to vector<32xbf16>
      %get3A_1206 = arith.constant 25 : i32
      %get3A_1207 = arith.index_cast %get3A_1206 : i32 to index
      %get3A_1208 = arith.constant 0 : index
      %get3A_1209 = tpu.vector_load %arg10[%get3A_1207, %get3A_1208] {strides = array<i32>} : memref<64x32xi32, #tpu.memory_space<vmem>>, vector<16xi32>,
      %bitcast3A_1210 = vector.bitcast %get3A_1209 : vector<16xi32> to vector<32xbf16>
      %get3A_1211 = arith.constant 25 : i32
      %get3A_1212 = arith.index_cast %get3A_1211 : i32 to index
      %get3A_1213 = arith.constant 16 : index
      %get3A_1214 = tpu.vector_load %arg10[%get3A_1212, %get3A_1213] {strides = array<i32>} : memref<64x32xi32, #tpu.memory_space<vmem>>, vector<16xi32>,
      %bitcast3A_1215 = vector.bitcast %get3A_1214 : vector<16xi32> to vector<32xbf16>
      %mul3A_1216 = arith.mulf %bitcast3A_1205, %bitcast3A_1210 : vector<32xbf16>
      %add3A_1217 = arith.addf %add3A_1192, %mul3A_1216 : vector<32xbf16>
      %mul3A_1218 = arith.mulf %bitcast3A_1205, %bitcast3A_1215 : vector<32xbf16>
      %add3A_1219 = arith.addf %add3A_1194, %mul3A_1218 : vector<32xbf16>
      %lt3A_1220 = arith.constant 0 : i32
      %lt3A_1221 = vector.broadcast %lt3A_1220 : i32 to vector<16xi32>
      %lt3A_1222 = arith.cmpi slt, %broadcast_in_dim3A_1169, %lt3A_1221 : vector<16xi32>
      %add3A_1223 = arith.constant 16 : i32
      %add3A_1224 = vector.broadcast %add3A_1223 : i32 to vector<16xi32>
      %add3A_1225 = arith.addi %broadcast_in_dim3A_1169, %add3A_1224 : vector<16xi32>
      %select_n3A_1226 = arith.select %lt3A_1222, %add3A_1225, %broadcast_in_dim3A_1169 : vector<16xi1>, vector<16xi32>
      %broadcast_in_dim3A_1227 = vector.shape_cast %select_n3A_1226 : vector<16xi32> to vector<16x1xi32>
      %gather3A_1228 = vector.shape_cast %broadcast_in_dim3A_1227 : vector<16x1xi32> to vector<16xi32>
      %gather3A_1229 = tpu.dynamic_gather %bitcast3A_206[%gather3A_1228] in [0] : vector<16xi32>, vector<16xi32> -> vector<16xi32>
      %bitcast3A_1230 = vector.bitcast %gather3A_1229 : vector<16xi32> to vector<32xbf16>
      %get3A_1231 = arith.constant 41 : i32
      %get3A_1232 = arith.index_cast %get3A_1231 : i32 to index
      %get3A_1233 = arith.constant 0 : index
      %get3A_1234 = tpu.vector_load %arg10[%get3A_1232, %get3A_1233] {strides = array<i32>} : memref<64x32xi32, #tpu.memory_space<vmem>>, vector<16xi32>,
      %bitcast3A_1235 = vector.bitcast %get3A_1234 : vector<16xi32> to vector<32xbf16>
      %get3A_1236 = arith.constant 41 : i32
      %get3A_1237 = arith.index_cast %get3A_1236 : i32 to index
      %get3A_1238 = arith.constant 16 : index
      %get3A_1239 = tpu.vector_load %arg10[%get3A_1237, %get3A_1238] {strides = array<i32>} : memref<64x32xi32, #tpu.memory_space<vmem>>, vector<16xi32>,
      %bitcast3A_1240 = vector.bitcast %get3A_1239 : vector<16xi32> to vector<32xbf16>
      %mul3A_1241 = arith.mulf %bitcast3A_1230, %bitcast3A_1235 : vector<32xbf16>
      %add3A_1242 = arith.addf %add3A_1217, %mul3A_1241 : vector<32xbf16>
      %mul3A_1243 = arith.mulf %bitcast3A_1230, %bitcast3A_1240 : vector<32xbf16>
      %add3A_1244 = arith.addf %add3A_1219, %mul3A_1243 : vector<32xbf16>
      %lt3A_1245 = arith.constant 0 : i32
      %lt3A_1246 = vector.broadcast %lt3A_1245 : i32 to vector<16xi32>
      %lt3A_1247 = arith.cmpi slt, %broadcast_in_dim3A_1169, %lt3A_1246 : vector<16xi32>
      %add3A_1248 = arith.constant 16 : i32
      %add3A_1249 = vector.broadcast %add3A_1248 : i32 to vector<16xi32>
      %add3A_1250 = arith.addi %broadcast_in_dim3A_1169, %add3A_1249 : vector<16xi32>
      %select_n3A_1251 = arith.select %lt3A_1247, %add3A_1250, %broadcast_in_dim3A_1169 : vector<16xi1>, vector<16xi32>
      %broadcast_in_dim3A_1252 = vector.shape_cast %select_n3A_1251 : vector<16xi32> to vector<16x1xi32>
      %gather3A_1253 = vector.shape_cast %broadcast_in_dim3A_1252 : vector<16x1xi32> to vector<16xi32>
      %gather3A_1254 = tpu.dynamic_gather %bitcast3A_208[%gather3A_1253] in [0] : vector<16xi32>, vector<16xi32> -> vector<16xi32>
      %bitcast3A_1255 = vector.bitcast %gather3A_1254 : vector<16xi32> to vector<32xbf16>
      %get3A_1256 = arith.constant 57 : i32
      %get3A_1257 = arith.index_cast %get3A_1256 : i32 to index
      %get3A_1258 = arith.constant 0 : index
      %get3A_1259 = tpu.vector_load %arg10[%get3A_1257, %get3A_1258] {strides = array<i32>} : memref<64x32xi32, #tpu.memory_space<vmem>>, vector<16xi32>,
      %bitcast3A_1260 = vector.bitcast %get3A_1259 : vector<16xi32> to vector<32xbf16>
      %get3A_1261 = arith.constant 57 : i32
      %get3A_1262 = arith.index_cast %get3A_1261 : i32 to index
      %get3A_1263 = arith.constant 16 : index
      %get3A_1264 = tpu.vector_load %arg10[%get3A_1262, %get3A_1263] {strides = array<i32>} : memref<64x32xi32, #tpu.memory_space<vmem>>, vector<16xi32>,
      %bitcast3A_1265 = vector.bitcast %get3A_1264 : vector<16xi32> to vector<32xbf16>
      %mul3A_1266 = arith.mulf %bitcast3A_1255, %bitcast3A_1260 : vector<32xbf16>
      %add3A_1267 = arith.addf %add3A_1242, %mul3A_1266 : vector<32xbf16>
      %mul3A_1268 = arith.mulf %bitcast3A_1255, %bitcast3A_1265 : vector<32xbf16>
      %add3A_1269 = arith.addf %add3A_1244, %mul3A_1268 : vector<32xbf16>
      %broadcast_in_dim3A_1270 = arith.constant 10 : i32
      %broadcast_in_dim3A_1271 = vector.broadcast %broadcast_in_dim3A_1270 : i32 to vector<16xi32>
      %lt3A_1272 = arith.constant 0 : i32
      %lt3A_1273 = vector.broadcast %lt3A_1272 : i32 to vector<16xi32>
      %lt3A_1274 = arith.cmpi slt, %broadcast_in_dim3A_1271, %lt3A_1273 : vector<16xi32>
      %add3A_1275 = arith.constant 16 : i32
      %add3A_1276 = vector.broadcast %add3A_1275 : i32 to vector<16xi32>
      %add3A_1277 = arith.addi %broadcast_in_dim3A_1271, %add3A_1276 : vector<16xi32>
      %select_n3A_1278 = arith.select %lt3A_1274, %add3A_1277, %broadcast_in_dim3A_1271 : vector<16xi1>, vector<16xi32>
      %broadcast_in_dim3A_1279 = vector.shape_cast %select_n3A_1278 : vector<16xi32> to vector<16x1xi32>
      %gather3A_1280 = vector.shape_cast %broadcast_in_dim3A_1279 : vector<16x1xi32> to vector<16xi32>
      %gather3A_1281 = tpu.dynamic_gather %bitcast3A_202[%gather3A_1280] in [0] : vector<16xi32>, vector<16xi32> -> vector<16xi32>
      %bitcast3A_1282 = vector.bitcast %gather3A_1281 : vector<16xi32> to vector<32xbf16>
      %get3A_1283 = arith.constant 10 : i32
      %get3A_1284 = arith.index_cast %get3A_1283 : i32 to index
      %get3A_1285 = arith.constant 0 : index
      %get3A_1286 = tpu.vector_load %arg10[%get3A_1284, %get3A_1285] {strides = array<i32>} : memref<64x32xi32, #tpu.memory_space<vmem>>, vector<16xi32>,
      %bitcast3A_1287 = vector.bitcast %get3A_1286 : vector<16xi32> to vector<32xbf16>
      %get3A_1288 = arith.constant 10 : i32
      %get3A_1289 = arith.index_cast %get3A_1288 : i32 to index
      %get3A_1290 = arith.constant 16 : index
      %get3A_1291 = tpu.vector_load %arg10[%get3A_1289, %get3A_1290] {strides = array<i32>} : memref<64x32xi32, #tpu.memory_space<vmem>>, vector<16xi32>,
      %bitcast3A_1292 = vector.bitcast %get3A_1291 : vector<16xi32> to vector<32xbf16>
      %mul3A_1293 = arith.mulf %bitcast3A_1282, %bitcast3A_1287 : vector<32xbf16>
      %add3A_1294 = arith.addf %add3A_1267, %mul3A_1293 : vector<32xbf16>
      %mul3A_1295 = arith.mulf %bitcast3A_1282, %bitcast3A_1292 : vector<32xbf16>
      %add3A_1296 = arith.addf %add3A_1269, %mul3A_1295 : vector<32xbf16>
      %lt3A_1297 = arith.constant 0 : i32
      %lt3A_1298 = vector.broadcast %lt3A_1297 : i32 to vector<16xi32>
      %lt3A_1299 = arith.cmpi slt, %broadcast_in_dim3A_1271, %lt3A_1298 : vector<16xi32>
      %add3A_1300 = arith.constant 16 : i32
      %add3A_1301 = vector.broadcast %add3A_1300 : i32 to vector<16xi32>
      %add3A_1302 = arith.addi %broadcast_in_dim3A_1271, %add3A_1301 : vector<16xi32>
      %select_n3A_1303 = arith.select %lt3A_1299, %add3A_1302, %broadcast_in_dim3A_1271 : vector<16xi1>, vector<16xi32>
      %broadcast_in_dim3A_1304 = vector.shape_cast %select_n3A_1303 : vector<16xi32> to vector<16x1xi32>
      %gather3A_1305 = vector.shape_cast %broadcast_in_dim3A_1304 : vector<16x1xi32> to vector<16xi32>
      %gather3A_1306 = tpu.dynamic_gather %bitcast3A_204[%gather3A_1305] in [0] : vector<16xi32>, vector<16xi32> -> vector<16xi32>
      %bitcast3A_1307 = vector.bitcast %gather3A_1306 : vector<16xi32> to vector<32xbf16>
      %get3A_1308 = arith.constant 26 : i32
      %get3A_1309 = arith.index_cast %get3A_1308 : i32 to index
      %get3A_1310 = arith.constant 0 : index
      %get3A_1311 = tpu.vector_load %arg10[%get3A_1309, %get3A_1310] {strides = array<i32>} : memref<64x32xi32, #tpu.memory_space<vmem>>, vector<16xi32>,
      %bitcast3A_1312 = vector.bitcast %get3A_1311 : vector<16xi32> to vector<32xbf16>
      %get3A_1313 = arith.constant 26 : i32
      %get3A_1314 = arith.index_cast %get3A_1313 : i32 to index
      %get3A_1315 = arith.constant 16 : index
      %get3A_1316 = tpu.vector_load %arg10[%get3A_1314, %get3A_1315] {strides = array<i32>} : memref<64x32xi32, #tpu.memory_space<vmem>>, vector<16xi32>,
      %bitcast3A_1317 = vector.bitcast %get3A_1316 : vector<16xi32> to vector<32xbf16>
      %mul3A_1318 = arith.mulf %bitcast3A_1307, %bitcast3A_1312 : vector<32xbf16>
      %add3A_1319 = arith.addf %add3A_1294, %mul3A_1318 : vector<32xbf16>
      %mul3A_1320 = arith.mulf %bitcast3A_1307, %bitcast3A_1317 : vector<32xbf16>
      %add3A_1321 = arith.addf %add3A_1296, %mul3A_1320 : vector<32xbf16>
      %lt3A_1322 = arith.constant 0 : i32
      %lt3A_1323 = vector.broadcast %lt3A_1322 : i32 to vector<16xi32>
      %lt3A_1324 = arith.cmpi slt, %broadcast_in_dim3A_1271, %lt3A_1323 : vector<16xi32>
      %add3A_1325 = arith.constant 16 : i32
      %add3A_1326 = vector.broadcast %add3A_1325 : i32 to vector<16xi32>
      %add3A_1327 = arith.addi %broadcast_in_dim3A_1271, %add3A_1326 : vector<16xi32>
      %select_n3A_1328 = arith.select %lt3A_1324, %add3A_1327, %broadcast_in_dim3A_1271 : vector<16xi1>, vector<16xi32>
      %broadcast_in_dim3A_1329 = vector.shape_cast %select_n3A_1328 : vector<16xi32> to vector<16x1xi32>
      %gather3A_1330 = vector.shape_cast %broadcast_in_dim3A_1329 : vector<16x1xi32> to vector<16xi32>
      %gather3A_1331 = tpu.dynamic_gather %bitcast3A_206[%gather3A_1330] in [0] : vector<16xi32>, vector<16xi32> -> vector<16xi32>
      %bitcast3A_1332 = vector.bitcast %gather3A_1331 : vector<16xi32> to vector<32xbf16>
      %get3A_1333 = arith.constant 42 : i32
      %get3A_1334 = arith.index_cast %get3A_1333 : i32 to index
      %get3A_1335 = arith.constant 0 : index
      %get3A_1336 = tpu.vector_load %arg10[%get3A_1334, %get3A_1335] {strides = array<i32>} : memref<64x32xi32, #tpu.memory_space<vmem>>, vector<16xi32>,
      %bitcast3A_1337 = vector.bitcast %get3A_1336 : vector<16xi32> to vector<32xbf16>
      %get3A_1338 = arith.constant 42 : i32
      %get3A_1339 = arith.index_cast %get3A_1338 : i32 to index
      %get3A_1340 = arith.constant 16 : index
      %get3A_1341 = tpu.vector_load %arg10[%get3A_1339, %get3A_1340] {strides = array<i32>} : memref<64x32xi32, #tpu.memory_space<vmem>>, vector<16xi32>,
      %bitcast3A_1342 = vector.bitcast %get3A_1341 : vector<16xi32> to vector<32xbf16>
      %mul3A_1343 = arith.mulf %bitcast3A_1332, %bitcast3A_1337 : vector<32xbf16>
      %add3A_1344 = arith.addf %add3A_1319, %mul3A_1343 : vector<32xbf16>
      %mul3A_1345 = arith.mulf %bitcast3A_1332, %bitcast3A_1342 : vector<32xbf16>
      %add3A_1346 = arith.addf %add3A_1321, %mul3A_1345 : vector<32xbf16>
      %lt3A_1347 = arith.constant 0 : i32
      %lt3A_1348 = vector.broadcast %lt3A_1347 : i32 to vector<16xi32>
      %lt3A_1349 = arith.cmpi slt, %broadcast_in_dim3A_1271, %lt3A_1348 : vector<16xi32>
      %add3A_1350 = arith.constant 16 : i32
      %add3A_1351 = vector.broadcast %add3A_1350 : i32 to vector<16xi32>
      %add3A_1352 = arith.addi %broadcast_in_dim3A_1271, %add3A_1351 : vector<16xi32>
      %select_n3A_1353 = arith.select %lt3A_1349, %add3A_1352, %broadcast_in_dim3A_1271 : vector<16xi1>, vector<16xi32>
      %broadcast_in_dim3A_1354 = vector.shape_cast %select_n3A_1353 : vector<16xi32> to vector<16x1xi32>
      %gather3A_1355 = vector.shape_cast %broadcast_in_dim3A_1354 : vector<16x1xi32> to vector<16xi32>
      %gather3A_1356 = tpu.dynamic_gather %bitcast3A_208[%gather3A_1355] in [0] : vector<16xi32>, vector<16xi32> -> vector<16xi32>
      %bitcast3A_1357 = vector.bitcast %gather3A_1356 : vector<16xi32> to vector<32xbf16>
      %get3A_1358 = arith.constant 58 : i32
      %get3A_1359 = arith.index_cast %get3A_1358 : i32 to index
      %get3A_1360 = arith.constant 0 : index
      %get3A_1361 = tpu.vector_load %arg10[%get3A_1359, %get3A_1360] {strides = array<i32>} : memref<64x32xi32, #tpu.memory_space<vmem>>, vector<16xi32>,
      %bitcast3A_1362 = vector.bitcast %get3A_1361 : vector<16xi32> to vector<32xbf16>
      %get3A_1363 = arith.constant 58 : i32
      %get3A_1364 = arith.index_cast %get3A_1363 : i32 to index
      %get3A_1365 = arith.constant 16 : index
      %get3A_1366 = tpu.vector_load %arg10[%get3A_1364, %get3A_1365] {strides = array<i32>} : memref<64x32xi32, #tpu.memory_space<vmem>>, vector<16xi32>,
      %bitcast3A_1367 = vector.bitcast %get3A_1366 : vector<16xi32> to vector<32xbf16>
      %mul3A_1368 = arith.mulf %bitcast3A_1357, %bitcast3A_1362 : vector<32xbf16>
      %add3A_1369 = arith.addf %add3A_1344, %mul3A_1368 : vector<32xbf16>
      %mul3A_1370 = arith.mulf %bitcast3A_1357, %bitcast3A_1367 : vector<32xbf16>
      %add3A_1371 = arith.addf %add3A_1346, %mul3A_1370 : vector<32xbf16>
      %broadcast_in_dim3A_1372 = arith.constant 11 : i32
      %broadcast_in_dim3A_1373 = vector.broadcast %broadcast_in_dim3A_1372 : i32 to vector<16xi32>
      %lt3A_1374 = arith.constant 0 : i32
      %lt3A_1375 = vector.broadcast %lt3A_1374 : i32 to vector<16xi32>
      %lt3A_1376 = arith.cmpi slt, %broadcast_in_dim3A_1373, %lt3A_1375 : vector<16xi32>
      %add3A_1377 = arith.constant 16 : i32
      %add3A_1378 = vector.broadcast %add3A_1377 : i32 to vector<16xi32>
      %add3A_1379 = arith.addi %broadcast_in_dim3A_1373, %add3A_1378 : vector<16xi32>
      %select_n3A_1380 = arith.select %lt3A_1376, %add3A_1379, %broadcast_in_dim3A_1373 : vector<16xi1>, vector<16xi32>
      %broadcast_in_dim3A_1381 = vector.shape_cast %select_n3A_1380 : vector<16xi32> to vector<16x1xi32>
      %gather3A_1382 = vector.shape_cast %broadcast_in_dim3A_1381 : vector<16x1xi32> to vector<16xi32>
      %gather3A_1383 = tpu.dynamic_gather %bitcast3A_202[%gather3A_1382] in [0] : vector<16xi32>, vector<16xi32> -> vector<16xi32>
      %bitcast3A_1384 = vector.bitcast %gather3A_1383 : vector<16xi32> to vector<32xbf16>
      %get3A_1385 = arith.constant 11 : i32
      %get3A_1386 = arith.index_cast %get3A_1385 : i32 to index
      %get3A_1387 = arith.constant 0 : index
      %get3A_1388 = tpu.vector_load %arg10[%get3A_1386, %get3A_1387] {strides = array<i32>} : memref<64x32xi32, #tpu.memory_space<vmem>>, vector<16xi32>,
      %bitcast3A_1389 = vector.bitcast %get3A_1388 : vector<16xi32> to vector<32xbf16>
      %get3A_1390 = arith.constant 11 : i32
      %get3A_1391 = arith.index_cast %get3A_1390 : i32 to index
      %get3A_1392 = arith.constant 16 : index
      %get3A_1393 = tpu.vector_load %arg10[%get3A_1391, %get3A_1392] {strides = array<i32>} : memref<64x32xi32, #tpu.memory_space<vmem>>, vector<16xi32>,
      %bitcast3A_1394 = vector.bitcast %get3A_1393 : vector<16xi32> to vector<32xbf16>
      %mul3A_1395 = arith.mulf %bitcast3A_1384, %bitcast3A_1389 : vector<32xbf16>
      %add3A_1396 = arith.addf %add3A_1369, %mul3A_1395 : vector<32xbf16>
      %mul3A_1397 = arith.mulf %bitcast3A_1384, %bitcast3A_1394 : vector<32xbf16>
      %add3A_1398 = arith.addf %add3A_1371, %mul3A_1397 : vector<32xbf16>
      %lt3A_1399 = arith.constant 0 : i32
      %lt3A_1400 = vector.broadcast %lt3A_1399 : i32 to vector<16xi32>
      %lt3A_1401 = arith.cmpi slt, %broadcast_in_dim3A_1373, %lt3A_1400 : vector<16xi32>
      %add3A_1402 = arith.constant 16 : i32
      %add3A_1403 = vector.broadcast %add3A_1402 : i32 to vector<16xi32>
      %add3A_1404 = arith.addi %broadcast_in_dim3A_1373, %add3A_1403 : vector<16xi32>
      %select_n3A_1405 = arith.select %lt3A_1401, %add3A_1404, %broadcast_in_dim3A_1373 : vector<16xi1>, vector<16xi32>
      %broadcast_in_dim3A_1406 = vector.shape_cast %select_n3A_1405 : vector<16xi32> to vector<16x1xi32>
      %gather3A_1407 = vector.shape_cast %broadcast_in_dim3A_1406 : vector<16x1xi32> to vector<16xi32>
      %gather3A_1408 = tpu.dynamic_gather %bitcast3A_204[%gather3A_1407] in [0] : vector<16xi32>, vector<16xi32> -> vector<16xi32>
      %bitcast3A_1409 = vector.bitcast %gather3A_1408 : vector<16xi32> to vector<32xbf16>
      %get3A_1410 = arith.constant 27 : i32
      %get3A_1411 = arith.index_cast %get3A_1410 : i32 to index
      %get3A_1412 = arith.constant 0 : index
      %get3A_1413 = tpu.vector_load %arg10[%get3A_1411, %get3A_1412] {strides = array<i32>} : memref<64x32xi32, #tpu.memory_space<vmem>>, vector<16xi32>,
      %bitcast3A_1414 = vector.bitcast %get3A_1413 : vector<16xi32> to vector<32xbf16>
      %get3A_1415 = arith.constant 27 : i32
      %get3A_1416 = arith.index_cast %get3A_1415 : i32 to index
      %get3A_1417 = arith.constant 16 : index
      %get3A_1418 = tpu.vector_load %arg10[%get3A_1416, %get3A_1417] {strides = array<i32>} : memref<64x32xi32, #tpu.memory_space<vmem>>, vector<16xi32>,
      %bitcast3A_1419 = vector.bitcast %get3A_1418 : vector<16xi32> to vector<32xbf16>
      %mul3A_1420 = arith.mulf %bitcast3A_1409, %bitcast3A_1414 : vector<32xbf16>
      %add3A_1421 = arith.addf %add3A_1396, %mul3A_1420 : vector<32xbf16>
      %mul3A_1422 = arith.mulf %bitcast3A_1409, %bitcast3A_1419 : vector<32xbf16>
      %add3A_1423 = arith.addf %add3A_1398, %mul3A_1422 : vector<32xbf16>
      %lt3A_1424 = arith.constant 0 : i32
      %lt3A_1425 = vector.broadcast %lt3A_1424 : i32 to vector<16xi32>
      %lt3A_1426 = arith.cmpi slt, %broadcast_in_dim3A_1373, %lt3A_1425 : vector<16xi32>
      %add3A_1427 = arith.constant 16 : i32
      %add3A_1428 = vector.broadcast %add3A_1427 : i32 to vector<16xi32>
      %add3A_1429 = arith.addi %broadcast_in_dim3A_1373, %add3A_1428 : vector<16xi32>
      %select_n3A_1430 = arith.select %lt3A_1426, %add3A_1429, %broadcast_in_dim3A_1373 : vector<16xi1>, vector<16xi32>
      %broadcast_in_dim3A_1431 = vector.shape_cast %select_n3A_1430 : vector<16xi32> to vector<16x1xi32>
      %gather3A_1432 = vector.shape_cast %broadcast_in_dim3A_1431 : vector<16x1xi32> to vector<16xi32>
      %gather3A_1433 = tpu.dynamic_gather %bitcast3A_206[%gather3A_1432] in [0] : vector<16xi32>, vector<16xi32> -> vector<16xi32>
      %bitcast3A_1434 = vector.bitcast %gather3A_1433 : vector<16xi32> to vector<32xbf16>
      %get3A_1435 = arith.constant 43 : i32
      %get3A_1436 = arith.index_cast %get3A_1435 : i32 to index
      %get3A_1437 = arith.constant 0 : index
      %get3A_1438 = tpu.vector_load %arg10[%get3A_1436, %get3A_1437] {strides = array<i32>} : memref<64x32xi32, #tpu.memory_space<vmem>>, vector<16xi32>,
      %bitcast3A_1439 = vector.bitcast %get3A_1438 : vector<16xi32> to vector<32xbf16>
      %get3A_1440 = arith.constant 43 : i32
      %get3A_1441 = arith.index_cast %get3A_1440 : i32 to index
      %get3A_1442 = arith.constant 16 : index
      %get3A_1443 = tpu.vector_load %arg10[%get3A_1441, %get3A_1442] {strides = array<i32>} : memref<64x32xi32, #tpu.memory_space<vmem>>, vector<16xi32>,
      %bitcast3A_1444 = vector.bitcast %get3A_1443 : vector<16xi32> to vector<32xbf16>
      %mul3A_1445 = arith.mulf %bitcast3A_1434, %bitcast3A_1439 : vector<32xbf16>
      %add3A_1446 = arith.addf %add3A_1421, %mul3A_1445 : vector<32xbf16>
      %mul3A_1447 = arith.mulf %bitcast3A_1434, %bitcast3A_1444 : vector<32xbf16>
      %add3A_1448 = arith.addf %add3A_1423, %mul3A_1447 : vector<32xbf16>
      %lt3A_1449 = arith.constant 0 : i32
      %lt3A_1450 = vector.broadcast %lt3A_1449 : i32 to vector<16xi32>
      %lt3A_1451 = arith.cmpi slt, %broadcast_in_dim3A_1373, %lt3A_1450 : vector<16xi32>
      %add3A_1452 = arith.constant 16 : i32
      %add3A_1453 = vector.broadcast %add3A_1452 : i32 to vector<16xi32>
      %add3A_1454 = arith.addi %broadcast_in_dim3A_1373, %add3A_1453 : vector<16xi32>
      %select_n3A_1455 = arith.select %lt3A_1451, %add3A_1454, %broadcast_in_dim3A_1373 : vector<16xi1>, vector<16xi32>
      %broadcast_in_dim3A_1456 = vector.shape_cast %select_n3A_1455 : vector<16xi32> to vector<16x1xi32>
      %gather3A_1457 = vector.shape_cast %broadcast_in_dim3A_1456 : vector<16x1xi32> to vector<16xi32>
      %gather3A_1458 = tpu.dynamic_gather %bitcast3A_208[%gather3A_1457] in [0] : vector<16xi32>, vector<16xi32> -> vector<16xi32>
      %bitcast3A_1459 = vector.bitcast %gather3A_1458 : vector<16xi32> to vector<32xbf16>
      %get3A_1460 = arith.constant 59 : i32
      %get3A_1461 = arith.index_cast %get3A_1460 : i32 to index
      %get3A_1462 = arith.constant 0 : index
      %get3A_1463 = tpu.vector_load %arg10[%get3A_1461, %get3A_1462] {strides = array<i32>} : memref<64x32xi32, #tpu.memory_space<vmem>>, vector<16xi32>,
      %bitcast3A_1464 = vector.bitcast %get3A_1463 : vector<16xi32> to vector<32xbf16>
      %get3A_1465 = arith.constant 59 : i32
      %get3A_1466 = arith.index_cast %get3A_1465 : i32 to index
      %get3A_1467 = arith.constant 16 : index
      %get3A_1468 = tpu.vector_load %arg10[%get3A_1466, %get3A_1467] {strides = array<i32>} : memref<64x32xi32, #tpu.memory_space<vmem>>, vector<16xi32>,
      %bitcast3A_1469 = vector.bitcast %get3A_1468 : vector<16xi32> to vector<32xbf16>
      %mul3A_1470 = arith.mulf %bitcast3A_1459, %bitcast3A_1464 : vector<32xbf16>
      %add3A_1471 = arith.addf %add3A_1446, %mul3A_1470 : vector<32xbf16>
      %mul3A_1472 = arith.mulf %bitcast3A_1459, %bitcast3A_1469 : vector<32xbf16>
      %add3A_1473 = arith.addf %add3A_1448, %mul3A_1472 : vector<32xbf16>
      %broadcast_in_dim3A_1474 = arith.constant 12 : i32
      %broadcast_in_dim3A_1475 = vector.broadcast %broadcast_in_dim3A_1474 : i32 to vector<16xi32>
      %lt3A_1476 = arith.constant 0 : i32
      %lt3A_1477 = vector.broadcast %lt3A_1476 : i32 to vector<16xi32>
      %lt3A_1478 = arith.cmpi slt, %broadcast_in_dim3A_1475, %lt3A_1477 : vector<16xi32>
      %add3A_1479 = arith.constant 16 : i32
      %add3A_1480 = vector.broadcast %add3A_1479 : i32 to vector<16xi32>
      %add3A_1481 = arith.addi %broadcast_in_dim3A_1475, %add3A_1480 : vector<16xi32>
      %select_n3A_1482 = arith.select %lt3A_1478, %add3A_1481, %broadcast_in_dim3A_1475 : vector<16xi1>, vector<16xi32>
      %broadcast_in_dim3A_1483 = vector.shape_cast %select_n3A_1482 : vector<16xi32> to vector<16x1xi32>
      %gather3A_1484 = vector.shape_cast %broadcast_in_dim3A_1483 : vector<16x1xi32> to vector<16xi32>
      %gather3A_1485 = tpu.dynamic_gather %bitcast3A_202[%gather3A_1484] in [0] : vector<16xi32>, vector<16xi32> -> vector<16xi32>
      %bitcast3A_1486 = vector.bitcast %gather3A_1485 : vector<16xi32> to vector<32xbf16>
      %get3A_1487 = arith.constant 12 : i32
      %get3A_1488 = arith.index_cast %get3A_1487 : i32 to index
      %get3A_1489 = arith.constant 0 : index
      %get3A_1490 = tpu.vector_load %arg10[%get3A_1488, %get3A_1489] {strides = array<i32>} : memref<64x32xi32, #tpu.memory_space<vmem>>, vector<16xi32>,
      %bitcast3A_1491 = vector.bitcast %get3A_1490 : vector<16xi32> to vector<32xbf16>
      %get3A_1492 = arith.constant 12 : i32
      %get3A_1493 = arith.index_cast %get3A_1492 : i32 to index
      %get3A_1494 = arith.constant 16 : index
      %get3A_1495 = tpu.vector_load %arg10[%get3A_1493, %get3A_1494] {strides = array<i32>} : memref<64x32xi32, #tpu.memory_space<vmem>>, vector<16xi32>,
      %bitcast3A_1496 = vector.bitcast %get3A_1495 : vector<16xi32> to vector<32xbf16>
      %mul3A_1497 = arith.mulf %bitcast3A_1486, %bitcast3A_1491 : vector<32xbf16>
      %add3A_1498 = arith.addf %add3A_1471, %mul3A_1497 : vector<32xbf16>
      %mul3A_1499 = arith.mulf %bitcast3A_1486, %bitcast3A_1496 : vector<32xbf16>
      %add3A_1500 = arith.addf %add3A_1473, %mul3A_1499 : vector<32xbf16>
      %lt3A_1501 = arith.constant 0 : i32
      %lt3A_1502 = vector.broadcast %lt3A_1501 : i32 to vector<16xi32>
      %lt3A_1503 = arith.cmpi slt, %broadcast_in_dim3A_1475, %lt3A_1502 : vector<16xi32>
      %add3A_1504 = arith.constant 16 : i32
      %add3A_1505 = vector.broadcast %add3A_1504 : i32 to vector<16xi32>
      %add3A_1506 = arith.addi %broadcast_in_dim3A_1475, %add3A_1505 : vector<16xi32>
      %select_n3A_1507 = arith.select %lt3A_1503, %add3A_1506, %broadcast_in_dim3A_1475 : vector<16xi1>, vector<16xi32>
      %broadcast_in_dim3A_1508 = vector.shape_cast %select_n3A_1507 : vector<16xi32> to vector<16x1xi32>
      %gather3A_1509 = vector.shape_cast %broadcast_in_dim3A_1508 : vector<16x1xi32> to vector<16xi32>
      %gather3A_1510 = tpu.dynamic_gather %bitcast3A_204[%gather3A_1509] in [0] : vector<16xi32>, vector<16xi32> -> vector<16xi32>
      %bitcast3A_1511 = vector.bitcast %gather3A_1510 : vector<16xi32> to vector<32xbf16>
      %get3A_1512 = arith.constant 28 : i32
      %get3A_1513 = arith.index_cast %get3A_1512 : i32 to index
      %get3A_1514 = arith.constant 0 : index
      %get3A_1515 = tpu.vector_load %arg10[%get3A_1513, %get3A_1514] {strides = array<i32>} : memref<64x32xi32, #tpu.memory_space<vmem>>, vector<16xi32>,
      %bitcast3A_1516 = vector.bitcast %get3A_1515 : vector<16xi32> to vector<32xbf16>
      %get3A_1517 = arith.constant 28 : i32
      %get3A_1518 = arith.index_cast %get3A_1517 : i32 to index
      %get3A_1519 = arith.constant 16 : index
      %get3A_1520 = tpu.vector_load %arg10[%get3A_1518, %get3A_1519] {strides = array<i32>} : memref<64x32xi32, #tpu.memory_space<vmem>>, vector<16xi32>,
      %bitcast3A_1521 = vector.bitcast %get3A_1520 : vector<16xi32> to vector<32xbf16>
      %mul3A_1522 = arith.mulf %bitcast3A_1511, %bitcast3A_1516 : vector<32xbf16>
      %add3A_1523 = arith.addf %add3A_1498, %mul3A_1522 : vector<32xbf16>
      %mul3A_1524 = arith.mulf %bitcast3A_1511, %bitcast3A_1521 : vector<32xbf16>
      %add3A_1525 = arith.addf %add3A_1500, %mul3A_1524 : vector<32xbf16>
      %lt3A_1526 = arith.constant 0 : i32
      %lt3A_1527 = vector.broadcast %lt3A_1526 : i32 to vector<16xi32>
      %lt3A_1528 = arith.cmpi slt, %broadcast_in_dim3A_1475, %lt3A_1527 : vector<16xi32>
      %add3A_1529 = arith.constant 16 : i32
      %add3A_1530 = vector.broadcast %add3A_1529 : i32 to vector<16xi32>
      %add3A_1531 = arith.addi %broadcast_in_dim3A_1475, %add3A_1530 : vector<16xi32>
      %select_n3A_1532 = arith.select %lt3A_1528, %add3A_1531, %broadcast_in_dim3A_1475 : vector<16xi1>, vector<16xi32>
      %broadcast_in_dim3A_1533 = vector.shape_cast %select_n3A_1532 : vector<16xi32> to vector<16x1xi32>
      %gather3A_1534 = vector.shape_cast %broadcast_in_dim3A_1533 : vector<16x1xi32> to vector<16xi32>
      %gather3A_1535 = tpu.dynamic_gather %bitcast3A_206[%gather3A_1534] in [0] : vector<16xi32>, vector<16xi32> -> vector<16xi32>
      %bitcast3A_1536 = vector.bitcast %gather3A_1535 : vector<16xi32> to vector<32xbf16>
      %get3A_1537 = arith.constant 44 : i32
      %get3A_1538 = arith.index_cast %get3A_1537 : i32 to index
      %get3A_1539 = arith.constant 0 : index
      %get3A_1540 = tpu.vector_load %arg10[%get3A_1538, %get3A_1539] {strides = array<i32>} : memref<64x32xi32, #tpu.memory_space<vmem>>, vector<16xi32>,
      %bitcast3A_1541 = vector.bitcast %get3A_1540 : vector<16xi32> to vector<32xbf16>
      %get3A_1542 = arith.constant 44 : i32
      %get3A_1543 = arith.index_cast %get3A_1542 : i32 to index
      %get3A_1544 = arith.constant 16 : index
      %get3A_1545 = tpu.vector_load %arg10[%get3A_1543, %get3A_1544] {strides = array<i32>} : memref<64x32xi32, #tpu.memory_space<vmem>>, vector<16xi32>,
      %bitcast3A_1546 = vector.bitcast %get3A_1545 : vector<16xi32> to vector<32xbf16>
      %mul3A_1547 = arith.mulf %bitcast3A_1536, %bitcast3A_1541 : vector<32xbf16>
      %add3A_1548 = arith.addf %add3A_1523, %mul3A_1547 : vector<32xbf16>
      %mul3A_1549 = arith.mulf %bitcast3A_1536, %bitcast3A_1546 : vector<32xbf16>
      %add3A_1550 = arith.addf %add3A_1525, %mul3A_1549 : vector<32xbf16>
      %lt3A_1551 = arith.constant 0 : i32
      %lt3A_1552 = vector.broadcast %lt3A_1551 : i32 to vector<16xi32>
      %lt3A_1553 = arith.cmpi slt, %broadcast_in_dim3A_1475, %lt3A_1552 : vector<16xi32>
      %add3A_1554 = arith.constant 16 : i32
      %add3A_1555 = vector.broadcast %add3A_1554 : i32 to vector<16xi32>
      %add3A_1556 = arith.addi %broadcast_in_dim3A_1475, %add3A_1555 : vector<16xi32>
      %select_n3A_1557 = arith.select %lt3A_1553, %add3A_1556, %broadcast_in_dim3A_1475 : vector<16xi1>, vector<16xi32>
      %broadcast_in_dim3A_1558 = vector.shape_cast %select_n3A_1557 : vector<16xi32> to vector<16x1xi32>
      %gather3A_1559 = vector.shape_cast %broadcast_in_dim3A_1558 : vector<16x1xi32> to vector<16xi32>
      %gather3A_1560 = tpu.dynamic_gather %bitcast3A_208[%gather3A_1559] in [0] : vector<16xi32>, vector<16xi32> -> vector<16xi32>
      %bitcast3A_1561 = vector.bitcast %gather3A_1560 : vector<16xi32> to vector<32xbf16>
      %get3A_1562 = arith.constant 60 : i32
      %get3A_1563 = arith.index_cast %get3A_1562 : i32 to index
      %get3A_1564 = arith.constant 0 : index
      %get3A_1565 = tpu.vector_load %arg10[%get3A_1563, %get3A_1564] {strides = array<i32>} : memref<64x32xi32, #tpu.memory_space<vmem>>, vector<16xi32>,
      %bitcast3A_1566 = vector.bitcast %get3A_1565 : vector<16xi32> to vector<32xbf16>
      %get3A_1567 = arith.constant 60 : i32
      %get3A_1568 = arith.index_cast %get3A_1567 : i32 to index
      %get3A_1569 = arith.constant 16 : index
      %get3A_1570 = tpu.vector_load %arg10[%get3A_1568, %get3A_1569] {strides = array<i32>} : memref<64x32xi32, #tpu.memory_space<vmem>>, vector<16xi32>,
      %bitcast3A_1571 = vector.bitcast %get3A_1570 : vector<16xi32> to vector<32xbf16>
      %mul3A_1572 = arith.mulf %bitcast3A_1561, %bitcast3A_1566 : vector<32xbf16>
      %add3A_1573 = arith.addf %add3A_1548, %mul3A_1572 : vector<32xbf16>
      %mul3A_1574 = arith.mulf %bitcast3A_1561, %bitcast3A_1571 : vector<32xbf16>
      %add3A_1575 = arith.addf %add3A_1550, %mul3A_1574 : vector<32xbf16>
      %broadcast_in_dim3A_1576 = arith.constant 13 : i32
      %broadcast_in_dim3A_1577 = vector.broadcast %broadcast_in_dim3A_1576 : i32 to vector<16xi32>
      %lt3A_1578 = arith.constant 0 : i32
      %lt3A_1579 = vector.broadcast %lt3A_1578 : i32 to vector<16xi32>
      %lt3A_1580 = arith.cmpi slt, %broadcast_in_dim3A_1577, %lt3A_1579 : vector<16xi32>
      %add3A_1581 = arith.constant 16 : i32
      %add3A_1582 = vector.broadcast %add3A_1581 : i32 to vector<16xi32>
      %add3A_1583 = arith.addi %broadcast_in_dim3A_1577, %add3A_1582 : vector<16xi32>
      %select_n3A_1584 = arith.select %lt3A_1580, %add3A_1583, %broadcast_in_dim3A_1577 : vector<16xi1>, vector<16xi32>
      %broadcast_in_dim3A_1585 = vector.shape_cast %select_n3A_1584 : vector<16xi32> to vector<16x1xi32>
      %gather3A_1586 = vector.shape_cast %broadcast_in_dim3A_1585 : vector<16x1xi32> to vector<16xi32>
      %gather3A_1587 = tpu.dynamic_gather %bitcast3A_202[%gather3A_1586] in [0] : vector<16xi32>, vector<16xi32> -> vector<16xi32>
      %bitcast3A_1588 = vector.bitcast %gather3A_1587 : vector<16xi32> to vector<32xbf16>
      %get3A_1589 = arith.constant 13 : i32
      %get3A_1590 = arith.index_cast %get3A_1589 : i32 to index
      %get3A_1591 = arith.constant 0 : index
      %get3A_1592 = tpu.vector_load %arg10[%get3A_1590, %get3A_1591] {strides = array<i32>} : memref<64x32xi32, #tpu.memory_space<vmem>>, vector<16xi32>,
      %bitcast3A_1593 = vector.bitcast %get3A_1592 : vector<16xi32> to vector<32xbf16>
      %get3A_1594 = arith.constant 13 : i32
      %get3A_1595 = arith.index_cast %get3A_1594 : i32 to index
      %get3A_1596 = arith.constant 16 : index
      %get3A_1597 = tpu.vector_load %arg10[%get3A_1595, %get3A_1596] {strides = array<i32>} : memref<64x32xi32, #tpu.memory_space<vmem>>, vector<16xi32>,
      %bitcast3A_1598 = vector.bitcast %get3A_1597 : vector<16xi32> to vector<32xbf16>
      %mul3A_1599 = arith.mulf %bitcast3A_1588, %bitcast3A_1593 : vector<32xbf16>
      %add3A_1600 = arith.addf %add3A_1573, %mul3A_1599 : vector<32xbf16>
      %mul3A_1601 = arith.mulf %bitcast3A_1588, %bitcast3A_1598 : vector<32xbf16>
      %add3A_1602 = arith.addf %add3A_1575, %mul3A_1601 : vector<32xbf16>
      %lt3A_1603 = arith.constant 0 : i32
      %lt3A_1604 = vector.broadcast %lt3A_1603 : i32 to vector<16xi32>
      %lt3A_1605 = arith.cmpi slt, %broadcast_in_dim3A_1577, %lt3A_1604 : vector<16xi32>
      %add3A_1606 = arith.constant 16 : i32
      %add3A_1607 = vector.broadcast %add3A_1606 : i32 to vector<16xi32>
      %add3A_1608 = arith.addi %broadcast_in_dim3A_1577, %add3A_1607 : vector<16xi32>
      %select_n3A_1609 = arith.select %lt3A_1605, %add3A_1608, %broadcast_in_dim3A_1577 : vector<16xi1>, vector<16xi32>
      %broadcast_in_dim3A_1610 = vector.shape_cast %select_n3A_1609 : vector<16xi32> to vector<16x1xi32>
      %gather3A_1611 = vector.shape_cast %broadcast_in_dim3A_1610 : vector<16x1xi32> to vector<16xi32>
      %gather3A_1612 = tpu.dynamic_gather %bitcast3A_204[%gather3A_1611] in [0] : vector<16xi32>, vector<16xi32> -> vector<16xi32>
      %bitcast3A_1613 = vector.bitcast %gather3A_1612 : vector<16xi32> to vector<32xbf16>
      %get3A_1614 = arith.constant 29 : i32
      %get3A_1615 = arith.index_cast %get3A_1614 : i32 to index
      %get3A_1616 = arith.constant 0 : index
      %get3A_1617 = tpu.vector_load %arg10[%get3A_1615, %get3A_1616] {strides = array<i32>} : memref<64x32xi32, #tpu.memory_space<vmem>>, vector<16xi32>,
      %bitcast3A_1618 = vector.bitcast %get3A_1617 : vector<16xi32> to vector<32xbf16>
      %get3A_1619 = arith.constant 29 : i32
      %get3A_1620 = arith.index_cast %get3A_1619 : i32 to index
      %get3A_1621 = arith.constant 16 : index
      %get3A_1622 = tpu.vector_load %arg10[%get3A_1620, %get3A_1621] {strides = array<i32>} : memref<64x32xi32, #tpu.memory_space<vmem>>, vector<16xi32>,
      %bitcast3A_1623 = vector.bitcast %get3A_1622 : vector<16xi32> to vector<32xbf16>
      %mul3A_1624 = arith.mulf %bitcast3A_1613, %bitcast3A_1618 : vector<32xbf16>
      %add3A_1625 = arith.addf %add3A_1600, %mul3A_1624 : vector<32xbf16>
      %mul3A_1626 = arith.mulf %bitcast3A_1613, %bitcast3A_1623 : vector<32xbf16>
      %add3A_1627 = arith.addf %add3A_1602, %mul3A_1626 : vector<32xbf16>
      %lt3A_1628 = arith.constant 0 : i32
      %lt3A_1629 = vector.broadcast %lt3A_1628 : i32 to vector<16xi32>
      %lt3A_1630 = arith.cmpi slt, %broadcast_in_dim3A_1577, %lt3A_1629 : vector<16xi32>
      %add3A_1631 = arith.constant 16 : i32
      %add3A_1632 = vector.broadcast %add3A_1631 : i32 to vector<16xi32>
      %add3A_1633 = arith.addi %broadcast_in_dim3A_1577, %add3A_1632 : vector<16xi32>
      %select_n3A_1634 = arith.select %lt3A_1630, %add3A_1633, %broadcast_in_dim3A_1577 : vector<16xi1>, vector<16xi32>
      %broadcast_in_dim3A_1635 = vector.shape_cast %select_n3A_1634 : vector<16xi32> to vector<16x1xi32>
      %gather3A_1636 = vector.shape_cast %broadcast_in_dim3A_1635 : vector<16x1xi32> to vector<16xi32>
      %gather3A_1637 = tpu.dynamic_gather %bitcast3A_206[%gather3A_1636] in [0] : vector<16xi32>, vector<16xi32> -> vector<16xi32>
      %bitcast3A_1638 = vector.bitcast %gather3A_1637 : vector<16xi32> to vector<32xbf16>
      %get3A_1639 = arith.constant 45 : i32
      %get3A_1640 = arith.index_cast %get3A_1639 : i32 to index
      %get3A_1641 = arith.constant 0 : index
      %get3A_1642 = tpu.vector_load %arg10[%get3A_1640, %get3A_1641] {strides = array<i32>} : memref<64x32xi32, #tpu.memory_space<vmem>>, vector<16xi32>,
      %bitcast3A_1643 = vector.bitcast %get3A_1642 : vector<16xi32> to vector<32xbf16>
      %get3A_1644 = arith.constant 45 : i32
      %get3A_1645 = arith.index_cast %get3A_1644 : i32 to index
      %get3A_1646 = arith.constant 16 : index
      %get3A_1647 = tpu.vector_load %arg10[%get3A_1645, %get3A_1646] {strides = array<i32>} : memref<64x32xi32, #tpu.memory_space<vmem>>, vector<16xi32>,
      %bitcast3A_1648 = vector.bitcast %get3A_1647 : vector<16xi32> to vector<32xbf16>
      %mul3A_1649 = arith.mulf %bitcast3A_1638, %bitcast3A_1643 : vector<32xbf16>
      %add3A_1650 = arith.addf %add3A_1625, %mul3A_1649 : vector<32xbf16>
      %mul3A_1651 = arith.mulf %bitcast3A_1638, %bitcast3A_1648 : vector<32xbf16>
      %add3A_1652 = arith.addf %add3A_1627, %mul3A_1651 : vector<32xbf16>
      %lt3A_1653 = arith.constant 0 : i32
      %lt3A_1654 = vector.broadcast %lt3A_1653 : i32 to vector<16xi32>
      %lt3A_1655 = arith.cmpi slt, %broadcast_in_dim3A_1577, %lt3A_1654 : vector<16xi32>
      %add3A_1656 = arith.constant 16 : i32
      %add3A_1657 = vector.broadcast %add3A_1656 : i32 to vector<16xi32>
      %add3A_1658 = arith.addi %broadcast_in_dim3A_1577, %add3A_1657 : vector<16xi32>
      %select_n3A_1659 = arith.select %lt3A_1655, %add3A_1658, %broadcast_in_dim3A_1577 : vector<16xi1>, vector<16xi32>
      %broadcast_in_dim3A_1660 = vector.shape_cast %select_n3A_1659 : vector<16xi32> to vector<16x1xi32>
      %gather3A_1661 = vector.shape_cast %broadcast_in_dim3A_1660 : vector<16x1xi32> to vector<16xi32>
      %gather3A_1662 = tpu.dynamic_gather %bitcast3A_208[%gather3A_1661] in [0] : vector<16xi32>, vector<16xi32> -> vector<16xi32>
      %bitcast3A_1663 = vector.bitcast %gather3A_1662 : vector<16xi32> to vector<32xbf16>
      %get3A_1664 = arith.constant 61 : i32
      %get3A_1665 = arith.index_cast %get3A_1664 : i32 to index
      %get3A_1666 = arith.constant 0 : index
      %get3A_1667 = tpu.vector_load %arg10[%get3A_1665, %get3A_1666] {strides = array<i32>} : memref<64x32xi32, #tpu.memory_space<vmem>>, vector<16xi32>,
      %bitcast3A_1668 = vector.bitcast %get3A_1667 : vector<16xi32> to vector<32xbf16>
      %get3A_1669 = arith.constant 61 : i32
      %get3A_1670 = arith.index_cast %get3A_1669 : i32 to index
      %get3A_1671 = arith.constant 16 : index
      %get3A_1672 = tpu.vector_load %arg10[%get3A_1670, %get3A_1671] {strides = array<i32>} : memref<64x32xi32, #tpu.memory_space<vmem>>, vector<16xi32>,
      %bitcast3A_1673 = vector.bitcast %get3A_1672 : vector<16xi32> to vector<32xbf16>
      %mul3A_1674 = arith.mulf %bitcast3A_1663, %bitcast3A_1668 : vector<32xbf16>
      %add3A_1675 = arith.addf %add3A_1650, %mul3A_1674 : vector<32xbf16>
      %mul3A_1676 = arith.mulf %bitcast3A_1663, %bitcast3A_1673 : vector<32xbf16>
      %add3A_1677 = arith.addf %add3A_1652, %mul3A_1676 : vector<32xbf16>
      %broadcast_in_dim3A_1678 = arith.constant 14 : i32
      %broadcast_in_dim3A_1679 = vector.broadcast %broadcast_in_dim3A_1678 : i32 to vector<16xi32>
      %lt3A_1680 = arith.constant 0 : i32
      %lt3A_1681 = vector.broadcast %lt3A_1680 : i32 to vector<16xi32>
      %lt3A_1682 = arith.cmpi slt, %broadcast_in_dim3A_1679, %lt3A_1681 : vector<16xi32>
      %add3A_1683 = arith.constant 16 : i32
      %add3A_1684 = vector.broadcast %add3A_1683 : i32 to vector<16xi32>
      %add3A_1685 = arith.addi %broadcast_in_dim3A_1679, %add3A_1684 : vector<16xi32>
      %select_n3A_1686 = arith.select %lt3A_1682, %add3A_1685, %broadcast_in_dim3A_1679 : vector<16xi1>, vector<16xi32>
      %broadcast_in_dim3A_1687 = vector.shape_cast %select_n3A_1686 : vector<16xi32> to vector<16x1xi32>
      %gather3A_1688 = vector.shape_cast %broadcast_in_dim3A_1687 : vector<16x1xi32> to vector<16xi32>
      %gather3A_1689 = tpu.dynamic_gather %bitcast3A_202[%gather3A_1688] in [0] : vector<16xi32>, vector<16xi32> -> vector<16xi32>
      %bitcast3A_1690 = vector.bitcast %gather3A_1689 : vector<16xi32> to vector<32xbf16>
      %get3A_1691 = arith.constant 14 : i32
      %get3A_1692 = arith.index_cast %get3A_1691 : i32 to index
      %get3A_1693 = arith.constant 0 : index
      %get3A_1694 = tpu.vector_load %arg10[%get3A_1692, %get3A_1693] {strides = array<i32>} : memref<64x32xi32, #tpu.memory_space<vmem>>, vector<16xi32>,
      %bitcast3A_1695 = vector.bitcast %get3A_1694 : vector<16xi32> to vector<32xbf16>
      %get3A_1696 = arith.constant 14 : i32
      %get3A_1697 = arith.index_cast %get3A_1696 : i32 to index
      %get3A_1698 = arith.constant 16 : index
      %get3A_1699 = tpu.vector_load %arg10[%get3A_1697, %get3A_1698] {strides = array<i32>} : memref<64x32xi32, #tpu.memory_space<vmem>>, vector<16xi32>,
      %bitcast3A_1700 = vector.bitcast %get3A_1699 : vector<16xi32> to vector<32xbf16>
      %mul3A_1701 = arith.mulf %bitcast3A_1690, %bitcast3A_1695 : vector<32xbf16>
      %add3A_1702 = arith.addf %add3A_1675, %mul3A_1701 : vector<32xbf16>
      %mul3A_1703 = arith.mulf %bitcast3A_1690, %bitcast3A_1700 : vector<32xbf16>
      %add3A_1704 = arith.addf %add3A_1677, %mul3A_1703 : vector<32xbf16>
      %lt3A_1705 = arith.constant 0 : i32
      %lt3A_1706 = vector.broadcast %lt3A_1705 : i32 to vector<16xi32>
      %lt3A_1707 = arith.cmpi slt, %broadcast_in_dim3A_1679, %lt3A_1706 : vector<16xi32>
      %add3A_1708 = arith.constant 16 : i32
      %add3A_1709 = vector.broadcast %add3A_1708 : i32 to vector<16xi32>
      %add3A_1710 = arith.addi %broadcast_in_dim3A_1679, %add3A_1709 : vector<16xi32>
      %select_n3A_1711 = arith.select %lt3A_1707, %add3A_1710, %broadcast_in_dim3A_1679 : vector<16xi1>, vector<16xi32>
      %broadcast_in_dim3A_1712 = vector.shape_cast %select_n3A_1711 : vector<16xi32> to vector<16x1xi32>
      %gather3A_1713 = vector.shape_cast %broadcast_in_dim3A_1712 : vector<16x1xi32> to vector<16xi32>
      %gather3A_1714 = tpu.dynamic_gather %bitcast3A_204[%gather3A_1713] in [0] : vector<16xi32>, vector<16xi32> -> vector<16xi32>
      %bitcast3A_1715 = vector.bitcast %gather3A_1714 : vector<16xi32> to vector<32xbf16>
      %get3A_1716 = arith.constant 30 : i32
      %get3A_1717 = arith.index_cast %get3A_1716 : i32 to index
      %get3A_1718 = arith.constant 0 : index
      %get3A_1719 = tpu.vector_load %arg10[%get3A_1717, %get3A_1718] {strides = array<i32>} : memref<64x32xi32, #tpu.memory_space<vmem>>, vector<16xi32>,
      %bitcast3A_1720 = vector.bitcast %get3A_1719 : vector<16xi32> to vector<32xbf16>
      %get3A_1721 = arith.constant 30 : i32
      %get3A_1722 = arith.index_cast %get3A_1721 : i32 to index
      %get3A_1723 = arith.constant 16 : index
      %get3A_1724 = tpu.vector_load %arg10[%get3A_1722, %get3A_1723] {strides = array<i32>} : memref<64x32xi32, #tpu.memory_space<vmem>>, vector<16xi32>,
      %bitcast3A_1725 = vector.bitcast %get3A_1724 : vector<16xi32> to vector<32xbf16>
      %mul3A_1726 = arith.mulf %bitcast3A_1715, %bitcast3A_1720 : vector<32xbf16>
      %add3A_1727 = arith.addf %add3A_1702, %mul3A_1726 : vector<32xbf16>
      %mul3A_1728 = arith.mulf %bitcast3A_1715, %bitcast3A_1725 : vector<32xbf16>
      %add3A_1729 = arith.addf %add3A_1704, %mul3A_1728 : vector<32xbf16>
      %lt3A_1730 = arith.constant 0 : i32
      %lt3A_1731 = vector.broadcast %lt3A_1730 : i32 to vector<16xi32>
      %lt3A_1732 = arith.cmpi slt, %broadcast_in_dim3A_1679, %lt3A_1731 : vector<16xi32>
      %add3A_1733 = arith.constant 16 : i32
      %add3A_1734 = vector.broadcast %add3A_1733 : i32 to vector<16xi32>
      %add3A_1735 = arith.addi %broadcast_in_dim3A_1679, %add3A_1734 : vector<16xi32>
      %select_n3A_1736 = arith.select %lt3A_1732, %add3A_1735, %broadcast_in_dim3A_1679 : vector<16xi1>, vector<16xi32>
      %broadcast_in_dim3A_1737 = vector.shape_cast %select_n3A_1736 : vector<16xi32> to vector<16x1xi32>
      %gather3A_1738 = vector.shape_cast %broadcast_in_dim3A_1737 : vector<16x1xi32> to vector<16xi32>
      %gather3A_1739 = tpu.dynamic_gather %bitcast3A_206[%gather3A_1738] in [0] : vector<16xi32>, vector<16xi32> -> vector<16xi32>
      %bitcast3A_1740 = vector.bitcast %gather3A_1739 : vector<16xi32> to vector<32xbf16>
      %get3A_1741 = arith.constant 46 : i32
      %get3A_1742 = arith.index_cast %get3A_1741 : i32 to index
      %get3A_1743 = arith.constant 0 : index
      %get3A_1744 = tpu.vector_load %arg10[%get3A_1742, %get3A_1743] {strides = array<i32>} : memref<64x32xi32, #tpu.memory_space<vmem>>, vector<16xi32>,
      %bitcast3A_1745 = vector.bitcast %get3A_1744 : vector<16xi32> to vector<32xbf16>
      %get3A_1746 = arith.constant 46 : i32
      %get3A_1747 = arith.index_cast %get3A_1746 : i32 to index
      %get3A_1748 = arith.constant 16 : index
      %get3A_1749 = tpu.vector_load %arg10[%get3A_1747, %get3A_1748] {strides = array<i32>} : memref<64x32xi32, #tpu.memory_space<vmem>>, vector<16xi32>,
      %bitcast3A_1750 = vector.bitcast %get3A_1749 : vector<16xi32> to vector<32xbf16>
      %mul3A_1751 = arith.mulf %bitcast3A_1740, %bitcast3A_1745 : vector<32xbf16>
      %add3A_1752 = arith.addf %add3A_1727, %mul3A_1751 : vector<32xbf16>
      %mul3A_1753 = arith.mulf %bitcast3A_1740, %bitcast3A_1750 : vector<32xbf16>
      %add3A_1754 = arith.addf %add3A_1729, %mul3A_1753 : vector<32xbf16>
      %lt3A_1755 = arith.constant 0 : i32
      %lt3A_1756 = vector.broadcast %lt3A_1755 : i32 to vector<16xi32>
      %lt3A_1757 = arith.cmpi slt, %broadcast_in_dim3A_1679, %lt3A_1756 : vector<16xi32>
      %add3A_1758 = arith.constant 16 : i32
      %add3A_1759 = vector.broadcast %add3A_1758 : i32 to vector<16xi32>
      %add3A_1760 = arith.addi %broadcast_in_dim3A_1679, %add3A_1759 : vector<16xi32>
      %select_n3A_1761 = arith.select %lt3A_1757, %add3A_1760, %broadcast_in_dim3A_1679 : vector<16xi1>, vector<16xi32>
      %broadcast_in_dim3A_1762 = vector.shape_cast %select_n3A_1761 : vector<16xi32> to vector<16x1xi32>
      %gather3A_1763 = vector.shape_cast %broadcast_in_dim3A_1762 : vector<16x1xi32> to vector<16xi32>
      %gather3A_1764 = tpu.dynamic_gather %bitcast3A_208[%gather3A_1763] in [0] : vector<16xi32>, vector<16xi32> -> vector<16xi32>
      %bitcast3A_1765 = vector.bitcast %gather3A_1764 : vector<16xi32> to vector<32xbf16>
      %get3A_1766 = arith.constant 62 : i32
      %get3A_1767 = arith.index_cast %get3A_1766 : i32 to index
      %get3A_1768 = arith.constant 0 : index
      %get3A_1769 = tpu.vector_load %arg10[%get3A_1767, %get3A_1768] {strides = array<i32>} : memref<64x32xi32, #tpu.memory_space<vmem>>, vector<16xi32>,
      %bitcast3A_1770 = vector.bitcast %get3A_1769 : vector<16xi32> to vector<32xbf16>
      %get3A_1771 = arith.constant 62 : i32
      %get3A_1772 = arith.index_cast %get3A_1771 : i32 to index
      %get3A_1773 = arith.constant 16 : index
      %get3A_1774 = tpu.vector_load %arg10[%get3A_1772, %get3A_1773] {strides = array<i32>} : memref<64x32xi32, #tpu.memory_space<vmem>>, vector<16xi32>,
      %bitcast3A_1775 = vector.bitcast %get3A_1774 : vector<16xi32> to vector<32xbf16>
      %mul3A_1776 = arith.mulf %bitcast3A_1765, %bitcast3A_1770 : vector<32xbf16>
      %add3A_1777 = arith.addf %add3A_1752, %mul3A_1776 : vector<32xbf16>
      %mul3A_1778 = arith.mulf %bitcast3A_1765, %bitcast3A_1775 : vector<32xbf16>
      %add3A_1779 = arith.addf %add3A_1754, %mul3A_1778 : vector<32xbf16>
      %broadcast_in_dim3A_1780 = arith.constant 15 : i32
      %broadcast_in_dim3A_1781 = vector.broadcast %broadcast_in_dim3A_1780 : i32 to vector<16xi32>
      %lt3A_1782 = arith.constant 0 : i32
      %lt3A_1783 = vector.broadcast %lt3A_1782 : i32 to vector<16xi32>
      %lt3A_1784 = arith.cmpi slt, %broadcast_in_dim3A_1781, %lt3A_1783 : vector<16xi32>
      %add3A_1785 = arith.constant 16 : i32
      %add3A_1786 = vector.broadcast %add3A_1785 : i32 to vector<16xi32>
      %add3A_1787 = arith.addi %broadcast_in_dim3A_1781, %add3A_1786 : vector<16xi32>
      %select_n3A_1788 = arith.select %lt3A_1784, %add3A_1787, %broadcast_in_dim3A_1781 : vector<16xi1>, vector<16xi32>
      %broadcast_in_dim3A_1789 = vector.shape_cast %select_n3A_1788 : vector<16xi32> to vector<16x1xi32>
      %gather3A_1790 = vector.shape_cast %broadcast_in_dim3A_1789 : vector<16x1xi32> to vector<16xi32>
      %gather3A_1791 = tpu.dynamic_gather %bitcast3A_202[%gather3A_1790] in [0] : vector<16xi32>, vector<16xi32> -> vector<16xi32>
      %bitcast3A_1792 = vector.bitcast %gather3A_1791 : vector<16xi32> to vector<32xbf16>
      %get3A_1793 = arith.constant 15 : i32
      %get3A_1794 = arith.index_cast %get3A_1793 : i32 to index
      %get3A_1795 = arith.constant 0 : index
      %get3A_1796 = tpu.vector_load %arg10[%get3A_1794, %get3A_1795] {strides = array<i32>} : memref<64x32xi32, #tpu.memory_space<vmem>>, vector<16xi32>,
      %bitcast3A_1797 = vector.bitcast %get3A_1796 : vector<16xi32> to vector<32xbf16>
      %get3A_1798 = arith.constant 15 : i32
      %get3A_1799 = arith.index_cast %get3A_1798 : i32 to index
      %get3A_1800 = arith.constant 16 : index
      %get3A_1801 = tpu.vector_load %arg10[%get3A_1799, %get3A_1800] {strides = array<i32>} : memref<64x32xi32, #tpu.memory_space<vmem>>, vector<16xi32>,
      %bitcast3A_1802 = vector.bitcast %get3A_1801 : vector<16xi32> to vector<32xbf16>
      %mul3A_1803 = arith.mulf %bitcast3A_1792, %bitcast3A_1797 : vector<32xbf16>
      %add3A_1804 = arith.addf %add3A_1777, %mul3A_1803 : vector<32xbf16>
      %mul3A_1805 = arith.mulf %bitcast3A_1792, %bitcast3A_1802 : vector<32xbf16>
      %add3A_1806 = arith.addf %add3A_1779, %mul3A_1805 : vector<32xbf16>
      %lt3A_1807 = arith.constant 0 : i32
      %lt3A_1808 = vector.broadcast %lt3A_1807 : i32 to vector<16xi32>
      %lt3A_1809 = arith.cmpi slt, %broadcast_in_dim3A_1781, %lt3A_1808 : vector<16xi32>
      %add3A_1810 = arith.constant 16 : i32
      %add3A_1811 = vector.broadcast %add3A_1810 : i32 to vector<16xi32>
      %add3A_1812 = arith.addi %broadcast_in_dim3A_1781, %add3A_1811 : vector<16xi32>
      %select_n3A_1813 = arith.select %lt3A_1809, %add3A_1812, %broadcast_in_dim3A_1781 : vector<16xi1>, vector<16xi32>
      %broadcast_in_dim3A_1814 = vector.shape_cast %select_n3A_1813 : vector<16xi32> to vector<16x1xi32>
      %gather3A_1815 = vector.shape_cast %broadcast_in_dim3A_1814 : vector<16x1xi32> to vector<16xi32>
      %gather3A_1816 = tpu.dynamic_gather %bitcast3A_204[%gather3A_1815] in [0] : vector<16xi32>, vector<16xi32> -> vector<16xi32>
      %bitcast3A_1817 = vector.bitcast %gather3A_1816 : vector<16xi32> to vector<32xbf16>
      %get3A_1818 = arith.constant 31 : i32
      %get3A_1819 = arith.index_cast %get3A_1818 : i32 to index
      %get3A_1820 = arith.constant 0 : index
      %get3A_1821 = tpu.vector_load %arg10[%get3A_1819, %get3A_1820] {strides = array<i32>} : memref<64x32xi32, #tpu.memory_space<vmem>>, vector<16xi32>,
      %bitcast3A_1822 = vector.bitcast %get3A_1821 : vector<16xi32> to vector<32xbf16>
      %get3A_1823 = arith.constant 31 : i32
      %get3A_1824 = arith.index_cast %get3A_1823 : i32 to index
      %get3A_1825 = arith.constant 16 : index
      %get3A_1826 = tpu.vector_load %arg10[%get3A_1824, %get3A_1825] {strides = array<i32>} : memref<64x32xi32, #tpu.memory_space<vmem>>, vector<16xi32>,
      %bitcast3A_1827 = vector.bitcast %get3A_1826 : vector<16xi32> to vector<32xbf16>
      %mul3A_1828 = arith.mulf %bitcast3A_1817, %bitcast3A_1822 : vector<32xbf16>
      %add3A_1829 = arith.addf %add3A_1804, %mul3A_1828 : vector<32xbf16>
      %mul3A_1830 = arith.mulf %bitcast3A_1817, %bitcast3A_1827 : vector<32xbf16>
      %add3A_1831 = arith.addf %add3A_1806, %mul3A_1830 : vector<32xbf16>
      %lt3A_1832 = arith.constant 0 : i32
      %lt3A_1833 = vector.broadcast %lt3A_1832 : i32 to vector<16xi32>
      %lt3A_1834 = arith.cmpi slt, %broadcast_in_dim3A_1781, %lt3A_1833 : vector<16xi32>
      %add3A_1835 = arith.constant 16 : i32
      %add3A_1836 = vector.broadcast %add3A_1835 : i32 to vector<16xi32>
      %add3A_1837 = arith.addi %broadcast_in_dim3A_1781, %add3A_1836 : vector<16xi32>
      %select_n3A_1838 = arith.select %lt3A_1834, %add3A_1837, %broadcast_in_dim3A_1781 : vector<16xi1>, vector<16xi32>
      %broadcast_in_dim3A_1839 = vector.shape_cast %select_n3A_1838 : vector<16xi32> to vector<16x1xi32>
      %gather3A_1840 = vector.shape_cast %broadcast_in_dim3A_1839 : vector<16x1xi32> to vector<16xi32>
      %gather3A_1841 = tpu.dynamic_gather %bitcast3A_206[%gather3A_1840] in [0] : vector<16xi32>, vector<16xi32> -> vector<16xi32>
      %bitcast3A_1842 = vector.bitcast %gather3A_1841 : vector<16xi32> to vector<32xbf16>
      %get3A_1843 = arith.constant 47 : i32
      %get3A_1844 = arith.index_cast %get3A_1843 : i32 to index
      %get3A_1845 = arith.constant 0 : index
      %get3A_1846 = tpu.vector_load %arg10[%get3A_1844, %get3A_1845] {strides = array<i32>} : memref<64x32xi32, #tpu.memory_space<vmem>>, vector<16xi32>,
      %bitcast3A_1847 = vector.bitcast %get3A_1846 : vector<16xi32> to vector<32xbf16>
      %get3A_1848 = arith.constant 47 : i32
      %get3A_1849 = arith.index_cast %get3A_1848 : i32 to index
      %get3A_1850 = arith.constant 16 : index
      %get3A_1851 = tpu.vector_load %arg10[%get3A_1849, %get3A_1850] {strides = array<i32>} : memref<64x32xi32, #tpu.memory_space<vmem>>, vector<16xi32>,
      %bitcast3A_1852 = vector.bitcast %get3A_1851 : vector<16xi32> to vector<32xbf16>
      %mul3A_1853 = arith.mulf %bitcast3A_1842, %bitcast3A_1847 : vector<32xbf16>
      %add3A_1854 = arith.addf %add3A_1829, %mul3A_1853 : vector<32xbf16>
      %mul3A_1855 = arith.mulf %bitcast3A_1842, %bitcast3A_1852 : vector<32xbf16>
      %add3A_1856 = arith.addf %add3A_1831, %mul3A_1855 : vector<32xbf16>
      %lt3A_1857 = arith.constant 0 : i32
      %lt3A_1858 = vector.broadcast %lt3A_1857 : i32 to vector<16xi32>
      %lt3A_1859 = arith.cmpi slt, %broadcast_in_dim3A_1781, %lt3A_1858 : vector<16xi32>
      %add3A_1860 = arith.constant 16 : i32
      %add3A_1861 = vector.broadcast %add3A_1860 : i32 to vector<16xi32>
      %add3A_1862 = arith.addi %broadcast_in_dim3A_1781, %add3A_1861 : vector<16xi32>
      %select_n3A_1863 = arith.select %lt3A_1859, %add3A_1862, %broadcast_in_dim3A_1781 : vector<16xi1>, vector<16xi32>
      %broadcast_in_dim3A_1864 = vector.shape_cast %select_n3A_1863 : vector<16xi32> to vector<16x1xi32>
      %gather3A_1865 = vector.shape_cast %broadcast_in_dim3A_1864 : vector<16x1xi32> to vector<16xi32>
      %gather3A_1866 = tpu.dynamic_gather %bitcast3A_208[%gather3A_1865] in [0] : vector<16xi32>, vector<16xi32> -> vector<16xi32>
      %bitcast3A_1867 = vector.bitcast %gather3A_1866 : vector<16xi32> to vector<32xbf16>
      %get3A_1868 = arith.constant 63 : i32
      %get3A_1869 = arith.index_cast %get3A_1868 : i32 to index
      %get3A_1870 = arith.constant 0 : index
      %get3A_1871 = tpu.vector_load %arg10[%get3A_1869, %get3A_1870] {strides = array<i32>} : memref<64x32xi32, #tpu.memory_space<vmem>>, vector<16xi32>,
      %bitcast3A_1872 = vector.bitcast %get3A_1871 : vector<16xi32> to vector<32xbf16>
      %get3A_1873 = arith.constant 63 : i32
      %get3A_1874 = arith.index_cast %get3A_1873 : i32 to index
      %get3A_1875 = arith.constant 16 : index
      %get3A_1876 = tpu.vector_load %arg10[%get3A_1874, %get3A_1875] {strides = array<i32>} : memref<64x32xi32, #tpu.memory_space<vmem>>, vector<16xi32>,
      %bitcast3A_1877 = vector.bitcast %get3A_1876 : vector<16xi32> to vector<32xbf16>
      %mul3A_1878 = arith.mulf %bitcast3A_1867, %bitcast3A_1872 : vector<32xbf16>
      %add3A_1879 = arith.addf %add3A_1854, %mul3A_1878 : vector<32xbf16>
      %mul3A_1880 = arith.mulf %bitcast3A_1867, %bitcast3A_1877 : vector<32xbf16>
      %add3A_1881 = arith.addf %add3A_1856, %mul3A_1880 : vector<32xbf16>
      %unpack3A = tpu.unpack_subelements %add3A_1879, 0 {pack_format = #tpu.pack_format<interleaved>} : vector<32xbf16> -> vector<16xf32>
      %unpack3A_1882 = tpu.unpack_subelements %add3A_1879, 1 {pack_format = #tpu.pack_format<interleaved>} : vector<32xbf16> -> vector<16xf32>
      %unpack3A_1883 = tpu.unpack_subelements %add3A_1881, 0 {pack_format = #tpu.pack_format<interleaved>} : vector<32xbf16> -> vector<16xf32>
      %unpack3A_1884 = tpu.unpack_subelements %add3A_1881, 1 {pack_format = #tpu.pack_format<interleaved>} : vector<32xbf16> -> vector<16xf32>
      %mul3A_1885 = arith.mulf %unpack3A, %mul3A_230 : vector<16xf32>
      %mul3A_1886 = arith.mulf %unpack3A_1882, %mul3A_235 : vector<16xf32>
      %mul3A_1887 = arith.mulf %unpack3A_1883, %mul3A_240 : vector<16xf32>
      %mul3A_1888 = arith.mulf %unpack3A_1884, %mul3A_245 : vector<16xf32>
      %max3A_1889 = arith.maximumf %mul3A_1885, %mul3A_1886 : vector<16xf32>
      %max3A_1890 = arith.maximumf %mul3A_1887, %mul3A_1888 : vector<16xf32>
      %max3A_1891 = arith.maximumf %max3A_1889, %max3A_1890 : vector<16xf32>
      %reduce_max3A_1892 = arith.constant true
      %reduce_max3A_1893 = vector.broadcast %reduce_max3A_1892 : i1 to vector<16xi1>
      %reduce_max3A_1894 = tpu.scan <max>, %max3A_1891 masked %reduce_max3A_1893 : vector<16xf32>, vector<16xi1> -> vector<16xf32>
      %reduce_max3A_1895 = vector.extract %reduce_max3A_1894[15] : f32 from vector<16xf32>
      %broadcast_in_dim3A_1896 = vector.broadcast %reduce_max3A_1895 : f32 to vector<16xf32>
      %bitcast3A_1897 = vector.bitcast %broadcast_in_dim3A_1896 : vector<16xf32> to vector<16xi32>
      %shift_right_arithmetic3A_1898 = arith.constant 23 : i32
      %shift_right_arithmetic3A_1899 = vector.broadcast %shift_right_arithmetic3A_1898 : i32 to vector<16xi32>
      %shift_right_arithmetic3A_1900 = arith.shrsi %bitcast3A_1897, %shift_right_arithmetic3A_1899 : vector<16xi32>
      %sub3A_1901 = arith.constant 127 : i32
      %sub3A_1902 = vector.broadcast %sub3A_1901 : i32 to vector<16xi32>
      %sub3A_1903 = arith.subi %shift_right_arithmetic3A_1900, %sub3A_1902 : vector<16xi32>
      %add3A_1904 = arith.addi %while3A_196, %while3A_197 : vector<16xi32>
      scf.yield %add3A_1904, %sub3A_1903, %mul3A_1885, %mul3A_1886, %mul3A_1887, %mul3A_1888 : vector<16xi32>, vector<16xi32>, vector<16xf32>, vector<16xf32>, vector<16xf32>, vector<16xf32>
    }
    %while3A_93 = arith.constant 1 : i32
    %while3A_94:6 = scf.for %while3A_195 = %while3A_90 to %while3A_86 step %while3A_93 iter_args(%while3A_196 = %while3A_92#0, %while3A_197 = %while3A_92#1, %while3A_198 = %while3A_92#2, %while3A_199 = %while3A_92#3, %while3A_200 = %while3A_92#4, %while3A_201 = %while3A_92#5) -> (vector<16xi32>, vector<16xi32>, vector<16xf32>, vector<16xf32>, vector<16xf32>, vector<16xf32>)  : i32 {
      %pack3A = tpu.pack_subelements %while3A_198, %while3A_198 {pack_format = #tpu.pack_format<interleaved>, positions = array<i32: 0, 1>} : vector<16xf32>, vector<16xf32> -> vector<32xbf16>
      %bitcast3A_202 = vector.bitcast %pack3A : vector<32xbf16> to vector<16xi32>
      %pack3A_203 = tpu.pack_subelements %while3A_199, %while3A_199 {pack_format = #tpu.pack_format<interleaved>, positions = array<i32: 0, 1>} : vector<16xf32>, vector<16xf32> -> vector<32xbf16>
      %bitcast3A_204 = vector.bitcast %pack3A_203 : vector<32xbf16> to vector<16xi32>
      %pack3A_205 = tpu.pack_subelements %while3A_200, %while3A_200 {pack_format = #tpu.pack_format<interleaved>, positions = array<i32: 0, 1>} : vector<16xf32>, vector<16xf32> -> vector<32xbf16>
      %bitcast3A_206 = vector.bitcast %pack3A_205 : vector<32xbf16> to vector<16xi32>
      %pack3A_207 = tpu.pack_subelements %while3A_201, %while3A_201 {pack_format = #tpu.pack_format<interleaved>, positions = array<i32: 0, 1>} : vector<16xf32>, vector<16xf32> -> vector<32xbf16>
      %bitcast3A_208 = vector.bitcast %pack3A_207 : vector<32xbf16> to vector<16xi32>
      %sub3A_209 = arith.constant 127 : i32
      %sub3A_210 = vector.broadcast %sub3A_209 : i32 to vector<16xi32>
      %sub3A_211 = arith.subi %sub3A_210, %while3A_197 : vector<16xi32>
      %shift_left3A = arith.constant 23 : i32
      %shift_left3A_212 = vector.broadcast %shift_left3A : i32 to vector<16xi32>
      %shift_left3A_213 = arith.shli %sub3A_211, %shift_left3A_212 : vector<16xi32>
      %bitcast3A_214 = vector.bitcast %shift_left3A_213 : vector<16xi32> to vector<16xf32>
      %get3A_215 = arith.index_cast %while3A_195 : i32 to index
      %get3A_216 = arith.constant 0 : index
      %get3A_217 = tpu.vector_load %arg8[%get3A_215, %get3A_216] {strides = array<i32>} : memref<512x64xf32, #tpu.memory_space<vmem>>, vector<16xf32>,
      %get3A_218 = arith.index_cast %while3A_195 : i32 to index
      %get3A_219 = arith.constant 16 : index
      %get3A_220 = tpu.vector_load %arg8[%get3A_218, %get3A_219] {strides = array<i32>} : memref<512x64xf32, #tpu.memory_space<vmem>>, vector<16xf32>,
      %get3A_221 = arith.index_cast %while3A_195 : i32 to index
      %get3A_222 = arith.constant 32 : index
      %get3A_223 = tpu.vector_load %arg8[%get3A_221, %get3A_222] {strides = array<i32>} : memref<512x64xf32, #tpu.memory_space<vmem>>, vector<16xf32>,
      %get3A_224 = arith.index_cast %while3A_195 : i32 to index
      %get3A_225 = arith.constant 48 : index
      %get3A_226 = tpu.vector_load %arg8[%get3A_224, %get3A_225] {strides = array<i32>} : memref<512x64xf32, #tpu.memory_space<vmem>>, vector<16xf32>,
      %min3A = arith.constant 8.000000e+01 : f32
      %min3A_227 = vector.broadcast %min3A : f32 to vector<16xf32>
      %min3A_228 = arith.minimumf %get3A_217, %min3A_227 : vector<16xf32>
      %exp3A_229 = math.exp %min3A_228 : vector<16xf32>
      %mul3A_230 = arith.mulf %exp3A_229, %bitcast3A_214 : vector<16xf32>
      %min3A_231 = arith.constant 8.000000e+01 : f32
      %min3A_232 = vector.broadcast %min3A_231 : f32 to vector<16xf32>
      %min3A_233 = arith.minimumf %get3A_220, %min3A_232 : vector<16xf32>
      %exp3A_234 = math.exp %min3A_233 : vector<16xf32>
      %mul3A_235 = arith.mulf %exp3A_234, %bitcast3A_214 : vector<16xf32>
      %min3A_236 = arith.constant 8.000000e+01 : f32
      %min3A_237 = vector.broadcast %min3A_236 : f32 to vector<16xf32>
      %min3A_238 = arith.minimumf %get3A_223, %min3A_237 : vector<16xf32>
      %exp3A_239 = math.exp %min3A_238 : vector<16xf32>
      %mul3A_240 = arith.mulf %exp3A_239, %bitcast3A_214 : vector<16xf32>
      %min3A_241 = arith.constant 8.000000e+01 : f32
      %min3A_242 = vector.broadcast %min3A_241 : f32 to vector<16xf32>
      %min3A_243 = arith.minimumf %get3A_226, %min3A_242 : vector<16xf32>
      %exp3A_244 = math.exp %min3A_243 : vector<16xf32>
      %mul3A_245 = arith.mulf %exp3A_244, %bitcast3A_214 : vector<16xf32>
      %broadcast_in_dim3A_246 = arith.constant 0.000000e+00 : bf16
      %broadcast_in_dim3A_247 = vector.broadcast %broadcast_in_dim3A_246 : bf16 to vector<32xbf16>
      %broadcast_in_dim3A_248 = arith.constant 0.000000e+00 : bf16
      %broadcast_in_dim3A_249 = vector.broadcast %broadcast_in_dim3A_248 : bf16 to vector<32xbf16>
      %broadcast_in_dim3A_250 = arith.constant 0 : i32
      %broadcast_in_dim3A_251 = vector.broadcast %broadcast_in_dim3A_250 : i32 to vector<16xi32>
      %lt3A_252 = arith.constant 0 : i32
      %lt3A_253 = vector.broadcast %lt3A_252 : i32 to vector<16xi32>
      %lt3A_254 = arith.cmpi slt, %broadcast_in_dim3A_251, %lt3A_253 : vector<16xi32>
      %add3A_255 = arith.constant 16 : i32
      %add3A_256 = vector.broadcast %add3A_255 : i32 to vector<16xi32>
      %add3A_257 = arith.addi %broadcast_in_dim3A_251, %add3A_256 : vector<16xi32>
      %select_n3A_258 = arith.select %lt3A_254, %add3A_257, %broadcast_in_dim3A_251 : vector<16xi1>, vector<16xi32>
      %broadcast_in_dim3A_259 = vector.shape_cast %select_n3A_258 : vector<16xi32> to vector<16x1xi32>
      %gather3A_260 = vector.shape_cast %broadcast_in_dim3A_259 : vector<16x1xi32> to vector<16xi32>
      %gather3A_261 = tpu.dynamic_gather %bitcast3A_202[%gather3A_260] in [0] : vector<16xi32>, vector<16xi32> -> vector<16xi32>
      %bitcast3A_262 = vector.bitcast %gather3A_261 : vector<16xi32> to vector<32xbf16>
      %get3A_263 = arith.constant 0 : i32
      %get3A_264 = arith.index_cast %get3A_263 : i32 to index
      %get3A_265 = arith.constant 0 : index
      %get3A_266 = tpu.vector_load %arg10[%get3A_264, %get3A_265] {strides = array<i32>} : memref<64x32xi32, #tpu.memory_space<vmem>>, vector<16xi32>,
      %bitcast3A_267 = vector.bitcast %get3A_266 : vector<16xi32> to vector<32xbf16>
      %get3A_268 = arith.constant 0 : i32
      %get3A_269 = arith.index_cast %get3A_268 : i32 to index
      %get3A_270 = arith.constant 16 : index
      %get3A_271 = tpu.vector_load %arg10[%get3A_269, %get3A_270] {strides = array<i32>} : memref<64x32xi32, #tpu.memory_space<vmem>>, vector<16xi32>,
      %bitcast3A_272 = vector.bitcast %get3A_271 : vector<16xi32> to vector<32xbf16>
      %mul3A_273 = arith.mulf %bitcast3A_262, %bitcast3A_267 : vector<32xbf16>
      %add3A_274 = arith.addf %broadcast_in_dim3A_247, %mul3A_273 : vector<32xbf16>
      %mul3A_275 = arith.mulf %bitcast3A_262, %bitcast3A_272 : vector<32xbf16>
      %add3A_276 = arith.addf %broadcast_in_dim3A_249, %mul3A_275 : vector<32xbf16>
      %lt3A_277 = arith.constant 0 : i32
      %lt3A_278 = vector.broadcast %lt3A_277 : i32 to vector<16xi32>
      %lt3A_279 = arith.cmpi slt, %broadcast_in_dim3A_251, %lt3A_278 : vector<16xi32>
      %add3A_280 = arith.constant 16 : i32
      %add3A_281 = vector.broadcast %add3A_280 : i32 to vector<16xi32>
      %add3A_282 = arith.addi %broadcast_in_dim3A_251, %add3A_281 : vector<16xi32>
      %select_n3A_283 = arith.select %lt3A_279, %add3A_282, %broadcast_in_dim3A_251 : vector<16xi1>, vector<16xi32>
      %broadcast_in_dim3A_284 = vector.shape_cast %select_n3A_283 : vector<16xi32> to vector<16x1xi32>
      %gather3A_285 = vector.shape_cast %broadcast_in_dim3A_284 : vector<16x1xi32> to vector<16xi32>
      %gather3A_286 = tpu.dynamic_gather %bitcast3A_204[%gather3A_285] in [0] : vector<16xi32>, vector<16xi32> -> vector<16xi32>
      %bitcast3A_287 = vector.bitcast %gather3A_286 : vector<16xi32> to vector<32xbf16>
      %get3A_288 = arith.constant 16 : i32
      %get3A_289 = arith.index_cast %get3A_288 : i32 to index
      %get3A_290 = arith.constant 0 : index
      %get3A_291 = tpu.vector_load %arg10[%get3A_289, %get3A_290] {strides = array<i32>} : memref<64x32xi32, #tpu.memory_space<vmem>>, vector<16xi32>,
      %bitcast3A_292 = vector.bitcast %get3A_291 : vector<16xi32> to vector<32xbf16>
      %get3A_293 = arith.constant 16 : i32
      %get3A_294 = arith.index_cast %get3A_293 : i32 to index
      %get3A_295 = arith.constant 16 : index
      %get3A_296 = tpu.vector_load %arg10[%get3A_294, %get3A_295] {strides = array<i32>} : memref<64x32xi32, #tpu.memory_space<vmem>>, vector<16xi32>,
      %bitcast3A_297 = vector.bitcast %get3A_296 : vector<16xi32> to vector<32xbf16>
      %mul3A_298 = arith.mulf %bitcast3A_287, %bitcast3A_292 : vector<32xbf16>
      %add3A_299 = arith.addf %add3A_274, %mul3A_298 : vector<32xbf16>
      %mul3A_300 = arith.mulf %bitcast3A_287, %bitcast3A_297 : vector<32xbf16>
      %add3A_301 = arith.addf %add3A_276, %mul3A_300 : vector<32xbf16>
      %lt3A_302 = arith.constant 0 : i32
      %lt3A_303 = vector.broadcast %lt3A_302 : i32 to vector<16xi32>
      %lt3A_304 = arith.cmpi slt, %broadcast_in_dim3A_251, %lt3A_303 : vector<16xi32>
      %add3A_305 = arith.constant 16 : i32
      %add3A_306 = vector.broadcast %add3A_305 : i32 to vector<16xi32>
      %add3A_307 = arith.addi %broadcast_in_dim3A_251, %add3A_306 : vector<16xi32>
      %select_n3A_308 = arith.select %lt3A_304, %add3A_307, %broadcast_in_dim3A_251 : vector<16xi1>, vector<16xi32>
      %broadcast_in_dim3A_309 = vector.shape_cast %select_n3A_308 : vector<16xi32> to vector<16x1xi32>
      %gather3A_310 = vector.shape_cast %broadcast_in_dim3A_309 : vector<16x1xi32> to vector<16xi32>
      %gather3A_311 = tpu.dynamic_gather %bitcast3A_206[%gather3A_310] in [0] : vector<16xi32>, vector<16xi32> -> vector<16xi32>
      %bitcast3A_312 = vector.bitcast %gather3A_311 : vector<16xi32> to vector<32xbf16>
      %get3A_313 = arith.constant 32 : i32
      %get3A_314 = arith.index_cast %get3A_313 : i32 to index
      %get3A_315 = arith.constant 0 : index
      %get3A_316 = tpu.vector_load %arg10[%get3A_314, %get3A_315] {strides = array<i32>} : memref<64x32xi32, #tpu.memory_space<vmem>>, vector<16xi32>,
      %bitcast3A_317 = vector.bitcast %get3A_316 : vector<16xi32> to vector<32xbf16>
      %get3A_318 = arith.constant 32 : i32
      %get3A_319 = arith.index_cast %get3A_318 : i32 to index
      %get3A_320 = arith.constant 16 : index
      %get3A_321 = tpu.vector_load %arg10[%get3A_319, %get3A_320] {strides = array<i32>} : memref<64x32xi32, #tpu.memory_space<vmem>>, vector<16xi32>,
      %bitcast3A_322 = vector.bitcast %get3A_321 : vector<16xi32> to vector<32xbf16>
      %mul3A_323 = arith.mulf %bitcast3A_312, %bitcast3A_317 : vector<32xbf16>
      %add3A_324 = arith.addf %add3A_299, %mul3A_323 : vector<32xbf16>
      %mul3A_325 = arith.mulf %bitcast3A_312, %bitcast3A_322 : vector<32xbf16>
      %add3A_326 = arith.addf %add3A_301, %mul3A_325 : vector<32xbf16>
      %lt3A_327 = arith.constant 0 : i32
      %lt3A_328 = vector.broadcast %lt3A_327 : i32 to vector<16xi32>
      %lt3A_329 = arith.cmpi slt, %broadcast_in_dim3A_251, %lt3A_328 : vector<16xi32>
      %add3A_330 = arith.constant 16 : i32
      %add3A_331 = vector.broadcast %add3A_330 : i32 to vector<16xi32>
      %add3A_332 = arith.addi %broadcast_in_dim3A_251, %add3A_331 : vector<16xi32>
      %select_n3A_333 = arith.select %lt3A_329, %add3A_332, %broadcast_in_dim3A_251 : vector<16xi1>, vector<16xi32>
      %broadcast_in_dim3A_334 = vector.shape_cast %select_n3A_333 : vector<16xi32> to vector<16x1xi32>
      %gather3A_335 = vector.shape_cast %broadcast_in_dim3A_334 : vector<16x1xi32> to vector<16xi32>
      %gather3A_336 = tpu.dynamic_gather %bitcast3A_208[%gather3A_335] in [0] : vector<16xi32>, vector<16xi32> -> vector<16xi32>
      %bitcast3A_337 = vector.bitcast %gather3A_336 : vector<16xi32> to vector<32xbf16>
      %get3A_338 = arith.constant 48 : i32
      %get3A_339 = arith.index_cast %get3A_338 : i32 to index
      %get3A_340 = arith.constant 0 : index
      %get3A_341 = tpu.vector_load %arg10[%get3A_339, %get3A_340] {strides = array<i32>} : memref<64x32xi32, #tpu.memory_space<vmem>>, vector<16xi32>,
      %bitcast3A_342 = vector.bitcast %get3A_341 : vector<16xi32> to vector<32xbf16>
      %get3A_343 = arith.constant 48 : i32
      %get3A_344 = arith.index_cast %get3A_343 : i32 to index
      %get3A_345 = arith.constant 16 : index
      %get3A_346 = tpu.vector_load %arg10[%get3A_344, %get3A_345] {strides = array<i32>} : memref<64x32xi32, #tpu.memory_space<vmem>>, vector<16xi32>,
      %bitcast3A_347 = vector.bitcast %get3A_346 : vector<16xi32> to vector<32xbf16>
      %mul3A_348 = arith.mulf %bitcast3A_337, %bitcast3A_342 : vector<32xbf16>
      %add3A_349 = arith.addf %add3A_324, %mul3A_348 : vector<32xbf16>
      %mul3A_350 = arith.mulf %bitcast3A_337, %bitcast3A_347 : vector<32xbf16>
      %add3A_351 = arith.addf %add3A_326, %mul3A_350 : vector<32xbf16>
      %broadcast_in_dim3A_352 = arith.constant 1 : i32
      %broadcast_in_dim3A_353 = vector.broadcast %broadcast_in_dim3A_352 : i32 to vector<16xi32>
      %lt3A_354 = arith.constant 0 : i32
      %lt3A_355 = vector.broadcast %lt3A_354 : i32 to vector<16xi32>
      %lt3A_356 = arith.cmpi slt, %broadcast_in_dim3A_353, %lt3A_355 : vector<16xi32>
      %add3A_357 = arith.constant 16 : i32
      %add3A_358 = vector.broadcast %add3A_357 : i32 to vector<16xi32>
      %add3A_359 = arith.addi %broadcast_in_dim3A_353, %add3A_358 : vector<16xi32>
      %select_n3A_360 = arith.select %lt3A_356, %add3A_359, %broadcast_in_dim3A_353 : vector<16xi1>, vector<16xi32>
      %broadcast_in_dim3A_361 = vector.shape_cast %select_n3A_360 : vector<16xi32> to vector<16x1xi32>
      %gather3A_362 = vector.shape_cast %broadcast_in_dim3A_361 : vector<16x1xi32> to vector<16xi32>
      %gather3A_363 = tpu.dynamic_gather %bitcast3A_202[%gather3A_362] in [0] : vector<16xi32>, vector<16xi32> -> vector<16xi32>
      %bitcast3A_364 = vector.bitcast %gather3A_363 : vector<16xi32> to vector<32xbf16>
      %get3A_365 = arith.constant 1 : i32
      %get3A_366 = arith.index_cast %get3A_365 : i32 to index
      %get3A_367 = arith.constant 0 : index
      %get3A_368 = tpu.vector_load %arg10[%get3A_366, %get3A_367] {strides = array<i32>} : memref<64x32xi32, #tpu.memory_space<vmem>>, vector<16xi32>,
      %bitcast3A_369 = vector.bitcast %get3A_368 : vector<16xi32> to vector<32xbf16>
      %get3A_370 = arith.constant 1 : i32
      %get3A_371 = arith.index_cast %get3A_370 : i32 to index
      %get3A_372 = arith.constant 16 : index
      %get3A_373 = tpu.vector_load %arg10[%get3A_371, %get3A_372] {strides = array<i32>} : memref<64x32xi32, #tpu.memory_space<vmem>>, vector<16xi32>,
      %bitcast3A_374 = vector.bitcast %get3A_373 : vector<16xi32> to vector<32xbf16>
      %mul3A_375 = arith.mulf %bitcast3A_364, %bitcast3A_369 : vector<32xbf16>
      %add3A_376 = arith.addf %add3A_349, %mul3A_375 : vector<32xbf16>
      %mul3A_377 = arith.mulf %bitcast3A_364, %bitcast3A_374 : vector<32xbf16>
      %add3A_378 = arith.addf %add3A_351, %mul3A_377 : vector<32xbf16>
      %lt3A_379 = arith.constant 0 : i32
      %lt3A_380 = vector.broadcast %lt3A_379 : i32 to vector<16xi32>
      %lt3A_381 = arith.cmpi slt, %broadcast_in_dim3A_353, %lt3A_380 : vector<16xi32>
      %add3A_382 = arith.constant 16 : i32
      %add3A_383 = vector.broadcast %add3A_382 : i32 to vector<16xi32>
      %add3A_384 = arith.addi %broadcast_in_dim3A_353, %add3A_383 : vector<16xi32>
      %select_n3A_385 = arith.select %lt3A_381, %add3A_384, %broadcast_in_dim3A_353 : vector<16xi1>, vector<16xi32>
      %broadcast_in_dim3A_386 = vector.shape_cast %select_n3A_385 : vector<16xi32> to vector<16x1xi32>
      %gather3A_387 = vector.shape_cast %broadcast_in_dim3A_386 : vector<16x1xi32> to vector<16xi32>
      %gather3A_388 = tpu.dynamic_gather %bitcast3A_204[%gather3A_387] in [0] : vector<16xi32>, vector<16xi32> -> vector<16xi32>
      %bitcast3A_389 = vector.bitcast %gather3A_388 : vector<16xi32> to vector<32xbf16>
      %get3A_390 = arith.constant 17 : i32
      %get3A_391 = arith.index_cast %get3A_390 : i32 to index
      %get3A_392 = arith.constant 0 : index
      %get3A_393 = tpu.vector_load %arg10[%get3A_391, %get3A_392] {strides = array<i32>} : memref<64x32xi32, #tpu.memory_space<vmem>>, vector<16xi32>,
      %bitcast3A_394 = vector.bitcast %get3A_393 : vector<16xi32> to vector<32xbf16>
      %get3A_395 = arith.constant 17 : i32
      %get3A_396 = arith.index_cast %get3A_395 : i32 to index
      %get3A_397 = arith.constant 16 : index
      %get3A_398 = tpu.vector_load %arg10[%get3A_396, %get3A_397] {strides = array<i32>} : memref<64x32xi32, #tpu.memory_space<vmem>>, vector<16xi32>,
      %bitcast3A_399 = vector.bitcast %get3A_398 : vector<16xi32> to vector<32xbf16>
      %mul3A_400 = arith.mulf %bitcast3A_389, %bitcast3A_394 : vector<32xbf16>
      %add3A_401 = arith.addf %add3A_376, %mul3A_400 : vector<32xbf16>
      %mul3A_402 = arith.mulf %bitcast3A_389, %bitcast3A_399 : vector<32xbf16>
      %add3A_403 = arith.addf %add3A_378, %mul3A_402 : vector<32xbf16>
      %lt3A_404 = arith.constant 0 : i32
      %lt3A_405 = vector.broadcast %lt3A_404 : i32 to vector<16xi32>
      %lt3A_406 = arith.cmpi slt, %broadcast_in_dim3A_353, %lt3A_405 : vector<16xi32>
      %add3A_407 = arith.constant 16 : i32
      %add3A_408 = vector.broadcast %add3A_407 : i32 to vector<16xi32>
      %add3A_409 = arith.addi %broadcast_in_dim3A_353, %add3A_408 : vector<16xi32>
      %select_n3A_410 = arith.select %lt3A_406, %add3A_409, %broadcast_in_dim3A_353 : vector<16xi1>, vector<16xi32>
      %broadcast_in_dim3A_411 = vector.shape_cast %select_n3A_410 : vector<16xi32> to vector<16x1xi32>
      %gather3A_412 = vector.shape_cast %broadcast_in_dim3A_411 : vector<16x1xi32> to vector<16xi32>
      %gather3A_413 = tpu.dynamic_gather %bitcast3A_206[%gather3A_412] in [0] : vector<16xi32>, vector<16xi32> -> vector<16xi32>
      %bitcast3A_414 = vector.bitcast %gather3A_413 : vector<16xi32> to vector<32xbf16>
      %get3A_415 = arith.constant 33 : i32
      %get3A_416 = arith.index_cast %get3A_415 : i32 to index
      %get3A_417 = arith.constant 0 : index
      %get3A_418 = tpu.vector_load %arg10[%get3A_416, %get3A_417] {strides = array<i32>} : memref<64x32xi32, #tpu.memory_space<vmem>>, vector<16xi32>,
      %bitcast3A_419 = vector.bitcast %get3A_418 : vector<16xi32> to vector<32xbf16>
      %get3A_420 = arith.constant 33 : i32
      %get3A_421 = arith.index_cast %get3A_420 : i32 to index
      %get3A_422 = arith.constant 16 : index
      %get3A_423 = tpu.vector_load %arg10[%get3A_421, %get3A_422] {strides = array<i32>} : memref<64x32xi32, #tpu.memory_space<vmem>>, vector<16xi32>,
      %bitcast3A_424 = vector.bitcast %get3A_423 : vector<16xi32> to vector<32xbf16>
      %mul3A_425 = arith.mulf %bitcast3A_414, %bitcast3A_419 : vector<32xbf16>
      %add3A_426 = arith.addf %add3A_401, %mul3A_425 : vector<32xbf16>
      %mul3A_427 = arith.mulf %bitcast3A_414, %bitcast3A_424 : vector<32xbf16>
      %add3A_428 = arith.addf %add3A_403, %mul3A_427 : vector<32xbf16>
      %lt3A_429 = arith.constant 0 : i32
      %lt3A_430 = vector.broadcast %lt3A_429 : i32 to vector<16xi32>
      %lt3A_431 = arith.cmpi slt, %broadcast_in_dim3A_353, %lt3A_430 : vector<16xi32>
      %add3A_432 = arith.constant 16 : i32
      %add3A_433 = vector.broadcast %add3A_432 : i32 to vector<16xi32>
      %add3A_434 = arith.addi %broadcast_in_dim3A_353, %add3A_433 : vector<16xi32>
      %select_n3A_435 = arith.select %lt3A_431, %add3A_434, %broadcast_in_dim3A_353 : vector<16xi1>, vector<16xi32>
      %broadcast_in_dim3A_436 = vector.shape_cast %select_n3A_435 : vector<16xi32> to vector<16x1xi32>
      %gather3A_437 = vector.shape_cast %broadcast_in_dim3A_436 : vector<16x1xi32> to vector<16xi32>
      %gather3A_438 = tpu.dynamic_gather %bitcast3A_208[%gather3A_437] in [0] : vector<16xi32>, vector<16xi32> -> vector<16xi32>
      %bitcast3A_439 = vector.bitcast %gather3A_438 : vector<16xi32> to vector<32xbf16>
      %get3A_440 = arith.constant 49 : i32
      %get3A_441 = arith.index_cast %get3A_440 : i32 to index
      %get3A_442 = arith.constant 0 : index
      %get3A_443 = tpu.vector_load %arg10[%get3A_441, %get3A_442] {strides = array<i32>} : memref<64x32xi32, #tpu.memory_space<vmem>>, vector<16xi32>,
      %bitcast3A_444 = vector.bitcast %get3A_443 : vector<16xi32> to vector<32xbf16>
      %get3A_445 = arith.constant 49 : i32
      %get3A_446 = arith.index_cast %get3A_445 : i32 to index
      %get3A_447 = arith.constant 16 : index
      %get3A_448 = tpu.vector_load %arg10[%get3A_446, %get3A_447] {strides = array<i32>} : memref<64x32xi32, #tpu.memory_space<vmem>>, vector<16xi32>,
      %bitcast3A_449 = vector.bitcast %get3A_448 : vector<16xi32> to vector<32xbf16>
      %mul3A_450 = arith.mulf %bitcast3A_439, %bitcast3A_444 : vector<32xbf16>
      %add3A_451 = arith.addf %add3A_426, %mul3A_450 : vector<32xbf16>
      %mul3A_452 = arith.mulf %bitcast3A_439, %bitcast3A_449 : vector<32xbf16>
      %add3A_453 = arith.addf %add3A_428, %mul3A_452 : vector<32xbf16>
      %broadcast_in_dim3A_454 = arith.constant 2 : i32
      %broadcast_in_dim3A_455 = vector.broadcast %broadcast_in_dim3A_454 : i32 to vector<16xi32>
      %lt3A_456 = arith.constant 0 : i32
      %lt3A_457 = vector.broadcast %lt3A_456 : i32 to vector<16xi32>
      %lt3A_458 = arith.cmpi slt, %broadcast_in_dim3A_455, %lt3A_457 : vector<16xi32>
      %add3A_459 = arith.constant 16 : i32
      %add3A_460 = vector.broadcast %add3A_459 : i32 to vector<16xi32>
      %add3A_461 = arith.addi %broadcast_in_dim3A_455, %add3A_460 : vector<16xi32>
      %select_n3A_462 = arith.select %lt3A_458, %add3A_461, %broadcast_in_dim3A_455 : vector<16xi1>, vector<16xi32>
      %broadcast_in_dim3A_463 = vector.shape_cast %select_n3A_462 : vector<16xi32> to vector<16x1xi32>
      %gather3A_464 = vector.shape_cast %broadcast_in_dim3A_463 : vector<16x1xi32> to vector<16xi32>
      %gather3A_465 = tpu.dynamic_gather %bitcast3A_202[%gather3A_464] in [0] : vector<16xi32>, vector<16xi32> -> vector<16xi32>
      %bitcast3A_466 = vector.bitcast %gather3A_465 : vector<16xi32> to vector<32xbf16>
      %get3A_467 = arith.constant 2 : i32
      %get3A_468 = arith.index_cast %get3A_467 : i32 to index
      %get3A_469 = arith.constant 0 : index
      %get3A_470 = tpu.vector_load %arg10[%get3A_468, %get3A_469] {strides = array<i32>} : memref<64x32xi32, #tpu.memory_space<vmem>>, vector<16xi32>,
      %bitcast3A_471 = vector.bitcast %get3A_470 : vector<16xi32> to vector<32xbf16>
      %get3A_472 = arith.constant 2 : i32
      %get3A_473 = arith.index_cast %get3A_472 : i32 to index
      %get3A_474 = arith.constant 16 : index
      %get3A_475 = tpu.vector_load %arg10[%get3A_473, %get3A_474] {strides = array<i32>} : memref<64x32xi32, #tpu.memory_space<vmem>>, vector<16xi32>,
      %bitcast3A_476 = vector.bitcast %get3A_475 : vector<16xi32> to vector<32xbf16>
      %mul3A_477 = arith.mulf %bitcast3A_466, %bitcast3A_471 : vector<32xbf16>
      %add3A_478 = arith.addf %add3A_451, %mul3A_477 : vector<32xbf16>
      %mul3A_479 = arith.mulf %bitcast3A_466, %bitcast3A_476 : vector<32xbf16>
      %add3A_480 = arith.addf %add3A_453, %mul3A_479 : vector<32xbf16>
      %lt3A_481 = arith.constant 0 : i32
      %lt3A_482 = vector.broadcast %lt3A_481 : i32 to vector<16xi32>
      %lt3A_483 = arith.cmpi slt, %broadcast_in_dim3A_455, %lt3A_482 : vector<16xi32>
      %add3A_484 = arith.constant 16 : i32
      %add3A_485 = vector.broadcast %add3A_484 : i32 to vector<16xi32>
      %add3A_486 = arith.addi %broadcast_in_dim3A_455, %add3A_485 : vector<16xi32>
      %select_n3A_487 = arith.select %lt3A_483, %add3A_486, %broadcast_in_dim3A_455 : vector<16xi1>, vector<16xi32>
      %broadcast_in_dim3A_488 = vector.shape_cast %select_n3A_487 : vector<16xi32> to vector<16x1xi32>
      %gather3A_489 = vector.shape_cast %broadcast_in_dim3A_488 : vector<16x1xi32> to vector<16xi32>
      %gather3A_490 = tpu.dynamic_gather %bitcast3A_204[%gather3A_489] in [0] : vector<16xi32>, vector<16xi32> -> vector<16xi32>
      %bitcast3A_491 = vector.bitcast %gather3A_490 : vector<16xi32> to vector<32xbf16>
      %get3A_492 = arith.constant 18 : i32
      %get3A_493 = arith.index_cast %get3A_492 : i32 to index
      %get3A_494 = arith.constant 0 : index
      %get3A_495 = tpu.vector_load %arg10[%get3A_493, %get3A_494] {strides = array<i32>} : memref<64x32xi32, #tpu.memory_space<vmem>>, vector<16xi32>,
      %bitcast3A_496 = vector.bitcast %get3A_495 : vector<16xi32> to vector<32xbf16>
      %get3A_497 = arith.constant 18 : i32
      %get3A_498 = arith.index_cast %get3A_497 : i32 to index
      %get3A_499 = arith.constant 16 : index
      %get3A_500 = tpu.vector_load %arg10[%get3A_498, %get3A_499] {strides = array<i32>} : memref<64x32xi32, #tpu.memory_space<vmem>>, vector<16xi32>,
      %bitcast3A_501 = vector.bitcast %get3A_500 : vector<16xi32> to vector<32xbf16>
      %mul3A_502 = arith.mulf %bitcast3A_491, %bitcast3A_496 : vector<32xbf16>
      %add3A_503 = arith.addf %add3A_478, %mul3A_502 : vector<32xbf16>
      %mul3A_504 = arith.mulf %bitcast3A_491, %bitcast3A_501 : vector<32xbf16>
      %add3A_505 = arith.addf %add3A_480, %mul3A_504 : vector<32xbf16>
      %lt3A_506 = arith.constant 0 : i32
      %lt3A_507 = vector.broadcast %lt3A_506 : i32 to vector<16xi32>
      %lt3A_508 = arith.cmpi slt, %broadcast_in_dim3A_455, %lt3A_507 : vector<16xi32>
      %add3A_509 = arith.constant 16 : i32
      %add3A_510 = vector.broadcast %add3A_509 : i32 to vector<16xi32>
      %add3A_511 = arith.addi %broadcast_in_dim3A_455, %add3A_510 : vector<16xi32>
      %select_n3A_512 = arith.select %lt3A_508, %add3A_511, %broadcast_in_dim3A_455 : vector<16xi1>, vector<16xi32>
      %broadcast_in_dim3A_513 = vector.shape_cast %select_n3A_512 : vector<16xi32> to vector<16x1xi32>
      %gather3A_514 = vector.shape_cast %broadcast_in_dim3A_513 : vector<16x1xi32> to vector<16xi32>
      %gather3A_515 = tpu.dynamic_gather %bitcast3A_206[%gather3A_514] in [0] : vector<16xi32>, vector<16xi32> -> vector<16xi32>
      %bitcast3A_516 = vector.bitcast %gather3A_515 : vector<16xi32> to vector<32xbf16>
      %get3A_517 = arith.constant 34 : i32
      %get3A_518 = arith.index_cast %get3A_517 : i32 to index
      %get3A_519 = arith.constant 0 : index
      %get3A_520 = tpu.vector_load %arg10[%get3A_518, %get3A_519] {strides = array<i32>} : memref<64x32xi32, #tpu.memory_space<vmem>>, vector<16xi32>,
      %bitcast3A_521 = vector.bitcast %get3A_520 : vector<16xi32> to vector<32xbf16>
      %get3A_522 = arith.constant 34 : i32
      %get3A_523 = arith.index_cast %get3A_522 : i32 to index
      %get3A_524 = arith.constant 16 : index
      %get3A_525 = tpu.vector_load %arg10[%get3A_523, %get3A_524] {strides = array<i32>} : memref<64x32xi32, #tpu.memory_space<vmem>>, vector<16xi32>,
      %bitcast3A_526 = vector.bitcast %get3A_525 : vector<16xi32> to vector<32xbf16>
      %mul3A_527 = arith.mulf %bitcast3A_516, %bitcast3A_521 : vector<32xbf16>
      %add3A_528 = arith.addf %add3A_503, %mul3A_527 : vector<32xbf16>
      %mul3A_529 = arith.mulf %bitcast3A_516, %bitcast3A_526 : vector<32xbf16>
      %add3A_530 = arith.addf %add3A_505, %mul3A_529 : vector<32xbf16>
      %lt3A_531 = arith.constant 0 : i32
      %lt3A_532 = vector.broadcast %lt3A_531 : i32 to vector<16xi32>
      %lt3A_533 = arith.cmpi slt, %broadcast_in_dim3A_455, %lt3A_532 : vector<16xi32>
      %add3A_534 = arith.constant 16 : i32
      %add3A_535 = vector.broadcast %add3A_534 : i32 to vector<16xi32>
      %add3A_536 = arith.addi %broadcast_in_dim3A_455, %add3A_535 : vector<16xi32>
      %select_n3A_537 = arith.select %lt3A_533, %add3A_536, %broadcast_in_dim3A_455 : vector<16xi1>, vector<16xi32>
      %broadcast_in_dim3A_538 = vector.shape_cast %select_n3A_537 : vector<16xi32> to vector<16x1xi32>
      %gather3A_539 = vector.shape_cast %broadcast_in_dim3A_538 : vector<16x1xi32> to vector<16xi32>
      %gather3A_540 = tpu.dynamic_gather %bitcast3A_208[%gather3A_539] in [0] : vector<16xi32>, vector<16xi32> -> vector<16xi32>
      %bitcast3A_541 = vector.bitcast %gather3A_540 : vector<16xi32> to vector<32xbf16>
      %get3A_542 = arith.constant 50 : i32
      %get3A_543 = arith.index_cast %get3A_542 : i32 to index
      %get3A_544 = arith.constant 0 : index
      %get3A_545 = tpu.vector_load %arg10[%get3A_543, %get3A_544] {strides = array<i32>} : memref<64x32xi32, #tpu.memory_space<vmem>>, vector<16xi32>,
      %bitcast3A_546 = vector.bitcast %get3A_545 : vector<16xi32> to vector<32xbf16>
      %get3A_547 = arith.constant 50 : i32
      %get3A_548 = arith.index_cast %get3A_547 : i32 to index
      %get3A_549 = arith.constant 16 : index
      %get3A_550 = tpu.vector_load %arg10[%get3A_548, %get3A_549] {strides = array<i32>} : memref<64x32xi32, #tpu.memory_space<vmem>>, vector<16xi32>,
      %bitcast3A_551 = vector.bitcast %get3A_550 : vector<16xi32> to vector<32xbf16>
      %mul3A_552 = arith.mulf %bitcast3A_541, %bitcast3A_546 : vector<32xbf16>
      %add3A_553 = arith.addf %add3A_528, %mul3A_552 : vector<32xbf16>
      %mul3A_554 = arith.mulf %bitcast3A_541, %bitcast3A_551 : vector<32xbf16>
      %add3A_555 = arith.addf %add3A_530, %mul3A_554 : vector<32xbf16>
      %broadcast_in_dim3A_556 = arith.constant 3 : i32
      %broadcast_in_dim3A_557 = vector.broadcast %broadcast_in_dim3A_556 : i32 to vector<16xi32>
      %lt3A_558 = arith.constant 0 : i32
      %lt3A_559 = vector.broadcast %lt3A_558 : i32 to vector<16xi32>
      %lt3A_560 = arith.cmpi slt, %broadcast_in_dim3A_557, %lt3A_559 : vector<16xi32>
      %add3A_561 = arith.constant 16 : i32
      %add3A_562 = vector.broadcast %add3A_561 : i32 to vector<16xi32>
      %add3A_563 = arith.addi %broadcast_in_dim3A_557, %add3A_562 : vector<16xi32>
      %select_n3A_564 = arith.select %lt3A_560, %add3A_563, %broadcast_in_dim3A_557 : vector<16xi1>, vector<16xi32>
      %broadcast_in_dim3A_565 = vector.shape_cast %select_n3A_564 : vector<16xi32> to vector<16x1xi32>
      %gather3A_566 = vector.shape_cast %broadcast_in_dim3A_565 : vector<16x1xi32> to vector<16xi32>
      %gather3A_567 = tpu.dynamic_gather %bitcast3A_202[%gather3A_566] in [0] : vector<16xi32>, vector<16xi32> -> vector<16xi32>
      %bitcast3A_568 = vector.bitcast %gather3A_567 : vector<16xi32> to vector<32xbf16>
      %get3A_569 = arith.constant 3 : i32
      %get3A_570 = arith.index_cast %get3A_569 : i32 to index
      %get3A_571 = arith.constant 0 : index
      %get3A_572 = tpu.vector_load %arg10[%get3A_570, %get3A_571] {strides = array<i32>} : memref<64x32xi32, #tpu.memory_space<vmem>>, vector<16xi32>,
      %bitcast3A_573 = vector.bitcast %get3A_572 : vector<16xi32> to vector<32xbf16>
      %get3A_574 = arith.constant 3 : i32
      %get3A_575 = arith.index_cast %get3A_574 : i32 to index
      %get3A_576 = arith.constant 16 : index
      %get3A_577 = tpu.vector_load %arg10[%get3A_575, %get3A_576] {strides = array<i32>} : memref<64x32xi32, #tpu.memory_space<vmem>>, vector<16xi32>,
      %bitcast3A_578 = vector.bitcast %get3A_577 : vector<16xi32> to vector<32xbf16>
      %mul3A_579 = arith.mulf %bitcast3A_568, %bitcast3A_573 : vector<32xbf16>
      %add3A_580 = arith.addf %add3A_553, %mul3A_579 : vector<32xbf16>
      %mul3A_581 = arith.mulf %bitcast3A_568, %bitcast3A_578 : vector<32xbf16>
      %add3A_582 = arith.addf %add3A_555, %mul3A_581 : vector<32xbf16>
      %lt3A_583 = arith.constant 0 : i32
      %lt3A_584 = vector.broadcast %lt3A_583 : i32 to vector<16xi32>
      %lt3A_585 = arith.cmpi slt, %broadcast_in_dim3A_557, %lt3A_584 : vector<16xi32>
      %add3A_586 = arith.constant 16 : i32
      %add3A_587 = vector.broadcast %add3A_586 : i32 to vector<16xi32>
      %add3A_588 = arith.addi %broadcast_in_dim3A_557, %add3A_587 : vector<16xi32>
      %select_n3A_589 = arith.select %lt3A_585, %add3A_588, %broadcast_in_dim3A_557 : vector<16xi1>, vector<16xi32>
      %broadcast_in_dim3A_590 = vector.shape_cast %select_n3A_589 : vector<16xi32> to vector<16x1xi32>
      %gather3A_591 = vector.shape_cast %broadcast_in_dim3A_590 : vector<16x1xi32> to vector<16xi32>
      %gather3A_592 = tpu.dynamic_gather %bitcast3A_204[%gather3A_591] in [0] : vector<16xi32>, vector<16xi32> -> vector<16xi32>
      %bitcast3A_593 = vector.bitcast %gather3A_592 : vector<16xi32> to vector<32xbf16>
      %get3A_594 = arith.constant 19 : i32
      %get3A_595 = arith.index_cast %get3A_594 : i32 to index
      %get3A_596 = arith.constant 0 : index
      %get3A_597 = tpu.vector_load %arg10[%get3A_595, %get3A_596] {strides = array<i32>} : memref<64x32xi32, #tpu.memory_space<vmem>>, vector<16xi32>,
      %bitcast3A_598 = vector.bitcast %get3A_597 : vector<16xi32> to vector<32xbf16>
      %get3A_599 = arith.constant 19 : i32
      %get3A_600 = arith.index_cast %get3A_599 : i32 to index
      %get3A_601 = arith.constant 16 : index
      %get3A_602 = tpu.vector_load %arg10[%get3A_600, %get3A_601] {strides = array<i32>} : memref<64x32xi32, #tpu.memory_space<vmem>>, vector<16xi32>,
      %bitcast3A_603 = vector.bitcast %get3A_602 : vector<16xi32> to vector<32xbf16>
      %mul3A_604 = arith.mulf %bitcast3A_593, %bitcast3A_598 : vector<32xbf16>
      %add3A_605 = arith.addf %add3A_580, %mul3A_604 : vector<32xbf16>
      %mul3A_606 = arith.mulf %bitcast3A_593, %bitcast3A_603 : vector<32xbf16>
      %add3A_607 = arith.addf %add3A_582, %mul3A_606 : vector<32xbf16>
      %lt3A_608 = arith.constant 0 : i32
      %lt3A_609 = vector.broadcast %lt3A_608 : i32 to vector<16xi32>
      %lt3A_610 = arith.cmpi slt, %broadcast_in_dim3A_557, %lt3A_609 : vector<16xi32>
      %add3A_611 = arith.constant 16 : i32
      %add3A_612 = vector.broadcast %add3A_611 : i32 to vector<16xi32>
      %add3A_613 = arith.addi %broadcast_in_dim3A_557, %add3A_612 : vector<16xi32>
      %select_n3A_614 = arith.select %lt3A_610, %add3A_613, %broadcast_in_dim3A_557 : vector<16xi1>, vector<16xi32>
      %broadcast_in_dim3A_615 = vector.shape_cast %select_n3A_614 : vector<16xi32> to vector<16x1xi32>
      %gather3A_616 = vector.shape_cast %broadcast_in_dim3A_615 : vector<16x1xi32> to vector<16xi32>
      %gather3A_617 = tpu.dynamic_gather %bitcast3A_206[%gather3A_616] in [0] : vector<16xi32>, vector<16xi32> -> vector<16xi32>
      %bitcast3A_618 = vector.bitcast %gather3A_617 : vector<16xi32> to vector<32xbf16>
      %get3A_619 = arith.constant 35 : i32
      %get3A_620 = arith.index_cast %get3A_619 : i32 to index
      %get3A_621 = arith.constant 0 : index
      %get3A_622 = tpu.vector_load %arg10[%get3A_620, %get3A_621] {strides = array<i32>} : memref<64x32xi32, #tpu.memory_space<vmem>>, vector<16xi32>,
      %bitcast3A_623 = vector.bitcast %get3A_622 : vector<16xi32> to vector<32xbf16>
      %get3A_624 = arith.constant 35 : i32
      %get3A_625 = arith.index_cast %get3A_624 : i32 to index
      %get3A_626 = arith.constant 16 : index
      %get3A_627 = tpu.vector_load %arg10[%get3A_625, %get3A_626] {strides = array<i32>} : memref<64x32xi32, #tpu.memory_space<vmem>>, vector<16xi32>,
      %bitcast3A_628 = vector.bitcast %get3A_627 : vector<16xi32> to vector<32xbf16>
      %mul3A_629 = arith.mulf %bitcast3A_618, %bitcast3A_623 : vector<32xbf16>
      %add3A_630 = arith.addf %add3A_605, %mul3A_629 : vector<32xbf16>
      %mul3A_631 = arith.mulf %bitcast3A_618, %bitcast3A_628 : vector<32xbf16>
      %add3A_632 = arith.addf %add3A_607, %mul3A_631 : vector<32xbf16>
      %lt3A_633 = arith.constant 0 : i32
      %lt3A_634 = vector.broadcast %lt3A_633 : i32 to vector<16xi32>
      %lt3A_635 = arith.cmpi slt, %broadcast_in_dim3A_557, %lt3A_634 : vector<16xi32>
      %add3A_636 = arith.constant 16 : i32
      %add3A_637 = vector.broadcast %add3A_636 : i32 to vector<16xi32>
      %add3A_638 = arith.addi %broadcast_in_dim3A_557, %add3A_637 : vector<16xi32>
      %select_n3A_639 = arith.select %lt3A_635, %add3A_638, %broadcast_in_dim3A_557 : vector<16xi1>, vector<16xi32>
      %broadcast_in_dim3A_640 = vector.shape_cast %select_n3A_639 : vector<16xi32> to vector<16x1xi32>
      %gather3A_641 = vector.shape_cast %broadcast_in_dim3A_640 : vector<16x1xi32> to vector<16xi32>
      %gather3A_642 = tpu.dynamic_gather %bitcast3A_208[%gather3A_641] in [0] : vector<16xi32>, vector<16xi32> -> vector<16xi32>
      %bitcast3A_643 = vector.bitcast %gather3A_642 : vector<16xi32> to vector<32xbf16>
      %get3A_644 = arith.constant 51 : i32
      %get3A_645 = arith.index_cast %get3A_644 : i32 to index
      %get3A_646 = arith.constant 0 : index
      %get3A_647 = tpu.vector_load %arg10[%get3A_645, %get3A_646] {strides = array<i32>} : memref<64x32xi32, #tpu.memory_space<vmem>>, vector<16xi32>,
      %bitcast3A_648 = vector.bitcast %get3A_647 : vector<16xi32> to vector<32xbf16>
      %get3A_649 = arith.constant 51 : i32
      %get3A_650 = arith.index_cast %get3A_649 : i32 to index
      %get3A_651 = arith.constant 16 : index
      %get3A_652 = tpu.vector_load %arg10[%get3A_650, %get3A_651] {strides = array<i32>} : memref<64x32xi32, #tpu.memory_space<vmem>>, vector<16xi32>,
      %bitcast3A_653 = vector.bitcast %get3A_652 : vector<16xi32> to vector<32xbf16>
      %mul3A_654 = arith.mulf %bitcast3A_643, %bitcast3A_648 : vector<32xbf16>
      %add3A_655 = arith.addf %add3A_630, %mul3A_654 : vector<32xbf16>
      %mul3A_656 = arith.mulf %bitcast3A_643, %bitcast3A_653 : vector<32xbf16>
      %add3A_657 = arith.addf %add3A_632, %mul3A_656 : vector<32xbf16>
      %broadcast_in_dim3A_658 = arith.constant 4 : i32
      %broadcast_in_dim3A_659 = vector.broadcast %broadcast_in_dim3A_658 : i32 to vector<16xi32>
      %lt3A_660 = arith.constant 0 : i32
      %lt3A_661 = vector.broadcast %lt3A_660 : i32 to vector<16xi32>
      %lt3A_662 = arith.cmpi slt, %broadcast_in_dim3A_659, %lt3A_661 : vector<16xi32>
      %add3A_663 = arith.constant 16 : i32
      %add3A_664 = vector.broadcast %add3A_663 : i32 to vector<16xi32>
      %add3A_665 = arith.addi %broadcast_in_dim3A_659, %add3A_664 : vector<16xi32>
      %select_n3A_666 = arith.select %lt3A_662, %add3A_665, %broadcast_in_dim3A_659 : vector<16xi1>, vector<16xi32>
      %broadcast_in_dim3A_667 = vector.shape_cast %select_n3A_666 : vector<16xi32> to vector<16x1xi32>
      %gather3A_668 = vector.shape_cast %broadcast_in_dim3A_667 : vector<16x1xi32> to vector<16xi32>
      %gather3A_669 = tpu.dynamic_gather %bitcast3A_202[%gather3A_668] in [0] : vector<16xi32>, vector<16xi32> -> vector<16xi32>
      %bitcast3A_670 = vector.bitcast %gather3A_669 : vector<16xi32> to vector<32xbf16>
      %get3A_671 = arith.constant 4 : i32
      %get3A_672 = arith.index_cast %get3A_671 : i32 to index
      %get3A_673 = arith.constant 0 : index
      %get3A_674 = tpu.vector_load %arg10[%get3A_672, %get3A_673] {strides = array<i32>} : memref<64x32xi32, #tpu.memory_space<vmem>>, vector<16xi32>,
      %bitcast3A_675 = vector.bitcast %get3A_674 : vector<16xi32> to vector<32xbf16>
      %get3A_676 = arith.constant 4 : i32
      %get3A_677 = arith.index_cast %get3A_676 : i32 to index
      %get3A_678 = arith.constant 16 : index
      %get3A_679 = tpu.vector_load %arg10[%get3A_677, %get3A_678] {strides = array<i32>} : memref<64x32xi32, #tpu.memory_space<vmem>>, vector<16xi32>,
      %bitcast3A_680 = vector.bitcast %get3A_679 : vector<16xi32> to vector<32xbf16>
      %mul3A_681 = arith.mulf %bitcast3A_670, %bitcast3A_675 : vector<32xbf16>
      %add3A_682 = arith.addf %add3A_655, %mul3A_681 : vector<32xbf16>
      %mul3A_683 = arith.mulf %bitcast3A_670, %bitcast3A_680 : vector<32xbf16>
      %add3A_684 = arith.addf %add3A_657, %mul3A_683 : vector<32xbf16>
      %lt3A_685 = arith.constant 0 : i32
      %lt3A_686 = vector.broadcast %lt3A_685 : i32 to vector<16xi32>
      %lt3A_687 = arith.cmpi slt, %broadcast_in_dim3A_659, %lt3A_686 : vector<16xi32>
      %add3A_688 = arith.constant 16 : i32
      %add3A_689 = vector.broadcast %add3A_688 : i32 to vector<16xi32>
      %add3A_690 = arith.addi %broadcast_in_dim3A_659, %add3A_689 : vector<16xi32>
      %select_n3A_691 = arith.select %lt3A_687, %add3A_690, %broadcast_in_dim3A_659 : vector<16xi1>, vector<16xi32>
      %broadcast_in_dim3A_692 = vector.shape_cast %select_n3A_691 : vector<16xi32> to vector<16x1xi32>
      %gather3A_693 = vector.shape_cast %broadcast_in_dim3A_692 : vector<16x1xi32> to vector<16xi32>
      %gather3A_694 = tpu.dynamic_gather %bitcast3A_204[%gather3A_693] in [0] : vector<16xi32>, vector<16xi32> -> vector<16xi32>
      %bitcast3A_695 = vector.bitcast %gather3A_694 : vector<16xi32> to vector<32xbf16>
      %get3A_696 = arith.constant 20 : i32
      %get3A_697 = arith.index_cast %get3A_696 : i32 to index
      %get3A_698 = arith.constant 0 : index
      %get3A_699 = tpu.vector_load %arg10[%get3A_697, %get3A_698] {strides = array<i32>} : memref<64x32xi32, #tpu.memory_space<vmem>>, vector<16xi32>,
      %bitcast3A_700 = vector.bitcast %get3A_699 : vector<16xi32> to vector<32xbf16>
      %get3A_701 = arith.constant 20 : i32
      %get3A_702 = arith.index_cast %get3A_701 : i32 to index
      %get3A_703 = arith.constant 16 : index
      %get3A_704 = tpu.vector_load %arg10[%get3A_702, %get3A_703] {strides = array<i32>} : memref<64x32xi32, #tpu.memory_space<vmem>>, vector<16xi32>,
      %bitcast3A_705 = vector.bitcast %get3A_704 : vector<16xi32> to vector<32xbf16>
      %mul3A_706 = arith.mulf %bitcast3A_695, %bitcast3A_700 : vector<32xbf16>
      %add3A_707 = arith.addf %add3A_682, %mul3A_706 : vector<32xbf16>
      %mul3A_708 = arith.mulf %bitcast3A_695, %bitcast3A_705 : vector<32xbf16>
      %add3A_709 = arith.addf %add3A_684, %mul3A_708 : vector<32xbf16>
      %lt3A_710 = arith.constant 0 : i32
      %lt3A_711 = vector.broadcast %lt3A_710 : i32 to vector<16xi32>
      %lt3A_712 = arith.cmpi slt, %broadcast_in_dim3A_659, %lt3A_711 : vector<16xi32>
      %add3A_713 = arith.constant 16 : i32
      %add3A_714 = vector.broadcast %add3A_713 : i32 to vector<16xi32>
      %add3A_715 = arith.addi %broadcast_in_dim3A_659, %add3A_714 : vector<16xi32>
      %select_n3A_716 = arith.select %lt3A_712, %add3A_715, %broadcast_in_dim3A_659 : vector<16xi1>, vector<16xi32>
      %broadcast_in_dim3A_717 = vector.shape_cast %select_n3A_716 : vector<16xi32> to vector<16x1xi32>
      %gather3A_718 = vector.shape_cast %broadcast_in_dim3A_717 : vector<16x1xi32> to vector<16xi32>
      %gather3A_719 = tpu.dynamic_gather %bitcast3A_206[%gather3A_718] in [0] : vector<16xi32>, vector<16xi32> -> vector<16xi32>
      %bitcast3A_720 = vector.bitcast %gather3A_719 : vector<16xi32> to vector<32xbf16>
      %get3A_721 = arith.constant 36 : i32
      %get3A_722 = arith.index_cast %get3A_721 : i32 to index
      %get3A_723 = arith.constant 0 : index
      %get3A_724 = tpu.vector_load %arg10[%get3A_722, %get3A_723] {strides = array<i32>} : memref<64x32xi32, #tpu.memory_space<vmem>>, vector<16xi32>,
      %bitcast3A_725 = vector.bitcast %get3A_724 : vector<16xi32> to vector<32xbf16>
      %get3A_726 = arith.constant 36 : i32
      %get3A_727 = arith.index_cast %get3A_726 : i32 to index
      %get3A_728 = arith.constant 16 : index
      %get3A_729 = tpu.vector_load %arg10[%get3A_727, %get3A_728] {strides = array<i32>} : memref<64x32xi32, #tpu.memory_space<vmem>>, vector<16xi32>,
      %bitcast3A_730 = vector.bitcast %get3A_729 : vector<16xi32> to vector<32xbf16>
      %mul3A_731 = arith.mulf %bitcast3A_720, %bitcast3A_725 : vector<32xbf16>
      %add3A_732 = arith.addf %add3A_707, %mul3A_731 : vector<32xbf16>
      %mul3A_733 = arith.mulf %bitcast3A_720, %bitcast3A_730 : vector<32xbf16>
      %add3A_734 = arith.addf %add3A_709, %mul3A_733 : vector<32xbf16>
      %lt3A_735 = arith.constant 0 : i32
      %lt3A_736 = vector.broadcast %lt3A_735 : i32 to vector<16xi32>
      %lt3A_737 = arith.cmpi slt, %broadcast_in_dim3A_659, %lt3A_736 : vector<16xi32>
      %add3A_738 = arith.constant 16 : i32
      %add3A_739 = vector.broadcast %add3A_738 : i32 to vector<16xi32>
      %add3A_740 = arith.addi %broadcast_in_dim3A_659, %add3A_739 : vector<16xi32>
      %select_n3A_741 = arith.select %lt3A_737, %add3A_740, %broadcast_in_dim3A_659 : vector<16xi1>, vector<16xi32>
      %broadcast_in_dim3A_742 = vector.shape_cast %select_n3A_741 : vector<16xi32> to vector<16x1xi32>
      %gather3A_743 = vector.shape_cast %broadcast_in_dim3A_742 : vector<16x1xi32> to vector<16xi32>
      %gather3A_744 = tpu.dynamic_gather %bitcast3A_208[%gather3A_743] in [0] : vector<16xi32>, vector<16xi32> -> vector<16xi32>
      %bitcast3A_745 = vector.bitcast %gather3A_744 : vector<16xi32> to vector<32xbf16>
      %get3A_746 = arith.constant 52 : i32
      %get3A_747 = arith.index_cast %get3A_746 : i32 to index
      %get3A_748 = arith.constant 0 : index
      %get3A_749 = tpu.vector_load %arg10[%get3A_747, %get3A_748] {strides = array<i32>} : memref<64x32xi32, #tpu.memory_space<vmem>>, vector<16xi32>,
      %bitcast3A_750 = vector.bitcast %get3A_749 : vector<16xi32> to vector<32xbf16>
      %get3A_751 = arith.constant 52 : i32
      %get3A_752 = arith.index_cast %get3A_751 : i32 to index
      %get3A_753 = arith.constant 16 : index
      %get3A_754 = tpu.vector_load %arg10[%get3A_752, %get3A_753] {strides = array<i32>} : memref<64x32xi32, #tpu.memory_space<vmem>>, vector<16xi32>,
      %bitcast3A_755 = vector.bitcast %get3A_754 : vector<16xi32> to vector<32xbf16>
      %mul3A_756 = arith.mulf %bitcast3A_745, %bitcast3A_750 : vector<32xbf16>
      %add3A_757 = arith.addf %add3A_732, %mul3A_756 : vector<32xbf16>
      %mul3A_758 = arith.mulf %bitcast3A_745, %bitcast3A_755 : vector<32xbf16>
      %add3A_759 = arith.addf %add3A_734, %mul3A_758 : vector<32xbf16>
      %broadcast_in_dim3A_760 = arith.constant 5 : i32
      %broadcast_in_dim3A_761 = vector.broadcast %broadcast_in_dim3A_760 : i32 to vector<16xi32>
      %lt3A_762 = arith.constant 0 : i32
      %lt3A_763 = vector.broadcast %lt3A_762 : i32 to vector<16xi32>
      %lt3A_764 = arith.cmpi slt, %broadcast_in_dim3A_761, %lt3A_763 : vector<16xi32>
      %add3A_765 = arith.constant 16 : i32
      %add3A_766 = vector.broadcast %add3A_765 : i32 to vector<16xi32>
      %add3A_767 = arith.addi %broadcast_in_dim3A_761, %add3A_766 : vector<16xi32>
      %select_n3A_768 = arith.select %lt3A_764, %add3A_767, %broadcast_in_dim3A_761 : vector<16xi1>, vector<16xi32>
      %broadcast_in_dim3A_769 = vector.shape_cast %select_n3A_768 : vector<16xi32> to vector<16x1xi32>
      %gather3A_770 = vector.shape_cast %broadcast_in_dim3A_769 : vector<16x1xi32> to vector<16xi32>
      %gather3A_771 = tpu.dynamic_gather %bitcast3A_202[%gather3A_770] in [0] : vector<16xi32>, vector<16xi32> -> vector<16xi32>
      %bitcast3A_772 = vector.bitcast %gather3A_771 : vector<16xi32> to vector<32xbf16>
      %get3A_773 = arith.constant 5 : i32
      %get3A_774 = arith.index_cast %get3A_773 : i32 to index
      %get3A_775 = arith.constant 0 : index
      %get3A_776 = tpu.vector_load %arg10[%get3A_774, %get3A_775] {strides = array<i32>} : memref<64x32xi32, #tpu.memory_space<vmem>>, vector<16xi32>,
      %bitcast3A_777 = vector.bitcast %get3A_776 : vector<16xi32> to vector<32xbf16>
      %get3A_778 = arith.constant 5 : i32
      %get3A_779 = arith.index_cast %get3A_778 : i32 to index
      %get3A_780 = arith.constant 16 : index
      %get3A_781 = tpu.vector_load %arg10[%get3A_779, %get3A_780] {strides = array<i32>} : memref<64x32xi32, #tpu.memory_space<vmem>>, vector<16xi32>,
      %bitcast3A_782 = vector.bitcast %get3A_781 : vector<16xi32> to vector<32xbf16>
      %mul3A_783 = arith.mulf %bitcast3A_772, %bitcast3A_777 : vector<32xbf16>
      %add3A_784 = arith.addf %add3A_757, %mul3A_783 : vector<32xbf16>
      %mul3A_785 = arith.mulf %bitcast3A_772, %bitcast3A_782 : vector<32xbf16>
      %add3A_786 = arith.addf %add3A_759, %mul3A_785 : vector<32xbf16>
      %lt3A_787 = arith.constant 0 : i32
      %lt3A_788 = vector.broadcast %lt3A_787 : i32 to vector<16xi32>
      %lt3A_789 = arith.cmpi slt, %broadcast_in_dim3A_761, %lt3A_788 : vector<16xi32>
      %add3A_790 = arith.constant 16 : i32
      %add3A_791 = vector.broadcast %add3A_790 : i32 to vector<16xi32>
      %add3A_792 = arith.addi %broadcast_in_dim3A_761, %add3A_791 : vector<16xi32>
      %select_n3A_793 = arith.select %lt3A_789, %add3A_792, %broadcast_in_dim3A_761 : vector<16xi1>, vector<16xi32>
      %broadcast_in_dim3A_794 = vector.shape_cast %select_n3A_793 : vector<16xi32> to vector<16x1xi32>
      %gather3A_795 = vector.shape_cast %broadcast_in_dim3A_794 : vector<16x1xi32> to vector<16xi32>
      %gather3A_796 = tpu.dynamic_gather %bitcast3A_204[%gather3A_795] in [0] : vector<16xi32>, vector<16xi32> -> vector<16xi32>
      %bitcast3A_797 = vector.bitcast %gather3A_796 : vector<16xi32> to vector<32xbf16>
      %get3A_798 = arith.constant 21 : i32
      %get3A_799 = arith.index_cast %get3A_798 : i32 to index
      %get3A_800 = arith.constant 0 : index
      %get3A_801 = tpu.vector_load %arg10[%get3A_799, %get3A_800] {strides = array<i32>} : memref<64x32xi32, #tpu.memory_space<vmem>>, vector<16xi32>,
      %bitcast3A_802 = vector.bitcast %get3A_801 : vector<16xi32> to vector<32xbf16>
      %get3A_803 = arith.constant 21 : i32
      %get3A_804 = arith.index_cast %get3A_803 : i32 to index
      %get3A_805 = arith.constant 16 : index
      %get3A_806 = tpu.vector_load %arg10[%get3A_804, %get3A_805] {strides = array<i32>} : memref<64x32xi32, #tpu.memory_space<vmem>>, vector<16xi32>,
      %bitcast3A_807 = vector.bitcast %get3A_806 : vector<16xi32> to vector<32xbf16>
      %mul3A_808 = arith.mulf %bitcast3A_797, %bitcast3A_802 : vector<32xbf16>
      %add3A_809 = arith.addf %add3A_784, %mul3A_808 : vector<32xbf16>
      %mul3A_810 = arith.mulf %bitcast3A_797, %bitcast3A_807 : vector<32xbf16>
      %add3A_811 = arith.addf %add3A_786, %mul3A_810 : vector<32xbf16>
      %lt3A_812 = arith.constant 0 : i32
      %lt3A_813 = vector.broadcast %lt3A_812 : i32 to vector<16xi32>
      %lt3A_814 = arith.cmpi slt, %broadcast_in_dim3A_761, %lt3A_813 : vector<16xi32>
      %add3A_815 = arith.constant 16 : i32
      %add3A_816 = vector.broadcast %add3A_815 : i32 to vector<16xi32>
      %add3A_817 = arith.addi %broadcast_in_dim3A_761, %add3A_816 : vector<16xi32>
      %select_n3A_818 = arith.select %lt3A_814, %add3A_817, %broadcast_in_dim3A_761 : vector<16xi1>, vector<16xi32>
      %broadcast_in_dim3A_819 = vector.shape_cast %select_n3A_818 : vector<16xi32> to vector<16x1xi32>
      %gather3A_820 = vector.shape_cast %broadcast_in_dim3A_819 : vector<16x1xi32> to vector<16xi32>
      %gather3A_821 = tpu.dynamic_gather %bitcast3A_206[%gather3A_820] in [0] : vector<16xi32>, vector<16xi32> -> vector<16xi32>
      %bitcast3A_822 = vector.bitcast %gather3A_821 : vector<16xi32> to vector<32xbf16>
      %get3A_823 = arith.constant 37 : i32
      %get3A_824 = arith.index_cast %get3A_823 : i32 to index
      %get3A_825 = arith.constant 0 : index
      %get3A_826 = tpu.vector_load %arg10[%get3A_824, %get3A_825] {strides = array<i32>} : memref<64x32xi32, #tpu.memory_space<vmem>>, vector<16xi32>,
      %bitcast3A_827 = vector.bitcast %get3A_826 : vector<16xi32> to vector<32xbf16>
      %get3A_828 = arith.constant 37 : i32
      %get3A_829 = arith.index_cast %get3A_828 : i32 to index
      %get3A_830 = arith.constant 16 : index
      %get3A_831 = tpu.vector_load %arg10[%get3A_829, %get3A_830] {strides = array<i32>} : memref<64x32xi32, #tpu.memory_space<vmem>>, vector<16xi32>,
      %bitcast3A_832 = vector.bitcast %get3A_831 : vector<16xi32> to vector<32xbf16>
      %mul3A_833 = arith.mulf %bitcast3A_822, %bitcast3A_827 : vector<32xbf16>
      %add3A_834 = arith.addf %add3A_809, %mul3A_833 : vector<32xbf16>
      %mul3A_835 = arith.mulf %bitcast3A_822, %bitcast3A_832 : vector<32xbf16>
      %add3A_836 = arith.addf %add3A_811, %mul3A_835 : vector<32xbf16>
      %lt3A_837 = arith.constant 0 : i32
      %lt3A_838 = vector.broadcast %lt3A_837 : i32 to vector<16xi32>
      %lt3A_839 = arith.cmpi slt, %broadcast_in_dim3A_761, %lt3A_838 : vector<16xi32>
      %add3A_840 = arith.constant 16 : i32
      %add3A_841 = vector.broadcast %add3A_840 : i32 to vector<16xi32>
      %add3A_842 = arith.addi %broadcast_in_dim3A_761, %add3A_841 : vector<16xi32>
      %select_n3A_843 = arith.select %lt3A_839, %add3A_842, %broadcast_in_dim3A_761 : vector<16xi1>, vector<16xi32>
      %broadcast_in_dim3A_844 = vector.shape_cast %select_n3A_843 : vector<16xi32> to vector<16x1xi32>
      %gather3A_845 = vector.shape_cast %broadcast_in_dim3A_844 : vector<16x1xi32> to vector<16xi32>
      %gather3A_846 = tpu.dynamic_gather %bitcast3A_208[%gather3A_845] in [0] : vector<16xi32>, vector<16xi32> -> vector<16xi32>
      %bitcast3A_847 = vector.bitcast %gather3A_846 : vector<16xi32> to vector<32xbf16>
      %get3A_848 = arith.constant 53 : i32
      %get3A_849 = arith.index_cast %get3A_848 : i32 to index
      %get3A_850 = arith.constant 0 : index
      %get3A_851 = tpu.vector_load %arg10[%get3A_849, %get3A_850] {strides = array<i32>} : memref<64x32xi32, #tpu.memory_space<vmem>>, vector<16xi32>,
      %bitcast3A_852 = vector.bitcast %get3A_851 : vector<16xi32> to vector<32xbf16>
      %get3A_853 = arith.constant 53 : i32
      %get3A_854 = arith.index_cast %get3A_853 : i32 to index
      %get3A_855 = arith.constant 16 : index
      %get3A_856 = tpu.vector_load %arg10[%get3A_854, %get3A_855] {strides = array<i32>} : memref<64x32xi32, #tpu.memory_space<vmem>>, vector<16xi32>,
      %bitcast3A_857 = vector.bitcast %get3A_856 : vector<16xi32> to vector<32xbf16>
      %mul3A_858 = arith.mulf %bitcast3A_847, %bitcast3A_852 : vector<32xbf16>
      %add3A_859 = arith.addf %add3A_834, %mul3A_858 : vector<32xbf16>
      %mul3A_860 = arith.mulf %bitcast3A_847, %bitcast3A_857 : vector<32xbf16>
      %add3A_861 = arith.addf %add3A_836, %mul3A_860 : vector<32xbf16>
      %broadcast_in_dim3A_862 = arith.constant 6 : i32
      %broadcast_in_dim3A_863 = vector.broadcast %broadcast_in_dim3A_862 : i32 to vector<16xi32>
      %lt3A_864 = arith.constant 0 : i32
      %lt3A_865 = vector.broadcast %lt3A_864 : i32 to vector<16xi32>
      %lt3A_866 = arith.cmpi slt, %broadcast_in_dim3A_863, %lt3A_865 : vector<16xi32>
      %add3A_867 = arith.constant 16 : i32
      %add3A_868 = vector.broadcast %add3A_867 : i32 to vector<16xi32>
      %add3A_869 = arith.addi %broadcast_in_dim3A_863, %add3A_868 : vector<16xi32>
      %select_n3A_870 = arith.select %lt3A_866, %add3A_869, %broadcast_in_dim3A_863 : vector<16xi1>, vector<16xi32>
      %broadcast_in_dim3A_871 = vector.shape_cast %select_n3A_870 : vector<16xi32> to vector<16x1xi32>
      %gather3A_872 = vector.shape_cast %broadcast_in_dim3A_871 : vector<16x1xi32> to vector<16xi32>
      %gather3A_873 = tpu.dynamic_gather %bitcast3A_202[%gather3A_872] in [0] : vector<16xi32>, vector<16xi32> -> vector<16xi32>
      %bitcast3A_874 = vector.bitcast %gather3A_873 : vector<16xi32> to vector<32xbf16>
      %get3A_875 = arith.constant 6 : i32
      %get3A_876 = arith.index_cast %get3A_875 : i32 to index
      %get3A_877 = arith.constant 0 : index
      %get3A_878 = tpu.vector_load %arg10[%get3A_876, %get3A_877] {strides = array<i32>} : memref<64x32xi32, #tpu.memory_space<vmem>>, vector<16xi32>,
      %bitcast3A_879 = vector.bitcast %get3A_878 : vector<16xi32> to vector<32xbf16>
      %get3A_880 = arith.constant 6 : i32
      %get3A_881 = arith.index_cast %get3A_880 : i32 to index
      %get3A_882 = arith.constant 16 : index
      %get3A_883 = tpu.vector_load %arg10[%get3A_881, %get3A_882] {strides = array<i32>} : memref<64x32xi32, #tpu.memory_space<vmem>>, vector<16xi32>,
      %bitcast3A_884 = vector.bitcast %get3A_883 : vector<16xi32> to vector<32xbf16>
      %mul3A_885 = arith.mulf %bitcast3A_874, %bitcast3A_879 : vector<32xbf16>
      %add3A_886 = arith.addf %add3A_859, %mul3A_885 : vector<32xbf16>
      %mul3A_887 = arith.mulf %bitcast3A_874, %bitcast3A_884 : vector<32xbf16>
      %add3A_888 = arith.addf %add3A_861, %mul3A_887 : vector<32xbf16>
      %lt3A_889 = arith.constant 0 : i32
      %lt3A_890 = vector.broadcast %lt3A_889 : i32 to vector<16xi32>
      %lt3A_891 = arith.cmpi slt, %broadcast_in_dim3A_863, %lt3A_890 : vector<16xi32>
      %add3A_892 = arith.constant 16 : i32
      %add3A_893 = vector.broadcast %add3A_892 : i32 to vector<16xi32>
      %add3A_894 = arith.addi %broadcast_in_dim3A_863, %add3A_893 : vector<16xi32>
      %select_n3A_895 = arith.select %lt3A_891, %add3A_894, %broadcast_in_dim3A_863 : vector<16xi1>, vector<16xi32>
      %broadcast_in_dim3A_896 = vector.shape_cast %select_n3A_895 : vector<16xi32> to vector<16x1xi32>
      %gather3A_897 = vector.shape_cast %broadcast_in_dim3A_896 : vector<16x1xi32> to vector<16xi32>
      %gather3A_898 = tpu.dynamic_gather %bitcast3A_204[%gather3A_897] in [0] : vector<16xi32>, vector<16xi32> -> vector<16xi32>
      %bitcast3A_899 = vector.bitcast %gather3A_898 : vector<16xi32> to vector<32xbf16>
      %get3A_900 = arith.constant 22 : i32
      %get3A_901 = arith.index_cast %get3A_900 : i32 to index
      %get3A_902 = arith.constant 0 : index
      %get3A_903 = tpu.vector_load %arg10[%get3A_901, %get3A_902] {strides = array<i32>} : memref<64x32xi32, #tpu.memory_space<vmem>>, vector<16xi32>,
      %bitcast3A_904 = vector.bitcast %get3A_903 : vector<16xi32> to vector<32xbf16>
      %get3A_905 = arith.constant 22 : i32
      %get3A_906 = arith.index_cast %get3A_905 : i32 to index
      %get3A_907 = arith.constant 16 : index
      %get3A_908 = tpu.vector_load %arg10[%get3A_906, %get3A_907] {strides = array<i32>} : memref<64x32xi32, #tpu.memory_space<vmem>>, vector<16xi32>,
      %bitcast3A_909 = vector.bitcast %get3A_908 : vector<16xi32> to vector<32xbf16>
      %mul3A_910 = arith.mulf %bitcast3A_899, %bitcast3A_904 : vector<32xbf16>
      %add3A_911 = arith.addf %add3A_886, %mul3A_910 : vector<32xbf16>
      %mul3A_912 = arith.mulf %bitcast3A_899, %bitcast3A_909 : vector<32xbf16>
      %add3A_913 = arith.addf %add3A_888, %mul3A_912 : vector<32xbf16>
      %lt3A_914 = arith.constant 0 : i32
      %lt3A_915 = vector.broadcast %lt3A_914 : i32 to vector<16xi32>
      %lt3A_916 = arith.cmpi slt, %broadcast_in_dim3A_863, %lt3A_915 : vector<16xi32>
      %add3A_917 = arith.constant 16 : i32
      %add3A_918 = vector.broadcast %add3A_917 : i32 to vector<16xi32>
      %add3A_919 = arith.addi %broadcast_in_dim3A_863, %add3A_918 : vector<16xi32>
      %select_n3A_920 = arith.select %lt3A_916, %add3A_919, %broadcast_in_dim3A_863 : vector<16xi1>, vector<16xi32>
      %broadcast_in_dim3A_921 = vector.shape_cast %select_n3A_920 : vector<16xi32> to vector<16x1xi32>
      %gather3A_922 = vector.shape_cast %broadcast_in_dim3A_921 : vector<16x1xi32> to vector<16xi32>
      %gather3A_923 = tpu.dynamic_gather %bitcast3A_206[%gather3A_922] in [0] : vector<16xi32>, vector<16xi32> -> vector<16xi32>
      %bitcast3A_924 = vector.bitcast %gather3A_923 : vector<16xi32> to vector<32xbf16>
      %get3A_925 = arith.constant 38 : i32
      %get3A_926 = arith.index_cast %get3A_925 : i32 to index
      %get3A_927 = arith.constant 0 : index
      %get3A_928 = tpu.vector_load %arg10[%get3A_926, %get3A_927] {strides = array<i32>} : memref<64x32xi32, #tpu.memory_space<vmem>>, vector<16xi32>,
      %bitcast3A_929 = vector.bitcast %get3A_928 : vector<16xi32> to vector<32xbf16>
      %get3A_930 = arith.constant 38 : i32
      %get3A_931 = arith.index_cast %get3A_930 : i32 to index
      %get3A_932 = arith.constant 16 : index
      %get3A_933 = tpu.vector_load %arg10[%get3A_931, %get3A_932] {strides = array<i32>} : memref<64x32xi32, #tpu.memory_space<vmem>>, vector<16xi32>,
      %bitcast3A_934 = vector.bitcast %get3A_933 : vector<16xi32> to vector<32xbf16>
      %mul3A_935 = arith.mulf %bitcast3A_924, %bitcast3A_929 : vector<32xbf16>
      %add3A_936 = arith.addf %add3A_911, %mul3A_935 : vector<32xbf16>
      %mul3A_937 = arith.mulf %bitcast3A_924, %bitcast3A_934 : vector<32xbf16>
      %add3A_938 = arith.addf %add3A_913, %mul3A_937 : vector<32xbf16>
      %lt3A_939 = arith.constant 0 : i32
      %lt3A_940 = vector.broadcast %lt3A_939 : i32 to vector<16xi32>
      %lt3A_941 = arith.cmpi slt, %broadcast_in_dim3A_863, %lt3A_940 : vector<16xi32>
      %add3A_942 = arith.constant 16 : i32
      %add3A_943 = vector.broadcast %add3A_942 : i32 to vector<16xi32>
      %add3A_944 = arith.addi %broadcast_in_dim3A_863, %add3A_943 : vector<16xi32>
      %select_n3A_945 = arith.select %lt3A_941, %add3A_944, %broadcast_in_dim3A_863 : vector<16xi1>, vector<16xi32>
      %broadcast_in_dim3A_946 = vector.shape_cast %select_n3A_945 : vector<16xi32> to vector<16x1xi32>
      %gather3A_947 = vector.shape_cast %broadcast_in_dim3A_946 : vector<16x1xi32> to vector<16xi32>
      %gather3A_948 = tpu.dynamic_gather %bitcast3A_208[%gather3A_947] in [0] : vector<16xi32>, vector<16xi32> -> vector<16xi32>
      %bitcast3A_949 = vector.bitcast %gather3A_948 : vector<16xi32> to vector<32xbf16>
      %get3A_950 = arith.constant 54 : i32
      %get3A_951 = arith.index_cast %get3A_950 : i32 to index
      %get3A_952 = arith.constant 0 : index
      %get3A_953 = tpu.vector_load %arg10[%get3A_951, %get3A_952] {strides = array<i32>} : memref<64x32xi32, #tpu.memory_space<vmem>>, vector<16xi32>,
      %bitcast3A_954 = vector.bitcast %get3A_953 : vector<16xi32> to vector<32xbf16>
      %get3A_955 = arith.constant 54 : i32
      %get3A_956 = arith.index_cast %get3A_955 : i32 to index
      %get3A_957 = arith.constant 16 : index
      %get3A_958 = tpu.vector_load %arg10[%get3A_956, %get3A_957] {strides = array<i32>} : memref<64x32xi32, #tpu.memory_space<vmem>>, vector<16xi32>,
      %bitcast3A_959 = vector.bitcast %get3A_958 : vector<16xi32> to vector<32xbf16>
      %mul3A_960 = arith.mulf %bitcast3A_949, %bitcast3A_954 : vector<32xbf16>
      %add3A_961 = arith.addf %add3A_936, %mul3A_960 : vector<32xbf16>
      %mul3A_962 = arith.mulf %bitcast3A_949, %bitcast3A_959 : vector<32xbf16>
      %add3A_963 = arith.addf %add3A_938, %mul3A_962 : vector<32xbf16>
      %broadcast_in_dim3A_964 = arith.constant 7 : i32
      %broadcast_in_dim3A_965 = vector.broadcast %broadcast_in_dim3A_964 : i32 to vector<16xi32>
      %lt3A_966 = arith.constant 0 : i32
      %lt3A_967 = vector.broadcast %lt3A_966 : i32 to vector<16xi32>
      %lt3A_968 = arith.cmpi slt, %broadcast_in_dim3A_965, %lt3A_967 : vector<16xi32>
      %add3A_969 = arith.constant 16 : i32
      %add3A_970 = vector.broadcast %add3A_969 : i32 to vector<16xi32>
      %add3A_971 = arith.addi %broadcast_in_dim3A_965, %add3A_970 : vector<16xi32>
      %select_n3A_972 = arith.select %lt3A_968, %add3A_971, %broadcast_in_dim3A_965 : vector<16xi1>, vector<16xi32>
      %broadcast_in_dim3A_973 = vector.shape_cast %select_n3A_972 : vector<16xi32> to vector<16x1xi32>
      %gather3A_974 = vector.shape_cast %broadcast_in_dim3A_973 : vector<16x1xi32> to vector<16xi32>
      %gather3A_975 = tpu.dynamic_gather %bitcast3A_202[%gather3A_974] in [0] : vector<16xi32>, vector<16xi32> -> vector<16xi32>
      %bitcast3A_976 = vector.bitcast %gather3A_975 : vector<16xi32> to vector<32xbf16>
      %get3A_977 = arith.constant 7 : i32
      %get3A_978 = arith.index_cast %get3A_977 : i32 to index
      %get3A_979 = arith.constant 0 : index
      %get3A_980 = tpu.vector_load %arg10[%get3A_978, %get3A_979] {strides = array<i32>} : memref<64x32xi32, #tpu.memory_space<vmem>>, vector<16xi32>,
      %bitcast3A_981 = vector.bitcast %get3A_980 : vector<16xi32> to vector<32xbf16>
      %get3A_982 = arith.constant 7 : i32
      %get3A_983 = arith.index_cast %get3A_982 : i32 to index
      %get3A_984 = arith.constant 16 : index
      %get3A_985 = tpu.vector_load %arg10[%get3A_983, %get3A_984] {strides = array<i32>} : memref<64x32xi32, #tpu.memory_space<vmem>>, vector<16xi32>,
      %bitcast3A_986 = vector.bitcast %get3A_985 : vector<16xi32> to vector<32xbf16>
      %mul3A_987 = arith.mulf %bitcast3A_976, %bitcast3A_981 : vector<32xbf16>
      %add3A_988 = arith.addf %add3A_961, %mul3A_987 : vector<32xbf16>
      %mul3A_989 = arith.mulf %bitcast3A_976, %bitcast3A_986 : vector<32xbf16>
      %add3A_990 = arith.addf %add3A_963, %mul3A_989 : vector<32xbf16>
      %lt3A_991 = arith.constant 0 : i32
      %lt3A_992 = vector.broadcast %lt3A_991 : i32 to vector<16xi32>
      %lt3A_993 = arith.cmpi slt, %broadcast_in_dim3A_965, %lt3A_992 : vector<16xi32>
      %add3A_994 = arith.constant 16 : i32
      %add3A_995 = vector.broadcast %add3A_994 : i32 to vector<16xi32>
      %add3A_996 = arith.addi %broadcast_in_dim3A_965, %add3A_995 : vector<16xi32>
      %select_n3A_997 = arith.select %lt3A_993, %add3A_996, %broadcast_in_dim3A_965 : vector<16xi1>, vector<16xi32>
      %broadcast_in_dim3A_998 = vector.shape_cast %select_n3A_997 : vector<16xi32> to vector<16x1xi32>
      %gather3A_999 = vector.shape_cast %broadcast_in_dim3A_998 : vector<16x1xi32> to vector<16xi32>
      %gather3A_1000 = tpu.dynamic_gather %bitcast3A_204[%gather3A_999] in [0] : vector<16xi32>, vector<16xi32> -> vector<16xi32>
      %bitcast3A_1001 = vector.bitcast %gather3A_1000 : vector<16xi32> to vector<32xbf16>
      %get3A_1002 = arith.constant 23 : i32
      %get3A_1003 = arith.index_cast %get3A_1002 : i32 to index
      %get3A_1004 = arith.constant 0 : index
      %get3A_1005 = tpu.vector_load %arg10[%get3A_1003, %get3A_1004] {strides = array<i32>} : memref<64x32xi32, #tpu.memory_space<vmem>>, vector<16xi32>,
      %bitcast3A_1006 = vector.bitcast %get3A_1005 : vector<16xi32> to vector<32xbf16>
      %get3A_1007 = arith.constant 23 : i32
      %get3A_1008 = arith.index_cast %get3A_1007 : i32 to index
      %get3A_1009 = arith.constant 16 : index
      %get3A_1010 = tpu.vector_load %arg10[%get3A_1008, %get3A_1009] {strides = array<i32>} : memref<64x32xi32, #tpu.memory_space<vmem>>, vector<16xi32>,
      %bitcast3A_1011 = vector.bitcast %get3A_1010 : vector<16xi32> to vector<32xbf16>
      %mul3A_1012 = arith.mulf %bitcast3A_1001, %bitcast3A_1006 : vector<32xbf16>
      %add3A_1013 = arith.addf %add3A_988, %mul3A_1012 : vector<32xbf16>
      %mul3A_1014 = arith.mulf %bitcast3A_1001, %bitcast3A_1011 : vector<32xbf16>
      %add3A_1015 = arith.addf %add3A_990, %mul3A_1014 : vector<32xbf16>
      %lt3A_1016 = arith.constant 0 : i32
      %lt3A_1017 = vector.broadcast %lt3A_1016 : i32 to vector<16xi32>
      %lt3A_1018 = arith.cmpi slt, %broadcast_in_dim3A_965, %lt3A_1017 : vector<16xi32>
      %add3A_1019 = arith.constant 16 : i32
      %add3A_1020 = vector.broadcast %add3A_1019 : i32 to vector<16xi32>
      %add3A_1021 = arith.addi %broadcast_in_dim3A_965, %add3A_1020 : vector<16xi32>
      %select_n3A_1022 = arith.select %lt3A_1018, %add3A_1021, %broadcast_in_dim3A_965 : vector<16xi1>, vector<16xi32>
      %broadcast_in_dim3A_1023 = vector.shape_cast %select_n3A_1022 : vector<16xi32> to vector<16x1xi32>
      %gather3A_1024 = vector.shape_cast %broadcast_in_dim3A_1023 : vector<16x1xi32> to vector<16xi32>
      %gather3A_1025 = tpu.dynamic_gather %bitcast3A_206[%gather3A_1024] in [0] : vector<16xi32>, vector<16xi32> -> vector<16xi32>
      %bitcast3A_1026 = vector.bitcast %gather3A_1025 : vector<16xi32> to vector<32xbf16>
      %get3A_1027 = arith.constant 39 : i32
      %get3A_1028 = arith.index_cast %get3A_1027 : i32 to index
      %get3A_1029 = arith.constant 0 : index
      %get3A_1030 = tpu.vector_load %arg10[%get3A_1028, %get3A_1029] {strides = array<i32>} : memref<64x32xi32, #tpu.memory_space<vmem>>, vector<16xi32>,
      %bitcast3A_1031 = vector.bitcast %get3A_1030 : vector<16xi32> to vector<32xbf16>
      %get3A_1032 = arith.constant 39 : i32
      %get3A_1033 = arith.index_cast %get3A_1032 : i32 to index
      %get3A_1034 = arith.constant 16 : index
      %get3A_1035 = tpu.vector_load %arg10[%get3A_1033, %get3A_1034] {strides = array<i32>} : memref<64x32xi32, #tpu.memory_space<vmem>>, vector<16xi32>,
      %bitcast3A_1036 = vector.bitcast %get3A_1035 : vector<16xi32> to vector<32xbf16>
      %mul3A_1037 = arith.mulf %bitcast3A_1026, %bitcast3A_1031 : vector<32xbf16>
      %add3A_1038 = arith.addf %add3A_1013, %mul3A_1037 : vector<32xbf16>
      %mul3A_1039 = arith.mulf %bitcast3A_1026, %bitcast3A_1036 : vector<32xbf16>
      %add3A_1040 = arith.addf %add3A_1015, %mul3A_1039 : vector<32xbf16>
      %lt3A_1041 = arith.constant 0 : i32
      %lt3A_1042 = vector.broadcast %lt3A_1041 : i32 to vector<16xi32>
      %lt3A_1043 = arith.cmpi slt, %broadcast_in_dim3A_965, %lt3A_1042 : vector<16xi32>
      %add3A_1044 = arith.constant 16 : i32
      %add3A_1045 = vector.broadcast %add3A_1044 : i32 to vector<16xi32>
      %add3A_1046 = arith.addi %broadcast_in_dim3A_965, %add3A_1045 : vector<16xi32>
      %select_n3A_1047 = arith.select %lt3A_1043, %add3A_1046, %broadcast_in_dim3A_965 : vector<16xi1>, vector<16xi32>
      %broadcast_in_dim3A_1048 = vector.shape_cast %select_n3A_1047 : vector<16xi32> to vector<16x1xi32>
      %gather3A_1049 = vector.shape_cast %broadcast_in_dim3A_1048 : vector<16x1xi32> to vector<16xi32>
      %gather3A_1050 = tpu.dynamic_gather %bitcast3A_208[%gather3A_1049] in [0] : vector<16xi32>, vector<16xi32> -> vector<16xi32>
      %bitcast3A_1051 = vector.bitcast %gather3A_1050 : vector<16xi32> to vector<32xbf16>
      %get3A_1052 = arith.constant 55 : i32
      %get3A_1053 = arith.index_cast %get3A_1052 : i32 to index
      %get3A_1054 = arith.constant 0 : index
      %get3A_1055 = tpu.vector_load %arg10[%get3A_1053, %get3A_1054] {strides = array<i32>} : memref<64x32xi32, #tpu.memory_space<vmem>>, vector<16xi32>,
      %bitcast3A_1056 = vector.bitcast %get3A_1055 : vector<16xi32> to vector<32xbf16>
      %get3A_1057 = arith.constant 55 : i32
      %get3A_1058 = arith.index_cast %get3A_1057 : i32 to index
      %get3A_1059 = arith.constant 16 : index
      %get3A_1060 = tpu.vector_load %arg10[%get3A_1058, %get3A_1059] {strides = array<i32>} : memref<64x32xi32, #tpu.memory_space<vmem>>, vector<16xi32>,
      %bitcast3A_1061 = vector.bitcast %get3A_1060 : vector<16xi32> to vector<32xbf16>
      %mul3A_1062 = arith.mulf %bitcast3A_1051, %bitcast3A_1056 : vector<32xbf16>
      %add3A_1063 = arith.addf %add3A_1038, %mul3A_1062 : vector<32xbf16>
      %mul3A_1064 = arith.mulf %bitcast3A_1051, %bitcast3A_1061 : vector<32xbf16>
      %add3A_1065 = arith.addf %add3A_1040, %mul3A_1064 : vector<32xbf16>
      %broadcast_in_dim3A_1066 = arith.constant 8 : i32
      %broadcast_in_dim3A_1067 = vector.broadcast %broadcast_in_dim3A_1066 : i32 to vector<16xi32>
      %lt3A_1068 = arith.constant 0 : i32
      %lt3A_1069 = vector.broadcast %lt3A_1068 : i32 to vector<16xi32>
      %lt3A_1070 = arith.cmpi slt, %broadcast_in_dim3A_1067, %lt3A_1069 : vector<16xi32>
      %add3A_1071 = arith.constant 16 : i32
      %add3A_1072 = vector.broadcast %add3A_1071 : i32 to vector<16xi32>
      %add3A_1073 = arith.addi %broadcast_in_dim3A_1067, %add3A_1072 : vector<16xi32>
      %select_n3A_1074 = arith.select %lt3A_1070, %add3A_1073, %broadcast_in_dim3A_1067 : vector<16xi1>, vector<16xi32>
      %broadcast_in_dim3A_1075 = vector.shape_cast %select_n3A_1074 : vector<16xi32> to vector<16x1xi32>
      %gather3A_1076 = vector.shape_cast %broadcast_in_dim3A_1075 : vector<16x1xi32> to vector<16xi32>
      %gather3A_1077 = tpu.dynamic_gather %bitcast3A_202[%gather3A_1076] in [0] : vector<16xi32>, vector<16xi32> -> vector<16xi32>
      %bitcast3A_1078 = vector.bitcast %gather3A_1077 : vector<16xi32> to vector<32xbf16>
      %get3A_1079 = arith.constant 8 : i32
      %get3A_1080 = arith.index_cast %get3A_1079 : i32 to index
      %get3A_1081 = arith.constant 0 : index
      %get3A_1082 = tpu.vector_load %arg10[%get3A_1080, %get3A_1081] {strides = array<i32>} : memref<64x32xi32, #tpu.memory_space<vmem>>, vector<16xi32>,
      %bitcast3A_1083 = vector.bitcast %get3A_1082 : vector<16xi32> to vector<32xbf16>
      %get3A_1084 = arith.constant 8 : i32
      %get3A_1085 = arith.index_cast %get3A_1084 : i32 to index
      %get3A_1086 = arith.constant 16 : index
      %get3A_1087 = tpu.vector_load %arg10[%get3A_1085, %get3A_1086] {strides = array<i32>} : memref<64x32xi32, #tpu.memory_space<vmem>>, vector<16xi32>,
      %bitcast3A_1088 = vector.bitcast %get3A_1087 : vector<16xi32> to vector<32xbf16>
      %mul3A_1089 = arith.mulf %bitcast3A_1078, %bitcast3A_1083 : vector<32xbf16>
      %add3A_1090 = arith.addf %add3A_1063, %mul3A_1089 : vector<32xbf16>
      %mul3A_1091 = arith.mulf %bitcast3A_1078, %bitcast3A_1088 : vector<32xbf16>
      %add3A_1092 = arith.addf %add3A_1065, %mul3A_1091 : vector<32xbf16>
      %lt3A_1093 = arith.constant 0 : i32
      %lt3A_1094 = vector.broadcast %lt3A_1093 : i32 to vector<16xi32>
      %lt3A_1095 = arith.cmpi slt, %broadcast_in_dim3A_1067, %lt3A_1094 : vector<16xi32>
      %add3A_1096 = arith.constant 16 : i32
      %add3A_1097 = vector.broadcast %add3A_1096 : i32 to vector<16xi32>
      %add3A_1098 = arith.addi %broadcast_in_dim3A_1067, %add3A_1097 : vector<16xi32>
      %select_n3A_1099 = arith.select %lt3A_1095, %add3A_1098, %broadcast_in_dim3A_1067 : vector<16xi1>, vector<16xi32>
      %broadcast_in_dim3A_1100 = vector.shape_cast %select_n3A_1099 : vector<16xi32> to vector<16x1xi32>
      %gather3A_1101 = vector.shape_cast %broadcast_in_dim3A_1100 : vector<16x1xi32> to vector<16xi32>
      %gather3A_1102 = tpu.dynamic_gather %bitcast3A_204[%gather3A_1101] in [0] : vector<16xi32>, vector<16xi32> -> vector<16xi32>
      %bitcast3A_1103 = vector.bitcast %gather3A_1102 : vector<16xi32> to vector<32xbf16>
      %get3A_1104 = arith.constant 24 : i32
      %get3A_1105 = arith.index_cast %get3A_1104 : i32 to index
      %get3A_1106 = arith.constant 0 : index
      %get3A_1107 = tpu.vector_load %arg10[%get3A_1105, %get3A_1106] {strides = array<i32>} : memref<64x32xi32, #tpu.memory_space<vmem>>, vector<16xi32>,
      %bitcast3A_1108 = vector.bitcast %get3A_1107 : vector<16xi32> to vector<32xbf16>
      %get3A_1109 = arith.constant 24 : i32
      %get3A_1110 = arith.index_cast %get3A_1109 : i32 to index
      %get3A_1111 = arith.constant 16 : index
      %get3A_1112 = tpu.vector_load %arg10[%get3A_1110, %get3A_1111] {strides = array<i32>} : memref<64x32xi32, #tpu.memory_space<vmem>>, vector<16xi32>,
      %bitcast3A_1113 = vector.bitcast %get3A_1112 : vector<16xi32> to vector<32xbf16>
      %mul3A_1114 = arith.mulf %bitcast3A_1103, %bitcast3A_1108 : vector<32xbf16>
      %add3A_1115 = arith.addf %add3A_1090, %mul3A_1114 : vector<32xbf16>
      %mul3A_1116 = arith.mulf %bitcast3A_1103, %bitcast3A_1113 : vector<32xbf16>
      %add3A_1117 = arith.addf %add3A_1092, %mul3A_1116 : vector<32xbf16>
      %lt3A_1118 = arith.constant 0 : i32
      %lt3A_1119 = vector.broadcast %lt3A_1118 : i32 to vector<16xi32>
      %lt3A_1120 = arith.cmpi slt, %broadcast_in_dim3A_1067, %lt3A_1119 : vector<16xi32>
      %add3A_1121 = arith.constant 16 : i32
      %add3A_1122 = vector.broadcast %add3A_1121 : i32 to vector<16xi32>
      %add3A_1123 = arith.addi %broadcast_in_dim3A_1067, %add3A_1122 : vector<16xi32>
      %select_n3A_1124 = arith.select %lt3A_1120, %add3A_1123, %broadcast_in_dim3A_1067 : vector<16xi1>, vector<16xi32>
      %broadcast_in_dim3A_1125 = vector.shape_cast %select_n3A_1124 : vector<16xi32> to vector<16x1xi32>
      %gather3A_1126 = vector.shape_cast %broadcast_in_dim3A_1125 : vector<16x1xi32> to vector<16xi32>
      %gather3A_1127 = tpu.dynamic_gather %bitcast3A_206[%gather3A_1126] in [0] : vector<16xi32>, vector<16xi32> -> vector<16xi32>
      %bitcast3A_1128 = vector.bitcast %gather3A_1127 : vector<16xi32> to vector<32xbf16>
      %get3A_1129 = arith.constant 40 : i32
      %get3A_1130 = arith.index_cast %get3A_1129 : i32 to index
      %get3A_1131 = arith.constant 0 : index
      %get3A_1132 = tpu.vector_load %arg10[%get3A_1130, %get3A_1131] {strides = array<i32>} : memref<64x32xi32, #tpu.memory_space<vmem>>, vector<16xi32>,
      %bitcast3A_1133 = vector.bitcast %get3A_1132 : vector<16xi32> to vector<32xbf16>
      %get3A_1134 = arith.constant 40 : i32
      %get3A_1135 = arith.index_cast %get3A_1134 : i32 to index
      %get3A_1136 = arith.constant 16 : index
      %get3A_1137 = tpu.vector_load %arg10[%get3A_1135, %get3A_1136] {strides = array<i32>} : memref<64x32xi32, #tpu.memory_space<vmem>>, vector<16xi32>,
      %bitcast3A_1138 = vector.bitcast %get3A_1137 : vector<16xi32> to vector<32xbf16>
      %mul3A_1139 = arith.mulf %bitcast3A_1128, %bitcast3A_1133 : vector<32xbf16>
      %add3A_1140 = arith.addf %add3A_1115, %mul3A_1139 : vector<32xbf16>
      %mul3A_1141 = arith.mulf %bitcast3A_1128, %bitcast3A_1138 : vector<32xbf16>
      %add3A_1142 = arith.addf %add3A_1117, %mul3A_1141 : vector<32xbf16>
      %lt3A_1143 = arith.constant 0 : i32
      %lt3A_1144 = vector.broadcast %lt3A_1143 : i32 to vector<16xi32>
      %lt3A_1145 = arith.cmpi slt, %broadcast_in_dim3A_1067, %lt3A_1144 : vector<16xi32>
      %add3A_1146 = arith.constant 16 : i32
      %add3A_1147 = vector.broadcast %add3A_1146 : i32 to vector<16xi32>
      %add3A_1148 = arith.addi %broadcast_in_dim3A_1067, %add3A_1147 : vector<16xi32>
      %select_n3A_1149 = arith.select %lt3A_1145, %add3A_1148, %broadcast_in_dim3A_1067 : vector<16xi1>, vector<16xi32>
      %broadcast_in_dim3A_1150 = vector.shape_cast %select_n3A_1149 : vector<16xi32> to vector<16x1xi32>
      %gather3A_1151 = vector.shape_cast %broadcast_in_dim3A_1150 : vector<16x1xi32> to vector<16xi32>
      %gather3A_1152 = tpu.dynamic_gather %bitcast3A_208[%gather3A_1151] in [0] : vector<16xi32>, vector<16xi32> -> vector<16xi32>
      %bitcast3A_1153 = vector.bitcast %gather3A_1152 : vector<16xi32> to vector<32xbf16>
      %get3A_1154 = arith.constant 56 : i32
      %get3A_1155 = arith.index_cast %get3A_1154 : i32 to index
      %get3A_1156 = arith.constant 0 : index
      %get3A_1157 = tpu.vector_load %arg10[%get3A_1155, %get3A_1156] {strides = array<i32>} : memref<64x32xi32, #tpu.memory_space<vmem>>, vector<16xi32>,
      %bitcast3A_1158 = vector.bitcast %get3A_1157 : vector<16xi32> to vector<32xbf16>
      %get3A_1159 = arith.constant 56 : i32
      %get3A_1160 = arith.index_cast %get3A_1159 : i32 to index
      %get3A_1161 = arith.constant 16 : index
      %get3A_1162 = tpu.vector_load %arg10[%get3A_1160, %get3A_1161] {strides = array<i32>} : memref<64x32xi32, #tpu.memory_space<vmem>>, vector<16xi32>,
      %bitcast3A_1163 = vector.bitcast %get3A_1162 : vector<16xi32> to vector<32xbf16>
      %mul3A_1164 = arith.mulf %bitcast3A_1153, %bitcast3A_1158 : vector<32xbf16>
      %add3A_1165 = arith.addf %add3A_1140, %mul3A_1164 : vector<32xbf16>
      %mul3A_1166 = arith.mulf %bitcast3A_1153, %bitcast3A_1163 : vector<32xbf16>
      %add3A_1167 = arith.addf %add3A_1142, %mul3A_1166 : vector<32xbf16>
      %broadcast_in_dim3A_1168 = arith.constant 9 : i32
      %broadcast_in_dim3A_1169 = vector.broadcast %broadcast_in_dim3A_1168 : i32 to vector<16xi32>
      %lt3A_1170 = arith.constant 0 : i32
      %lt3A_1171 = vector.broadcast %lt3A_1170 : i32 to vector<16xi32>
      %lt3A_1172 = arith.cmpi slt, %broadcast_in_dim3A_1169, %lt3A_1171 : vector<16xi32>
      %add3A_1173 = arith.constant 16 : i32
      %add3A_1174 = vector.broadcast %add3A_1173 : i32 to vector<16xi32>
      %add3A_1175 = arith.addi %broadcast_in_dim3A_1169, %add3A_1174 : vector<16xi32>
      %select_n3A_1176 = arith.select %lt3A_1172, %add3A_1175, %broadcast_in_dim3A_1169 : vector<16xi1>, vector<16xi32>
      %broadcast_in_dim3A_1177 = vector.shape_cast %select_n3A_1176 : vector<16xi32> to vector<16x1xi32>
      %gather3A_1178 = vector.shape_cast %broadcast_in_dim3A_1177 : vector<16x1xi32> to vector<16xi32>
      %gather3A_1179 = tpu.dynamic_gather %bitcast3A_202[%gather3A_1178] in [0] : vector<16xi32>, vector<16xi32> -> vector<16xi32>
      %bitcast3A_1180 = vector.bitcast %gather3A_1179 : vector<16xi32> to vector<32xbf16>
      %get3A_1181 = arith.constant 9 : i32
      %get3A_1182 = arith.index_cast %get3A_1181 : i32 to index
      %get3A_1183 = arith.constant 0 : index
      %get3A_1184 = tpu.vector_load %arg10[%get3A_1182, %get3A_1183] {strides = array<i32>} : memref<64x32xi32, #tpu.memory_space<vmem>>, vector<16xi32>,
      %bitcast3A_1185 = vector.bitcast %get3A_1184 : vector<16xi32> to vector<32xbf16>
      %get3A_1186 = arith.constant 9 : i32
      %get3A_1187 = arith.index_cast %get3A_1186 : i32 to index
      %get3A_1188 = arith.constant 16 : index
      %get3A_1189 = tpu.vector_load %arg10[%get3A_1187, %get3A_1188] {strides = array<i32>} : memref<64x32xi32, #tpu.memory_space<vmem>>, vector<16xi32>,
      %bitcast3A_1190 = vector.bitcast %get3A_1189 : vector<16xi32> to vector<32xbf16>
      %mul3A_1191 = arith.mulf %bitcast3A_1180, %bitcast3A_1185 : vector<32xbf16>
      %add3A_1192 = arith.addf %add3A_1165, %mul3A_1191 : vector<32xbf16>
      %mul3A_1193 = arith.mulf %bitcast3A_1180, %bitcast3A_1190 : vector<32xbf16>
      %add3A_1194 = arith.addf %add3A_1167, %mul3A_1193 : vector<32xbf16>
      %lt3A_1195 = arith.constant 0 : i32
      %lt3A_1196 = vector.broadcast %lt3A_1195 : i32 to vector<16xi32>
      %lt3A_1197 = arith.cmpi slt, %broadcast_in_dim3A_1169, %lt3A_1196 : vector<16xi32>
      %add3A_1198 = arith.constant 16 : i32
      %add3A_1199 = vector.broadcast %add3A_1198 : i32 to vector<16xi32>
      %add3A_1200 = arith.addi %broadcast_in_dim3A_1169, %add3A_1199 : vector<16xi32>
      %select_n3A_1201 = arith.select %lt3A_1197, %add3A_1200, %broadcast_in_dim3A_1169 : vector<16xi1>, vector<16xi32>
      %broadcast_in_dim3A_1202 = vector.shape_cast %select_n3A_1201 : vector<16xi32> to vector<16x1xi32>
      %gather3A_1203 = vector.shape_cast %broadcast_in_dim3A_1202 : vector<16x1xi32> to vector<16xi32>
      %gather3A_1204 = tpu.dynamic_gather %bitcast3A_204[%gather3A_1203] in [0] : vector<16xi32>, vector<16xi32> -> vector<16xi32>
      %bitcast3A_1205 = vector.bitcast %gather3A_1204 : vector<16xi32> to vector<32xbf16>
      %get3A_1206 = arith.constant 25 : i32
      %get3A_1207 = arith.index_cast %get3A_1206 : i32 to index
      %get3A_1208 = arith.constant 0 : index
      %get3A_1209 = tpu.vector_load %arg10[%get3A_1207, %get3A_1208] {strides = array<i32>} : memref<64x32xi32, #tpu.memory_space<vmem>>, vector<16xi32>,
      %bitcast3A_1210 = vector.bitcast %get3A_1209 : vector<16xi32> to vector<32xbf16>
      %get3A_1211 = arith.constant 25 : i32
      %get3A_1212 = arith.index_cast %get3A_1211 : i32 to index
      %get3A_1213 = arith.constant 16 : index
      %get3A_1214 = tpu.vector_load %arg10[%get3A_1212, %get3A_1213] {strides = array<i32>} : memref<64x32xi32, #tpu.memory_space<vmem>>, vector<16xi32>,
      %bitcast3A_1215 = vector.bitcast %get3A_1214 : vector<16xi32> to vector<32xbf16>
      %mul3A_1216 = arith.mulf %bitcast3A_1205, %bitcast3A_1210 : vector<32xbf16>
      %add3A_1217 = arith.addf %add3A_1192, %mul3A_1216 : vector<32xbf16>
      %mul3A_1218 = arith.mulf %bitcast3A_1205, %bitcast3A_1215 : vector<32xbf16>
      %add3A_1219 = arith.addf %add3A_1194, %mul3A_1218 : vector<32xbf16>
      %lt3A_1220 = arith.constant 0 : i32
      %lt3A_1221 = vector.broadcast %lt3A_1220 : i32 to vector<16xi32>
      %lt3A_1222 = arith.cmpi slt, %broadcast_in_dim3A_1169, %lt3A_1221 : vector<16xi32>
      %add3A_1223 = arith.constant 16 : i32
      %add3A_1224 = vector.broadcast %add3A_1223 : i32 to vector<16xi32>
      %add3A_1225 = arith.addi %broadcast_in_dim3A_1169, %add3A_1224 : vector<16xi32>
      %select_n3A_1226 = arith.select %lt3A_1222, %add3A_1225, %broadcast_in_dim3A_1169 : vector<16xi1>, vector<16xi32>
      %broadcast_in_dim3A_1227 = vector.shape_cast %select_n3A_1226 : vector<16xi32> to vector<16x1xi32>
      %gather3A_1228 = vector.shape_cast %broadcast_in_dim3A_1227 : vector<16x1xi32> to vector<16xi32>
      %gather3A_1229 = tpu.dynamic_gather %bitcast3A_206[%gather3A_1228] in [0] : vector<16xi32>, vector<16xi32> -> vector<16xi32>
      %bitcast3A_1230 = vector.bitcast %gather3A_1229 : vector<16xi32> to vector<32xbf16>
      %get3A_1231 = arith.constant 41 : i32
      %get3A_1232 = arith.index_cast %get3A_1231 : i32 to index
      %get3A_1233 = arith.constant 0 : index
      %get3A_1234 = tpu.vector_load %arg10[%get3A_1232, %get3A_1233] {strides = array<i32>} : memref<64x32xi32, #tpu.memory_space<vmem>>, vector<16xi32>,
      %bitcast3A_1235 = vector.bitcast %get3A_1234 : vector<16xi32> to vector<32xbf16>
      %get3A_1236 = arith.constant 41 : i32
      %get3A_1237 = arith.index_cast %get3A_1236 : i32 to index
      %get3A_1238 = arith.constant 16 : index
      %get3A_1239 = tpu.vector_load %arg10[%get3A_1237, %get3A_1238] {strides = array<i32>} : memref<64x32xi32, #tpu.memory_space<vmem>>, vector<16xi32>,
      %bitcast3A_1240 = vector.bitcast %get3A_1239 : vector<16xi32> to vector<32xbf16>
      %mul3A_1241 = arith.mulf %bitcast3A_1230, %bitcast3A_1235 : vector<32xbf16>
      %add3A_1242 = arith.addf %add3A_1217, %mul3A_1241 : vector<32xbf16>
      %mul3A_1243 = arith.mulf %bitcast3A_1230, %bitcast3A_1240 : vector<32xbf16>
      %add3A_1244 = arith.addf %add3A_1219, %mul3A_1243 : vector<32xbf16>
      %lt3A_1245 = arith.constant 0 : i32
      %lt3A_1246 = vector.broadcast %lt3A_1245 : i32 to vector<16xi32>
      %lt3A_1247 = arith.cmpi slt, %broadcast_in_dim3A_1169, %lt3A_1246 : vector<16xi32>
      %add3A_1248 = arith.constant 16 : i32
      %add3A_1249 = vector.broadcast %add3A_1248 : i32 to vector<16xi32>
      %add3A_1250 = arith.addi %broadcast_in_dim3A_1169, %add3A_1249 : vector<16xi32>
      %select_n3A_1251 = arith.select %lt3A_1247, %add3A_1250, %broadcast_in_dim3A_1169 : vector<16xi1>, vector<16xi32>
      %broadcast_in_dim3A_1252 = vector.shape_cast %select_n3A_1251 : vector<16xi32> to vector<16x1xi32>
      %gather3A_1253 = vector.shape_cast %broadcast_in_dim3A_1252 : vector<16x1xi32> to vector<16xi32>
      %gather3A_1254 = tpu.dynamic_gather %bitcast3A_208[%gather3A_1253] in [0] : vector<16xi32>, vector<16xi32> -> vector<16xi32>
      %bitcast3A_1255 = vector.bitcast %gather3A_1254 : vector<16xi32> to vector<32xbf16>
      %get3A_1256 = arith.constant 57 : i32
      %get3A_1257 = arith.index_cast %get3A_1256 : i32 to index
      %get3A_1258 = arith.constant 0 : index
      %get3A_1259 = tpu.vector_load %arg10[%get3A_1257, %get3A_1258] {strides = array<i32>} : memref<64x32xi32, #tpu.memory_space<vmem>>, vector<16xi32>,
      %bitcast3A_1260 = vector.bitcast %get3A_1259 : vector<16xi32> to vector<32xbf16>
      %get3A_1261 = arith.constant 57 : i32
      %get3A_1262 = arith.index_cast %get3A_1261 : i32 to index
      %get3A_1263 = arith.constant 16 : index
      %get3A_1264 = tpu.vector_load %arg10[%get3A_1262, %get3A_1263] {strides = array<i32>} : memref<64x32xi32, #tpu.memory_space<vmem>>, vector<16xi32>,
      %bitcast3A_1265 = vector.bitcast %get3A_1264 : vector<16xi32> to vector<32xbf16>
      %mul3A_1266 = arith.mulf %bitcast3A_1255, %bitcast3A_1260 : vector<32xbf16>
      %add3A_1267 = arith.addf %add3A_1242, %mul3A_1266 : vector<32xbf16>
      %mul3A_1268 = arith.mulf %bitcast3A_1255, %bitcast3A_1265 : vector<32xbf16>
      %add3A_1269 = arith.addf %add3A_1244, %mul3A_1268 : vector<32xbf16>
      %broadcast_in_dim3A_1270 = arith.constant 10 : i32
      %broadcast_in_dim3A_1271 = vector.broadcast %broadcast_in_dim3A_1270 : i32 to vector<16xi32>
      %lt3A_1272 = arith.constant 0 : i32
      %lt3A_1273 = vector.broadcast %lt3A_1272 : i32 to vector<16xi32>
      %lt3A_1274 = arith.cmpi slt, %broadcast_in_dim3A_1271, %lt3A_1273 : vector<16xi32>
      %add3A_1275 = arith.constant 16 : i32
      %add3A_1276 = vector.broadcast %add3A_1275 : i32 to vector<16xi32>
      %add3A_1277 = arith.addi %broadcast_in_dim3A_1271, %add3A_1276 : vector<16xi32>
      %select_n3A_1278 = arith.select %lt3A_1274, %add3A_1277, %broadcast_in_dim3A_1271 : vector<16xi1>, vector<16xi32>
      %broadcast_in_dim3A_1279 = vector.shape_cast %select_n3A_1278 : vector<16xi32> to vector<16x1xi32>
      %gather3A_1280 = vector.shape_cast %broadcast_in_dim3A_1279 : vector<16x1xi32> to vector<16xi32>
      %gather3A_1281 = tpu.dynamic_gather %bitcast3A_202[%gather3A_1280] in [0] : vector<16xi32>, vector<16xi32> -> vector<16xi32>
      %bitcast3A_1282 = vector.bitcast %gather3A_1281 : vector<16xi32> to vector<32xbf16>
      %get3A_1283 = arith.constant 10 : i32
      %get3A_1284 = arith.index_cast %get3A_1283 : i32 to index
      %get3A_1285 = arith.constant 0 : index
      %get3A_1286 = tpu.vector_load %arg10[%get3A_1284, %get3A_1285] {strides = array<i32>} : memref<64x32xi32, #tpu.memory_space<vmem>>, vector<16xi32>,
      %bitcast3A_1287 = vector.bitcast %get3A_1286 : vector<16xi32> to vector<32xbf16>
      %get3A_1288 = arith.constant 10 : i32
      %get3A_1289 = arith.index_cast %get3A_1288 : i32 to index
      %get3A_1290 = arith.constant 16 : index
      %get3A_1291 = tpu.vector_load %arg10[%get3A_1289, %get3A_1290] {strides = array<i32>} : memref<64x32xi32, #tpu.memory_space<vmem>>, vector<16xi32>,
      %bitcast3A_1292 = vector.bitcast %get3A_1291 : vector<16xi32> to vector<32xbf16>
      %mul3A_1293 = arith.mulf %bitcast3A_1282, %bitcast3A_1287 : vector<32xbf16>
      %add3A_1294 = arith.addf %add3A_1267, %mul3A_1293 : vector<32xbf16>
      %mul3A_1295 = arith.mulf %bitcast3A_1282, %bitcast3A_1292 : vector<32xbf16>
      %add3A_1296 = arith.addf %add3A_1269, %mul3A_1295 : vector<32xbf16>
      %lt3A_1297 = arith.constant 0 : i32
      %lt3A_1298 = vector.broadcast %lt3A_1297 : i32 to vector<16xi32>
      %lt3A_1299 = arith.cmpi slt, %broadcast_in_dim3A_1271, %lt3A_1298 : vector<16xi32>
      %add3A_1300 = arith.constant 16 : i32
      %add3A_1301 = vector.broadcast %add3A_1300 : i32 to vector<16xi32>
      %add3A_1302 = arith.addi %broadcast_in_dim3A_1271, %add3A_1301 : vector<16xi32>
      %select_n3A_1303 = arith.select %lt3A_1299, %add3A_1302, %broadcast_in_dim3A_1271 : vector<16xi1>, vector<16xi32>
      %broadcast_in_dim3A_1304 = vector.shape_cast %select_n3A_1303 : vector<16xi32> to vector<16x1xi32>
      %gather3A_1305 = vector.shape_cast %broadcast_in_dim3A_1304 : vector<16x1xi32> to vector<16xi32>
      %gather3A_1306 = tpu.dynamic_gather %bitcast3A_204[%gather3A_1305] in [0] : vector<16xi32>, vector<16xi32> -> vector<16xi32>
      %bitcast3A_1307 = vector.bitcast %gather3A_1306 : vector<16xi32> to vector<32xbf16>
      %get3A_1308 = arith.constant 26 : i32
      %get3A_1309 = arith.index_cast %get3A_1308 : i32 to index
      %get3A_1310 = arith.constant 0 : index
      %get3A_1311 = tpu.vector_load %arg10[%get3A_1309, %get3A_1310] {strides = array<i32>} : memref<64x32xi32, #tpu.memory_space<vmem>>, vector<16xi32>,
      %bitcast3A_1312 = vector.bitcast %get3A_1311 : vector<16xi32> to vector<32xbf16>
      %get3A_1313 = arith.constant 26 : i32
      %get3A_1314 = arith.index_cast %get3A_1313 : i32 to index
      %get3A_1315 = arith.constant 16 : index
      %get3A_1316 = tpu.vector_load %arg10[%get3A_1314, %get3A_1315] {strides = array<i32>} : memref<64x32xi32, #tpu.memory_space<vmem>>, vector<16xi32>,
      %bitcast3A_1317 = vector.bitcast %get3A_1316 : vector<16xi32> to vector<32xbf16>
      %mul3A_1318 = arith.mulf %bitcast3A_1307, %bitcast3A_1312 : vector<32xbf16>
      %add3A_1319 = arith.addf %add3A_1294, %mul3A_1318 : vector<32xbf16>
      %mul3A_1320 = arith.mulf %bitcast3A_1307, %bitcast3A_1317 : vector<32xbf16>
      %add3A_1321 = arith.addf %add3A_1296, %mul3A_1320 : vector<32xbf16>
      %lt3A_1322 = arith.constant 0 : i32
      %lt3A_1323 = vector.broadcast %lt3A_1322 : i32 to vector<16xi32>
      %lt3A_1324 = arith.cmpi slt, %broadcast_in_dim3A_1271, %lt3A_1323 : vector<16xi32>
      %add3A_1325 = arith.constant 16 : i32
      %add3A_1326 = vector.broadcast %add3A_1325 : i32 to vector<16xi32>
      %add3A_1327 = arith.addi %broadcast_in_dim3A_1271, %add3A_1326 : vector<16xi32>
      %select_n3A_1328 = arith.select %lt3A_1324, %add3A_1327, %broadcast_in_dim3A_1271 : vector<16xi1>, vector<16xi32>
      %broadcast_in_dim3A_1329 = vector.shape_cast %select_n3A_1328 : vector<16xi32> to vector<16x1xi32>
      %gather3A_1330 = vector.shape_cast %broadcast_in_dim3A_1329 : vector<16x1xi32> to vector<16xi32>
      %gather3A_1331 = tpu.dynamic_gather %bitcast3A_206[%gather3A_1330] in [0] : vector<16xi32>, vector<16xi32> -> vector<16xi32>
      %bitcast3A_1332 = vector.bitcast %gather3A_1331 : vector<16xi32> to vector<32xbf16>
      %get3A_1333 = arith.constant 42 : i32
      %get3A_1334 = arith.index_cast %get3A_1333 : i32 to index
      %get3A_1335 = arith.constant 0 : index
      %get3A_1336 = tpu.vector_load %arg10[%get3A_1334, %get3A_1335] {strides = array<i32>} : memref<64x32xi32, #tpu.memory_space<vmem>>, vector<16xi32>,
      %bitcast3A_1337 = vector.bitcast %get3A_1336 : vector<16xi32> to vector<32xbf16>
      %get3A_1338 = arith.constant 42 : i32
      %get3A_1339 = arith.index_cast %get3A_1338 : i32 to index
      %get3A_1340 = arith.constant 16 : index
      %get3A_1341 = tpu.vector_load %arg10[%get3A_1339, %get3A_1340] {strides = array<i32>} : memref<64x32xi32, #tpu.memory_space<vmem>>, vector<16xi32>,
      %bitcast3A_1342 = vector.bitcast %get3A_1341 : vector<16xi32> to vector<32xbf16>
      %mul3A_1343 = arith.mulf %bitcast3A_1332, %bitcast3A_1337 : vector<32xbf16>
      %add3A_1344 = arith.addf %add3A_1319, %mul3A_1343 : vector<32xbf16>
      %mul3A_1345 = arith.mulf %bitcast3A_1332, %bitcast3A_1342 : vector<32xbf16>
      %add3A_1346 = arith.addf %add3A_1321, %mul3A_1345 : vector<32xbf16>
      %lt3A_1347 = arith.constant 0 : i32
      %lt3A_1348 = vector.broadcast %lt3A_1347 : i32 to vector<16xi32>
      %lt3A_1349 = arith.cmpi slt, %broadcast_in_dim3A_1271, %lt3A_1348 : vector<16xi32>
      %add3A_1350 = arith.constant 16 : i32
      %add3A_1351 = vector.broadcast %add3A_1350 : i32 to vector<16xi32>
      %add3A_1352 = arith.addi %broadcast_in_dim3A_1271, %add3A_1351 : vector<16xi32>
      %select_n3A_1353 = arith.select %lt3A_1349, %add3A_1352, %broadcast_in_dim3A_1271 : vector<16xi1>, vector<16xi32>
      %broadcast_in_dim3A_1354 = vector.shape_cast %select_n3A_1353 : vector<16xi32> to vector<16x1xi32>
      %gather3A_1355 = vector.shape_cast %broadcast_in_dim3A_1354 : vector<16x1xi32> to vector<16xi32>
      %gather3A_1356 = tpu.dynamic_gather %bitcast3A_208[%gather3A_1355] in [0] : vector<16xi32>, vector<16xi32> -> vector<16xi32>
      %bitcast3A_1357 = vector.bitcast %gather3A_1356 : vector<16xi32> to vector<32xbf16>
      %get3A_1358 = arith.constant 58 : i32
      %get3A_1359 = arith.index_cast %get3A_1358 : i32 to index
      %get3A_1360 = arith.constant 0 : index
      %get3A_1361 = tpu.vector_load %arg10[%get3A_1359, %get3A_1360] {strides = array<i32>} : memref<64x32xi32, #tpu.memory_space<vmem>>, vector<16xi32>,
      %bitcast3A_1362 = vector.bitcast %get3A_1361 : vector<16xi32> to vector<32xbf16>
      %get3A_1363 = arith.constant 58 : i32
      %get3A_1364 = arith.index_cast %get3A_1363 : i32 to index
      %get3A_1365 = arith.constant 16 : index
      %get3A_1366 = tpu.vector_load %arg10[%get3A_1364, %get3A_1365] {strides = array<i32>} : memref<64x32xi32, #tpu.memory_space<vmem>>, vector<16xi32>,
      %bitcast3A_1367 = vector.bitcast %get3A_1366 : vector<16xi32> to vector<32xbf16>
      %mul3A_1368 = arith.mulf %bitcast3A_1357, %bitcast3A_1362 : vector<32xbf16>
      %add3A_1369 = arith.addf %add3A_1344, %mul3A_1368 : vector<32xbf16>
      %mul3A_1370 = arith.mulf %bitcast3A_1357, %bitcast3A_1367 : vector<32xbf16>
      %add3A_1371 = arith.addf %add3A_1346, %mul3A_1370 : vector<32xbf16>
      %broadcast_in_dim3A_1372 = arith.constant 11 : i32
      %broadcast_in_dim3A_1373 = vector.broadcast %broadcast_in_dim3A_1372 : i32 to vector<16xi32>
      %lt3A_1374 = arith.constant 0 : i32
      %lt3A_1375 = vector.broadcast %lt3A_1374 : i32 to vector<16xi32>
      %lt3A_1376 = arith.cmpi slt, %broadcast_in_dim3A_1373, %lt3A_1375 : vector<16xi32>
      %add3A_1377 = arith.constant 16 : i32
      %add3A_1378 = vector.broadcast %add3A_1377 : i32 to vector<16xi32>
      %add3A_1379 = arith.addi %broadcast_in_dim3A_1373, %add3A_1378 : vector<16xi32>
      %select_n3A_1380 = arith.select %lt3A_1376, %add3A_1379, %broadcast_in_dim3A_1373 : vector<16xi1>, vector<16xi32>
      %broadcast_in_dim3A_1381 = vector.shape_cast %select_n3A_1380 : vector<16xi32> to vector<16x1xi32>
      %gather3A_1382 = vector.shape_cast %broadcast_in_dim3A_1381 : vector<16x1xi32> to vector<16xi32>
      %gather3A_1383 = tpu.dynamic_gather %bitcast3A_202[%gather3A_1382] in [0] : vector<16xi32>, vector<16xi32> -> vector<16xi32>
      %bitcast3A_1384 = vector.bitcast %gather3A_1383 : vector<16xi32> to vector<32xbf16>
      %get3A_1385 = arith.constant 11 : i32
      %get3A_1386 = arith.index_cast %get3A_1385 : i32 to index
      %get3A_1387 = arith.constant 0 : index
      %get3A_1388 = tpu.vector_load %arg10[%get3A_1386, %get3A_1387] {strides = array<i32>} : memref<64x32xi32, #tpu.memory_space<vmem>>, vector<16xi32>,
      %bitcast3A_1389 = vector.bitcast %get3A_1388 : vector<16xi32> to vector<32xbf16>
      %get3A_1390 = arith.constant 11 : i32
      %get3A_1391 = arith.index_cast %get3A_1390 : i32 to index
      %get3A_1392 = arith.constant 16 : index
      %get3A_1393 = tpu.vector_load %arg10[%get3A_1391, %get3A_1392] {strides = array<i32>} : memref<64x32xi32, #tpu.memory_space<vmem>>, vector<16xi32>,
      %bitcast3A_1394 = vector.bitcast %get3A_1393 : vector<16xi32> to vector<32xbf16>
      %mul3A_1395 = arith.mulf %bitcast3A_1384, %bitcast3A_1389 : vector<32xbf16>
      %add3A_1396 = arith.addf %add3A_1369, %mul3A_1395 : vector<32xbf16>
      %mul3A_1397 = arith.mulf %bitcast3A_1384, %bitcast3A_1394 : vector<32xbf16>
      %add3A_1398 = arith.addf %add3A_1371, %mul3A_1397 : vector<32xbf16>
      %lt3A_1399 = arith.constant 0 : i32
      %lt3A_1400 = vector.broadcast %lt3A_1399 : i32 to vector<16xi32>
      %lt3A_1401 = arith.cmpi slt, %broadcast_in_dim3A_1373, %lt3A_1400 : vector<16xi32>
      %add3A_1402 = arith.constant 16 : i32
      %add3A_1403 = vector.broadcast %add3A_1402 : i32 to vector<16xi32>
      %add3A_1404 = arith.addi %broadcast_in_dim3A_1373, %add3A_1403 : vector<16xi32>
      %select_n3A_1405 = arith.select %lt3A_1401, %add3A_1404, %broadcast_in_dim3A_1373 : vector<16xi1>, vector<16xi32>
      %broadcast_in_dim3A_1406 = vector.shape_cast %select_n3A_1405 : vector<16xi32> to vector<16x1xi32>
      %gather3A_1407 = vector.shape_cast %broadcast_in_dim3A_1406 : vector<16x1xi32> to vector<16xi32>
      %gather3A_1408 = tpu.dynamic_gather %bitcast3A_204[%gather3A_1407] in [0] : vector<16xi32>, vector<16xi32> -> vector<16xi32>
      %bitcast3A_1409 = vector.bitcast %gather3A_1408 : vector<16xi32> to vector<32xbf16>
      %get3A_1410 = arith.constant 27 : i32
      %get3A_1411 = arith.index_cast %get3A_1410 : i32 to index
      %get3A_1412 = arith.constant 0 : index
      %get3A_1413 = tpu.vector_load %arg10[%get3A_1411, %get3A_1412] {strides = array<i32>} : memref<64x32xi32, #tpu.memory_space<vmem>>, vector<16xi32>,
      %bitcast3A_1414 = vector.bitcast %get3A_1413 : vector<16xi32> to vector<32xbf16>
      %get3A_1415 = arith.constant 27 : i32
      %get3A_1416 = arith.index_cast %get3A_1415 : i32 to index
      %get3A_1417 = arith.constant 16 : index
      %get3A_1418 = tpu.vector_load %arg10[%get3A_1416, %get3A_1417] {strides = array<i32>} : memref<64x32xi32, #tpu.memory_space<vmem>>, vector<16xi32>,
      %bitcast3A_1419 = vector.bitcast %get3A_1418 : vector<16xi32> to vector<32xbf16>
      %mul3A_1420 = arith.mulf %bitcast3A_1409, %bitcast3A_1414 : vector<32xbf16>
      %add3A_1421 = arith.addf %add3A_1396, %mul3A_1420 : vector<32xbf16>
      %mul3A_1422 = arith.mulf %bitcast3A_1409, %bitcast3A_1419 : vector<32xbf16>
      %add3A_1423 = arith.addf %add3A_1398, %mul3A_1422 : vector<32xbf16>
      %lt3A_1424 = arith.constant 0 : i32
      %lt3A_1425 = vector.broadcast %lt3A_1424 : i32 to vector<16xi32>
      %lt3A_1426 = arith.cmpi slt, %broadcast_in_dim3A_1373, %lt3A_1425 : vector<16xi32>
      %add3A_1427 = arith.constant 16 : i32
      %add3A_1428 = vector.broadcast %add3A_1427 : i32 to vector<16xi32>
      %add3A_1429 = arith.addi %broadcast_in_dim3A_1373, %add3A_1428 : vector<16xi32>
      %select_n3A_1430 = arith.select %lt3A_1426, %add3A_1429, %broadcast_in_dim3A_1373 : vector<16xi1>, vector<16xi32>
      %broadcast_in_dim3A_1431 = vector.shape_cast %select_n3A_1430 : vector<16xi32> to vector<16x1xi32>
      %gather3A_1432 = vector.shape_cast %broadcast_in_dim3A_1431 : vector<16x1xi32> to vector<16xi32>
      %gather3A_1433 = tpu.dynamic_gather %bitcast3A_206[%gather3A_1432] in [0] : vector<16xi32>, vector<16xi32> -> vector<16xi32>
      %bitcast3A_1434 = vector.bitcast %gather3A_1433 : vector<16xi32> to vector<32xbf16>
      %get3A_1435 = arith.constant 43 : i32
      %get3A_1436 = arith.index_cast %get3A_1435 : i32 to index
      %get3A_1437 = arith.constant 0 : index
      %get3A_1438 = tpu.vector_load %arg10[%get3A_1436, %get3A_1437] {strides = array<i32>} : memref<64x32xi32, #tpu.memory_space<vmem>>, vector<16xi32>,
      %bitcast3A_1439 = vector.bitcast %get3A_1438 : vector<16xi32> to vector<32xbf16>
      %get3A_1440 = arith.constant 43 : i32
      %get3A_1441 = arith.index_cast %get3A_1440 : i32 to index
      %get3A_1442 = arith.constant 16 : index
      %get3A_1443 = tpu.vector_load %arg10[%get3A_1441, %get3A_1442] {strides = array<i32>} : memref<64x32xi32, #tpu.memory_space<vmem>>, vector<16xi32>,
      %bitcast3A_1444 = vector.bitcast %get3A_1443 : vector<16xi32> to vector<32xbf16>
      %mul3A_1445 = arith.mulf %bitcast3A_1434, %bitcast3A_1439 : vector<32xbf16>
      %add3A_1446 = arith.addf %add3A_1421, %mul3A_1445 : vector<32xbf16>
      %mul3A_1447 = arith.mulf %bitcast3A_1434, %bitcast3A_1444 : vector<32xbf16>
      %add3A_1448 = arith.addf %add3A_1423, %mul3A_1447 : vector<32xbf16>
      %lt3A_1449 = arith.constant 0 : i32
      %lt3A_1450 = vector.broadcast %lt3A_1449 : i32 to vector<16xi32>
      %lt3A_1451 = arith.cmpi slt, %broadcast_in_dim3A_1373, %lt3A_1450 : vector<16xi32>
      %add3A_1452 = arith.constant 16 : i32
      %add3A_1453 = vector.broadcast %add3A_1452 : i32 to vector<16xi32>
      %add3A_1454 = arith.addi %broadcast_in_dim3A_1373, %add3A_1453 : vector<16xi32>
      %select_n3A_1455 = arith.select %lt3A_1451, %add3A_1454, %broadcast_in_dim3A_1373 : vector<16xi1>, vector<16xi32>
      %broadcast_in_dim3A_1456 = vector.shape_cast %select_n3A_1455 : vector<16xi32> to vector<16x1xi32>
      %gather3A_1457 = vector.shape_cast %broadcast_in_dim3A_1456 : vector<16x1xi32> to vector<16xi32>
      %gather3A_1458 = tpu.dynamic_gather %bitcast3A_208[%gather3A_1457] in [0] : vector<16xi32>, vector<16xi32> -> vector<16xi32>
      %bitcast3A_1459 = vector.bitcast %gather3A_1458 : vector<16xi32> to vector<32xbf16>
      %get3A_1460 = arith.constant 59 : i32
      %get3A_1461 = arith.index_cast %get3A_1460 : i32 to index
      %get3A_1462 = arith.constant 0 : index
      %get3A_1463 = tpu.vector_load %arg10[%get3A_1461, %get3A_1462] {strides = array<i32>} : memref<64x32xi32, #tpu.memory_space<vmem>>, vector<16xi32>,
      %bitcast3A_1464 = vector.bitcast %get3A_1463 : vector<16xi32> to vector<32xbf16>
      %get3A_1465 = arith.constant 59 : i32
      %get3A_1466 = arith.index_cast %get3A_1465 : i32 to index
      %get3A_1467 = arith.constant 16 : index
      %get3A_1468 = tpu.vector_load %arg10[%get3A_1466, %get3A_1467] {strides = array<i32>} : memref<64x32xi32, #tpu.memory_space<vmem>>, vector<16xi32>,
      %bitcast3A_1469 = vector.bitcast %get3A_1468 : vector<16xi32> to vector<32xbf16>
      %mul3A_1470 = arith.mulf %bitcast3A_1459, %bitcast3A_1464 : vector<32xbf16>
      %add3A_1471 = arith.addf %add3A_1446, %mul3A_1470 : vector<32xbf16>
      %mul3A_1472 = arith.mulf %bitcast3A_1459, %bitcast3A_1469 : vector<32xbf16>
      %add3A_1473 = arith.addf %add3A_1448, %mul3A_1472 : vector<32xbf16>
      %broadcast_in_dim3A_1474 = arith.constant 12 : i32
      %broadcast_in_dim3A_1475 = vector.broadcast %broadcast_in_dim3A_1474 : i32 to vector<16xi32>
      %lt3A_1476 = arith.constant 0 : i32
      %lt3A_1477 = vector.broadcast %lt3A_1476 : i32 to vector<16xi32>
      %lt3A_1478 = arith.cmpi slt, %broadcast_in_dim3A_1475, %lt3A_1477 : vector<16xi32>
      %add3A_1479 = arith.constant 16 : i32
      %add3A_1480 = vector.broadcast %add3A_1479 : i32 to vector<16xi32>
      %add3A_1481 = arith.addi %broadcast_in_dim3A_1475, %add3A_1480 : vector<16xi32>
      %select_n3A_1482 = arith.select %lt3A_1478, %add3A_1481, %broadcast_in_dim3A_1475 : vector<16xi1>, vector<16xi32>
      %broadcast_in_dim3A_1483 = vector.shape_cast %select_n3A_1482 : vector<16xi32> to vector<16x1xi32>
      %gather3A_1484 = vector.shape_cast %broadcast_in_dim3A_1483 : vector<16x1xi32> to vector<16xi32>
      %gather3A_1485 = tpu.dynamic_gather %bitcast3A_202[%gather3A_1484] in [0] : vector<16xi32>, vector<16xi32> -> vector<16xi32>
      %bitcast3A_1486 = vector.bitcast %gather3A_1485 : vector<16xi32> to vector<32xbf16>
      %get3A_1487 = arith.constant 12 : i32
      %get3A_1488 = arith.index_cast %get3A_1487 : i32 to index
      %get3A_1489 = arith.constant 0 : index
      %get3A_1490 = tpu.vector_load %arg10[%get3A_1488, %get3A_1489] {strides = array<i32>} : memref<64x32xi32, #tpu.memory_space<vmem>>, vector<16xi32>,
      %bitcast3A_1491 = vector.bitcast %get3A_1490 : vector<16xi32> to vector<32xbf16>
      %get3A_1492 = arith.constant 12 : i32
      %get3A_1493 = arith.index_cast %get3A_1492 : i32 to index
      %get3A_1494 = arith.constant 16 : index
      %get3A_1495 = tpu.vector_load %arg10[%get3A_1493, %get3A_1494] {strides = array<i32>} : memref<64x32xi32, #tpu.memory_space<vmem>>, vector<16xi32>,
      %bitcast3A_1496 = vector.bitcast %get3A_1495 : vector<16xi32> to vector<32xbf16>
      %mul3A_1497 = arith.mulf %bitcast3A_1486, %bitcast3A_1491 : vector<32xbf16>
      %add3A_1498 = arith.addf %add3A_1471, %mul3A_1497 : vector<32xbf16>
      %mul3A_1499 = arith.mulf %bitcast3A_1486, %bitcast3A_1496 : vector<32xbf16>
      %add3A_1500 = arith.addf %add3A_1473, %mul3A_1499 : vector<32xbf16>
      %lt3A_1501 = arith.constant 0 : i32
      %lt3A_1502 = vector.broadcast %lt3A_1501 : i32 to vector<16xi32>
      %lt3A_1503 = arith.cmpi slt, %broadcast_in_dim3A_1475, %lt3A_1502 : vector<16xi32>
      %add3A_1504 = arith.constant 16 : i32
      %add3A_1505 = vector.broadcast %add3A_1504 : i32 to vector<16xi32>
      %add3A_1506 = arith.addi %broadcast_in_dim3A_1475, %add3A_1505 : vector<16xi32>
      %select_n3A_1507 = arith.select %lt3A_1503, %add3A_1506, %broadcast_in_dim3A_1475 : vector<16xi1>, vector<16xi32>
      %broadcast_in_dim3A_1508 = vector.shape_cast %select_n3A_1507 : vector<16xi32> to vector<16x1xi32>
      %gather3A_1509 = vector.shape_cast %broadcast_in_dim3A_1508 : vector<16x1xi32> to vector<16xi32>
      %gather3A_1510 = tpu.dynamic_gather %bitcast3A_204[%gather3A_1509] in [0] : vector<16xi32>, vector<16xi32> -> vector<16xi32>
      %bitcast3A_1511 = vector.bitcast %gather3A_1510 : vector<16xi32> to vector<32xbf16>
      %get3A_1512 = arith.constant 28 : i32
      %get3A_1513 = arith.index_cast %get3A_1512 : i32 to index
      %get3A_1514 = arith.constant 0 : index
      %get3A_1515 = tpu.vector_load %arg10[%get3A_1513, %get3A_1514] {strides = array<i32>} : memref<64x32xi32, #tpu.memory_space<vmem>>, vector<16xi32>,
      %bitcast3A_1516 = vector.bitcast %get3A_1515 : vector<16xi32> to vector<32xbf16>
      %get3A_1517 = arith.constant 28 : i32
      %get3A_1518 = arith.index_cast %get3A_1517 : i32 to index
      %get3A_1519 = arith.constant 16 : index
      %get3A_1520 = tpu.vector_load %arg10[%get3A_1518, %get3A_1519] {strides = array<i32>} : memref<64x32xi32, #tpu.memory_space<vmem>>, vector<16xi32>,
      %bitcast3A_1521 = vector.bitcast %get3A_1520 : vector<16xi32> to vector<32xbf16>
      %mul3A_1522 = arith.mulf %bitcast3A_1511, %bitcast3A_1516 : vector<32xbf16>
      %add3A_1523 = arith.addf %add3A_1498, %mul3A_1522 : vector<32xbf16>
      %mul3A_1524 = arith.mulf %bitcast3A_1511, %bitcast3A_1521 : vector<32xbf16>
      %add3A_1525 = arith.addf %add3A_1500, %mul3A_1524 : vector<32xbf16>
      %lt3A_1526 = arith.constant 0 : i32
      %lt3A_1527 = vector.broadcast %lt3A_1526 : i32 to vector<16xi32>
      %lt3A_1528 = arith.cmpi slt, %broadcast_in_dim3A_1475, %lt3A_1527 : vector<16xi32>
      %add3A_1529 = arith.constant 16 : i32
      %add3A_1530 = vector.broadcast %add3A_1529 : i32 to vector<16xi32>
      %add3A_1531 = arith.addi %broadcast_in_dim3A_1475, %add3A_1530 : vector<16xi32>
      %select_n3A_1532 = arith.select %lt3A_1528, %add3A_1531, %broadcast_in_dim3A_1475 : vector<16xi1>, vector<16xi32>
      %broadcast_in_dim3A_1533 = vector.shape_cast %select_n3A_1532 : vector<16xi32> to vector<16x1xi32>
      %gather3A_1534 = vector.shape_cast %broadcast_in_dim3A_1533 : vector<16x1xi32> to vector<16xi32>
      %gather3A_1535 = tpu.dynamic_gather %bitcast3A_206[%gather3A_1534] in [0] : vector<16xi32>, vector<16xi32> -> vector<16xi32>
      %bitcast3A_1536 = vector.bitcast %gather3A_1535 : vector<16xi32> to vector<32xbf16>
      %get3A_1537 = arith.constant 44 : i32
      %get3A_1538 = arith.index_cast %get3A_1537 : i32 to index
      %get3A_1539 = arith.constant 0 : index
      %get3A_1540 = tpu.vector_load %arg10[%get3A_1538, %get3A_1539] {strides = array<i32>} : memref<64x32xi32, #tpu.memory_space<vmem>>, vector<16xi32>,
      %bitcast3A_1541 = vector.bitcast %get3A_1540 : vector<16xi32> to vector<32xbf16>
      %get3A_1542 = arith.constant 44 : i32
      %get3A_1543 = arith.index_cast %get3A_1542 : i32 to index
      %get3A_1544 = arith.constant 16 : index
      %get3A_1545 = tpu.vector_load %arg10[%get3A_1543, %get3A_1544] {strides = array<i32>} : memref<64x32xi32, #tpu.memory_space<vmem>>, vector<16xi32>,
      %bitcast3A_1546 = vector.bitcast %get3A_1545 : vector<16xi32> to vector<32xbf16>
      %mul3A_1547 = arith.mulf %bitcast3A_1536, %bitcast3A_1541 : vector<32xbf16>
      %add3A_1548 = arith.addf %add3A_1523, %mul3A_1547 : vector<32xbf16>
      %mul3A_1549 = arith.mulf %bitcast3A_1536, %bitcast3A_1546 : vector<32xbf16>
      %add3A_1550 = arith.addf %add3A_1525, %mul3A_1549 : vector<32xbf16>
      %lt3A_1551 = arith.constant 0 : i32
      %lt3A_1552 = vector.broadcast %lt3A_1551 : i32 to vector<16xi32>
      %lt3A_1553 = arith.cmpi slt, %broadcast_in_dim3A_1475, %lt3A_1552 : vector<16xi32>
      %add3A_1554 = arith.constant 16 : i32
      %add3A_1555 = vector.broadcast %add3A_1554 : i32 to vector<16xi32>
      %add3A_1556 = arith.addi %broadcast_in_dim3A_1475, %add3A_1555 : vector<16xi32>
      %select_n3A_1557 = arith.select %lt3A_1553, %add3A_1556, %broadcast_in_dim3A_1475 : vector<16xi1>, vector<16xi32>
      %broadcast_in_dim3A_1558 = vector.shape_cast %select_n3A_1557 : vector<16xi32> to vector<16x1xi32>
      %gather3A_1559 = vector.shape_cast %broadcast_in_dim3A_1558 : vector<16x1xi32> to vector<16xi32>
      %gather3A_1560 = tpu.dynamic_gather %bitcast3A_208[%gather3A_1559] in [0] : vector<16xi32>, vector<16xi32> -> vector<16xi32>
      %bitcast3A_1561 = vector.bitcast %gather3A_1560 : vector<16xi32> to vector<32xbf16>
      %get3A_1562 = arith.constant 60 : i32
      %get3A_1563 = arith.index_cast %get3A_1562 : i32 to index
      %get3A_1564 = arith.constant 0 : index
      %get3A_1565 = tpu.vector_load %arg10[%get3A_1563, %get3A_1564] {strides = array<i32>} : memref<64x32xi32, #tpu.memory_space<vmem>>, vector<16xi32>,
      %bitcast3A_1566 = vector.bitcast %get3A_1565 : vector<16xi32> to vector<32xbf16>
      %get3A_1567 = arith.constant 60 : i32
      %get3A_1568 = arith.index_cast %get3A_1567 : i32 to index
      %get3A_1569 = arith.constant 16 : index
      %get3A_1570 = tpu.vector_load %arg10[%get3A_1568, %get3A_1569] {strides = array<i32>} : memref<64x32xi32, #tpu.memory_space<vmem>>, vector<16xi32>,
      %bitcast3A_1571 = vector.bitcast %get3A_1570 : vector<16xi32> to vector<32xbf16>
      %mul3A_1572 = arith.mulf %bitcast3A_1561, %bitcast3A_1566 : vector<32xbf16>
      %add3A_1573 = arith.addf %add3A_1548, %mul3A_1572 : vector<32xbf16>
      %mul3A_1574 = arith.mulf %bitcast3A_1561, %bitcast3A_1571 : vector<32xbf16>
      %add3A_1575 = arith.addf %add3A_1550, %mul3A_1574 : vector<32xbf16>
      %broadcast_in_dim3A_1576 = arith.constant 13 : i32
      %broadcast_in_dim3A_1577 = vector.broadcast %broadcast_in_dim3A_1576 : i32 to vector<16xi32>
      %lt3A_1578 = arith.constant 0 : i32
      %lt3A_1579 = vector.broadcast %lt3A_1578 : i32 to vector<16xi32>
      %lt3A_1580 = arith.cmpi slt, %broadcast_in_dim3A_1577, %lt3A_1579 : vector<16xi32>
      %add3A_1581 = arith.constant 16 : i32
      %add3A_1582 = vector.broadcast %add3A_1581 : i32 to vector<16xi32>
      %add3A_1583 = arith.addi %broadcast_in_dim3A_1577, %add3A_1582 : vector<16xi32>
      %select_n3A_1584 = arith.select %lt3A_1580, %add3A_1583, %broadcast_in_dim3A_1577 : vector<16xi1>, vector<16xi32>
      %broadcast_in_dim3A_1585 = vector.shape_cast %select_n3A_1584 : vector<16xi32> to vector<16x1xi32>
      %gather3A_1586 = vector.shape_cast %broadcast_in_dim3A_1585 : vector<16x1xi32> to vector<16xi32>
      %gather3A_1587 = tpu.dynamic_gather %bitcast3A_202[%gather3A_1586] in [0] : vector<16xi32>, vector<16xi32> -> vector<16xi32>
      %bitcast3A_1588 = vector.bitcast %gather3A_1587 : vector<16xi32> to vector<32xbf16>
      %get3A_1589 = arith.constant 13 : i32
      %get3A_1590 = arith.index_cast %get3A_1589 : i32 to index
      %get3A_1591 = arith.constant 0 : index
      %get3A_1592 = tpu.vector_load %arg10[%get3A_1590, %get3A_1591] {strides = array<i32>} : memref<64x32xi32, #tpu.memory_space<vmem>>, vector<16xi32>,
      %bitcast3A_1593 = vector.bitcast %get3A_1592 : vector<16xi32> to vector<32xbf16>
      %get3A_1594 = arith.constant 13 : i32
      %get3A_1595 = arith.index_cast %get3A_1594 : i32 to index
      %get3A_1596 = arith.constant 16 : index
      %get3A_1597 = tpu.vector_load %arg10[%get3A_1595, %get3A_1596] {strides = array<i32>} : memref<64x32xi32, #tpu.memory_space<vmem>>, vector<16xi32>,
      %bitcast3A_1598 = vector.bitcast %get3A_1597 : vector<16xi32> to vector<32xbf16>
      %mul3A_1599 = arith.mulf %bitcast3A_1588, %bitcast3A_1593 : vector<32xbf16>
      %add3A_1600 = arith.addf %add3A_1573, %mul3A_1599 : vector<32xbf16>
      %mul3A_1601 = arith.mulf %bitcast3A_1588, %bitcast3A_1598 : vector<32xbf16>
      %add3A_1602 = arith.addf %add3A_1575, %mul3A_1601 : vector<32xbf16>
      %lt3A_1603 = arith.constant 0 : i32
      %lt3A_1604 = vector.broadcast %lt3A_1603 : i32 to vector<16xi32>
      %lt3A_1605 = arith.cmpi slt, %broadcast_in_dim3A_1577, %lt3A_1604 : vector<16xi32>
      %add3A_1606 = arith.constant 16 : i32
      %add3A_1607 = vector.broadcast %add3A_1606 : i32 to vector<16xi32>
      %add3A_1608 = arith.addi %broadcast_in_dim3A_1577, %add3A_1607 : vector<16xi32>
      %select_n3A_1609 = arith.select %lt3A_1605, %add3A_1608, %broadcast_in_dim3A_1577 : vector<16xi1>, vector<16xi32>
      %broadcast_in_dim3A_1610 = vector.shape_cast %select_n3A_1609 : vector<16xi32> to vector<16x1xi32>
      %gather3A_1611 = vector.shape_cast %broadcast_in_dim3A_1610 : vector<16x1xi32> to vector<16xi32>
      %gather3A_1612 = tpu.dynamic_gather %bitcast3A_204[%gather3A_1611] in [0] : vector<16xi32>, vector<16xi32> -> vector<16xi32>
      %bitcast3A_1613 = vector.bitcast %gather3A_1612 : vector<16xi32> to vector<32xbf16>
      %get3A_1614 = arith.constant 29 : i32
      %get3A_1615 = arith.index_cast %get3A_1614 : i32 to index
      %get3A_1616 = arith.constant 0 : index
      %get3A_1617 = tpu.vector_load %arg10[%get3A_1615, %get3A_1616] {strides = array<i32>} : memref<64x32xi32, #tpu.memory_space<vmem>>, vector<16xi32>,
      %bitcast3A_1618 = vector.bitcast %get3A_1617 : vector<16xi32> to vector<32xbf16>
      %get3A_1619 = arith.constant 29 : i32
      %get3A_1620 = arith.index_cast %get3A_1619 : i32 to index
      %get3A_1621 = arith.constant 16 : index
      %get3A_1622 = tpu.vector_load %arg10[%get3A_1620, %get3A_1621] {strides = array<i32>} : memref<64x32xi32, #tpu.memory_space<vmem>>, vector<16xi32>,
      %bitcast3A_1623 = vector.bitcast %get3A_1622 : vector<16xi32> to vector<32xbf16>
      %mul3A_1624 = arith.mulf %bitcast3A_1613, %bitcast3A_1618 : vector<32xbf16>
      %add3A_1625 = arith.addf %add3A_1600, %mul3A_1624 : vector<32xbf16>
      %mul3A_1626 = arith.mulf %bitcast3A_1613, %bitcast3A_1623 : vector<32xbf16>
      %add3A_1627 = arith.addf %add3A_1602, %mul3A_1626 : vector<32xbf16>
      %lt3A_1628 = arith.constant 0 : i32
      %lt3A_1629 = vector.broadcast %lt3A_1628 : i32 to vector<16xi32>
      %lt3A_1630 = arith.cmpi slt, %broadcast_in_dim3A_1577, %lt3A_1629 : vector<16xi32>
      %add3A_1631 = arith.constant 16 : i32
      %add3A_1632 = vector.broadcast %add3A_1631 : i32 to vector<16xi32>
      %add3A_1633 = arith.addi %broadcast_in_dim3A_1577, %add3A_1632 : vector<16xi32>
      %select_n3A_1634 = arith.select %lt3A_1630, %add3A_1633, %broadcast_in_dim3A_1577 : vector<16xi1>, vector<16xi32>
      %broadcast_in_dim3A_1635 = vector.shape_cast %select_n3A_1634 : vector<16xi32> to vector<16x1xi32>
      %gather3A_1636 = vector.shape_cast %broadcast_in_dim3A_1635 : vector<16x1xi32> to vector<16xi32>
      %gather3A_1637 = tpu.dynamic_gather %bitcast3A_206[%gather3A_1636] in [0] : vector<16xi32>, vector<16xi32> -> vector<16xi32>
      %bitcast3A_1638 = vector.bitcast %gather3A_1637 : vector<16xi32> to vector<32xbf16>
      %get3A_1639 = arith.constant 45 : i32
      %get3A_1640 = arith.index_cast %get3A_1639 : i32 to index
      %get3A_1641 = arith.constant 0 : index
      %get3A_1642 = tpu.vector_load %arg10[%get3A_1640, %get3A_1641] {strides = array<i32>} : memref<64x32xi32, #tpu.memory_space<vmem>>, vector<16xi32>,
      %bitcast3A_1643 = vector.bitcast %get3A_1642 : vector<16xi32> to vector<32xbf16>
      %get3A_1644 = arith.constant 45 : i32
      %get3A_1645 = arith.index_cast %get3A_1644 : i32 to index
      %get3A_1646 = arith.constant 16 : index
      %get3A_1647 = tpu.vector_load %arg10[%get3A_1645, %get3A_1646] {strides = array<i32>} : memref<64x32xi32, #tpu.memory_space<vmem>>, vector<16xi32>,
      %bitcast3A_1648 = vector.bitcast %get3A_1647 : vector<16xi32> to vector<32xbf16>
      %mul3A_1649 = arith.mulf %bitcast3A_1638, %bitcast3A_1643 : vector<32xbf16>
      %add3A_1650 = arith.addf %add3A_1625, %mul3A_1649 : vector<32xbf16>
      %mul3A_1651 = arith.mulf %bitcast3A_1638, %bitcast3A_1648 : vector<32xbf16>
      %add3A_1652 = arith.addf %add3A_1627, %mul3A_1651 : vector<32xbf16>
      %lt3A_1653 = arith.constant 0 : i32
      %lt3A_1654 = vector.broadcast %lt3A_1653 : i32 to vector<16xi32>
      %lt3A_1655 = arith.cmpi slt, %broadcast_in_dim3A_1577, %lt3A_1654 : vector<16xi32>
      %add3A_1656 = arith.constant 16 : i32
      %add3A_1657 = vector.broadcast %add3A_1656 : i32 to vector<16xi32>
      %add3A_1658 = arith.addi %broadcast_in_dim3A_1577, %add3A_1657 : vector<16xi32>
      %select_n3A_1659 = arith.select %lt3A_1655, %add3A_1658, %broadcast_in_dim3A_1577 : vector<16xi1>, vector<16xi32>
      %broadcast_in_dim3A_1660 = vector.shape_cast %select_n3A_1659 : vector<16xi32> to vector<16x1xi32>
      %gather3A_1661 = vector.shape_cast %broadcast_in_dim3A_1660 : vector<16x1xi32> to vector<16xi32>
      %gather3A_1662 = tpu.dynamic_gather %bitcast3A_208[%gather3A_1661] in [0] : vector<16xi32>, vector<16xi32> -> vector<16xi32>
      %bitcast3A_1663 = vector.bitcast %gather3A_1662 : vector<16xi32> to vector<32xbf16>
      %get3A_1664 = arith.constant 61 : i32
      %get3A_1665 = arith.index_cast %get3A_1664 : i32 to index
      %get3A_1666 = arith.constant 0 : index
      %get3A_1667 = tpu.vector_load %arg10[%get3A_1665, %get3A_1666] {strides = array<i32>} : memref<64x32xi32, #tpu.memory_space<vmem>>, vector<16xi32>,
      %bitcast3A_1668 = vector.bitcast %get3A_1667 : vector<16xi32> to vector<32xbf16>
      %get3A_1669 = arith.constant 61 : i32
      %get3A_1670 = arith.index_cast %get3A_1669 : i32 to index
      %get3A_1671 = arith.constant 16 : index
      %get3A_1672 = tpu.vector_load %arg10[%get3A_1670, %get3A_1671] {strides = array<i32>} : memref<64x32xi32, #tpu.memory_space<vmem>>, vector<16xi32>,
      %bitcast3A_1673 = vector.bitcast %get3A_1672 : vector<16xi32> to vector<32xbf16>
      %mul3A_1674 = arith.mulf %bitcast3A_1663, %bitcast3A_1668 : vector<32xbf16>
      %add3A_1675 = arith.addf %add3A_1650, %mul3A_1674 : vector<32xbf16>
      %mul3A_1676 = arith.mulf %bitcast3A_1663, %bitcast3A_1673 : vector<32xbf16>
      %add3A_1677 = arith.addf %add3A_1652, %mul3A_1676 : vector<32xbf16>
      %broadcast_in_dim3A_1678 = arith.constant 14 : i32
      %broadcast_in_dim3A_1679 = vector.broadcast %broadcast_in_dim3A_1678 : i32 to vector<16xi32>
      %lt3A_1680 = arith.constant 0 : i32
      %lt3A_1681 = vector.broadcast %lt3A_1680 : i32 to vector<16xi32>
      %lt3A_1682 = arith.cmpi slt, %broadcast_in_dim3A_1679, %lt3A_1681 : vector<16xi32>
      %add3A_1683 = arith.constant 16 : i32
      %add3A_1684 = vector.broadcast %add3A_1683 : i32 to vector<16xi32>
      %add3A_1685 = arith.addi %broadcast_in_dim3A_1679, %add3A_1684 : vector<16xi32>
      %select_n3A_1686 = arith.select %lt3A_1682, %add3A_1685, %broadcast_in_dim3A_1679 : vector<16xi1>, vector<16xi32>
      %broadcast_in_dim3A_1687 = vector.shape_cast %select_n3A_1686 : vector<16xi32> to vector<16x1xi32>
      %gather3A_1688 = vector.shape_cast %broadcast_in_dim3A_1687 : vector<16x1xi32> to vector<16xi32>
      %gather3A_1689 = tpu.dynamic_gather %bitcast3A_202[%gather3A_1688] in [0] : vector<16xi32>, vector<16xi32> -> vector<16xi32>
      %bitcast3A_1690 = vector.bitcast %gather3A_1689 : vector<16xi32> to vector<32xbf16>
      %get3A_1691 = arith.constant 14 : i32
      %get3A_1692 = arith.index_cast %get3A_1691 : i32 to index
      %get3A_1693 = arith.constant 0 : index
      %get3A_1694 = tpu.vector_load %arg10[%get3A_1692, %get3A_1693] {strides = array<i32>} : memref<64x32xi32, #tpu.memory_space<vmem>>, vector<16xi32>,
      %bitcast3A_1695 = vector.bitcast %get3A_1694 : vector<16xi32> to vector<32xbf16>
      %get3A_1696 = arith.constant 14 : i32
      %get3A_1697 = arith.index_cast %get3A_1696 : i32 to index
      %get3A_1698 = arith.constant 16 : index
      %get3A_1699 = tpu.vector_load %arg10[%get3A_1697, %get3A_1698] {strides = array<i32>} : memref<64x32xi32, #tpu.memory_space<vmem>>, vector<16xi32>,
      %bitcast3A_1700 = vector.bitcast %get3A_1699 : vector<16xi32> to vector<32xbf16>
      %mul3A_1701 = arith.mulf %bitcast3A_1690, %bitcast3A_1695 : vector<32xbf16>
      %add3A_1702 = arith.addf %add3A_1675, %mul3A_1701 : vector<32xbf16>
      %mul3A_1703 = arith.mulf %bitcast3A_1690, %bitcast3A_1700 : vector<32xbf16>
      %add3A_1704 = arith.addf %add3A_1677, %mul3A_1703 : vector<32xbf16>
      %lt3A_1705 = arith.constant 0 : i32
      %lt3A_1706 = vector.broadcast %lt3A_1705 : i32 to vector<16xi32>
      %lt3A_1707 = arith.cmpi slt, %broadcast_in_dim3A_1679, %lt3A_1706 : vector<16xi32>
      %add3A_1708 = arith.constant 16 : i32
      %add3A_1709 = vector.broadcast %add3A_1708 : i32 to vector<16xi32>
      %add3A_1710 = arith.addi %broadcast_in_dim3A_1679, %add3A_1709 : vector<16xi32>
      %select_n3A_1711 = arith.select %lt3A_1707, %add3A_1710, %broadcast_in_dim3A_1679 : vector<16xi1>, vector<16xi32>
      %broadcast_in_dim3A_1712 = vector.shape_cast %select_n3A_1711 : vector<16xi32> to vector<16x1xi32>
      %gather3A_1713 = vector.shape_cast %broadcast_in_dim3A_1712 : vector<16x1xi32> to vector<16xi32>
      %gather3A_1714 = tpu.dynamic_gather %bitcast3A_204[%gather3A_1713] in [0] : vector<16xi32>, vector<16xi32> -> vector<16xi32>
      %bitcast3A_1715 = vector.bitcast %gather3A_1714 : vector<16xi32> to vector<32xbf16>
      %get3A_1716 = arith.constant 30 : i32
      %get3A_1717 = arith.index_cast %get3A_1716 : i32 to index
      %get3A_1718 = arith.constant 0 : index
      %get3A_1719 = tpu.vector_load %arg10[%get3A_1717, %get3A_1718] {strides = array<i32>} : memref<64x32xi32, #tpu.memory_space<vmem>>, vector<16xi32>,
      %bitcast3A_1720 = vector.bitcast %get3A_1719 : vector<16xi32> to vector<32xbf16>
      %get3A_1721 = arith.constant 30 : i32
      %get3A_1722 = arith.index_cast %get3A_1721 : i32 to index
      %get3A_1723 = arith.constant 16 : index
      %get3A_1724 = tpu.vector_load %arg10[%get3A_1722, %get3A_1723] {strides = array<i32>} : memref<64x32xi32, #tpu.memory_space<vmem>>, vector<16xi32>,
      %bitcast3A_1725 = vector.bitcast %get3A_1724 : vector<16xi32> to vector<32xbf16>
      %mul3A_1726 = arith.mulf %bitcast3A_1715, %bitcast3A_1720 : vector<32xbf16>
      %add3A_1727 = arith.addf %add3A_1702, %mul3A_1726 : vector<32xbf16>
      %mul3A_1728 = arith.mulf %bitcast3A_1715, %bitcast3A_1725 : vector<32xbf16>
      %add3A_1729 = arith.addf %add3A_1704, %mul3A_1728 : vector<32xbf16>
      %lt3A_1730 = arith.constant 0 : i32
      %lt3A_1731 = vector.broadcast %lt3A_1730 : i32 to vector<16xi32>
      %lt3A_1732 = arith.cmpi slt, %broadcast_in_dim3A_1679, %lt3A_1731 : vector<16xi32>
      %add3A_1733 = arith.constant 16 : i32
      %add3A_1734 = vector.broadcast %add3A_1733 : i32 to vector<16xi32>
      %add3A_1735 = arith.addi %broadcast_in_dim3A_1679, %add3A_1734 : vector<16xi32>
      %select_n3A_1736 = arith.select %lt3A_1732, %add3A_1735, %broadcast_in_dim3A_1679 : vector<16xi1>, vector<16xi32>
      %broadcast_in_dim3A_1737 = vector.shape_cast %select_n3A_1736 : vector<16xi32> to vector<16x1xi32>
      %gather3A_1738 = vector.shape_cast %broadcast_in_dim3A_1737 : vector<16x1xi32> to vector<16xi32>
      %gather3A_1739 = tpu.dynamic_gather %bitcast3A_206[%gather3A_1738] in [0] : vector<16xi32>, vector<16xi32> -> vector<16xi32>
      %bitcast3A_1740 = vector.bitcast %gather3A_1739 : vector<16xi32> to vector<32xbf16>
      %get3A_1741 = arith.constant 46 : i32
      %get3A_1742 = arith.index_cast %get3A_1741 : i32 to index
      %get3A_1743 = arith.constant 0 : index
      %get3A_1744 = tpu.vector_load %arg10[%get3A_1742, %get3A_1743] {strides = array<i32>} : memref<64x32xi32, #tpu.memory_space<vmem>>, vector<16xi32>,
      %bitcast3A_1745 = vector.bitcast %get3A_1744 : vector<16xi32> to vector<32xbf16>
      %get3A_1746 = arith.constant 46 : i32
      %get3A_1747 = arith.index_cast %get3A_1746 : i32 to index
      %get3A_1748 = arith.constant 16 : index
      %get3A_1749 = tpu.vector_load %arg10[%get3A_1747, %get3A_1748] {strides = array<i32>} : memref<64x32xi32, #tpu.memory_space<vmem>>, vector<16xi32>,
      %bitcast3A_1750 = vector.bitcast %get3A_1749 : vector<16xi32> to vector<32xbf16>
      %mul3A_1751 = arith.mulf %bitcast3A_1740, %bitcast3A_1745 : vector<32xbf16>
      %add3A_1752 = arith.addf %add3A_1727, %mul3A_1751 : vector<32xbf16>
      %mul3A_1753 = arith.mulf %bitcast3A_1740, %bitcast3A_1750 : vector<32xbf16>
      %add3A_1754 = arith.addf %add3A_1729, %mul3A_1753 : vector<32xbf16>
      %lt3A_1755 = arith.constant 0 : i32
      %lt3A_1756 = vector.broadcast %lt3A_1755 : i32 to vector<16xi32>
      %lt3A_1757 = arith.cmpi slt, %broadcast_in_dim3A_1679, %lt3A_1756 : vector<16xi32>
      %add3A_1758 = arith.constant 16 : i32
      %add3A_1759 = vector.broadcast %add3A_1758 : i32 to vector<16xi32>
      %add3A_1760 = arith.addi %broadcast_in_dim3A_1679, %add3A_1759 : vector<16xi32>
      %select_n3A_1761 = arith.select %lt3A_1757, %add3A_1760, %broadcast_in_dim3A_1679 : vector<16xi1>, vector<16xi32>
      %broadcast_in_dim3A_1762 = vector.shape_cast %select_n3A_1761 : vector<16xi32> to vector<16x1xi32>
      %gather3A_1763 = vector.shape_cast %broadcast_in_dim3A_1762 : vector<16x1xi32> to vector<16xi32>
      %gather3A_1764 = tpu.dynamic_gather %bitcast3A_208[%gather3A_1763] in [0] : vector<16xi32>, vector<16xi32> -> vector<16xi32>
      %bitcast3A_1765 = vector.bitcast %gather3A_1764 : vector<16xi32> to vector<32xbf16>
      %get3A_1766 = arith.constant 62 : i32
      %get3A_1767 = arith.index_cast %get3A_1766 : i32 to index
      %get3A_1768 = arith.constant 0 : index
      %get3A_1769 = tpu.vector_load %arg10[%get3A_1767, %get3A_1768] {strides = array<i32>} : memref<64x32xi32, #tpu.memory_space<vmem>>, vector<16xi32>,
      %bitcast3A_1770 = vector.bitcast %get3A_1769 : vector<16xi32> to vector<32xbf16>
      %get3A_1771 = arith.constant 62 : i32
      %get3A_1772 = arith.index_cast %get3A_1771 : i32 to index
      %get3A_1773 = arith.constant 16 : index
      %get3A_1774 = tpu.vector_load %arg10[%get3A_1772, %get3A_1773] {strides = array<i32>} : memref<64x32xi32, #tpu.memory_space<vmem>>, vector<16xi32>,
      %bitcast3A_1775 = vector.bitcast %get3A_1774 : vector<16xi32> to vector<32xbf16>
      %mul3A_1776 = arith.mulf %bitcast3A_1765, %bitcast3A_1770 : vector<32xbf16>
      %add3A_1777 = arith.addf %add3A_1752, %mul3A_1776 : vector<32xbf16>
      %mul3A_1778 = arith.mulf %bitcast3A_1765, %bitcast3A_1775 : vector<32xbf16>
      %add3A_1779 = arith.addf %add3A_1754, %mul3A_1778 : vector<32xbf16>
      %broadcast_in_dim3A_1780 = arith.constant 15 : i32
      %broadcast_in_dim3A_1781 = vector.broadcast %broadcast_in_dim3A_1780 : i32 to vector<16xi32>
      %lt3A_1782 = arith.constant 0 : i32
      %lt3A_1783 = vector.broadcast %lt3A_1782 : i32 to vector<16xi32>
      %lt3A_1784 = arith.cmpi slt, %broadcast_in_dim3A_1781, %lt3A_1783 : vector<16xi32>
      %add3A_1785 = arith.constant 16 : i32
      %add3A_1786 = vector.broadcast %add3A_1785 : i32 to vector<16xi32>
      %add3A_1787 = arith.addi %broadcast_in_dim3A_1781, %add3A_1786 : vector<16xi32>
      %select_n3A_1788 = arith.select %lt3A_1784, %add3A_1787, %broadcast_in_dim3A_1781 : vector<16xi1>, vector<16xi32>
      %broadcast_in_dim3A_1789 = vector.shape_cast %select_n3A_1788 : vector<16xi32> to vector<16x1xi32>
      %gather3A_1790 = vector.shape_cast %broadcast_in_dim3A_1789 : vector<16x1xi32> to vector<16xi32>
      %gather3A_1791 = tpu.dynamic_gather %bitcast3A_202[%gather3A_1790] in [0] : vector<16xi32>, vector<16xi32> -> vector<16xi32>
      %bitcast3A_1792 = vector.bitcast %gather3A_1791 : vector<16xi32> to vector<32xbf16>
      %get3A_1793 = arith.constant 15 : i32
      %get3A_1794 = arith.index_cast %get3A_1793 : i32 to index
      %get3A_1795 = arith.constant 0 : index
      %get3A_1796 = tpu.vector_load %arg10[%get3A_1794, %get3A_1795] {strides = array<i32>} : memref<64x32xi32, #tpu.memory_space<vmem>>, vector<16xi32>,
      %bitcast3A_1797 = vector.bitcast %get3A_1796 : vector<16xi32> to vector<32xbf16>
      %get3A_1798 = arith.constant 15 : i32
      %get3A_1799 = arith.index_cast %get3A_1798 : i32 to index
      %get3A_1800 = arith.constant 16 : index
      %get3A_1801 = tpu.vector_load %arg10[%get3A_1799, %get3A_1800] {strides = array<i32>} : memref<64x32xi32, #tpu.memory_space<vmem>>, vector<16xi32>,
      %bitcast3A_1802 = vector.bitcast %get3A_1801 : vector<16xi32> to vector<32xbf16>
      %mul3A_1803 = arith.mulf %bitcast3A_1792, %bitcast3A_1797 : vector<32xbf16>
      %add3A_1804 = arith.addf %add3A_1777, %mul3A_1803 : vector<32xbf16>
      %mul3A_1805 = arith.mulf %bitcast3A_1792, %bitcast3A_1802 : vector<32xbf16>
      %add3A_1806 = arith.addf %add3A_1779, %mul3A_1805 : vector<32xbf16>
      %lt3A_1807 = arith.constant 0 : i32
      %lt3A_1808 = vector.broadcast %lt3A_1807 : i32 to vector<16xi32>
      %lt3A_1809 = arith.cmpi slt, %broadcast_in_dim3A_1781, %lt3A_1808 : vector<16xi32>
      %add3A_1810 = arith.constant 16 : i32
      %add3A_1811 = vector.broadcast %add3A_1810 : i32 to vector<16xi32>
      %add3A_1812 = arith.addi %broadcast_in_dim3A_1781, %add3A_1811 : vector<16xi32>
      %select_n3A_1813 = arith.select %lt3A_1809, %add3A_1812, %broadcast_in_dim3A_1781 : vector<16xi1>, vector<16xi32>
      %broadcast_in_dim3A_1814 = vector.shape_cast %select_n3A_1813 : vector<16xi32> to vector<16x1xi32>
      %gather3A_1815 = vector.shape_cast %broadcast_in_dim3A_1814 : vector<16x1xi32> to vector<16xi32>
      %gather3A_1816 = tpu.dynamic_gather %bitcast3A_204[%gather3A_1815] in [0] : vector<16xi32>, vector<16xi32> -> vector<16xi32>
      %bitcast3A_1817 = vector.bitcast %gather3A_1816 : vector<16xi32> to vector<32xbf16>
      %get3A_1818 = arith.constant 31 : i32
      %get3A_1819 = arith.index_cast %get3A_1818 : i32 to index
      %get3A_1820 = arith.constant 0 : index
      %get3A_1821 = tpu.vector_load %arg10[%get3A_1819, %get3A_1820] {strides = array<i32>} : memref<64x32xi32, #tpu.memory_space<vmem>>, vector<16xi32>,
      %bitcast3A_1822 = vector.bitcast %get3A_1821 : vector<16xi32> to vector<32xbf16>
      %get3A_1823 = arith.constant 31 : i32
      %get3A_1824 = arith.index_cast %get3A_1823 : i32 to index
      %get3A_1825 = arith.constant 16 : index
      %get3A_1826 = tpu.vector_load %arg10[%get3A_1824, %get3A_1825] {strides = array<i32>} : memref<64x32xi32, #tpu.memory_space<vmem>>, vector<16xi32>,
      %bitcast3A_1827 = vector.bitcast %get3A_1826 : vector<16xi32> to vector<32xbf16>
      %mul3A_1828 = arith.mulf %bitcast3A_1817, %bitcast3A_1822 : vector<32xbf16>
      %add3A_1829 = arith.addf %add3A_1804, %mul3A_1828 : vector<32xbf16>
      %mul3A_1830 = arith.mulf %bitcast3A_1817, %bitcast3A_1827 : vector<32xbf16>
      %add3A_1831 = arith.addf %add3A_1806, %mul3A_1830 : vector<32xbf16>
      %lt3A_1832 = arith.constant 0 : i32
      %lt3A_1833 = vector.broadcast %lt3A_1832 : i32 to vector<16xi32>
      %lt3A_1834 = arith.cmpi slt, %broadcast_in_dim3A_1781, %lt3A_1833 : vector<16xi32>
      %add3A_1835 = arith.constant 16 : i32
      %add3A_1836 = vector.broadcast %add3A_1835 : i32 to vector<16xi32>
      %add3A_1837 = arith.addi %broadcast_in_dim3A_1781, %add3A_1836 : vector<16xi32>
      %select_n3A_1838 = arith.select %lt3A_1834, %add3A_1837, %broadcast_in_dim3A_1781 : vector<16xi1>, vector<16xi32>
      %broadcast_in_dim3A_1839 = vector.shape_cast %select_n3A_1838 : vector<16xi32> to vector<16x1xi32>
      %gather3A_1840 = vector.shape_cast %broadcast_in_dim3A_1839 : vector<16x1xi32> to vector<16xi32>
      %gather3A_1841 = tpu.dynamic_gather %bitcast3A_206[%gather3A_1840] in [0] : vector<16xi32>, vector<16xi32> -> vector<16xi32>
      %bitcast3A_1842 = vector.bitcast %gather3A_1841 : vector<16xi32> to vector<32xbf16>
      %get3A_1843 = arith.constant 47 : i32
      %get3A_1844 = arith.index_cast %get3A_1843 : i32 to index
      %get3A_1845 = arith.constant 0 : index
      %get3A_1846 = tpu.vector_load %arg10[%get3A_1844, %get3A_1845] {strides = array<i32>} : memref<64x32xi32, #tpu.memory_space<vmem>>, vector<16xi32>,
      %bitcast3A_1847 = vector.bitcast %get3A_1846 : vector<16xi32> to vector<32xbf16>
      %get3A_1848 = arith.constant 47 : i32
      %get3A_1849 = arith.index_cast %get3A_1848 : i32 to index
      %get3A_1850 = arith.constant 16 : index
      %get3A_1851 = tpu.vector_load %arg10[%get3A_1849, %get3A_1850] {strides = array<i32>} : memref<64x32xi32, #tpu.memory_space<vmem>>, vector<16xi32>,
      %bitcast3A_1852 = vector.bitcast %get3A_1851 : vector<16xi32> to vector<32xbf16>
      %mul3A_1853 = arith.mulf %bitcast3A_1842, %bitcast3A_1847 : vector<32xbf16>
      %add3A_1854 = arith.addf %add3A_1829, %mul3A_1853 : vector<32xbf16>
      %mul3A_1855 = arith.mulf %bitcast3A_1842, %bitcast3A_1852 : vector<32xbf16>
      %add3A_1856 = arith.addf %add3A_1831, %mul3A_1855 : vector<32xbf16>
      %lt3A_1857 = arith.constant 0 : i32
      %lt3A_1858 = vector.broadcast %lt3A_1857 : i32 to vector<16xi32>
      %lt3A_1859 = arith.cmpi slt, %broadcast_in_dim3A_1781, %lt3A_1858 : vector<16xi32>
      %add3A_1860 = arith.constant 16 : i32
      %add3A_1861 = vector.broadcast %add3A_1860 : i32 to vector<16xi32>
      %add3A_1862 = arith.addi %broadcast_in_dim3A_1781, %add3A_1861 : vector<16xi32>
      %select_n3A_1863 = arith.select %lt3A_1859, %add3A_1862, %broadcast_in_dim3A_1781 : vector<16xi1>, vector<16xi32>
      %broadcast_in_dim3A_1864 = vector.shape_cast %select_n3A_1863 : vector<16xi32> to vector<16x1xi32>
      %gather3A_1865 = vector.shape_cast %broadcast_in_dim3A_1864 : vector<16x1xi32> to vector<16xi32>
      %gather3A_1866 = tpu.dynamic_gather %bitcast3A_208[%gather3A_1865] in [0] : vector<16xi32>, vector<16xi32> -> vector<16xi32>
      %bitcast3A_1867 = vector.bitcast %gather3A_1866 : vector<16xi32> to vector<32xbf16>
      %get3A_1868 = arith.constant 63 : i32
      %get3A_1869 = arith.index_cast %get3A_1868 : i32 to index
      %get3A_1870 = arith.constant 0 : index
      %get3A_1871 = tpu.vector_load %arg10[%get3A_1869, %get3A_1870] {strides = array<i32>} : memref<64x32xi32, #tpu.memory_space<vmem>>, vector<16xi32>,
      %bitcast3A_1872 = vector.bitcast %get3A_1871 : vector<16xi32> to vector<32xbf16>
      %get3A_1873 = arith.constant 63 : i32
      %get3A_1874 = arith.index_cast %get3A_1873 : i32 to index
      %get3A_1875 = arith.constant 16 : index
      %get3A_1876 = tpu.vector_load %arg10[%get3A_1874, %get3A_1875] {strides = array<i32>} : memref<64x32xi32, #tpu.memory_space<vmem>>, vector<16xi32>,
      %bitcast3A_1877 = vector.bitcast %get3A_1876 : vector<16xi32> to vector<32xbf16>
      %mul3A_1878 = arith.mulf %bitcast3A_1867, %bitcast3A_1872 : vector<32xbf16>
      %add3A_1879 = arith.addf %add3A_1854, %mul3A_1878 : vector<32xbf16>
      %mul3A_1880 = arith.mulf %bitcast3A_1867, %bitcast3A_1877 : vector<32xbf16>
      %add3A_1881 = arith.addf %add3A_1856, %mul3A_1880 : vector<32xbf16>
      %unpack3A = tpu.unpack_subelements %add3A_1879, 0 {pack_format = #tpu.pack_format<interleaved>} : vector<32xbf16> -> vector<16xf32>
      %unpack3A_1882 = tpu.unpack_subelements %add3A_1879, 1 {pack_format = #tpu.pack_format<interleaved>} : vector<32xbf16> -> vector<16xf32>
      %unpack3A_1883 = tpu.unpack_subelements %add3A_1881, 0 {pack_format = #tpu.pack_format<interleaved>} : vector<32xbf16> -> vector<16xf32>
      %unpack3A_1884 = tpu.unpack_subelements %add3A_1881, 1 {pack_format = #tpu.pack_format<interleaved>} : vector<32xbf16> -> vector<16xf32>
      %mul3A_1885 = arith.mulf %unpack3A, %mul3A_230 : vector<16xf32>
      %mul3A_1886 = arith.mulf %unpack3A_1882, %mul3A_235 : vector<16xf32>
      %mul3A_1887 = arith.mulf %unpack3A_1883, %mul3A_240 : vector<16xf32>
      %mul3A_1888 = arith.mulf %unpack3A_1884, %mul3A_245 : vector<16xf32>
      %max3A_1889 = arith.maximumf %mul3A_1885, %mul3A_1886 : vector<16xf32>
      %max3A_1890 = arith.maximumf %mul3A_1887, %mul3A_1888 : vector<16xf32>
      %max3A_1891 = arith.maximumf %max3A_1889, %max3A_1890 : vector<16xf32>
      %reduce_max3A_1892 = arith.constant true
      %reduce_max3A_1893 = vector.broadcast %reduce_max3A_1892 : i1 to vector<16xi1>
      %reduce_max3A_1894 = tpu.scan <max>, %max3A_1891 masked %reduce_max3A_1893 : vector<16xf32>, vector<16xi1> -> vector<16xf32>
      %reduce_max3A_1895 = vector.extract %reduce_max3A_1894[15] : f32 from vector<16xf32>
      %broadcast_in_dim3A_1896 = vector.broadcast %reduce_max3A_1895 : f32 to vector<16xf32>
      %bitcast3A_1897 = vector.bitcast %broadcast_in_dim3A_1896 : vector<16xf32> to vector<16xi32>
      %shift_right_arithmetic3A_1898 = arith.constant 23 : i32
      %shift_right_arithmetic3A_1899 = vector.broadcast %shift_right_arithmetic3A_1898 : i32 to vector<16xi32>
      %shift_right_arithmetic3A_1900 = arith.shrsi %bitcast3A_1897, %shift_right_arithmetic3A_1899 : vector<16xi32>
      %sub3A_1901 = arith.constant 127 : i32
      %sub3A_1902 = vector.broadcast %sub3A_1901 : i32 to vector<16xi32>
      %sub3A_1903 = arith.subi %shift_right_arithmetic3A_1900, %sub3A_1902 : vector<16xi32>
      %add3A_1904 = arith.addi %while3A_196, %while3A_197 : vector<16xi32>
      scf.yield %add3A_1904, %sub3A_1903, %mul3A_1885, %mul3A_1886, %mul3A_1887, %mul3A_1888 : vector<16xi32>, vector<16xi32>, vector<16xf32>, vector<16xf32>, vector<16xf32>, vector<16xf32>
    }
    %sub3A_95 = arith.constant 1 : i32
    %sub3A_96 = arith.subi %squeeze3A, %sub3A_95 : i32
    %convert_element_type3A = arith.sitofp %sub3A_96 : i32 to f32
    %mul3A = arith.mulf %convert_element_type3A, %reduce_max3A_23 : f32
    %add3A_97 = arith.addf %reduce_max3A_70, %mul3A : f32
    %get3A_98 = arith.constant 0 : index
    %get3A_99 = tpu.vector_load %arg13[%get3A_98] {strides = array<i32>} : memref<64xf32, #tpu.memory_space<vmem>>, vector<16xf32>,
    %get3A_100 = arith.constant 16 : index
    %get3A_101 = tpu.vector_load %arg13[%get3A_100] {strides = array<i32>} : memref<64xf32, #tpu.memory_space<vmem>>, vector<16xf32>,
    %get3A_102 = arith.constant 32 : index
    %get3A_103 = tpu.vector_load %arg13[%get3A_102] {strides = array<i32>} : memref<64xf32, #tpu.memory_space<vmem>>, vector<16xf32>,
    %get3A_104 = arith.constant 48 : index
    %get3A_105 = tpu.vector_load %arg13[%get3A_104] {strides = array<i32>} : memref<64xf32, #tpu.memory_space<vmem>>, vector<16xf32>,
    %max3A_106 = arith.maximumf %get3A_99, %get3A_101 : vector<16xf32>
    %max3A_107 = arith.maximumf %get3A_103, %get3A_105 : vector<16xf32>
    %max3A_108 = arith.maximumf %max3A_106, %max3A_107 : vector<16xf32>
    %reduce_max3A_109 = arith.constant true
    %reduce_max3A_110 = vector.broadcast %reduce_max3A_109 : i1 to vector<16xi1>
    %reduce_max3A_111 = tpu.scan <max>, %max3A_108 masked %reduce_max3A_110 : vector<16xf32>, vector<16xi1> -> vector<16xf32>
    %reduce_max3A_112 = vector.extract %reduce_max3A_111[15] : f32 from vector<16xf32>
    %sub3A_113 = vector.broadcast %reduce_max3A_112 : f32 to vector<16xf32>
    %sub3A_114 = arith.subf %get3A_99, %sub3A_113 : vector<16xf32>
    %exp3A_115 = math.exp %sub3A_114 : vector<16xf32>
    %mul3A_116 = arith.mulf %while3A_94#2, %exp3A_115 : vector<16xf32>
    %sub3A_117 = vector.broadcast %reduce_max3A_112 : f32 to vector<16xf32>
    %sub3A_118 = arith.subf %get3A_101, %sub3A_117 : vector<16xf32>
    %exp3A_119 = math.exp %sub3A_118 : vector<16xf32>
    %mul3A_120 = arith.mulf %while3A_94#3, %exp3A_119 : vector<16xf32>
    %sub3A_121 = vector.broadcast %reduce_max3A_112 : f32 to vector<16xf32>
    %sub3A_122 = arith.subf %get3A_103, %sub3A_121 : vector<16xf32>
    %exp3A_123 = math.exp %sub3A_122 : vector<16xf32>
    %mul3A_124 = arith.mulf %while3A_94#4, %exp3A_123 : vector<16xf32>
    %sub3A_125 = vector.broadcast %reduce_max3A_112 : f32 to vector<16xf32>
    %sub3A_126 = arith.subf %get3A_105, %sub3A_125 : vector<16xf32>
    %exp3A_127 = math.exp %sub3A_126 : vector<16xf32>
    %mul3A_128 = arith.mulf %while3A_94#5, %exp3A_127 : vector<16xf32>
    %add3A_129 = arith.addf %mul3A_116, %mul3A_120 : vector<16xf32>
    %add3A_130 = arith.addf %add3A_129, %mul3A_124 : vector<16xf32>
    %add3A_131 = arith.addf %add3A_130, %mul3A_128 : vector<16xf32>
    %reduce_sum3A = arith.constant true
    %reduce_sum3A_132 = vector.broadcast %reduce_sum3A : i1 to vector<16xi1>
    %reduce_sum3A_133 = tpu.scan <sum>, %add3A_131 masked %reduce_sum3A_132 : vector<16xf32>, vector<16xi1> -> vector<16xf32>
    %reduce_sum3A_134 = vector.extract %reduce_sum3A_133[15] : f32 from vector<16xf32>
    %broadcast_in_dim3A_135 = vector.broadcast %reduce_sum3A_134 : f32 to vector<16xf32>
    %bitcast3A = vector.bitcast %broadcast_in_dim3A_135 : vector<16xf32> to vector<16xi32>
    %shift_right_arithmetic3A = arith.constant 23 : i32
    %shift_right_arithmetic3A_136 = vector.broadcast %shift_right_arithmetic3A : i32 to vector<16xi32>
    %shift_right_arithmetic3A_137 = arith.shrsi %bitcast3A, %shift_right_arithmetic3A_136 : vector<16xi32>
    %sub3A_138 = arith.constant 127 : i32
    %sub3A_139 = vector.broadcast %sub3A_138 : i32 to vector<16xi32>
    %sub3A_140 = arith.subi %shift_right_arithmetic3A_137, %sub3A_139 : vector<16xi32>
    %and3A = arith.constant 8388607 : i32
    %and3A_141 = vector.broadcast %and3A : i32 to vector<16xi32>
    %and3A_142 = arith.andi %bitcast3A, %and3A_141 : vector<16xi32>
    %or3A = arith.constant 1065353216 : i32
    %or3A_143 = vector.broadcast %or3A : i32 to vector<16xi32>
    %or3A_144 = arith.ori %and3A_142, %or3A_143 : vector<16xi32>
    %bitcast3A_145 = vector.bitcast %or3A_144 : vector<16xi32> to vector<16xf32>
    %gt3A = arith.constant 1.41421354 : f32
    %gt3A_146 = vector.broadcast %gt3A : f32 to vector<16xf32>
    %gt3A_147 = arith.cmpf ogt, %bitcast3A_145, %gt3A_146 : vector<16xf32>
    %mul3A_148 = arith.constant 5.000000e-01 : f32
    %mul3A_149 = vector.broadcast %mul3A_148 : f32 to vector<16xf32>
    %mul3A_150 = arith.mulf %bitcast3A_145, %mul3A_149 : vector<16xf32>
    %select_n3A_151 = arith.select %gt3A_147, %mul3A_150, %bitcast3A_145 : vector<16xi1>, vector<16xf32>
    %add3A_152 = arith.constant 1 : i32
    %add3A_153 = vector.broadcast %add3A_152 : i32 to vector<16xi32>
    %add3A_154 = arith.addi %sub3A_140, %add3A_153 : vector<16xi32>
    %select_n3A_155 = arith.select %gt3A_147, %add3A_154, %sub3A_140 : vector<16xi1>, vector<16xi32>
    %sub3A_156 = arith.constant 1.000000e+00 : f32
    %sub3A_157 = vector.broadcast %sub3A_156 : f32 to vector<16xf32>
    %sub3A_158 = arith.subf %select_n3A_151, %sub3A_157 : vector<16xf32>
    %add3A_159 = arith.constant 1.000000e+00 : f32
    %add3A_160 = vector.broadcast %add3A_159 : f32 to vector<16xf32>
    %add3A_161 = arith.addf %select_n3A_151, %add3A_160 : vector<16xf32>
    %div3A = arith.divf %sub3A_158, %add3A_161 : vector<16xf32>
    %mul3A_162 = arith.mulf %div3A, %div3A : vector<16xf32>
    %mul3A_163 = arith.constant 0.222222224 : f32
    %mul3A_164 = vector.broadcast %mul3A_163 : f32 to vector<16xf32>
    %mul3A_165 = arith.mulf %mul3A_162, %mul3A_164 : vector<16xf32>
    %add3A_166 = arith.constant 0.285714298 : f32
    %add3A_167 = vector.broadcast %add3A_166 : f32 to vector<16xf32>
    %add3A_168 = arith.addf %add3A_167, %mul3A_165 : vector<16xf32>
    %mul3A_169 = arith.mulf %mul3A_162, %add3A_168 : vector<16xf32>
    %add3A_170 = arith.constant 4.000000e-01 : f32
    %add3A_171 = vector.broadcast %add3A_170 : f32 to vector<16xf32>
    %add3A_172 = arith.addf %add3A_171, %mul3A_169 : vector<16xf32>
    %mul3A_173 = arith.mulf %mul3A_162, %add3A_172 : vector<16xf32>
    %add3A_174 = arith.constant 0.666666686 : f32
    %add3A_175 = vector.broadcast %add3A_174 : f32 to vector<16xf32>
    %add3A_176 = arith.addf %add3A_175, %mul3A_173 : vector<16xf32>
    %mul3A_177 = arith.mulf %mul3A_162, %add3A_176 : vector<16xf32>
    %add3A_178 = arith.constant 2.000000e+00 : f32
    %add3A_179 = vector.broadcast %add3A_178 : f32 to vector<16xf32>
    %add3A_180 = arith.addf %add3A_179, %mul3A_177 : vector<16xf32>
    %mul3A_181 = arith.mulf %div3A, %add3A_180 : vector<16xf32>
    %add3A_182 = arith.addi %select_n3A_155, %while3A_94#0 : vector<16xi32>
    %convert_element_type3A_183 = arith.sitofp %add3A_182 : vector<16xi32> to vector<16xf32>
    %mul3A_184 = arith.constant 0.693147182 : f32
    %mul3A_185 = vector.broadcast %mul3A_184 : f32 to vector<16xf32>
    %mul3A_186 = arith.mulf %convert_element_type3A_183, %mul3A_185 : vector<16xf32>
    %add3A_187 = arith.addf %mul3A_181, %mul3A_186 : vector<16xf32>
    %add3A_188 = arith.addf %add3A_97, %reduce_max3A_112 : f32
    %add3A_189 = vector.broadcast %add3A_188 : f32 to vector<16xf32>
    %add3A_190 = arith.addf %add3A_187, %add3A_189 : vector<16xf32>
    %swap3A = arith.constant 0 : index
    %swap3A_191 = tpu.vector_load %arg14[%swap3A] {strides = array<i32>} : memref<16xf32, #tpu.memory_space<vmem>>, vector<16xf32>,
    tpu.vector_store %arg14[%swap3A], %add3A_190 {strides = array<i32>} : memref<16xf32, #tpu.memory_space<vmem>>, vector<16xf32>,
    %eq3A = arith.constant 0 : i32
    %eq3A_192 = arith.cmpi eq, %arg0, %eq3A : i32
    %convert_element_type3A_193 = arith.extui %eq3A_192 : i1 to i32
    %cond3A = arith.constant 0 : i32
    %cond3A_194 = arith.cmpi ne, %convert_element_type3A_193, %cond3A : i32
    scf.if %cond3A_194 {
      "tpu.region"() ({
        %run_scoped3A = tpu.sem_alloc : memref<!tpu.dma_semaphore, #tpu.memory_space<semaphore_mem>>
        %dma_start3A_195 = arith.constant 0 : i32
        %dma_start3A_196 = tpu.memref_slice %arg7[%arg1, %dma_start3A_195] : memref<16x16xf32, #tpu.memory_space<hbm>> -> memref<1x16xf32, #tpu.memory_space<hbm>>
        %dma_start3A_197 = tpu.memref_squeeze %dma_start3A_196 : memref<1x16xf32, #tpu.memory_space<hbm>> -> memref<16xf32, #tpu.memory_space<hbm>>
        %dma_start3A_198 = arith.constant 0 : i32
        %dma_start3A_199 = tpu.memref_slice %arg7[%arg1, %dma_start3A_198] : memref<16x16xf32, #tpu.memory_space<hbm>> -> memref<1x16xf32, #tpu.memory_space<hbm>>
        %dma_start3A_200 = tpu.memref_squeeze %dma_start3A_199 : memref<1x16xf32, #tpu.memory_space<hbm>> -> memref<16xf32, #tpu.memory_space<hbm>>
        tpu.enqueue_dma source(%arg14 : memref<16xf32, #tpu.memory_space<vmem>>) target(%dma_start3A_200 : memref<16xf32, #tpu.memory_space<hbm>>) target_semaphore(%run_scoped3A : memref<!tpu.dma_semaphore, #tpu.memory_space<semaphore_mem>>)
        %dma_wait3A_201 = arith.constant 0 : i32
        %dma_wait3A_202 = tpu.memref_slice %arg7[%arg1, %dma_wait3A_201] : memref<16x16xf32, #tpu.memory_space<hbm>> -> memref<1x16xf32, #tpu.memory_space<hbm>>
        %dma_wait3A_203 = tpu.memref_squeeze %dma_wait3A_202 : memref<1x16xf32, #tpu.memory_space<hbm>> -> memref<16xf32, #tpu.memory_space<hbm>>
        %dma_wait3A_204 = arith.constant 0 : i32
        %dma_wait3A_205 = tpu.memref_slice %arg7[%arg1, %dma_wait3A_204] : memref<16x16xf32, #tpu.memory_space<hbm>> -> memref<1x16xf32, #tpu.memory_space<hbm>>
        %dma_wait3A_206 = tpu.memref_squeeze %dma_wait3A_205 : memref<1x16xf32, #tpu.memory_space<hbm>> -> memref<16xf32, #tpu.memory_space<hbm>>
        tpu.wait_dma2 semaphore(%run_scoped3A : memref<!tpu.dma_semaphore, #tpu.memory_space<semaphore_mem>>) src(%arg14 : memref<16xf32, #tpu.memory_space<vmem>>) dst(%dma_wait3A_206 : memref<16xf32, #tpu.memory_space<hbm>>)
        tpu.yield
      }) : () -> ()
    } else {
    }
    return
  }
}

</mosaic_0001>

<sc_bundles>
// kernel: kernel.3.cloned.1.call-start
scs
__scs_entry_jumppad:
0x0: {  	(pc) =	sbr.rel $0x88, $3  }
0x1: {  	(tag) =	ssettag $0x0;
	lr =	simm.s32 $0x1  }
0x2: {  	[smem:$0x3F9C] =	sst lr;
	_ =	strace $0xD0000000  }
0x3: {  	_ = 	snop  }
0x4: {  	_ = 	snop  }
0x5: {  	_ = 	snop  }
0x6: {  	_ = 	snop  }
0x7: {  	_ = 	snop  }
__scs_overlays_trampoline_lowered:
0x8: {  	[smem:$0x3FAB] =	sst s0  }
0x9: {  	[smem:$0x3FAC] =	sst s1  }
0xa: {  	[smem:$0x3FAD] =	sst s2  }
0xb: {  	[smem:$0x3FAE] =	sst s3  }
0xc: {  	[smem:$0x3FAF] =	sst s4  }
0xd: {  	[smem:$0x3FB0] =	sst s5  }
0xe: {  	[smem:$0x3FB1] =	sst s6  }
0xf: {  	[smem:$0x3FB2] =	sst s7  }
0x10: {  	[smem:$0x3FB3] =	sst s8  }
0x11: {  	[smem:$0x3FB4] =	sst s9;
	s0 =	simm.s32 @!p0 $0x0  }
0x12: {  	s1 =	sld [smem:$0x3F9A];
	s0 =	simm.s32 @p0 $0x1  }
0x13: {  	[smem:$0x3FB5] =	sst s0;
	s0 =	simm.s32 @!p1 $0x0  }
0x14: {  	s2 =	sld [smem:$0x3F99];
	s0 =	simm.s32 @p1 $0x1  }
0x15: {  	[smem:$0x3FB6] =	sst s0;
	s0 =	simm.s32 @!p2 $0x0  }
0x16: {  	s3 =	sld [smem:$0x3FDB];
	s0 =	simm.s32 @p2 $0x1  }
0x17: {  	s4 =	simm.s32 $0x1BF5;
	[smem:$0x3FB8] =	sst s0  }
0x18: {  	s0 =	sld [smem:$0x3F9B];
	_ =	swait.ge [sflag:s4], $0x0  }
0x19: {  	s7 =	sld [smem:$0x3F9C]  }
0x1a: {  	s8 =	sadd.s32 $0xFFFFE003, lr  }
0x1b: {  	s9 =	sadd.s32 $0xFFFFFEF7, lr;
	s5 =	simm.s32 $0xFFFFFFFF;
	p2 =	slt.u32 s8, $0xFFFFF086  }
0x1c: {  	p1 =	slt.u32 s9, $0xF7A;
	s5 =	simm.s32 @!p2 $0x0  }
0x1d: {  	s5 =	simm.s32 @p1 $0x1;
	p0 =	seq.s32 s7, s2  }
0x1e: {  	s7 =	smul.u32 @!p0 $0xF7A, s2;
	p2 =	seq.s32 @!p0 s5, $0x0  }
0x1f: {  	s9 =	smul.u32 $0xF7A, s1;
	s8 =	simm.s32 @!p0 $0x1BF5;
	p2 =	por !p2, p0  }
0x20: {  	[sflag:s8] =	ssyncset.s32 @!p0 $0xFFFFF086;
	s6 =	sadd.s32 @!p0 s3, s7;
	s7 =	simm.s32 @!p0 $0x108  }
0x21: {  	s3 =	sadd.s32 s3, s9;
	s6 =	sadd.s32 @!p0 $0x88, s6;
	s7 =	simm.s32 @p2 $0x1082  }
0x22: {  	[simem:s7], [sflag:s8] =	dma.local @!p0 [hbm:s6], $0xF7A  }
0x23: {  	s9 =	sor.u32 $0xD0000000, s2;
	s6 =	simm.s32 $0x108;
	_ =	swait.ge @!p0 [sflag:s8], $0x0  }
0x24: {  	s3 =	sadd.s32 $0x88, s3;
	s6 =	simm.s32 @!p1 $0x1082;
	[sflag:s4] =	ssyncset.s32 $0xFFFFF086  }
0x25: {  	[simem:s6], [sflag:s4] =	dma.local [hbm:s3], $0xF7A  }
0x26: {  	[smem:$0x3F9C] =	sst s1;
	(tag) =	ssettag s2;
	_ =	strace s9  }
0x27: {  	s1 =	sld [smem:$0x3FAC]  }
0x28: {  	s2 =	sld [smem:$0x3FAD]  }
0x29: {  	s4 =	sld [smem:$0x3FAF]  }
0x2a: {  	p0 =	seq.s32 s5, $0x0;
	s5 =	sld [smem:$0x3FB0]  }
0x2b: {  	s6 =	sld [smem:$0x3FB1]  }
0x2c: {  	s7 =	sld [smem:$0x3FB2]  }
0x2d: {  	s3 =	simm.s32 $0x108;
	s8 =	sld [smem:$0x3FB3]  }
0x2e: {  	s3 =	simm.s32 @!p0 $0x1082;
	s9 =	sld [smem:$0x3FB4]  }
0x2f: {  	lr =	sadd.s32 s0, s3;
	s0 =	sld [smem:$0x3FAB]  }
0x30: {  	s3 =	sld [smem:$0x3FAE]  }
0x31: {  	[smem:$0x3FB7] =	sst s10  }
0x32: {  	s10 =	sld [smem:$0x3FB5];
	_ =	sdelay $0x3  }
0x33: {  	p0 =	seq.s32 s10, $0x1;
	s10 =	sld [smem:$0x3FB7];
	_ =	sdelay $0x3  }
0x34: {  	[smem:$0x3FB7] =	sst s10  }
0x35: {  	s10 =	sld [smem:$0x3FB6];
	_ =	sdelay $0x3  }
0x36: {  	p1 =	seq.s32 s10, $0x1;
	s10 =	sld [smem:$0x3FB7];
	_ =	sdelay $0x3  }
0x37: {  	[smem:$0x3FB7] =	sst s10  }
0x38: {  	s10 =	sld [smem:$0x3FB8]  }
0x39: {  	_ = 	snop;
	(pc) =	sbr.ind lr, $3  }
0x3a: {  	_ = 	snop  }
0x3b: {  	_ = 	snop  }
0x3c: {  	p2 =	seq.s32 s10, $0x1;
	s10 =	sld [smem:$0x3FB7]  }
0x3d: {  	_ =	shalt  }
0x3e: {  	_ =	shalt  }
0x3f: {  	_ =	shalt  }
0x40: {  	_ =	shalt  }
0x41: {  	_ =	shalt  }
0x42: {  	_ =	shalt  }
0x43: {  	_ =	shalt  }
0x44: {  	_ =	shalt  }
0x45: {  	_ =	shalt  }
0x46: {  	_ =	shalt  }
0x47: {  	_ =	shalt  }
0x48: {  	_ =	shalt  }
0x49: {  	_ =	shalt  }
0x4a: {  	_ =	shalt  }
0x4b: {  	_ =	shalt  }
0x4c: {  	_ =	shalt  }
0x4d: {  	_ =	shalt  }
0x4e: {  	_ =	shalt  }
0x4f: {  	_ =	shalt  }
0x50: {  	_ =	shalt  }
0x51: {  	_ =	shalt  }
0x52: {  	_ =	shalt  }
0x53: {  	_ =	shalt  }
0x54: {  	_ =	shalt  }
0x55: {  	_ =	shalt  }
0x56: {  	_ =	shalt  }
0x57: {  	_ =	shalt  }
0x58: {  	_ =	shalt  }
0x59: {  	_ =	shalt  }
0x5a: {  	_ =	shalt  }
0x5b: {  	_ =	shalt  }
0x5c: {  	_ =	shalt  }
0x5d: {  	_ =	shalt  }
0x5e: {  	_ =	shalt  }
0x5f: {  	_ =	shalt  }
0x60: {  	_ =	shalt  }
0x61: {  	_ =	shalt  }
0x62: {  	_ =	shalt  }
0x63: {  	_ =	shalt  }
0x64: {  	_ =	shalt  }
0x65: {  	_ =	shalt  }
0x66: {  	_ =	shalt  }
0x67: {  	_ =	shalt  }
0x68: {  	_ =	shalt  }
0x69: {  	_ =	shalt  }
0x6a: {  	_ =	shalt  }
0x6b: {  	_ =	shalt  }
0x6c: {  	_ =	shalt  }
0x6d: {  	_ =	shalt  }
0x6e: {  	_ =	shalt  }
0x6f: {  	_ =	shalt  }
0x70: {  	_ =	shalt  }
0x71: {  	_ =	shalt  }
0x72: {  	_ =	shalt  }
0x73: {  	_ =	shalt  }
0x74: {  	_ =	shalt  }
0x75: {  	_ =	shalt  }
0x76: {  	_ =	shalt  }
0x77: {  	_ =	shalt  }
0x78: {  	_ =	shalt  }
0x79: {  	_ =	shalt  }
0x7a: {  	_ =	shalt  }
0x7b: {  	_ =	shalt  }
0x7c: {  	_ =	shalt  }
0x7d: {  	_ =	shalt  }
0x7e: {  	_ =	shalt  }
0x7f: {  	_ =	shalt  }
0x80: {  	_ =	shalt  }
0x81: {  	_ =	shalt  }
0x82: {  	_ =	shalt  }
0x83: {  	_ =	shalt  }
0x84: {  	_ =	shalt  }
0x85: {  	_ =	shalt  }
0x86: {  	_ =	shalt  }
0x87: {  	_ =	shalt  }
.Lfunc_end0:
.L_simem_size_0:
called_computation_lowered:
.L_overlay_start_0:
0x88: {  	s0 =	sld [smem:$0x3FD9]  }
0x89: {  	s1 =	sld [smem:$0x3FFE];
	_ =	sdelay $0x3  }
0x8a: {  	s0 =	sadd.s32 s1, s0  }
0x8b: {  	[smem:$0x3FC3] =	sst s0  }
0x8c: {  	_ = 	snop  }
0x8d: {  	s0 =	sld [smem:$0x3FC8]  }
0x8e: {  	s16 =	sld [smem:$0x3FC7]  }
0x8f: {  	s2 =	sld [smem:$0x3FC6]  }
0x90: {  	s3 =	sld [smem:$0x3FC5];
	(tm) =	ssettm $0x1  }
0x91: {  	s4 =	sld [smem:$0x3FFB];
	_ =	sdelay $0x3  }
0x92: {  	_ =	strace s4  }
0x93: {  	s4 =	sld [smem:$0x3FFC];
	_ =	sdelay $0x3  }
0x94: {  	_ =	strace s4  }
0x95: {  	s4 =	sld [smem:$0x3FFD];
	_ =	sdelay $0x3  }
0x96: {  	_ =	strace s4  }
0x97: {  	_ =	strace $0x8FFFFFFF  }
0x98: {  	s17 =	sld [smem:$0x3FDB];
	_ =	sdelay $0x1  }
0x99: {  	s5 =	simm.s32 $_scs_section_size  }
0x9a: {  	s6 =	simm.s32 $_size__tile_overlayer_lowered;
	s7 =	simm.s32 $_tile_overlayer_lowered  }
0x9b: {  	s20 =	simm.s32 $0x1BFF;
	s19 =	sshll.u32 s7, $0x1;
	s4 =	sadd.s32 s5, s17  }
0x9c: {  	s8 =	simm.s32 $0x0;
	s18 =	sshll.u32 s6, $0x1;
	s6 =	sadd.s32 s19, s4  }
0x9d: {  	[timem:s8], [sflag:s20] =	dma.local [hbm:s6], s18  }
0x9e: {  	_ =	swait.ge [sflag:s20], s18  }
0x9f: {  	s5 =	ssub.s32 $0x0, s18;
	[sflag:s20] =	ssyncset.done $0x0  }
0xa0: {  	[sflag:s20] =	ssyncadd.s32 s5;
	_ =	sdelay $0x1  }
0xa1: {  	s21 =	simm.s32 $0x1B8B  }
0xa2: {  	_ =	swait.ge [sflag:s21], $0x1  }
0xa3: {  	[sflag:s21] =	ssyncset.done $0x0  }
0xa4: {  	s23 =	simm.s32 $0x1B8E;
	s22 =	sld [smem:$0x3FFE];
	[sflag:s21] =	ssyncadd.s32 $0xFFFFFFFF  }
0xa5: {  	s24 =	simm.s32 $execute0_lowered;
	[smem:$0x3FD2] =	sst s23  }
0xa6: {  	s6 =	sshll.u32 s24, $0x1;
	_ =	strace $0x80000046;
	[dreg:$0x1] =	wrdreg $0xFFFFFFFF  }
0xa7: {  	s25 =	simm.s32 $_size_execute0_lowered;
	s4 =	sadd.s32 s4, s6;
	[dreg:$0x0] =	wrdreg $0x0  }
0xa8: {  	s6 =	sshll.u32 s25, $0x1;
	[dreg:$0x2] =	wrdreg s4  }
0xa9: {  	[dreg:$0x3] =	wrdreg s6  }
0xaa: {  	[dreg:$0x4] =	wrdreg $0xC0  }
0xab: {  	_ =	task [dreg:s8], $0x5FFFF  }
0xac: {  	[dreg:$0x1] =	wrdreg $0xFFFFFFFF  }
0xad: {  	[dreg:$0x0] =	wrdreg $0x60  }
0xae: {  	[dreg:$0x2] =	wrdreg s22  }
0xaf: {  	[dreg:$0x3] =	wrdreg s0  }
0xb0: {  	[dreg:$0x4] =	wrdreg s16  }
0xb1: {  	[dreg:$0x5] =	wrdreg s2  }
0xb2: {  	[dreg:$0x6] =	wrdreg s3  }
0xb3: {  	[dreg:$0x7] =	wrdreg $0x9  }
0xb4: {  	_ =	task.clear_ibuf [dreg:s8], $0x8FFFF;
	_ =	strace $0x90000046  }
0xb5: {  	s26 =	simm.s32 $0x9;
	_ =	strace $0x80000048  }
0xb6: {  	_ =	swait.ge [sflag:s26], $0x1  }
0xb7: {  	[sflag:s26] =	ssyncadd.s32 $0xFFFFFFFF  }
0xb8: {  	_ =	strace $0x90000048  }
0xb9: {  	_ =	sfence  }
0xba: {  	s28 =	sld [smem:$0x0];
	_ =	sdelay $0x1  }
0xbb: {  	s29 =	srdreg.scid  }
0xbc: {  	s30 =	sshll.u32 s29, $0xD;
	s31 =	sshrl.u32 s29, $0x2  }
0xbd: {  	s1 =	sand.u32 $0x1, s29;
	s2 =	sand.u32 $0x4000, s30;
	s0 =	sadd.s32 s31, s28  }
0xbe: {  	s1 =	sor.u32 s2, s1;
	s0 =	sshll.u32 s0, $0x11  }
0xbf: {  	s0 =	sor.u32 s0, s1  }
0xc0: {  	s0 =	sadd.s32 $0x8F2B, s0  }
0xc1: {  	[sflag:s0] =	ssyncadd.remote.s32 $0x1  }
0xc2: {  	_ =	sfence.sel $0xFFFF  }
0xc3: {  	[dreg:$0x0] =	wrdreg $0xFFFFFFFF;
	(pc) =	sbr.abs _section_cstart, $3  }
0xc4: {  	[dreg:$0x1] =	wrdreg $0xFFFFFFFF  }
0xc5: {  	_ =	task.clear_ibuf [dreg:s8], $0x2FFFF;
	_ =	strace $0x9FFFFFFF  }
0xc6: {  	(tm) =	ssettm $0x7FFFFFFF  }
0xc7: {  	_ =	shalt  }
tec
execute0_lowered:
.L_overlay_start_1:
0x0: {  	(tag) =	ssettag $0x1  }
0x1: {  	s2 =	rddreg [dreg:$0x0]  }
0x2: {  	s3 =	rddreg [dreg:$0x1]  }
0x3: {  	s4 =	rddreg [dreg:$0x2]  }
0x4: {  	s5 =	rddreg [dreg:$0x3]  }
0x5: {  	s6 =	rddreg [dreg:$0x4];
	s7 =	simm.s32 $0x0;
	s1 =	stileid.u32  }
0x6: {  	[smem:$0x7FF] =	sst s7;
	s8 =	sshll.u32 s1, $0xD  }
0x7: {  	s0 =	rddreg [dreg:$0x5];
	_ =	strace $0x80000047;
	s8 =	sadd.s32 s2, s8  }
0x8: {  	[tilespmem:s7], [sflag:$0x1] =	stream.linear.gather [hbm4b:s8+s7], $0x10000, $0x38;
	[tilespmem:$0x14200] =	vst v63  }
0x9: {  	s25 =	simm.s32 $0x14000  }
0xa: {  	[tilespmem:s25], [sflag:$0x2] =	stream.linear.gather [hbm4b:s3+s7], $0x80, $0x38;
	[tilespmem:$0x14200] =	vst v63  }
0xb: {  	s26 =	simm.s32 $0x10000  }
0xc: {  	[tilespmem:s26], [sflag:$0x2] =	stream.linear.gather [hbm4b:s4+s7], $0x2000, $0x38;
	[tilespmem:$0x14200] =	vst v63  }
0xd: {  	s28 =	simm.s32 $0x14080  }
0xe: {  	[tilespmem:s28], [sflag:$0x2] =	stream.linear.gather [hbm4b:s5+s7], $0x80, $0x38;
	[tilespmem:$0x14200] =	vst v63  }
0xf: {  	s29 =	simm.s32 $0x14100;
	s30 =	simm.s32 $0x2  }
0x10: {  	[tilespmem:s29], [sflag:$0x2] =	stream.linear.gather [hbm4b:s6+s7], $0x80, $0x38;
	[tilespmem:$0x14200] =	vst v63  }
0x11: {  	_ =	swait.ge [sflag:s30], $0x80  }
0x12: {  	[sflag:s30] =	ssyncset.done $0x0  }
0x13: {  	[sflag:s30] =	ssyncadd.s32 $0xFFFFFF80  }
0x14: {  	_ =	swait.ge [sflag:s30], $0x2000  }
0x15: {  	[sflag:s30] =	ssyncset.done $0x0  }
0x16: {  	[sflag:s30] =	ssyncadd.s32 $0xFFFFE000  }
0x17: {  	_ =	swait.ge [sflag:s30], $0x80  }
0x18: {  	[sflag:s30] =	ssyncset.done $0x0  }
0x19: {  	[sflag:s30] =	ssyncadd.s32 $0xFFFFFF80  }
0x1a: {  	_ =	swait.ge [sflag:s30], $0x80  }
0x1b: {  	[sflag:s30] =	ssyncset.done $0x0  }
0x1c: {  	[sflag:s30] =	ssyncadd.s32 $0xFFFFFF80  }
0x1d: {  	v0 =	vld [tilespmem:$0x14000]  }
0x1e: {  	s31 =	simm.s32 $0x0  }
0x1f: {  	v1 =	vld [tilespmem:s31+$0x10000]  }
0x20: {  	v2 =	vld [tilespmem:s31+$0x10010]  }
0x21: {  	v4 =	vmov s1;
	v3 =	vld [tilespmem:s31+$0x10020]  }
0x22: {  	v5 =	vimm.f32 $-Inf;
	s3 =	sadd.s32 $0x20000, s2;
	s2 =	simm.s32 $0x200;
	v0 =	vperm.xlane v0, v4;
	v4 =	vld [tilespmem:s31+$0x10030]  }
.LBB2_1:
0x23: {  	p0 =	sne.s32 s2, $0x7E00  }
.Ltmp0:
0x24: {  	s4 =	sshra.s32 s2, $0x2;
	s2 =	sadd.s32 $0x200, s2;
	v5 =	vmax.f32 v5, v1;
	(pc) =	sbr.rel @p0 .LBB2_1-.Ltmp0, $4  }
0x25: {  	v1 =	vld [tilespmem:s4+$0x10000];
	v5 =	vmax.f32 v5, v2  }
0x26: {  	v2 =	vld [tilespmem:s4+$0x10010];
	v5 =	vmax.f32 v5, v3  }
0x27: {  	v3 =	vld [tilespmem:s4+$0x10020];
	v5 =	vmax.f32 v5, v4  }
0x28: {  	v4 =	vld [tilespmem:s4+$0x10030]  }
0x29: {  	_ = 	snop  }
0x2a: {  	v1 =	vmax.f32 v5, v1  }
0x2b: {  	v1 =	vmax.f32 v1, v2  }
0x2c: {  	v1 =	vmax.f32 v1, v3  }
0x2d: {  	v1 =	vmax.f32 v1, v4  }
0x2e: {  	(xrf0) =	vmax.scan.msk.f32 $0xffff, v1;
	_ =	sdelay $0x2  }
0x2f: {  	s2 =	simm.s32 $0x0  }
0x30: {  	v3 =	vld [tilespmem:s2+$0x10020]  }
0x31: {  	v4 =	vld [tilespmem:s2+$0x10030]  }
0x32: {  	v5 =	vld [tilespmem:s2+$0x10000];
	v1, _, _ =	vpop (xrf0)  }
0x33: {  	v6 =	vld [tilespmem:s2+$0x10010];
	v2 =	vbroadcast v1, $0xF;
	_ =	sdelay $0x1  }
0x34: {  	s4 =	simm.s32 $0x80;
	v3 =	vsub.f32 v3, v2  }
0x35: {  	v7 =	vld [tilespmem:s4+$0x10020];
	v4 =	vsub.f32 v4, v2  }
0x36: {  	v8 =	vld [tilespmem:s4+$0x10030];
	v5 =	vsub.f32 v5, v2;
	v3 =	vmul.f32 $1.442695020e+00, v3  }
0x37: {  	v6 =	vsub.f32 v6, v2;
	v4 =	vmul.f32 $1.442695020e+00, v4  }
0x38: {  	v5 =	vmul.f32 $1.442695020e+00, v5;
	(erf) = vpow2.f32 v3;
	v3 =	vld [tilespmem:s4+$0x10000]  }
0x39: {  	s6 =	simm.s32 $0x100;
	v6 =	vmul.f32 $1.442695020e+00, v6;
	(erf) = vpow2.f32 v4;
	v4 =	vld [tilespmem:s4+$0x10010]  }
0x3a: {  	(erf) = vpow2.f32 v5;
	v5 =	vld [tilespmem:s6+$0x10020]  }
0x3b: {  	v8 =	vsub.f32 v8, v2;
	(erf) = vpow2.f32 v6;
	v6 =	vsub.f32 v7, v2  }
0x3c: {  	v7 =	vld [tilespmem:s6+$0x10030]  }
0x3d: {  	v8 =	vmul.f32 $1.442695020e+00, v8;
	v3 =	vsub.f32 v3, v2;
	v6 =	vmul.f32 $1.442695020e+00, v6  }
0x3e: {  	v4 =	vsub.f32 v4, v2  }
0x3f: {  	v9 =	vld [tilespmem:s6+$0x10000];
	v11 =	vmul.f32 $1.442695020e+00, v3;
	(erf) = vpow2.f32 v6;
	v5 =	vsub.f32 v5, v2  }
0x40: {  	v10 =	vld [tilespmem:s6+$0x10010];
	v6 =	vmul.f32 $1.442695020e+00, v4;
	(erf) = vpow2.f32 v8  }
0x41: {  	v7 =	vsub.f32 v7, v2;
	v8 =	vpop (erf);
	(erf) = vpow2.f32 v11;
	v11 =	vmul.f32 $1.442695020e+00, v5;
	_ =	sdelay $0x1  }
0x42: {  	s5 =	simm.s32 $0x180;
	v12 =	vpop (erf);
	(erf) = vpow2.f32 v6;
	v7 =	vmul.f32 $1.442695020e+00, v7  }
0x43: {  	v3 =	vld [tilespmem:s5+$0x10020];
	v13 =	vpop (erf);
	(erf) = vpow2.f32 v11  }
0x44: {  	v9 =	vsub.f32 v9, v2;
	v10 =	vsub.f32 v10, v2;
	v4 =	vld [tilespmem:s5+$0x10030];
	v11 =	vpop (erf);
	(erf) = vpow2.f32 v7  }
0x45: {  	v5 =	vld [tilespmem:s5+$0x10000];
	v8 =	vpack.i.f32.bf16 v12, v8  }
0x46: {  	s7 =	simm.s32 $0x800;
	v9 =	vmul.f32 $1.442695020e+00, v9;
	v6 =	vld [tilespmem:s5+$0x10010];
	[tilespmem:s2+$0x12010] =	vst v8;
	v8 =	vmul.f32 $1.442695020e+00, v10;
	v7 =	vpack.i.f32.bf16 v11, v13  }
.LBB2_3:
0x47: {  	s8 =	sshra.s32 s7, $0x2  }
0x48: {  	v10 =	vsub.f32 v3, v2;
	(erf) = vpow2.f32 v9;
	[tilespmem:s2+$0x12000] =	vst v7;
	s2 =	smov.u32 s4;
	s4 =	smov.u32 s6;
	p0 =	sne.s32 s7, $0x7E00  }
.Ltmp1:
0x49: {  	s7 =	sadd.s32 $0x200, s7;
	v3 =	vld [tilespmem:s8+$0x10020];
	v7 =	vsub.f32 v4, v2;
	(erf) = vpow2.f32 v8;
	v8 =	vpop (erf);
	(pc) =	sbr.rel @p0 .LBB2_3-.Ltmp1, $4  }
0x4a: {  	s6 =	smov.u32 s5;
	s5 =	smov.u32 s8;
	v4 =	vld [tilespmem:s8+$0x10030];
	v9 =	vsub.f32 v5, v2;
	v13 =	vmul.f32 $1.442695020e+00, v10;
	v11 =	vpop (erf)  }
0x4b: {  	v5 =	vld [tilespmem:s5+$0x10000];
	v12 =	vsub.f32 v6, v2;
	v7 =	vmul.f32 $1.442695020e+00, v7;
	v8 =	vpack.i.f32.bf16 v11, v8;
	v11 =	vpop (erf)  }
0x4c: {  	v6 =	vld [tilespmem:s5+$0x10010];
	v9 =	vmul.f32 $1.442695020e+00, v9;
	(erf) = vpow2.f32 v13;
	[tilespmem:s2+$0x12010] =	vst v8;
	v10 =	vpop (erf)  }
0x4d: {  	v8 =	vmul.f32 $1.442695020e+00, v12;
	(erf) = vpow2.f32 v7;
	v7 =	vpack.i.f32.bf16 v10, v11  }
0x4e: {  	v3 =	vsub.f32 v3, v2  }
0x4f: {  	v4 =	vsub.f32 v4, v2  }
0x50: {  	(erf) = vpow2.f32 v9;
	v5 =	vsub.f32 v5, v2;
	v3 =	vmul.f32 $1.442695020e+00, v3  }
0x51: {  	(v2sf) =	vpush v0, $0x0;
	v0 =	vsub.f32 v6, v2;
	v2 =	vmul.f32 $1.442695020e+00, v4  }
0x52: {  	(erf) = vpow2.f32 v8;
	(v2sf) =	vpush v1, $0xF;
	v1 =	vmul.f32 $1.442695020e+00, v5  }
0x53: {  	(erf) = vpow2.f32 v3;
	v0 =	vmul.f32 $1.442695020e+00, v0  }
0x54: {  	v3 =	vpop (erf);
	(erf) = vpow2.f32 v2  }
0x55: {  	v2 =	vpop (erf);
	(erf) = vpow2.f32 v1  }
0x56: {  	v1 =	vpop (erf);
	(erf) = vpow2.f32 v0  }
0x57: {  	v0 =	vpop (erf)  }
0x58: {  	v4 =	vpop (erf)  }
0x59: {  	v5 =	vpop (erf)  }
0x5a: {  	v2 =	vpack.i.f32.bf16 v2, v3;
	v6 =	vpop (erf)  }
0x5b: {  	[tilespmem:s2+$0x12000] =	vst v7;
	v3 =	vpop (erf)  }
0x5c: {  	[tilespmem:s4+$0x12010] =	vst v2;
	v0 =	vpack.i.f32.bf16 v0, v1;
	v1 =	vpop (erf)  }
0x5d: {  	[tilespmem:s4+$0x12000] =	vst v0;
	v0 =	vpack.i.f32.bf16 v5, v4;
	v2 =	vpop (erf)  }
0x5e: {  	[tilespmem:s6+$0x12010] =	vst v0;
	v0 =	vpack.i.f32.bf16 v3, v6;
	v3 =	vpop (erf)  }
0x5f: {  	[tilespmem:s6+$0x12000] =	vst v0;
	v0 =	vpack.i.f32.bf16 v2, v1;
	v1 =	vpop (erf)  }
0x60: {  	s29 =	spop (v2sf);
	[tilespmem:s5+$0x12010] =	vst v0;
	v0 =	vpack.i.f32.bf16 v1, v3  }
0x61: {  	s30 =	simm.s32 $0x1;
	s2 =	spop (v2sf);
	[tilespmem:s5+$0x12000] =	vst v0  }
0x62: {  	_ =	swait.ge [sflag:s30], $0x10000  }
0x63: {  	[sflag:s30] =	ssyncset.done $0x0  }
0x64: {  	[sflag:s30] =	ssyncadd.s32 $0xFFFF0000  }
0x65: {  	v0 =	vld [tilespmem:$0x14080]  }
0x66: {  	v1 =	vld [tilespmem:$0x0]  }
0x67: {  	v2 =	vld [tilespmem:$0x14090]  }
0x68: {  	v3 =	vld [tilespmem:$0x10]  }
0x69: {  	v4 =	vld [tilespmem:$0x140A0]  }
0x6a: {  	v5 =	vld [tilespmem:$0x20]  }
0x6b: {  	v6 =	vld [tilespmem:$0x140B0]  }
0x6c: {  	v7 =	vld [tilespmem:$0x30];
	_ =	sdelay $0x3  }
0x6d: {  	v0 =	vadd.f32 v1, v0;
	v1 =	vadd.f32 v3, v2  }
0x6e: {  	v2 =	vadd.f32 v5, v4;
	v3 =	vadd.f32 v7, v6;
	_ =	sdelay $0x1  }
0x6f: {  	v4 =	vmax.f32 v0, v1;
	v5 =	vmax.f32 v2, v3  }
0x70: {  	v4 =	vmax.f32 v4, v5  }
0x71: {  	(xrf0) =	vmax.scan.msk.f32 $0xffff, v4;
	_ =	sdelay $0x5  }
0x72: {  	v4, _, _ =	vpop (xrf0)  }
0x73: {  	v5 =	vbroadcast v4, $0xF;
	_ =	sdelay $0x1  }
0x74: {  	v0 =	vsub.f32 v0, v5  }
0x75: {  	(v2sf) =	vpush v4, $0xF;
	v1 =	vsub.f32 v1, v5  }
0x76: {  	v2 =	vsub.f32 v2, v5;
	v0 =	vmul.f32 $1.442695020e+00, v0  }
0x77: {  	v3 =	vsub.f32 v3, v5;
	v1 =	vmul.f32 $1.442695020e+00, v1  }
0x78: {  	(erf) = vpow2.f32 v0;
	v0 =	vmul.f32 $1.442695020e+00, v2  }
0x79: {  	(erf) = vpow2.f32 v1;
	v1 =	vmul.f32 $1.442695020e+00, v3  }
0x7a: {  	(erf) = vpow2.f32 v0  }
0x7b: {  	(erf) = vpow2.f32 v1;
	_ =	sdelay $0x3  }
0x7c: {  	p0 =	slt.s32 s29, $0x2  }
.Ltmp2:
0x7d: {  	_ = 	snop;
	(pc) =	sbr.rel @p0 .LBB2_10-.Ltmp2, $4  }
0x7e: {  	v7 =	vpop (erf)  }
0x7f: {  	v13 =	vpop (erf)  }
0x80: {  	s31 =	sshll.u32 s1, $0x4;
	v9 =	vpop (erf)  }
0x81: {  	s3 =	sadd.s32 s3, s31;
	s5 =	sadd.s32 $0xFFFFFFFF, s29;
	v0 =	vimm.s32 $0x0;
	s4 =	spop (v2sf);
	v8 =	vpop (erf)  }
0x82: {  	v3 =	vld [tilespmem:$0x13700]  }
0x83: {  	v28 =	vld [tilespmem:$0x12010]  }
0x84: {  	v32 =	vld [tilespmem:$0x12000]  }
0x85: {  	v26 =	vld [tilespmem:$0x12810]  }
0x86: {  	v34 =	vld [tilespmem:$0x12800]  }
0x87: {  	v30 =	vld [tilespmem:$0x13010]  }
0x88: {  	v36 =	vld [tilespmem:$0x13000]  }
0x89: {  	v0 =	vimm.s32 $0x0;
	v29 =	vld [tilespmem:$0x13810]  }
0x8a: {  	s6 =	simm.s32 $0xB0;
	v22 =	vimm.bf16 $0.0e+00;
	v21 =	vimm.s32 $0x1;
	v20 =	vimm.s32 $0x2;
	v35 =	vld [tilespmem:$0x13800]  }
0x8b: {  	v19 =	vimm.s32 $0x3;
	v18 =	vimm.s32 $0x4;
	v17 =	vimm.s32 $0x5;
	v16 =	vld [tilespmem:s6+$0x0]  }
0x8c: {  	v15 =	vimm.s32 $0x6;
	v14 =	vimm.s32 $0x7;
	v12 =	vimm.s32 $0x8;
	v31 =	vld [tilespmem:$0x12090];
	p1 =	sne.s32 s5, $0x1  }
.Ltmp3:
0x8d: {  	v11 =	vimm.s32 $0x9;
	v10 =	vimm.s32 $0xA;
	v6 =	vimm.s32 $0xB;
	v38 =	vld [tilespmem:$0x12080];
	(pc) =	sbr.rel @!p1 .LBB2_6-.Ltmp3, $4  }
0x8e: {  	v5 =	vimm.s32 $0xC;
	v4 =	vimm.s32 $0xD;
	v2 =	vimm.s32 $0xE;
	v27 =	vld [tilespmem:$0x12890]  }
0x8f: {  	v1 =	vimm.s32 $0xF;
	v37 =	vld [tilespmem:$0x12880];
	v13 =	vpack.i.f32.bf16 v13, v13;
	v9 =	vpack.i.f32.bf16 v9, v9  }
0x90: {  	v33 =	vld [tilespmem:$0x13090];
	v40 =	vperm.xlane v13, v0;
	v23 =	vmin.f32 v16, $8.000000000e+01;
	v16 =	vpack.i.f32.bf16 v7, v7  }
0x91: {  	s7 =	sadd.s32 $0xFFFFFFFF, s5;
	v8 =	vpack.i.f32.bf16 v8, v8;
	v39 =	vld [tilespmem:$0x13080];
	p0 =	por $0x0, $0x0;
	v7 =	vmul.f32 $1.442695020e+00, v23;
	v41 =	vperm.xlane v16, v0  }
0x92: {  	_ = 	snop  }
0x93: {  	v23 =	vmul.bf16 v41, v32  }
0x94: {  	v24 =	vmul.bf16 v41, v28  }
0x95: {  	v25 =	vperm.xlane v9, v0;
	v28 =	vmul.bf16 v40, v34;
	v23 =	vadd.bf16 v22, v23  }
0x96: {  	v26 =	vmul.bf16 v40, v26;
	v24 =	vadd.bf16 v22, v24  }
0x97: {  	v52 =	vld [tilespmem:$0x13890];
	v54 =	vperm.xlane v8, v0;
	v53 =	vmul.bf16 v25, v36;
	v23 =	vadd.bf16 v28, v23  }
0x98: {  	v55 =	vld [tilespmem:$0x12100];
	v25 =	vmul.bf16 v25, v30;
	v24 =	vadd.bf16 v26, v24  }
0x99: {  	v58 =	vld [tilespmem:$0x12900];
	v30 =	vperm.xlane v16, v21;
	v35 =	vmul.bf16 v54, v35;
	v23 =	vadd.bf16 v53, v23  }
0x9a: {  	v59 =	vld [tilespmem:$0x13100];
	v29 =	vmul.bf16 v54, v29;
	v24 =	vadd.bf16 v25, v24  }
0x9b: {  	v57 =	vperm.xlane v13, v21;
	v60 =	vld [tilespmem:$0x13910];
	v56 =	vmul.bf16 v30, v38;
	v23 =	vadd.bf16 v35, v23  }
0x9c: {  	v30 =	vmul.bf16 v30, v31;
	v28 =	vld [tilespmem:$0x13880];
	v24 =	vadd.bf16 v29, v24  }
0x9d: {  	v61 =	vld [tilespmem:$0x13900];
	v37 =	vmul.bf16 v57, v37;
	v31 =	vperm.xlane v9, v21;
	v23 =	vadd.bf16 v56, v23  }
0x9e: {  	v63 =	vld [tilespmem:$0x12180];
	v27 =	vmul.bf16 v57, v27;
	v24 =	vadd.bf16 v30, v24  }
0x9f: {  	v26 =	vld [tilespmem:$0x12110];
	v39 =	vmul.bf16 v31, v39;
	v30 =	vperm.xlane v8, v21;
	v23 =	vadd.bf16 v37, v23  }
0xa0: {  	v45 =	vld [tilespmem:$0x12980];
	v31 =	vmul.bf16 v31, v33;
	v24 =	vadd.bf16 v27, v24  }
0xa1: {  	v62 =	vperm.xlane v16, v20;
	v25 =	vld [tilespmem:$0x12910];
	v28 =	vmul.bf16 v30, v28;
	v23 =	vadd.bf16 v39, v23  }
0xa2: {  	v47 =	vld [tilespmem:$0x13180];
	v30 =	vmul.bf16 v30, v52;
	v24 =	vadd.bf16 v31, v24  }
0xa3: {  	v44 =	vperm.xlane v13, v20;
	v34 =	vmul.bf16 v62, v55;
	v29 =	vld [tilespmem:$0x13110];
	v28 =	vadd.bf16 v28, v23  }
0xa4: {  	v50 =	vld [tilespmem:$0x13980];
	v26 =	vmul.bf16 v62, v26;
	v24 =	vadd.bf16 v30, v24  }
0xa5: {  	v43 =	vld [tilespmem:$0x13280];
	v46 =	vmul.bf16 v44, v58;
	v30 =	vperm.xlane v9, v20;
	v28 =	vadd.bf16 v34, v28  }
0xa6: {  	v32 =	vld [tilespmem:$0x12000];
	v25 =	vmul.bf16 v44, v25;
	v24 =	vadd.bf16 v26, v24  }
0xa7: {  	v48 =	vperm.xlane v8, v20;
	v27 =	vld [tilespmem:$0x12190];
	v49 =	vmul.bf16 v30, v59;
	v28 =	vadd.bf16 v46, v28  }
0xa8: {  	v58 =	vld [tilespmem:$0x13200];
	v24 =	vadd.bf16 v25, v24;
	v25 =	vmul.bf16 v30, v29  }
0xa9: {  	v51 =	vmul.bf16 v48, v61;
	v31 =	vld [tilespmem:$0x12990];
	v30 =	vperm.xlane v16, v19;
	v28 =	vadd.bf16 v49, v28  }
0xaa: {  	v54 =	vperm.xlane v13, v19;
	v61 =	vld [tilespmem:$0x12280];
	v24 =	vadd.bf16 v25, v24;
	v25 =	vmul.bf16 v48, v60  }
0xab: {  	v26 =	vld [tilespmem:$0x13190];
	v55 =	vmul.bf16 v30, v63;
	v28 =	vadd.bf16 v51, v28  }
0xac: {  	v57 =	vmul.bf16 v54, v45;
	v45 =	vld [tilespmem:$0x13A80];
	v24 =	vadd.bf16 v25, v24;
	v25 =	vmul.bf16 v30, v27  }
0xad: {  	v29 =	vld [tilespmem:$0x13990];
	v30 =	vperm.xlane v9, v19;
	v28 =	vadd.bf16 v55, v28  }
0xae: {  	v52 =	vld [tilespmem:$0x12200];
	v24 =	vadd.bf16 v25, v24;
	v25 =	vmul.bf16 v54, v31  }
0xaf: {  	v53 =	vld [tilespmem:$0x12210];
	v59 =	vperm.xlane v8, v19;
	v34 =	vmul.bf16 v30, v47;
	v28 =	vadd.bf16 v57, v28  }
0xb0: {  	v56 =	vld [tilespmem:$0x12A00];
	v24 =	vadd.bf16 v25, v24;
	v25 =	vmul.bf16 v30, v26  }
0xb1: {  	v33 =	vmul.bf16 v59, v50;
	v27 =	vld [tilespmem:$0x12A10];
	v30 =	vperm.xlane v16, v18;
	v28 =	vadd.bf16 v34, v28  }
0xb2: {  	v37 =	vld [tilespmem:$0x12880];
	v24 =	vadd.bf16 v25, v24;
	v25 =	vmul.bf16 v59, v29  }
0xb3: {  	v62 =	vperm.xlane v13, v18;
	v31 =	vld [tilespmem:$0x13210];
	v35 =	vmul.bf16 v30, v52;
	v28 =	vadd.bf16 v33, v28  }
0xb4: {  	v60 =	vld [tilespmem:$0x13A00];
	v24 =	vadd.bf16 v25, v24;
	v25 =	vmul.bf16 v30, v53  }
0xb5: {  	v42 =	vperm.xlane v9, v18;
	v36 =	vmul.bf16 v62, v56;
	v26 =	vld [tilespmem:$0x13A10];
	v28 =	vadd.bf16 v35, v28  }
0xb6: {  	v23 =	vld [tilespmem:s6+$0xFFFFFFE0];
	v24 =	vadd.bf16 v25, v24;
	v25 =	vmul.bf16 v62, v27  }
0xb7: {  	v38 =	vmul.bf16 v42, v58;
	v44 =	vperm.xlane v8, v18;
	v29 =	vld [tilespmem:$0x12290];
	v28 =	vadd.bf16 v36, v28  }
0xb8: {  	v63 =	vld [tilespmem:$0x12A80];
	v24 =	vadd.bf16 v25, v24;
	v25 =	vmul.bf16 v42, v31  }
0xb9: {  	v46 =	vperm.xlane v16, v17;
	v39 =	vmul.bf16 v44, v60;
	v30 =	vld [tilespmem:$0x12A90];
	v28 =	vadd.bf16 v38, v28  }
0xba: {  	v49 =	vld [tilespmem:$0x12B00];
	v24 =	vadd.bf16 v25, v24;
	v25 =	vmul.bf16 v44, v26  }
0xbb: {  	v48 =	vperm.xlane v13, v17;
	v34 =	vmul.bf16 v46, v61;
	v27 =	vld [tilespmem:$0x13290];
	v28 =	vadd.bf16 v39, v28  }
0xbc: {  	v50 =	vperm.xlane v9, v17;
	v51 =	vld [tilespmem:$0x13300];
	v24 =	vadd.bf16 v25, v24;
	v25 =	vmul.bf16 v46, v29  }
0xbd: {  	v23 =	vmin.f32 v23, $8.000000000e+01;
	v33 =	vmul.bf16 v48, v63;
	v31 =	vld [tilespmem:$0x13A90];
	v28 =	vadd.bf16 v34, v28  }
0xbe: {  	v23 =	vmul.f32 $1.442695020e+00, v23;
	v47 =	vld [tilespmem:$0x12300];
	v24 =	vadd.bf16 v25, v24;
	v25 =	vmul.bf16 v48, v30  }
0xbf: {  	v52 =	vperm.xlane v8, v17;
	v35 =	vmul.bf16 v50, v43;
	v26 =	vld [tilespmem:$0x12310];
	v28 =	vadd.bf16 v33, v28  }
0xc0: {  	(erf) = vpow2.f32 v23;
	v23 =	vld [tilespmem:s6+$0xFFFFFFD0];
	v24 =	vadd.bf16 v25, v24;
	v25 =	vmul.bf16 v50, v27  }
0xc1: {  	v54 =	vperm.xlane v16, v15;
	v36 =	vmul.bf16 v52, v45;
	v29 =	vld [tilespmem:$0x12B10];
	v28 =	vadd.bf16 v35, v28  }
0xc2: {  	v55 =	vld [tilespmem:$0x12380];
	v24 =	vadd.bf16 v25, v24;
	v25 =	vmul.bf16 v52, v31  }
0xc3: {  	v56 =	vperm.xlane v13, v15;
	v38 =	vmul.bf16 v54, v47;
	v30 =	vld [tilespmem:$0x13310];
	v28 =	vadd.bf16 v36, v28  }
0xc4: {  	v53 =	vld [tilespmem:$0x13B00];
	v24 =	vadd.bf16 v25, v24;
	v25 =	vmul.bf16 v54, v26  }
0xc5: {  	v58 =	vperm.xlane v9, v15;
	v39 =	vmul.bf16 v56, v49;
	v27 =	vld [tilespmem:$0x13B10];
	v28 =	vadd.bf16 v38, v28  }
0xc6: {  	v57 =	vld [tilespmem:$0x12B80];
	v24 =	vadd.bf16 v25, v24;
	v25 =	vmul.bf16 v56, v29  }
0xc7: {  	v60 =	vperm.xlane v8, v15;
	v34 =	vmul.bf16 v58, v51;
	v31 =	vld [tilespmem:$0x12390];
	v28 =	vadd.bf16 v39, v28  }
0xc8: {  	v59 =	vld [tilespmem:$0x13380];
	v24 =	vadd.bf16 v25, v24;
	v25 =	vmul.bf16 v58, v30  }
0xc9: {  	v62 =	vperm.xlane v16, v14;
	v33 =	vmul.bf16 v60, v53;
	v26 =	vld [tilespmem:$0x12B90];
	v28 =	vadd.bf16 v34, v28  }
0xca: {  	v61 =	vld [tilespmem:$0x13B80];
	v24 =	vadd.bf16 v25, v24;
	v25 =	vmul.bf16 v60, v27  }
0xcb: {  	v42 =	vperm.xlane v13, v14;
	v35 =	vmul.bf16 v62, v55;
	v29 =	vld [tilespmem:$0x13390];
	v28 =	vadd.bf16 v33, v28  }
0xcc: {  	v63 =	vld [tilespmem:$0x12400];
	v24 =	vadd.bf16 v25, v24;
	v25 =	vmul.bf16 v62, v31  }
0xcd: {  	v44 =	vperm.xlane v9, v14;
	v36 =	vmul.bf16 v42, v57;
	v30 =	vld [tilespmem:$0x13B90];
	v28 =	vadd.bf16 v35, v28  }
0xce: {  	v43 =	vld [tilespmem:$0x12C00];
	v24 =	vadd.bf16 v25, v24;
	v25 =	vmul.bf16 v42, v26  }
0xcf: {  	v46 =	vperm.xlane v8, v14;
	v38 =	vmul.bf16 v44, v59;
	v27 =	vld [tilespmem:$0x12410];
	v28 =	vadd.bf16 v36, v28  }
0xd0: {  	v45 =	vld [tilespmem:$0x13400];
	v24 =	vadd.bf16 v25, v24;
	v25 =	vmul.bf16 v44, v29  }
0xd1: {  	v48 =	vperm.xlane v16, v12;
	v39 =	vmul.bf16 v46, v61;
	v31 =	vld [tilespmem:$0x12C10];
	v28 =	vadd.bf16 v38, v28  }
0xd2: {  	v47 =	vld [tilespmem:$0x13C00];
	v24 =	vadd.bf16 v25, v24;
	v25 =	vmul.bf16 v46, v30  }
0xd3: {  	v50 =	vperm.xlane v13, v12;
	v34 =	vmul.bf16 v48, v63;
	v26 =	vld [tilespmem:$0x13410];
	v28 =	vadd.bf16 v39, v28  }
0xd4: {  	v49 =	vld [tilespmem:$0x12480];
	v24 =	vadd.bf16 v25, v24;
	v25 =	vmul.bf16 v48, v27  }
0xd5: {  	v52 =	vperm.xlane v9, v12;
	v33 =	vmul.bf16 v50, v43;
	v29 =	vld [tilespmem:$0x13C10];
	v28 =	vadd.bf16 v34, v28  }
0xd6: {  	v51 =	vld [tilespmem:$0x12C80];
	v24 =	vadd.bf16 v25, v24;
	v25 =	vmul.bf16 v50, v31  }
0xd7: {  	v54 =	vperm.xlane v8, v12;
	v35 =	vmul.bf16 v52, v45;
	v30 =	vld [tilespmem:$0x12490];
	v28 =	vadd.bf16 v33, v28  }
0xd8: {  	v53 =	vld [tilespmem:$0x13480];
	v24 =	vadd.bf16 v25, v24;
	v25 =	vmul.bf16 v52, v26  }
0xd9: {  	v56 =	vperm.xlane v16, v11;
	v36 =	vmul.bf16 v54, v47;
	v27 =	vld [tilespmem:$0x12C90];
	v28 =	vadd.bf16 v35, v28  }
0xda: {  	v55 =	vld [tilespmem:$0x13C80];
	v24 =	vadd.bf16 v25, v24;
	v25 =	vmul.bf16 v54, v29  }
0xdb: {  	v58 =	vperm.xlane v13, v11;
	v38 =	vmul.bf16 v56, v49;
	v31 =	vld [tilespmem:$0x13490];
	v28 =	vadd.bf16 v36, v28  }
0xdc: {  	v57 =	vld [tilespmem:$0x12500];
	v24 =	vadd.bf16 v25, v24;
	v25 =	vmul.bf16 v56, v30  }
0xdd: {  	v60 =	vperm.xlane v9, v11;
	v39 =	vmul.bf16 v58, v51;
	v26 =	vld [tilespmem:$0x13C90];
	v28 =	vadd.bf16 v38, v28  }
0xde: {  	v59 =	vld [tilespmem:$0x12D00];
	v24 =	vadd.bf16 v25, v24;
	v25 =	vmul.bf16 v58, v27  }
0xdf: {  	v62 =	vperm.xlane v8, v11;
	v34 =	vmul.bf16 v60, v53;
	v29 =	vld [tilespmem:$0x12510];
	v28 =	vadd.bf16 v39, v28  }
0xe0: {  	v61 =	vld [tilespmem:$0x13500];
	v24 =	vadd.bf16 v25, v24;
	v25 =	vmul.bf16 v60, v31  }
0xe1: {  	v41 =	vperm.xlane v16, v10;
	v33 =	vmul.bf16 v62, v55;
	v30 =	vld [tilespmem:$0x12D10];
	v28 =	vadd.bf16 v34, v28  }
0xe2: {  	v63 =	vld [tilespmem:$0x13D00];
	v24 =	vadd.bf16 v25, v24;
	v25 =	vmul.bf16 v62, v26  }
0xe3: {  	v43 =	vperm.xlane v13, v10;
	v35 =	vmul.bf16 v41, v57;
	v27 =	vld [tilespmem:$0x13510];
	v28 =	vadd.bf16 v33, v28  }
0xe4: {  	v42 =	vld [tilespmem:$0x12580];
	v24 =	vadd.bf16 v25, v24;
	v25 =	vmul.bf16 v41, v29  }
0xe5: {  	v45 =	vperm.xlane v9, v10;
	v36 =	vmul.bf16 v43, v59;
	v31 =	vld [tilespmem:$0x13D10];
	v28 =	vadd.bf16 v35, v28  }
0xe6: {  	v44 =	vld [tilespmem:$0x12D80];
	v24 =	vadd.bf16 v25, v24;
	v25 =	vmul.bf16 v43, v30  }
0xe7: {  	v47 =	vperm.xlane v8, v10;
	v38 =	vmul.bf16 v45, v61;
	v26 =	vld [tilespmem:$0x12590];
	v28 =	vadd.bf16 v36, v28  }
0xe8: {  	v46 =	vld [tilespmem:$0x13580];
	v24 =	vadd.bf16 v25, v24;
	v25 =	vmul.bf16 v45, v27  }
0xe9: {  	v49 =	vperm.xlane v16, v6;
	v39 =	vmul.bf16 v47, v63;
	v29 =	vld [tilespmem:$0x12D90];
	v28 =	vadd.bf16 v38, v28  }
0xea: {  	v48 =	vld [tilespmem:$0x13D80];
	v24 =	vadd.bf16 v25, v24;
	v25 =	vmul.bf16 v47, v31  }
0xeb: {  	v51 =	vperm.xlane v13, v6;
	v34 =	vmul.bf16 v49, v42;
	v30 =	vld [tilespmem:$0x13590];
	v28 =	vadd.bf16 v39, v28  }
0xec: {  	v50 =	vld [tilespmem:$0x12600];
	v24 =	vadd.bf16 v25, v24;
	v25 =	vmul.bf16 v49, v26  }
0xed: {  	v53 =	vperm.xlane v9, v6;
	v33 =	vmul.bf16 v51, v44;
	v27 =	vld [tilespmem:$0x13D90];
	v28 =	vadd.bf16 v34, v28  }
0xee: {  	v52 =	vld [tilespmem:$0x12E00];
	v24 =	vadd.bf16 v25, v24;
	v25 =	vmul.bf16 v51, v29  }
0xef: {  	v55 =	vperm.xlane v8, v6;
	v35 =	vmul.bf16 v53, v46;
	v31 =	vld [tilespmem:$0x12610];
	v28 =	vadd.bf16 v33, v28  }
0xf0: {  	v54 =	vld [tilespmem:$0x13600];
	v24 =	vadd.bf16 v25, v24;
	v25 =	vmul.bf16 v53, v30  }
0xf1: {  	v57 =	vperm.xlane v16, v5;
	v36 =	vmul.bf16 v55, v48;
	v26 =	vld [tilespmem:$0x12E10];
	v28 =	vadd.bf16 v35, v28  }
0xf2: {  	v56 =	vld [tilespmem:$0x13E00];
	v24 =	vadd.bf16 v25, v24;
	v25 =	vmul.bf16 v55, v27  }
0xf3: {  	v59 =	vperm.xlane v13, v5;
	v38 =	vmul.bf16 v57, v50;
	v29 =	vld [tilespmem:$0x13610];
	v28 =	vadd.bf16 v36, v28  }
0xf4: {  	v58 =	vld [tilespmem:$0x12680];
	v24 =	vadd.bf16 v25, v24;
	v25 =	vmul.bf16 v57, v31  }
0xf5: {  	v61 =	vperm.xlane v9, v5;
	v39 =	vmul.bf16 v59, v52;
	v30 =	vld [tilespmem:$0x13E10];
	v28 =	vadd.bf16 v38, v28  }
0xf6: {  	v60 =	vld [tilespmem:$0x12E80];
	v24 =	vadd.bf16 v25, v24;
	v25 =	vmul.bf16 v59, v26  }
0xf7: {  	v63 =	vperm.xlane v8, v5;
	v34 =	vmul.bf16 v61, v54;
	v27 =	vld [tilespmem:$0x12690];
	v28 =	vadd.bf16 v39, v28  }
0xf8: {  	v62 =	vld [tilespmem:$0x13680];
	v24 =	vadd.bf16 v25, v24;
	v25 =	vmul.bf16 v61, v29  }
0xf9: {  	v46 =	vperm.xlane v16, v4;
	v33 =	vmul.bf16 v63, v56;
	v31 =	vld [tilespmem:$0x12E90];
	v28 =	vadd.bf16 v34, v28  }
0xfa: {  	v45 =	vld [tilespmem:$0x13E80];
	v24 =	vadd.bf16 v25, v24;
	v25 =	vmul.bf16 v63, v30  }
0xfb: {  	v48 =	vperm.xlane v13, v4;
	v35 =	vmul.bf16 v46, v58;
	v26 =	vld [tilespmem:$0x13690];
	v28 =	vadd.bf16 v33, v28  }
0xfc: {  	v47 =	vld [tilespmem:$0x12700];
	v24 =	vadd.bf16 v25, v24;
	v25 =	vmul.bf16 v46, v27  }
0xfd: {  	v50 =	vperm.xlane v9, v4;
	v36 =	vmul.bf16 v48, v60;
	v29 =	vld [tilespmem:$0x13E90];
	v28 =	vadd.bf16 v35, v28  }
0xfe: {  	v23 =	vmin.f32 v23, $8.000000000e+01;
	v49 =	vld [tilespmem:$0x12F00];
	v24 =	vadd.bf16 v25, v24;
	v25 =	vmul.bf16 v48, v31  }
0xff: {  	v52 =	vmul.bf16 v50, v62;
	v51 =	vperm.xlane v8, v4;
	v30 =	vld [tilespmem:$0x12710];
	v28 =	vadd.bf16 v36, v28  }
0x100: {  	v44 =	vperm.xlane v16, v1;
	v26 =	vmul.bf16 v50, v26;
	v31 =	vld [tilespmem:s6+$0xFFFFFFF0];
	v24 =	vadd.bf16 v25, v24  }
0x101: {  	v16 =	vperm.xlane v16, v2;
	v54 =	vmul.bf16 v51, v45;
	v27 =	vld [tilespmem:$0x12F10];
	v28 =	vadd.bf16 v52, v28  }
0x102: {  	v23 =	vmul.f32 $1.442695020e+00, v23;
	v55 =	vld [tilespmem:$0x13F80];
	v24 =	vadd.bf16 v26, v24;
	v26 =	vmul.bf16 v51, v29  }
0x103: {  	v56 =	vperm.xlane v13, v2;
	v57 =	vld [tilespmem:$0x13710];
	v34 =	vmul.bf16 v16, v47;
	v28 =	vadd.bf16 v54, v28  }
0x104: {  	v53 =	vperm.xlane v9, v2;
	v16 =	vmul.bf16 v16, v30;
	v29 =	vld [tilespmem:$0x13F00];
	v24 =	vadd.bf16 v26, v24  }
0x105: {  	v58 =	vld [tilespmem:$0x13F10];
	v30 =	vmul.bf16 v56, v49;
	v31 =	vmin.f32 v31, $8.000000000e+01;
	v28 =	vadd.bf16 v34, v28  }
0x106: {  	v26 =	vld [tilespmem:$0x12780];
	v31 =	vmul.f32 $1.442695020e+00, v31;
	v16 =	vadd.bf16 v16, v24;
	v24 =	vmul.bf16 v56, v27  }
0x107: {  	v3 =	vmul.bf16 v53, v3;
	v59 =	vperm.xlane v8, v2;
	v28 =	vadd.bf16 v30, v28;
	v30 =	vld [tilespmem:$0x12790]  }
0x108: {  	v27 =	vld [tilespmem:$0x12F80];
	(erf) = vpow2.f32 v31;
	v16 =	vadd.bf16 v24, v16;
	v24 =	vmul.bf16 v53, v57  }
0x109: {  	(erf) = vpow2.f32 v23;
	v23 =	vmul.bf16 v59, v29;
	v29 =	vld [tilespmem:$0x12F90];
	v28 =	vadd.bf16 v3, v28  }
0x10a: {  	v31 =	vld [tilespmem:$0x13780];
	(erf) = vpow2.f32 v7;
	v7 =	vadd.bf16 v24, v16;
	v16 =	vmul.bf16 v59, v58  }
0x10b: {  	v13 =	vperm.xlane v13, v1;
	v26 =	vmul.bf16 v44, v26;
	v24 =	vld [tilespmem:$0x13790];
	v23 =	vadd.bf16 v23, v28  }
0x10c: {  	v38 =	vld [tilespmem:$0x12080];
	v7 =	vadd.bf16 v16, v7;
	v16 =	vmul.bf16 v44, v30  }
0x10d: {  	v9 =	vperm.xlane v9, v1;
	s6 =	simm.s32 $0x130;
	v25 =	vld [tilespmem:$0x13F90];
	v27 =	vmul.bf16 v13, v27;
	v23 =	vadd.bf16 v26, v23  }
0x10e: {  	v60 =	vld [tilespmem:s6+$0x0];
	v13 =	vmul.bf16 v13, v29;
	v7 =	vadd.bf16 v16, v7  }
0x10f: {  	v8 =	vperm.xlane v8, v1;
	v39 =	vld [tilespmem:$0x13080];
	v16 =	vmul.bf16 v9, v31;
	v27 =	vadd.bf16 v27, v23  }
0x110: {  	v33 =	vld [tilespmem:$0x13090];
	v29 =	vshll.u32 v0, $0x17;
	v9 =	vmul.bf16 v9, v24;
	v7 =	vadd.bf16 v13, v7  }
0x111: {  	v35 =	vld [tilespmem:$0x13800];
	v61 =	vsub.s32 $0x3F800000, v29;
	v31 =	vpop (erf);
	v24 =	vmul.bf16 v8, v55;
	v16 =	vadd.bf16 v16, v27  }
0x112: {  	v36 =	vld [tilespmem:$0x13000];
	v8 =	vmul.bf16 v8, v25;
	v23 =	vadd.s32 v0, v0;
	v13 =	vpop (erf);
	v7 =	vadd.bf16 v9, v7  }
0x113: {  	v34 =	vld [tilespmem:$0x12800];
	v62 =	vmul.f32 v61, v13;
	v9 =	vmin.f32 v60, $8.000000000e+01;
	v27 =	vpop (erf);
	v16 =	vadd.bf16 v24, v16  }
0x114: {  	v3 =	vld [tilespmem:$0x13700];
	v24 =	vmul.f32 v61, v31;
	v25 =	vpop (erf);
	v27 =	vmul.f32 v61, v27;
	v8 =	vadd.bf16 v8, v7  }
0x115: {  	p1 =	sne.s32 s7, $0x1;
	v28 =	vld [tilespmem:$0x12010];
	v25 =	vmul.f32 v61, v25;
	v7 =	vunpack.i.u.bf16.f32 v16;
	v13 =	vunpack.i.l.bf16.f32 v16  }
.Ltmp4:
0x116: {  	v30 =	vld [tilespmem:$0x13010];
	v16 =	vunpack.i.u.bf16.f32 v8;
	v63 =	vmul.f32 v13, v27;
	v24 =	vmul.f32 v7, v24;
	(pc) =	sbr.rel @!p1 .LBB2_9-.Ltmp4, $4  }
0x117: {  	v29 =	vld [tilespmem:$0x13810];
	v7 =	vmul.f32 $1.442695020e+00, v9;
	v8 =	vunpack.i.l.bf16.f32 v8;
	v25 =	vmul.f32 v16, v25  }
0x118: {  	v26 =	vld [tilespmem:$0x12810];
	v42 =	vmul.f32 v8, v62;
	v16 =	vpack.i.f32.bf16 v63, v63;
	v13 =	vpack.i.f32.bf16 v24, v24  }
0x119: {  	v31 =	vld [tilespmem:$0x12090];
	v24 =	vmax.f32 v63, v24;
	v41 =	vperm.xlane v16, v0;
	v40 =	vperm.xlane v13, v0  }
0x11a: {  	s7 =	sadd.s32 $0xFFFFFFFF, s7;
	p0 =	por $0x1, $0x1;
	v27 =	vld [tilespmem:$0x12890];
	v9 =	vpack.i.f32.bf16 v42, v42;
	v8 =	vpack.i.f32.bf16 v25, v25;
	v25 =	vmax.f32 v42, v25  }
.LBB2_8:
0x11b: {  	p1 =	sne.s32 s7, $0x1;
	s7 =	sadd.s32 $0xFFFFFFFF, s7;
	v32 =	vmul.bf16 v41, v32;
	v42 =	vperm.xlane v9, v0;
	v43 =	vld [tilespmem:$0x13890];
	v24 =	vmax.f32 v24, v25  }
0x11c: {  	v25 =	vmul.bf16 v41, v28;
	v28 =	vmul.bf16 v40, v34;
	v34 =	vld [tilespmem:$0x13880];
	(xrf0) =	vmax.scan.msk.f32 $0xffff, v24  }
0x11d: {  	v24 =	vadd.bf16 v22, v32;
	v32 =	vmul.bf16 v42, v36;
	v30 =	vmul.bf16 v42, v30;
	v36 =	vld [tilespmem:$0x12110]  }
0x11e: {  	v26 =	vmul.bf16 v40, v26;
	v40 =	vperm.xlane v8, v0;
	v25 =	vadd.bf16 v22, v25;
	v41 =	vld [tilespmem:$0x12100]  }
0x11f: {  	v42 =	vperm.xlane v16, v21;
	v28 =	vadd.bf16 v28, v24;
	v44 =	vld [tilespmem:$0x12910];
	v24 =	vperm.xlane v16, v1  }
0x120: {  	v29 =	vmul.bf16 v40, v29;
	v25 =	vadd.bf16 v26, v25;
	v26 =	vmul.bf16 v40, v35;
	v35 =	vld [tilespmem:$0x12900]  }
0x121: {  	v31 =	vmul.bf16 v42, v31;
	v28 =	vadd.bf16 v32, v28;
	v32 =	vmul.bf16 v42, v38;
	v38 =	vld [tilespmem:$0x13110]  }
0x122: {  	v40 =	vperm.xlane v8, v21;
	v25 =	vadd.bf16 v30, v25;
	v30 =	vperm.xlane v13, v21;
	v42 =	vld [tilespmem:$0x13100];
	v45, _, _ =	vpop (xrf0)  }
0x123: {  	v26 =	vadd.bf16 v26, v28;
	v28 =	vperm.xlane v9, v21;
	v46 =	vld [tilespmem:$0x13910];
	v45 =	vshra.s32 v45, $0x17  }
0x124: {  	v25 =	vadd.bf16 v29, v25;
	v29 =	vmul.bf16 v30, v37;
	v37 =	vld [tilespmem:$0x13900];
	v45 =	vadd.s32 $0xFFFFFF81, v45  }
0x125: {  	v27 =	vmul.bf16 v30, v27;
	v26 =	vadd.bf16 v32, v26;
	v30 =	vld [tilespmem:$0x12190];
	v32 =	vbroadcast v45, $0xF  }
0x126: {  	v31 =	vadd.bf16 v31, v25;
	v39 =	vmul.bf16 v28, v39;
	v28 =	vmul.bf16 v28, v33;
	v33 =	vld [tilespmem:$0x12180]  }
0x127: {  	v25 =	vshll.u32 v32, $0x17;
	v29 =	vadd.bf16 v29, v26;
	v45 =	vld [tilespmem:$0x12990];
	v26 =	vperm.xlane v13, v1  }
0x128: {  	v27 =	vadd.bf16 v27, v31;
	v31 =	vmul.bf16 v40, v34;
	v34 =	vperm.xlane v16, v20;
	v47 =	vld [tilespmem:$0x12980]  }
0x129: {  	v23 =	vadd.s32 v23, v32;
	v48 =	vld [tilespmem:s6+$0xFFFFFFE0];
	v29 =	vadd.bf16 v39, v29;
	v39 =	vperm.xlane v13, v20  }
0x12a: {  	v27 =	vadd.bf16 v28, v27;
	v28 =	vmul.bf16 v40, v43;
	v32 =	vmul.bf16 v34, v41;
	v40 =	vld [tilespmem:$0x13180]  }
0x12b: {  	v29 =	vadd.bf16 v31, v29;
	v31 =	vperm.xlane v9, v20;
	v41 =	vld [tilespmem:$0x13190]  }
0x12c: {  	v27 =	vadd.bf16 v28, v27;
	v28 =	vmul.bf16 v34, v36;
	v34 =	vmul.bf16 v39, v35;
	v35 =	vld [tilespmem:$0x13980]  }
0x12d: {  	v29 =	vadd.bf16 v32, v29;
	v32 =	vperm.xlane v8, v20;
	v36 =	vld [tilespmem:$0x13990]  }
0x12e: {  	v27 =	vadd.bf16 v28, v27;
	v28 =	vmul.bf16 v39, v44;
	v39 =	vmul.bf16 v31, v42;
	v42 =	vld [tilespmem:$0x12200]  }
0x12f: {  	v43 =	vmin.f32 v48, $8.000000000e+01;
	v29 =	vadd.bf16 v34, v29;
	v34 =	vperm.xlane v16, v19;
	v44 =	vld [tilespmem:$0x12210]  }
0x130: {  	v27 =	vadd.bf16 v28, v27;
	v28 =	vmul.bf16 v31, v38;
	v31 =	vmul.bf16 v32, v37;
	v37 =	vld [tilespmem:$0x12A00]  }
0x131: {  	v38 =	vmul.f32 $1.442695020e+00, v43;
	v29 =	vadd.bf16 v39, v29;
	v39 =	vperm.xlane v13, v19;
	v43 =	vld [tilespmem:$0x12A10]  }
0x132: {  	v27 =	vadd.bf16 v28, v27;
	v28 =	vmul.bf16 v32, v46;
	v32 =	vmul.bf16 v34, v33;
	v33 =	vld [tilespmem:$0x13200]  }
0x133: {  	v29 =	vadd.bf16 v31, v29;
	v31 =	vperm.xlane v9, v19;
	v46 =	vld [tilespmem:$0x13210];
	(erf) = vpow2.f32 v38  }
0x134: {  	v27 =	vadd.bf16 v28, v27;
	v28 =	vmul.bf16 v34, v30;
	v30 =	vmul.bf16 v39, v47;
	v34 =	vld [tilespmem:$0x13A00]  }
0x135: {  	v29 =	vadd.bf16 v32, v29;
	v32 =	vperm.xlane v8, v19;
	v38 =	vld [tilespmem:$0x13A10]  }
0x136: {  	v27 =	vadd.bf16 v28, v27;
	v28 =	vmul.bf16 v39, v45;
	v39 =	vmul.bf16 v31, v40;
	v40 =	vld [tilespmem:$0x12280]  }
0x137: {  	v29 =	vadd.bf16 v30, v29;
	v30 =	vperm.xlane v16, v18;
	v45 =	vld [tilespmem:$0x12290]  }
0x138: {  	v27 =	vadd.bf16 v28, v27;
	v28 =	vmul.bf16 v31, v41;
	v31 =	vmul.bf16 v32, v35;
	v35 =	vld [tilespmem:$0x12A80]  }
0x139: {  	v29 =	vadd.bf16 v39, v29;
	v39 =	vperm.xlane v13, v18;
	v41 =	vld [tilespmem:$0x12A90]  }
0x13a: {  	v47 =	vadd.bf16 v28, v27;
	v28 =	vmul.bf16 v32, v36;
	v32 =	vmul.bf16 v30, v42;
	v36 =	vld [tilespmem:$0x13280]  }
0x13b: {  	v29 =	vadd.bf16 v31, v29;
	v31 =	vperm.xlane v9, v18;
	v42 =	vld [tilespmem:$0x13290]  }
0x13c: {  	v30 =	vmul.bf16 v30, v44;
	v28 =	vadd.bf16 v28, v47;
	v37 =	vmul.bf16 v39, v37;
	v44 =	vld [tilespmem:$0x13A80];
	v27 =	vpop (erf)  }
0x13d: {  	v29 =	vadd.bf16 v32, v29;
	v32 =	vperm.xlane v8, v18;
	v47 =	vld [tilespmem:$0x13A90]  }
0x13e: {  	v28 =	vadd.bf16 v30, v28;
	v30 =	vmul.bf16 v39, v43;
	v33 =	vmul.bf16 v31, v33;
	v39 =	vld [tilespmem:$0x12300]  }
0x13f: {  	v29 =	vadd.bf16 v37, v29;
	v37 =	vperm.xlane v16, v17;
	v43 =	vld [tilespmem:$0x12310]  }
0x140: {  	v28 =	vadd.bf16 v30, v28;
	v30 =	vmul.bf16 v31, v46;
	v31 =	vmul.bf16 v32, v34;
	v34 =	vld [tilespmem:$0x12B00]  }
0x141: {  	v29 =	vadd.bf16 v33, v29;
	v33 =	vperm.xlane v13, v17;
	v46 =	vld [tilespmem:$0x12B10]  }
0x142: {  	v28 =	vadd.bf16 v30, v28;
	v30 =	vmul.bf16 v32, v38;
	v32 =	vmul.bf16 v37, v40;
	v38 =	vld [tilespmem:$0x13300]  }
0x143: {  	v29 =	vadd.bf16 v31, v29;
	v31 =	vperm.xlane v9, v17;
	v40 =	vld [tilespmem:$0x13310]  }
0x144: {  	v28 =	vadd.bf16 v30, v28;
	v30 =	vmul.bf16 v37, v45;
	v35 =	vmul.bf16 v33, v35;
	v37 =	vld [tilespmem:$0x13B00]  }
0x145: {  	v29 =	vadd.bf16 v32, v29;
	v32 =	vperm.xlane v8, v17;
	v45 =	vld [tilespmem:$0x13B10]  }
0x146: {  	v28 =	vadd.bf16 v30, v28;
	v30 =	vmul.bf16 v33, v41;
	v33 =	vmul.bf16 v31, v36;
	v36 =	vld [tilespmem:$0x12380]  }
0x147: {  	v29 =	vadd.bf16 v35, v29;
	v35 =	vperm.xlane v16, v15;
	v41 =	vld [tilespmem:$0x12390]  }
0x148: {  	v28 =	vadd.bf16 v30, v28;
	v30 =	vmul.bf16 v31, v42;
	v31 =	vmul.bf16 v32, v44;
	v42 =	vld [tilespmem:$0x12B80]  }
0x149: {  	v29 =	vadd.bf16 v33, v29;
	v33 =	vperm.xlane v13, v15;
	v44 =	vld [tilespmem:$0x12B90]  }
0x14a: {  	v28 =	vadd.bf16 v30, v28;
	v30 =	vmul.bf16 v32, v47;
	v32 =	vmul.bf16 v35, v39;
	v39 =	vld [tilespmem:$0x13380]  }
0x14b: {  	v29 =	vadd.bf16 v31, v29;
	v31 =	vperm.xlane v9, v15;
	v47 =	vld [tilespmem:$0x13390]  }
0x14c: {  	v28 =	vadd.bf16 v30, v28;
	v30 =	vmul.bf16 v35, v43;
	v34 =	vmul.bf16 v33, v34;
	v35 =	vld [tilespmem:$0x13B80]  }
0x14d: {  	v29 =	vadd.bf16 v32, v29;
	v32 =	vperm.xlane v8, v15;
	v43 =	vld [tilespmem:$0x13B90]  }
0x14e: {  	v28 =	vadd.bf16 v30, v28;
	v30 =	vmul.bf16 v33, v46;
	v33 =	vmul.bf16 v31, v38;
	v38 =	vld [tilespmem:$0x12400]  }
0x14f: {  	v29 =	vadd.bf16 v34, v29;
	v34 =	vperm.xlane v16, v14;
	v46 =	vld [tilespmem:$0x12410]  }
0x150: {  	v28 =	vadd.bf16 v30, v28;
	v30 =	vmul.bf16 v31, v40;
	v31 =	vmul.bf16 v32, v37;
	v37 =	vld [tilespmem:$0x12C00]  }
0x151: {  	v29 =	vadd.bf16 v33, v29;
	v33 =	vperm.xlane v13, v14;
	v40 =	vld [tilespmem:$0x12C10]  }
0x152: {  	v28 =	vadd.bf16 v30, v28;
	v30 =	vmul.bf16 v32, v45;
	v32 =	vmul.bf16 v34, v36;
	v36 =	vld [tilespmem:$0x13400]  }
0x153: {  	v29 =	vadd.bf16 v31, v29;
	v31 =	vperm.xlane v9, v14;
	v45 =	vld [tilespmem:$0x13410]  }
0x154: {  	v28 =	vadd.bf16 v30, v28;
	v30 =	vmul.bf16 v34, v41;
	v34 =	vmul.bf16 v33, v42;
	v41 =	vld [tilespmem:$0x13C00]  }
0x155: {  	v29 =	vadd.bf16 v32, v29;
	v32 =	vperm.xlane v8, v14;
	v42 =	vld [tilespmem:$0x13C10]  }
0x156: {  	v28 =	vadd.bf16 v30, v28;
	v30 =	vmul.bf16 v33, v44;
	v33 =	vmul.bf16 v31, v39;
	v39 =	vld [tilespmem:$0x12480]  }
0x157: {  	v29 =	vadd.bf16 v34, v29;
	v34 =	vperm.xlane v16, v12;
	v44 =	vld [tilespmem:$0x12490]  }
0x158: {  	v28 =	vadd.bf16 v30, v28;
	v30 =	vmul.bf16 v31, v47;
	v31 =	vmul.bf16 v32, v35;
	v35 =	vld [tilespmem:$0x12C80]  }
0x159: {  	v29 =	vadd.bf16 v33, v29;
	v33 =	vperm.xlane v13, v12;
	v47 =	vld [tilespmem:$0x12C90]  }
0x15a: {  	v28 =	vadd.bf16 v30, v28;
	v30 =	vmul.bf16 v32, v43;
	v32 =	vmul.bf16 v34, v38;
	v38 =	vld [tilespmem:$0x13480]  }
0x15b: {  	v29 =	vadd.bf16 v31, v29;
	v31 =	vperm.xlane v9, v12;
	v43 =	vld [tilespmem:$0x13490]  }
0x15c: {  	v28 =	vadd.bf16 v30, v28;
	v30 =	vmul.bf16 v34, v46;
	v34 =	vmul.bf16 v33, v37;
	v37 =	vld [tilespmem:$0x13C80]  }
0x15d: {  	v29 =	vadd.bf16 v32, v29;
	v32 =	vperm.xlane v8, v12;
	v46 =	vld [tilespmem:$0x13C90]  }
0x15e: {  	v28 =	vadd.bf16 v30, v28;
	v30 =	vmul.bf16 v33, v40;
	v33 =	vmul.bf16 v31, v36;
	v36 =	vld [tilespmem:$0x12500]  }
0x15f: {  	v29 =	vadd.bf16 v34, v29;
	v34 =	vperm.xlane v16, v11;
	v40 =	vld [tilespmem:$0x12510]  }
0x160: {  	v28 =	vadd.bf16 v30, v28;
	v30 =	vmul.bf16 v31, v45;
	v31 =	vmul.bf16 v32, v41;
	v41 =	vld [tilespmem:$0x12D00]  }
0x161: {  	v29 =	vadd.bf16 v33, v29;
	v33 =	vperm.xlane v13, v11;
	v45 =	vld [tilespmem:$0x12D10]  }
0x162: {  	v28 =	vadd.bf16 v30, v28;
	v30 =	vmul.bf16 v32, v42;
	v32 =	vmul.bf16 v34, v39;
	v39 =	vld [tilespmem:$0x13500]  }
0x163: {  	v29 =	vadd.bf16 v31, v29;
	v31 =	vperm.xlane v9, v11;
	v42 =	vld [tilespmem:$0x13510]  }
0x164: {  	v28 =	vadd.bf16 v30, v28;
	v30 =	vmul.bf16 v34, v44;
	v34 =	vmul.bf16 v33, v35;
	v35 =	vld [tilespmem:$0x13D00]  }
0x165: {  	v29 =	vadd.bf16 v32, v29;
	v32 =	vperm.xlane v8, v11;
	v44 =	vld [tilespmem:$0x13D10]  }
0x166: {  	v28 =	vadd.bf16 v30, v28;
	v30 =	vmul.bf16 v33, v47;
	v33 =	vmul.bf16 v31, v38;
	v38 =	vld [tilespmem:$0x12580]  }
0x167: {  	v29 =	vadd.bf16 v34, v29;
	v34 =	vperm.xlane v16, v10;
	v47 =	vld [tilespmem:$0x12590]  }
0x168: {  	v28 =	vadd.bf16 v30, v28;
	v30 =	vmul.bf16 v31, v43;
	v31 =	vmul.bf16 v32, v37;
	v37 =	vld [tilespmem:$0x12D80]  }
0x169: {  	v29 =	vadd.bf16 v33, v29;
	v33 =	vperm.xlane v13, v10;
	v43 =	vld [tilespmem:$0x12D90]  }
0x16a: {  	v28 =	vadd.bf16 v30, v28;
	v30 =	vmul.bf16 v32, v46;
	v32 =	vmul.bf16 v34, v36;
	v36 =	vld [tilespmem:$0x13580]  }
0x16b: {  	v29 =	vadd.bf16 v31, v29;
	v31 =	vperm.xlane v9, v10;
	v46 =	vld [tilespmem:$0x13590]  }
0x16c: {  	v28 =	vadd.bf16 v30, v28;
	v30 =	vmul.bf16 v34, v40;
	v34 =	vmul.bf16 v33, v41;
	v40 =	vld [tilespmem:$0x13D80]  }
0x16d: {  	v29 =	vadd.bf16 v32, v29;
	v32 =	vperm.xlane v8, v10;
	v41 =	vld [tilespmem:$0x13D90]  }
0x16e: {  	v28 =	vadd.bf16 v30, v28;
	v30 =	vmul.bf16 v33, v45;
	v33 =	vmul.bf16 v31, v39;
	v39 =	vld [tilespmem:$0x12600]  }
0x16f: {  	v29 =	vadd.bf16 v34, v29;
	v34 =	vperm.xlane v16, v6;
	v45 =	vld [tilespmem:$0x12610]  }
0x170: {  	v28 =	vadd.bf16 v30, v28;
	v30 =	vmul.bf16 v31, v42;
	v31 =	vmul.bf16 v32, v35;
	v35 =	vld [tilespmem:$0x12E00]  }
0x171: {  	v29 =	vadd.bf16 v33, v29;
	v33 =	vperm.xlane v13, v6;
	v42 =	vld [tilespmem:$0x12E10]  }
0x172: {  	v28 =	vadd.bf16 v30, v28;
	v30 =	vmul.bf16 v32, v44;
	v32 =	vmul.bf16 v34, v38;
	v38 =	vld [tilespmem:$0x13600]  }
0x173: {  	v29 =	vadd.bf16 v31, v29;
	v31 =	vperm.xlane v9, v6;
	v44 =	vld [tilespmem:$0x13610]  }
0x174: {  	v28 =	vadd.bf16 v30, v28;
	v30 =	vmul.bf16 v34, v47;
	v34 =	vmul.bf16 v33, v37;
	v37 =	vld [tilespmem:$0x13E00]  }
0x175: {  	v29 =	vadd.bf16 v32, v29;
	v32 =	vperm.xlane v8, v6;
	v47 =	vld [tilespmem:$0x13E10]  }
0x176: {  	v28 =	vadd.bf16 v30, v28;
	v30 =	vmul.bf16 v33, v43;
	v33 =	vmul.bf16 v31, v36;
	v36 =	vld [tilespmem:$0x12680]  }
0x177: {  	v29 =	vadd.bf16 v34, v29;
	v34 =	vperm.xlane v16, v5;
	v43 =	vld [tilespmem:$0x12690]  }
0x178: {  	v28 =	vadd.bf16 v30, v28;
	v30 =	vmul.bf16 v31, v46;
	v31 =	vmul.bf16 v32, v40;
	v40 =	vld [tilespmem:$0x12E80]  }
0x179: {  	v29 =	vadd.bf16 v33, v29;
	v33 =	vperm.xlane v13, v5;
	v46 =	vld [tilespmem:$0x12E90]  }
0x17a: {  	v28 =	vadd.bf16 v30, v28;
	v30 =	vmul.bf16 v32, v41;
	v32 =	vmul.bf16 v34, v39;
	v39 =	vld [tilespmem:$0x13680]  }
0x17b: {  	v29 =	vadd.bf16 v31, v29;
	v31 =	vperm.xlane v9, v5;
	v41 =	vld [tilespmem:$0x13690]  }
0x17c: {  	v28 =	vadd.bf16 v30, v28;
	v30 =	vmul.bf16 v34, v45;
	v34 =	vmul.bf16 v33, v35;
	v35 =	vld [tilespmem:$0x13E80]  }
0x17d: {  	v29 =	vadd.bf16 v32, v29;
	v32 =	vperm.xlane v8, v5;
	v45 =	vld [tilespmem:$0x13E90]  }
0x17e: {  	v28 =	vadd.bf16 v30, v28;
	v30 =	vmul.bf16 v33, v42;
	v33 =	vmul.bf16 v31, v38;
	v38 =	vld [tilespmem:$0x12700]  }
0x17f: {  	v29 =	vadd.bf16 v34, v29;
	v34 =	vperm.xlane v16, v4;
	v42 =	vld [tilespmem:$0x12710]  }
0x180: {  	v28 =	vadd.bf16 v30, v28;
	v30 =	vmul.bf16 v31, v44;
	v31 =	vmul.bf16 v32, v37;
	v37 =	vld [tilespmem:$0x12F00]  }
0x181: {  	v48 =	vperm.xlane v9, v2;
	v29 =	vadd.bf16 v33, v29;
	v33 =	vperm.xlane v13, v4;
	v44 =	vld [tilespmem:$0x12F10]  }
0x182: {  	v28 =	vadd.bf16 v30, v28;
	v30 =	vmul.bf16 v32, v47;
	v32 =	vmul.bf16 v34, v36;
	v49 =	vld [tilespmem:s6+$0xFFFFFFD0]  }
0x183: {  	v13 =	vperm.xlane v13, v2;
	v36 =	vld [tilespmem:s6+$0xFFFFFFF0];
	v29 =	vadd.bf16 v31, v29;
	v31 =	vperm.xlane v9, v4  }
0x184: {  	v28 =	vadd.bf16 v30, v28;
	v30 =	vmul.bf16 v34, v43;
	v34 =	vmul.bf16 v33, v40  }
0x185: {  	v16 =	vperm.xlane v16, v2;
	v29 =	vadd.bf16 v32, v29;
	v32 =	vperm.xlane v8, v4  }
0x186: {  	v28 =	vadd.bf16 v30, v28;
	v30 =	vmul.bf16 v33, v46;
	v33 =	vmul.bf16 v31, v39  }
0x187: {  	v31 =	vmul.bf16 v31, v41;
	v39 =	vmin.f32 v49, $8.000000000e+01;
	v29 =	vadd.bf16 v34, v29  }
0x188: {  	v28 =	vadd.bf16 v30, v28;
	v30 =	vmul.bf16 v32, v35;
	v34 =	vmin.f32 v36, $8.000000000e+01;
	v35 =	vld [tilespmem:$0x13F90]  }
0x189: {  	v36 =	vmul.f32 $1.442695020e+00, v39;
	v34 =	vmul.f32 $1.442695020e+00, v34;
	v29 =	vadd.bf16 v33, v29;
	v33 =	vld [tilespmem:$0x13F80]  }
0x18a: {  	v28 =	vadd.bf16 v31, v28;
	v31 =	vmul.bf16 v32, v45;
	v32 =	vmul.bf16 v16, v38;
	v38 =	vld [tilespmem:$0x13F00]  }
0x18b: {  	v16 =	vmul.bf16 v16, v42;
	v29 =	vadd.bf16 v30, v29;
	v30 =	vld [tilespmem:$0x13710];
	(erf) = vpow2.f32 v34  }
0x18c: {  	v28 =	vadd.bf16 v31, v28;
	v31 =	vmul.bf16 v13, v37;
	v34 =	vld [tilespmem:$0x12780];
	(erf) = vpow2.f32 v36  }
0x18d: {  	v3 =	vmul.bf16 v48, v3;
	v29 =	vadd.bf16 v32, v29;
	v32 =	vld [tilespmem:$0x13F10]  }
0x18e: {  	v13 =	vmul.bf16 v13, v44;
	v16 =	vadd.bf16 v16, v28;
	v28 =	vperm.xlane v8, v2;
	v36 =	vld [tilespmem:$0x12F80]  }
0x18f: {  	v29 =	vadd.bf16 v31, v29;
	v31 =	vld [tilespmem:$0x12790]  }
0x190: {  	v13 =	vadd.bf16 v13, v16;
	v16 =	vmul.bf16 v48, v30;
	v30 =	vmul.bf16 v28, v38;
	v37 =	vld [tilespmem:$0x13780]  }
0x191: {  	v29 =	vadd.bf16 v3, v29;
	v38 =	vld [tilespmem:$0x12F90];
	(erf) = vpow2.f32 v7  }
0x192: {  	v7 =	vadd.bf16 v16, v13;
	v13 =	vmul.bf16 v28, v32;
	v16 =	vmul.bf16 v24, v34;
	v39 =	vld [tilespmem:$0x13790]  }
0x193: {  	v9 =	vperm.xlane v9, v1;
	s6 =	sadd.s32 $0x80, s6;
	v3 =	vld [tilespmem:$0x13700];
	v29 =	vadd.bf16 v30, v29  }
0x194: {  	v30 =	vld [tilespmem:s6+$0x0];
	v7 =	vadd.bf16 v13, v7;
	v13 =	vmul.bf16 v24, v31;
	v24 =	vmul.bf16 v26, v36;
	v40 =	vpop (erf)  }
0x195: {  	v8 =	vperm.xlane v8, v1;
	v28 =	vld [tilespmem:$0x12010];
	v16 =	vadd.bf16 v16, v29;
	v31 =	vpop (erf)  }
0x196: {  	v29 =	vmul.bf16 v9, v37;
	v32 =	vld [tilespmem:$0x12000];
	v7 =	vadd.bf16 v13, v7;
	v13 =	vmul.bf16 v26, v38  }
0x197: {  	v26 =	vld [tilespmem:$0x12810];
	v16 =	vadd.bf16 v24, v16  }
0x198: {  	v9 =	vmul.bf16 v9, v39;
	v34 =	vld [tilespmem:$0x12800];
	v7 =	vadd.bf16 v13, v7;
	v13 =	vmul.bf16 v8, v33  }
0x199: {  	v24 =	vmin.f32 v30, $8.000000000e+01;
	v30 =	vld [tilespmem:$0x13010];
	v16 =	vadd.bf16 v29, v16  }
0x19a: {  	v25 =	vsub.s32 $0x3F800000, v25;
	v8 =	vmul.bf16 v8, v35;
	v36 =	vld [tilespmem:$0x13000];
	v9 =	vadd.bf16 v9, v7;
	v33 =	vpop (erf)  }
0x19b: {  	v7 =	vmul.f32 $1.442695020e+00, v24;
	v24 =	vmul.f32 v25, v31;
	v29 =	vld [tilespmem:$0x13810];
	v13 =	vadd.bf16 v13, v16  }
0x19c: {  	v16 =	vmul.f32 v25, v27;
	v33 =	vmul.f32 v25, v33;
	v35 =	vld [tilespmem:$0x13800];
	v8 =	vadd.bf16 v8, v9  }
0x19d: {  	v9 =	vmul.f32 v25, v40;
	v31 =	vld [tilespmem:$0x12090];
	v25 =	vunpack.i.u.bf16.f32 v13;
	v13 =	vunpack.i.l.bf16.f32 v13  }
.Ltmp5:
0x19e: {  	v38 =	vld [tilespmem:$0x12080];
	v37 =	vunpack.i.u.bf16.f32 v8;
	v24 =	vmul.f32 v13, v24;
	v25 =	vmul.f32 v25, v16;
	(pc) =	sbr.rel @p1 .LBB2_8-.Ltmp5, $4  }
0x19f: {  	v8 =	vunpack.i.l.bf16.f32 v8;
	v27 =	vld [tilespmem:$0x12890];
	v42 =	vmul.f32 v37, v33  }
0x1a0: {  	v43 =	vmul.f32 v8, v9;
	v16 =	vpack.i.f32.bf16 v24, v24;
	v13 =	vpack.i.f32.bf16 v25, v25;
	v37 =	vld [tilespmem:$0x12880]  }
0x1a1: {  	v24 =	vmax.f32 v24, v25;
	v41 =	vperm.xlane v16, v0;
	v40 =	vperm.xlane v13, v0;
	v33 =	vld [tilespmem:$0x13090]  }
0x1a2: {  	v9 =	vpack.i.f32.bf16 v43, v43;
	v8 =	vpack.i.f32.bf16 v42, v42;
	v25 =	vmax.f32 v43, v42;
	v39 =	vld [tilespmem:$0x13080]  }
.LBB2_9:
0x1a3: {  	v32 =	vmul.bf16 v41, v32  }
0x1a4: {  	v28 =	vmul.bf16 v41, v28  }
0x1a5: {  	v49 =	vperm.xlane v9, v0;
	v34 =	vmul.bf16 v40, v34;
	v32 =	vadd.bf16 v22, v32  }
0x1a6: {  	v50 =	vadd.bf16 v22, v28;
	v26 =	vmul.bf16 v40, v26  }
0x1a7: {  	v52 =	vperm.xlane v8, v0;
	v51 =	vmul.bf16 v49, v36;
	v32 =	vadd.bf16 v34, v32  }
0x1a8: {  	v30 =	vmul.bf16 v49, v30;
	v22 =	vadd.bf16 v26, v50  }
0x1a9: {  	v53 =	vld [tilespmem:$0x13890];
	v54 =	vperm.xlane v16, v21;
	v35 =	vmul.bf16 v52, v35;
	v28 =	vadd.bf16 v51, v32  }
0x1aa: {  	v55 =	vld [tilespmem:$0x13880];
	v29 =	vmul.bf16 v52, v29;
	v22 =	vadd.bf16 v30, v22  }
0x1ab: {  	v56 =	vld [tilespmem:$0x12110];
	v58 =	vperm.xlane v13, v21;
	v57 =	vmul.bf16 v54, v38;
	v28 =	vadd.bf16 v35, v28  }
0x1ac: {  	v59 =	vld [tilespmem:$0x12100];
	v31 =	vmul.bf16 v54, v31;
	v22 =	vadd.bf16 v29, v22  }
0x1ad: {  	v60 =	vld [tilespmem:$0x12910];
	v61 =	vperm.xlane v9, v21;
	v37 =	vmul.bf16 v58, v37;
	v28 =	vadd.bf16 v57, v28  }
0x1ae: {  	v62 =	vld [tilespmem:$0x12900];
	v27 =	vmul.bf16 v58, v27;
	v22 =	vadd.bf16 v31, v22  }
0x1af: {  	v63 =	vld [tilespmem:$0x13110];
	v40 =	vperm.xlane v8, v21;
	v41 =	vmul.bf16 v61, v39;
	v28 =	vadd.bf16 v37, v28  }
0x1b0: {  	v42 =	vld [tilespmem:$0x13100];
	v33 =	vmul.bf16 v61, v33;
	v22 =	vadd.bf16 v27, v22  }
0x1b1: {  	v43 =	vld [tilespmem:$0x13910];
	v44 =	vperm.xlane v16, v20;
	v32 =	vmul.bf16 v40, v55;
	v28 =	vadd.bf16 v41, v28  }
0x1b2: {  	v45 =	vld [tilespmem:$0x13900];
	v21 =	vmul.bf16 v40, v53;
	v22 =	vadd.bf16 v33, v22  }
0x1b3: {  	v46 =	vld [tilespmem:$0x12190];
	v47 =	vperm.xlane v13, v20;
	v35 =	vmul.bf16 v44, v59;
	v28 =	vadd.bf16 v32, v28  }
0x1b4: {  	v48 =	vld [tilespmem:$0x12180];
	v49 =	vmul.bf16 v44, v56;
	v21 =	vadd.bf16 v21, v22  }
0x1b5: {  	v52 =	vld [tilespmem:$0x12980];
	v36 =	vmul.bf16 v47, v62;
	v51 =	vperm.xlane v9, v20;
	v28 =	vadd.bf16 v35, v28  }
0x1b6: {  	v38 =	vld [tilespmem:$0x13280];
	v29 =	vmul.bf16 v47, v60;
	v22 =	vadd.bf16 v49, v21  }
0x1b7: {  	v50 =	vld [tilespmem:$0x12990];
	v53 =	vperm.xlane v8, v20;
	v54 =	vmul.bf16 v51, v42;
	v28 =	vadd.bf16 v36, v28  }
0x1b8: {  	v61 =	vld [tilespmem:$0x13990];
	v56 =	vmul.bf16 v51, v63;
	v22 =	vadd.bf16 v29, v22  }
0x1b9: {  	v58 =	vperm.xlane v16, v19;
	v34 =	vld [tilespmem:$0x12600];
	v59 =	vmul.bf16 v53, v45;
	v28 =	vadd.bf16 v54, v28  }
0x1ba: {  	v55 =	vld [tilespmem:$0x13180];
	v20 =	vmul.bf16 v53, v43;
	v22 =	vadd.bf16 v56, v22  }
0x1bb: {  	v62 =	vperm.xlane v13, v19;
	v57 =	vld [tilespmem:$0x13190];
	v32 =	vmul.bf16 v58, v48;
	v28 =	vadd.bf16 v59, v28  }
0x1bc: {  	v40 =	vmul.bf16 v58, v46;
	v60 =	vld [tilespmem:$0x13980];
	v20 =	vadd.bf16 v20, v22  }
0x1bd: {  	v43 =	vld [tilespmem:$0x12A00];
	v42 =	vperm.xlane v9, v19;
	v35 =	vmul.bf16 v62, v52;
	v28 =	vadd.bf16 v32, v28  }
0x1be: {  	v63 =	vld [tilespmem:$0x12200];
	v44 =	vmul.bf16 v62, v50;
	v20 =	vadd.bf16 v40, v20  }
0x1bf: {  	v46 =	vperm.xlane v8, v19;
	v47 =	vmul.bf16 v42, v55;
	v41 =	vld [tilespmem:$0x12210];
	v28 =	vadd.bf16 v35, v28  }
0x1c0: {  	v45 =	vld [tilespmem:$0x12A10];
	v49 =	vmul.bf16 v42, v57;
	v20 =	vadd.bf16 v44, v20  }
0x1c1: {  	v51 =	vperm.xlane v16, v18;
	v53 =	vld [tilespmem:$0x13A10];
	v33 =	vmul.bf16 v46, v60;
	v28 =	vadd.bf16 v47, v28  }
0x1c2: {  	v19 =	vmul.bf16 v46, v61;
	v48 =	vld [tilespmem:$0x13200];
	v20 =	vadd.bf16 v49, v20  }
0x1c3: {  	v50 =	vld [tilespmem:$0x13210];
	v55 =	vmul.bf16 v51, v63;
	v54 =	vperm.xlane v13, v18;
	v28 =	vadd.bf16 v33, v28  }
0x1c4: {  	v52 =	vld [tilespmem:$0x13A00];
	v57 =	vmul.bf16 v51, v41;
	v19 =	vadd.bf16 v19, v20  }
0x1c5: {  	v60 =	vld [tilespmem:$0x12A80];
	v59 =	vperm.xlane v9, v18;
	v32 =	vmul.bf16 v54, v43;
	v28 =	vadd.bf16 v55, v28  }
0x1c6: {  	v56 =	vld [tilespmem:$0x12280];
	v61 =	vmul.bf16 v54, v45;
	v19 =	vadd.bf16 v57, v19  }
0x1c7: {  	v63 =	vperm.xlane v8, v18;
	v58 =	vld [tilespmem:$0x12290];
	v37 =	vmul.bf16 v59, v48;
	v28 =	vadd.bf16 v32, v28  }
0x1c8: {  	v21 =	vld [tilespmem:s6+$0xFFFFFFE0];
	v39 =	vmul.bf16 v59, v50;
	v19 =	vadd.bf16 v61, v19  }
0x1c9: {  	v62 =	vld [tilespmem:$0x12A90];
	v41 =	vperm.xlane v16, v17;
	v30 =	vmul.bf16 v63, v52;
	v28 =	vadd.bf16 v37, v28  }
0x1ca: {  	v42 =	vld [tilespmem:$0x13A80];
	v18 =	vmul.bf16 v63, v53;
	v19 =	vadd.bf16 v39, v19  }
0x1cb: {  	v40 =	vld [tilespmem:$0x13290];
	v44 =	vperm.xlane v13, v17;
	v33 =	vmul.bf16 v41, v56;
	v28 =	vadd.bf16 v30, v28  }
0x1cc: {  	v36 =	vld [tilespmem:$0x12390];
	v46 =	vmul.bf16 v41, v58;
	v18 =	vadd.bf16 v18, v19  }
0x1cd: {  	v43 =	vld [tilespmem:$0x13A90];
	v48 =	vperm.xlane v9, v17;
	v49 =	vmul.bf16 v44, v60;
	v28 =	vadd.bf16 v33, v28  }
0x1ce: {  	v45 =	vld [tilespmem:$0x12300];
	v51 =	vmul.bf16 v44, v62;
	v18 =	vadd.bf16 v46, v18  }
0x1cf: {  	v53 =	vperm.xlane v8, v17;
	v54 =	vmul.bf16 v48, v38;
	v47 =	vld [tilespmem:$0x12310];
	v28 =	vadd.bf16 v49, v28  }
0x1d0: {  	v50 =	vld [tilespmem:$0x12B00];
	v56 =	vmul.bf16 v48, v40;
	v18 =	vadd.bf16 v51, v18  }
0x1d1: {  	v58 =	vperm.xlane v16, v15;
	v52 =	vld [tilespmem:$0x12B10];
	v29 =	vmul.bf16 v53, v42;
	v27 =	vadd.bf16 v54, v28  }
0x1d2: {  	v17 =	vmul.bf16 v53, v43;
	v55 =	vld [tilespmem:$0x13300];
	v18 =	vadd.bf16 v56, v18  }
0x1d3: {  	v57 =	vld [tilespmem:$0x13310];
	v61 =	vperm.xlane v13, v15;
	v30 =	vmul.bf16 v58, v45;
	v27 =	vadd.bf16 v29, v27  }
0x1d4: {  	v59 =	vld [tilespmem:$0x13B00];
	v63 =	vmul.bf16 v58, v47;
	v17 =	vadd.bf16 v17, v18  }
0x1d5: {  	v60 =	vld [tilespmem:$0x13B10];
	v37 =	vperm.xlane v9, v15;
	v33 =	vmul.bf16 v61, v50;
	v27 =	vadd.bf16 v30, v27  }
0x1d6: {  	v62 =	vld [tilespmem:$0x12380];
	v39 =	vmul.bf16 v61, v52;
	v17 =	vadd.bf16 v63, v17  }
0x1d7: {  	v42 =	vld [tilespmem:$0x13380];
	v15 =	vperm.xlane v8, v15;
	v41 =	vmul.bf16 v37, v55;
	v27 =	vadd.bf16 v33, v27  }
0x1d8: {  	v38 =	vld [tilespmem:$0x12B80];
	v43 =	vmul.bf16 v37, v57;
	v17 =	vadd.bf16 v39, v17  }
0x1d9: {  	v40 =	vld [tilespmem:$0x12B90];
	v45 =	vperm.xlane v16, v14;
	v28 =	vmul.bf16 v15, v59;
	v22 =	vadd.bf16 v41, v27  }
0x1da: {  	v35 =	vld [tilespmem:$0x12610];
	v15 =	vmul.bf16 v15, v60;
	v17 =	vadd.bf16 v43, v17  }
0x1db: {  	v44 =	vld [tilespmem:$0x13390];
	v48 =	vperm.xlane v13, v14;
	v29 =	vmul.bf16 v45, v62;
	v22 =	vadd.bf16 v28, v22  }
0x1dc: {  	v46 =	vld [tilespmem:$0x13B80];
	v50 =	vmul.bf16 v45, v36;
	v15 =	vadd.bf16 v15, v17  }
0x1dd: {  	v47 =	vld [tilespmem:$0x13B90];
	v52 =	vperm.xlane v9, v14;
	v30 =	vmul.bf16 v48, v38;
	v22 =	vadd.bf16 v29, v22  }
0x1de: {  	v49 =	vld [tilespmem:$0x12400];
	v54 =	vmul.bf16 v48, v40;
	v15 =	vadd.bf16 v50, v15  }
0x1df: {  	v14 =	vperm.xlane v8, v14;
	v51 =	vld [tilespmem:$0x12410];
	v56 =	vmul.bf16 v52, v42;
	v22 =	vadd.bf16 v30, v22  }
0x1e0: {  	v53 =	vld [tilespmem:$0x12C00];
	v58 =	vmul.bf16 v52, v44;
	v15 =	vadd.bf16 v54, v15  }
0x1e1: {  	v55 =	vld [tilespmem:$0x12C10];
	v60 =	vperm.xlane v16, v12;
	v27 =	vmul.bf16 v14, v46;
	v20 =	vadd.bf16 v56, v22  }
0x1e2: {  	v57 =	vld [tilespmem:$0x13400];
	v14 =	vmul.bf16 v14, v47;
	v15 =	vadd.bf16 v58, v15  }
0x1e3: {  	v59 =	vld [tilespmem:$0x13410];
	v63 =	vperm.xlane v13, v12;
	v28 =	vmul.bf16 v60, v49;
	v20 =	vadd.bf16 v27, v20  }
0x1e4: {  	v61 =	vld [tilespmem:$0x13C00];
	v14 =	vadd.bf16 v14, v15;
	v15 =	vmul.bf16 v60, v51  }
0x1e5: {  	v62 =	vld [tilespmem:$0x13C10];
	v38 =	vperm.xlane v9, v12;
	v29 =	vmul.bf16 v63, v53;
	v20 =	vadd.bf16 v28, v20  }
0x1e6: {  	v36 =	vld [tilespmem:$0x12480];
	v14 =	vadd.bf16 v15, v14;
	v15 =	vmul.bf16 v63, v55  }
0x1e7: {  	v37 =	vld [tilespmem:$0x12490];
	v12 =	vperm.xlane v8, v12;
	v41 =	vmul.bf16 v38, v57;
	v20 =	vadd.bf16 v29, v20  }
0x1e8: {  	v39 =	vld [tilespmem:$0x12C80];
	v14 =	vadd.bf16 v15, v14;
	v15 =	vmul.bf16 v38, v59  }
0x1e9: {  	v44 =	vperm.xlane v16, v11;
	v40 =	vld [tilespmem:$0x12C90];
	v22 =	vmul.bf16 v12, v61;
	v19 =	vadd.bf16 v41, v20  }
0x1ea: {  	v42 =	vld [tilespmem:$0x13480];
	v12 =	vmul.bf16 v12, v62;
	v14 =	vadd.bf16 v15, v14  }
0x1eb: {  	v43 =	vld [tilespmem:$0x13490];
	v46 =	vperm.xlane v13, v11;
	v27 =	vmul.bf16 v44, v36;
	v19 =	vadd.bf16 v22, v19  }
0x1ec: {  	v45 =	vld [tilespmem:$0x13C80];
	v12 =	vadd.bf16 v12, v14;
	v14 =	vmul.bf16 v44, v37  }
0x1ed: {  	v49 =	vperm.xlane v9, v11;
	v28 =	vmul.bf16 v46, v39;
	v15 =	vld [tilespmem:$0x13C90];
	v19 =	vadd.bf16 v27, v19  }
0x1ee: {  	v47 =	vld [tilespmem:$0x12500];
	v12 =	vadd.bf16 v14, v12;
	v14 =	vmul.bf16 v46, v40  }
0x1ef: {  	v48 =	vld [tilespmem:$0x12510];
	v11 =	vperm.xlane v8, v11;
	v52 =	vmul.bf16 v49, v42;
	v19 =	vadd.bf16 v28, v19  }
0x1f0: {  	v50 =	vld [tilespmem:$0x12D00];
	v12 =	vadd.bf16 v14, v12;
	v14 =	vmul.bf16 v49, v43  }
0x1f1: {  	v51 =	vld [tilespmem:$0x12D10];
	v55 =	vperm.xlane v16, v10;
	v20 =	vmul.bf16 v11, v45;
	v18 =	vadd.bf16 v52, v19  }
0x1f2: {  	v53 =	vld [tilespmem:$0x13500];
	v11 =	vmul.bf16 v11, v15;
	v12 =	vadd.bf16 v14, v12  }
0x1f3: {  	v54 =	vld [tilespmem:$0x13510];
	v22 =	vmul.bf16 v55, v47;
	v15 =	vperm.xlane v13, v10;
	v18 =	vadd.bf16 v20, v18  }
0x1f4: {  	v56 =	vld [tilespmem:$0x13D00];
	v11 =	vadd.bf16 v11, v12;
	v12 =	vmul.bf16 v55, v48  }
0x1f5: {  	v59 =	vperm.xlane v9, v10;
	v27 =	vmul.bf16 v15, v50;
	v14 =	vld [tilespmem:$0x13D10];
	v18 =	vadd.bf16 v22, v18  }
0x1f6: {  	v57 =	vld [tilespmem:$0x12580];
	v11 =	vadd.bf16 v12, v11;
	v12 =	vmul.bf16 v15, v51  }
0x1f7: {  	v58 =	vld [tilespmem:$0x12590];
	v61 =	vmul.bf16 v59, v53;
	v10 =	vperm.xlane v8, v10;
	v18 =	vadd.bf16 v27, v18  }
0x1f8: {  	v60 =	vld [tilespmem:$0x12D80];
	v11 =	vadd.bf16 v12, v11;
	v12 =	vmul.bf16 v59, v54  }
0x1f9: {  	v32 =	vperm.xlane v16, v6;
	v19 =	vmul.bf16 v10, v56;
	v15 =	vld [tilespmem:$0x12D90];
	v17 =	vadd.bf16 v61, v18  }
0x1fa: {  	v62 =	vld [tilespmem:$0x13580];
	v10 =	vmul.bf16 v10, v14;
	v11 =	vadd.bf16 v12, v11  }
0x1fb: {  	v63 =	vld [tilespmem:$0x13590];
	v20 =	vmul.bf16 v32, v57;
	v14 =	vperm.xlane v13, v6;
	v17 =	vadd.bf16 v19, v17  }
0x1fc: {  	v33 =	vld [tilespmem:$0x13D80];
	v10 =	vadd.bf16 v10, v11;
	v11 =	vmul.bf16 v32, v58  }
0x1fd: {  	v36 =	vperm.xlane v9, v6;
	v22 =	vmul.bf16 v14, v60;
	v12 =	vld [tilespmem:$0x13D90];
	v17 =	vadd.bf16 v20, v17  }
0x1fe: {  	v42 =	vld [tilespmem:$0x12680];
	v10 =	vadd.bf16 v11, v10;
	v11 =	vmul.bf16 v14, v15  }
0x1ff: {  	v39 =	vld [tilespmem:$0x13610];
	v6 =	vperm.xlane v8, v6;
	v15 =	vmul.bf16 v36, v62;
	v17 =	vadd.bf16 v22, v17  }
0x200: {  	v37 =	vld [tilespmem:$0x12E00];
	v10 =	vadd.bf16 v11, v10;
	v11 =	vmul.bf16 v36, v63  }
0x201: {  	v40 =	vperm.xlane v16, v5;
	v18 =	vmul.bf16 v6, v33;
	v14 =	vld [tilespmem:$0x12E10];
	v15 =	vadd.bf16 v15, v17  }
0x202: {  	v21 =	vmin.f32 v21, $8.000000000e+01;
	v38 =	vld [tilespmem:$0x13600];
	v6 =	vmul.bf16 v6, v12;
	v10 =	vadd.bf16 v11, v10  }
0x203: {  	v41 =	vld [tilespmem:$0x13E00];
	v19 =	vmul.bf16 v40, v34;
	v12 =	vperm.xlane v13, v5;
	v15 =	vadd.bf16 v18, v15  }
0x204: {  	v45 =	vperm.xlane v16, v1;
	v53 =	vld [tilespmem:$0x12710];
	v6 =	vadd.bf16 v6, v10;
	v10 =	vmul.bf16 v40, v35  }
0x205: {  	v44 =	vperm.xlane v9, v5;
	v20 =	vmul.bf16 v12, v37;
	v11 =	vld [tilespmem:$0x13E10];
	v15 =	vadd.bf16 v19, v15  }
0x206: {  	v47 =	vld [tilespmem:$0x13680];
	v5 =	vperm.xlane v8, v5;
	v6 =	vadd.bf16 v10, v6;
	v10 =	vmul.bf16 v12, v14  }
0x207: {  	v43 =	vld [tilespmem:$0x12690];
	v22 =	vmax.f32 @p0 v24, v25;
	v24 =	vmul.bf16 v44, v38;
	v15 =	vadd.bf16 v20, v15  }
0x208: {  	v46 =	vld [tilespmem:$0x12E80];
	v49 =	vperm.xlane v16, v4;
	v6 =	vadd.bf16 v10, v6;
	v10 =	vmul.bf16 v44, v39  }
0x209: {  	v57 =	vperm.xlane v9, v2;
	v17 =	vmul.bf16 v5, v41;
	v14 =	vld [tilespmem:$0x12E90];
	v15 =	vadd.bf16 v24, v15  }
0x20a: {  	v50 =	vld [tilespmem:$0x13E80];
	v51 =	vmul.f32 $1.442695020e+00, v21;
	v5 =	vmul.bf16 v5, v11;
	v6 =	vadd.bf16 v10, v6  }
0x20b: {  	v48 =	vld [tilespmem:$0x13690];
	v18 =	vmul.bf16 v49, v42;
	v11 =	vperm.xlane v13, v4;
	v15 =	vadd.bf16 v17, v15  }
0x20c: {  	v52 =	vld [tilespmem:$0x12700];
	v3 =	vmul.bf16 v57, v3;
	v5 =	vadd.bf16 v5, v6;
	v6 =	vmul.bf16 v49, v43  }
0x20d: {  	v54 =	vperm.xlane v9, v4;
	v27 =	vmul.bf16 v11, v46;
	v10 =	vld [tilespmem:$0x13E90];
	v15 =	vadd.bf16 v18, v15  }
0x20e: {  	v55 =	vld [tilespmem:s6+$0xFFFFFFD0];
	(erf) = vpow2.f32 v51;
	v5 =	vadd.bf16 v6, v5;
	v6 =	vmul.bf16 v11, v14  }
0x20f: {  	v4 =	vperm.xlane v8, v4;
	v11 =	vld [tilespmem:s6+$0xFFFFFFF0];
	v14 =	vmul.bf16 v54, v47;
	v15 =	vadd.bf16 v27, v15  }
0x210: {  	v56 =	vld [tilespmem:$0x12F00];
	v58 =	vperm.xlane v16, v2;
	(xrf0) =	vmax.scan.msk.f32 @p0 $0xffff, v22;
	v22 =	vmul.bf16 v54, v48;
	v5 =	vadd.bf16 v6, v5  }
0x211: {  	v9 =	vperm.xlane v9, v1;
	v24 =	vmul.bf16 v4, v50;
	v6 =	vld [tilespmem:$0x12F10];
	v14 =	vadd.bf16 v14, v15  }
0x212: {  	v59 =	vmul.bf16 v58, v52;
	v4 =	vmul.bf16 v4, v10;
	v5 =	vadd.bf16 v22, v5  }
0x213: {  	v60 =	vld [tilespmem:$0x13710];
	v16 =	vmul.bf16 v58, v53;
	v15 =	vperm.xlane v13, v2;
	v14 =	vadd.bf16 v24, v14  }
0x214: {  	v61 =	vld [tilespmem:$0x13F00];
	v10 =	vmin.f32 v55, $8.000000000e+01;
	v11 =	vmin.f32 v11, $8.000000000e+01;
	v4 =	vadd.bf16 v4, v5  }
0x215: {  	v62 =	vld [tilespmem:$0x13F10];
	v5 =	vmul.f32 $1.442695020e+00, v10;
	v10 =	vmul.bf16 v15, v56;
	v14 =	vadd.bf16 v59, v14  }
0x216: {  	v63 =	vld [tilespmem:$0x12780];
	v12, _, _ =	vpop @p0 (xrf0);
	v11 =	vmul.f32 $1.442695020e+00, v11;
	v6 =	vmul.bf16 v15, v6;
	v4 =	vadd.bf16 v16, v4  }
0x217: {  	v12 =	vshra.s32 @p0 v12, $0x17;
	v2 =	vperm.xlane v8, v2;
	v10 =	vadd.bf16 v10, v14;
	v14 =	vld [tilespmem:$0x12790]  }
0x218: {  	(erf) = vpow2.f32 v11;
	v11 =	vld [tilespmem:$0x12F80];
	v4 =	vadd.bf16 v6, v4;
	v6 =	vmul.bf16 v57, v60  }
0x219: {  	(erf) = vpow2.f32 v5;
	v5 =	vmul.bf16 v2, v61;
	v3 =	vadd.bf16 v3, v10;
	v10 =	vld [tilespmem:$0x12F90]  }
0x21a: {  	v13 =	vperm.xlane v13, v1;
	v15 =	vld [tilespmem:$0x13780];
	v2 =	vmul.bf16 v2, v62;
	v4 =	vadd.bf16 v6, v4  }
0x21b: {  	(erf) = vpow2.f32 v7;
	v7 =	vld [tilespmem:$0x13790];
	v6 =	vmul.bf16 v45, v63;
	v3 =	vadd.bf16 v5, v3  }
0x21c: {  	v5 =	vadd.s32 @p0 $0xFFFFFF81, v12;
	v12 =	vld [tilespmem:$0x13F80];
	v2 =	vadd.bf16 v2, v4;
	v4 =	vmul.bf16 v45, v14  }
0x21d: {  	v11 =	vmul.bf16 v13, v11;
	v14 =	vld [tilespmem:$0x13F90];
	v5 =	vbroadcast @p0 v5, $0xF;
	v3 =	vadd.bf16 v6, v3  }
0x21e: {  	v1 =	vperm.xlane v8, v1;
	v2 =	vadd.bf16 v4, v2;
	v4 =	vmul.bf16 v13, v10  }
0x21f: {  	v6 =	vmul.bf16 v9, v15;
	v0 =	vpsel p0, v5, v0;
	v3 =	vadd.bf16 v11, v3  }
0x220: {  	v5 =	vshll.u32 v0, $0x17;
	v2 =	vadd.bf16 v4, v2;
	v4 =	vmul.bf16 v9, v7  }
0x221: {  	v8 =	vpop (erf);
	v9 =	vmul.bf16 v1, v12;
	v5 =	vsub.s32 $0x3F800000, v5  }
0x222: {  	v7 =	vpop (erf);
	v3 =	vadd.bf16 v6, v3;
	v1 =	vmul.bf16 v1, v14;
	v2 =	vadd.bf16 v4, v2  }
0x223: {  	v6 =	vpop (erf);
	v8 =	vmul.f32 v5, v8  }
0x224: {  	v4 =	vmul.f32 v5, v6;
	v6 =	vpop (erf);
	v3 =	vadd.bf16 v9, v3;
	v1 =	vadd.bf16 v1, v2  }
0x225: {  	v2 =	vmul.f32 v5, v6;
	v5 =	vmul.f32 v5, v7  }
0x226: {  	v6 =	vunpack.i.u.bf16.f32 v3;
	v3 =	vunpack.i.l.bf16.f32 v3;
	v9 =	vunpack.i.u.bf16.f32 v1  }
0x227: {  	v7 =	vmul.f32 v3, v4;
	v13 =	vmul.f32 v6, v8;
	v1 =	vunpack.i.l.bf16.f32 v1  }
0x228: {  	v8 =	vmul.f32 v9, v2;
	v9 =	vmul.f32 v1, v5;
	_ =	sdelay $0x1  }
0x229: {  	v1 =	vmax.f32 v7, v13;
	v2 =	vmax.f32 v9, v8  }
0x22a: {  	v1 =	vmax.f32 v1, v2  }
0x22b: {  	(xrf0) =	vmax.scan.msk.f32 $0xffff, v1;
	_ =	sdelay $0x5  }
0x22c: {  	v0 =	vadd.s32 v23, v0;
	v1, _, _ =	vpop (xrf0)  }
.LBB2_10:
0x22d: {  	v1 =	vld [tilespmem:$0x14100]  }
0x22e: {  	v2 =	vld [tilespmem:$0x14110]  }
0x22f: {  	v3 =	vld [tilespmem:$0x14120]  }
0x230: {  	v4 =	vld [tilespmem:$0x14130];
	_ =	sdelay $0x4  }
0x231: {  	v5 =	vmax.f32 v1, v2;
	v6 =	vmax.f32 v3, v4  }
0x232: {  	v5 =	vmax.f32 v5, v6  }
0x233: {  	(xrf0) =	vmax.scan.msk.f32 $0xffff, v5;
	_ =	sdelay $0x5  }
0x234: {  	v5, _, _ =	vpop (xrf0)  }
0x235: {  	v51 =	vbroadcast v5, $0xF;
	_ =	sdelay $0x1  }
0x236: {  	v1 =	vsub.f32 v1, v51  }
0x237: {  	v2 =	vsub.f32 v2, v51  }
0x238: {  	v1 =	vmul.f32 $1.442695020e+00, v1  }
0x239: {  	v3 =	vsub.f32 v3, v51;
	v2 =	vmul.f32 $1.442695020e+00, v2  }
0x23a: {  	(erf) = vpow2.f32 v1  }
0x23b: {  	v53 =	vsub.f32 v4, v51;
	v52 =	vmul.f32 $1.442695020e+00, v3;
	(erf) = vpow2.f32 v2;
	_ =	sdelay $0x1  }
0x23c: {  	v54 =	vmul.f32 $1.442695020e+00, v53;
	(erf) = vpow2.f32 v52;
	_ =	sdelay $0x1  }
0x23d: {  	(erf) = vpow2.f32 v54;
	_ =	sdelay $0x3  }
0x23e: {  	v55 =	vpop (erf)  }
0x23f: {  	v56 =	vpop (erf)  }
0x240: {  	v1 =	vmul.f32 v55, v7;
	v2 =	vmul.f32 v56, v13  }
0x241: {  	v57 =	vpop (erf)  }
0x242: {  	v3 =	vmul.f32 v57, v9;
	v1 =	vadd.f32 v2, v1  }
0x243: {  	v58 =	vpop (erf)  }
0x244: {  	v2 =	vmul.f32 v58, v8;
	v1 =	vadd.f32 v1, v3;
	_ =	sdelay $0x1  }
0x245: {  	v1 =	vadd.f32 v1, v2;
	_ =	sdelay $0x1  }
0x246: {  	(xrf2) =	vadd.scan.msk.f32 $0xffff, v1;
	_ =	sdelay $0x9  }
0x247: {  	v1, _, _ =	vpop (xrf2)  }
0x248: {  	v1 =	vbroadcast v1, $0xF;
	_ =	sdelay $0x1  }
0x249: {  	v59 =	vand.u32 $0x7FFFFF, v1  }
0x24a: {  	v2 =	vor.u32 $0x3F800000, v59  }
0x24b: {  	v60 =	vmul.f32 $5.000000000e-01, v2  }
0x24c: {  	vm0 =	vgt.f32 v2, $1.414213540e+00  }
0x24d: {  	v2 =	vsel vm0, v60, v2  }
0x24e: {  	v3 =	vadd.f32 $1.000000000e+00, v2;
	_ =	sdelay $0x1  }
0x24f: {  	(erf) = vrcp.f32 v3;
	_ =	sdelay $0x7  }
0x250: {  	v2 =	vadd.f32 $-1.000000000e+00, v2  }
0x251: {  	v3 =	vpop (erf)  }
0x252: {  	v2 =	vmul.f32 v3, v2;
	_ =	sdelay $0x1  }
0x253: {  	v3 =	vmul.f32 v2, v2;
	_ =	sdelay $0x1  }
0x254: {  	v61 =	vmul.f32 $2.222222240e-01, v3;
	_ =	sdelay $0x1  }
0x255: {  	(v2sf) =	vpush v5, $0xF;
	v4 =	vadd.f32 $2.857142980e-01, v61;
	_ =	sdelay $0x1  }
0x256: {  	v4 =	vmul.f32 v4, v3;
	_ =	sdelay $0x1  }
0x257: {  	v4 =	vadd.f32 $4.000000060e-01, v4;
	_ =	sdelay $0x1  }
0x258: {  	v4 =	vmul.f32 v4, v3;
	_ =	sdelay $0x1  }
0x259: {  	v4 =	vadd.f32 $6.666666860e-01, v4  }
0x25a: {  	v62 =	vimm.s32 $0xFFFFFF81;
	v1 =	vshra.s32 v1, $0x17  }
0x25b: {  	s5 =	scvt.s32.f32 s5;
	v0 =	vadd.s32 v0, v1;
	v5 =	vsel vm0, $0xFFFFFF82, v62;
	v3 =	vmul.f32 v4, v3  }
0x25c: {  	v0 =	vadd.s32 v5, v0  }
0x25d: {  	s2 =	smul.f32 s5, s2;
	v0 =	vcvt.s32.f32 v0;
	v63 =	vadd.f32 $2.000000000e+00, v3;
	_ =	sdelay $0x1  }
0x25e: {  	s2 =	sadd.f32 s4, s2;
	v0 =	vmul.f32 $6.931471820e-01, v0;
	v1 =	vmul.f32 v63, v2  }
0x25f: {  	s28 =	spop (v2sf)  }
0x260: {  	s2 =	sadd.f32 s28, s2;
	v0 =	vadd.f32 v1, v0;
	_ =	sdelay $0x1  }
0x261: {  	v0 =	vadd.f32 s2, v0;
	_ =	sdelay $0x1  }
0x262: {  	s29 =	simm.s32 $0x0;
	s30 =	simm.s32 $0x14180;
	s31 =	simm.s32 $0x3;
	[tilespmem:$0x14180] =	vst v0  }
0x263: {  	[hbm4b:s3+s29] =	stream.linear.scatter [tilespmem:s30], [sflag:$0x3], $0x80, $0x38;
	[tilespmem:$0x14200] =	vst v63  }
0x264: {  	_ =	swait.ge [sflag:s31], $0x80  }
0x265: {  	[sflag:s31] =	ssyncset.done $0x0  }
0x266: {  	[sflag:s31] =	ssyncadd.s32 $0xFFFFFF80  }
0x267: {  	_ =	sfence.sel $0x180000  }
0x268: {  	[bflag:$0x0] =	sbarrier.arrive $0xFFFF  }
0x269: {  	p0 =	sne.s32 s1, $0x0;
	_ =	strace $0x90000047  }
0x26a: {  	s0 =	sadd.s32 @!p0 $0x100000, s0;
	[bflag:$0x2] =	sbarrier.arrive $0xFFFF  }
0x26b: {  	[sflag:s0] =	ssyncadd.tile.s32 @!p0 $0x1;
	_ =	shalt  }
.LBB2_6:
.Ltmp6:
0x26c: {  	(pc) =	sbr.rel .LBB2_9-.Ltmp6, $2  }
0x26d: {  	_ =	sdelay $0x2  }
0x26e: {  	v23 =	vimm.s32 $0x0  }
.Lfunc_end2:
_tile_overlayer_lowered:
.L_overlay_start_2:
0x26f: {  	(tag) =	ssettag $0x2  }
0x270: {  	s0 =	rddreg [dreg:$0x0];
	s2 =	stileid.u32  }
0x271: {  	s1 =	rddreg [dreg:$0x1];
	p0 =	sne.s32 s2, $0x0  }
0x272: {  	s3 =	rddreg [dreg:$0x2];
	[bflag:$0x3] =	sbarrier.arrive $0xFFFF;
	s2 =	simm.s32 @!p0 $0x1C03  }
0x273: {  	[timem:s3], [sflag:s2] =	dma.local @!p0 [hbm:s0], s1  }
0x274: {  	s0 =	simm.s32 @!p0 $0x3  }
0x275: {  	_ =	swait.ge @!p0 [sflag:s0], s1  }
0x276: {  	s1 =	ssub.s32 @!p0 $0x0, s1;
	[sflag:s0] =	ssyncset.done @!p0 $0x0  }
0x277: {  	[sflag:s0] =	ssyncadd.s32 @!p0 s1  }
0x278: {  	[bflag:$0x3] =	sbarrier.arrive $0xFFFF  }
0x279: {  	_ =	shalt  }

</sc_bundles>
